<compile_context>
chip_gen: v7x
topology: tpu7x:2x2x1
jax: 0.10.2.dev20260603
libtpu: 0.0.44.dev20260713+nightly
codegen_flags: <defaults>
</compile_context>

<pallas_src>
import functools

import jax
import jax.numpy as jnp
from jax import lax
from jax.experimental import pallas as pl
from jax.experimental.pallas import tpu as pltpu
from jax.experimental.pallas import tpu_sc as plsc

NC = 2
NS = 16
CH = 128
NG = 2
IB = 32


def _sc_aggregate(x, ei, n, n_acc):
    d = x.shape[1]
    hd = d // NC
    e = ei.shape[1]
    nz = n_acc // NS
    chunks = e // CH
    kc = chunks // NS
    extras = chunks % NS
    nfb = kc // IB
    rem = kc % IB
    assert rem % (2 * NG) == 0, "partial block must pipeline evenly"
    blk_sizes = [IB] * nfb + ([rem] if rem else [])
    blk_hbm = [i % 2 == 1 for i in range(len(blk_sizes))]
    full_tiles = n // nz
    tail_rows = n - full_tiles * nz

    mesh = plsc.VectorSubcoreMesh(core_axis_name="c", subcore_axis_name="s")

    @functools.partial(
        pl.kernel,
        out_type=(
            jax.ShapeDtypeStruct((NC, n_acc, hd), jnp.float32),
            jax.ShapeDtypeStruct((NC * n_acc,), jnp.float32),
        ),
        mesh=mesh,
        scratch_types=[
            pltpu.VMEM((IB * CH,), jnp.int32),
            pltpu.VMEM((IB * CH,), jnp.int32),
            pltpu.VMEM((2, NG, CH, hd), jnp.float32),
            pltpu.VMEM((CH,), jnp.float32),
            pltpu.VMEM((n_acc // NS,), jnp.float32),
            pltpu.VMEM_SHARED((n_acc, hd), jnp.float32),
            pltpu.VMEM_SHARED((n_acc, hd), jnp.float32),
            pltpu.VMEM_SHARED((n_acc,), jnp.float32),
        ] + [pltpu.SemaphoreType.DMA] * 6,
        compiler_params=pltpu.CompilerParams(use_tc_tiling_on_sc=False),
    )
    def sc_agg(x_hbm, xs_hbm, ei_hbm, ns_out, deg_out,
               srcv, dstv, rows, onesb, zb, acc, xsp, deg_sh, *sems):
        c = lax.axis_index("c")
        s = lax.axis_index("s")
        xh = xs_hbm.at[c]

        def zrow(i, carry):
            for cc in range(hd // 16):
                rows[0, 0, i, pl.ds(cc * 16, 16)] = jnp.zeros((16,),
                                                              jnp.float32)
            return carry
        lax.fori_loop(0, CH, zrow, 0)

        zbase = s * nz
        for kk in range(nz // CH):
            pltpu.sync_copy(rows.at[0, 0],
                            acc.at[pl.ds(zbase + kk * CH, CH)])
        zrem = nz % CH
        if zrem:
            pltpu.sync_copy(rows.at[0, 0, pl.ds(0, zrem)],
                            acc.at[pl.ds(zbase + (nz // CH) * CH, zrem)])

        for cc in range(CH // 16):
            onesb[pl.ds(cc * 16, 16)] = jnp.ones((16,), jnp.float32)

        def zdeg(i, carry):
            zb[pl.ds(i * 16, 16)] = jnp.zeros((16,), jnp.float32)
            return carry
        lax.fori_loop(0, nz // 16, zdeg, 0)
        pltpu.sync_copy(zb, deg_sh.at[pl.ds(s * nz, nz)])

        @pl.when(s < full_tiles)
        def _():
            pltpu.sync_copy(x_hbm.at[pl.ds(zbase, nz), pl.ds(c * hd, hd)],
                            xsp.at[pl.ds(zbase, nz)])
        if tail_rows:
            @pl.when(s == full_tiles)
            def _():
                pltpu.sync_copy(
                    x_hbm.at[pl.ds(zbase, tail_rows), pl.ds(c * hd, hd)],
                    xsp.at[pl.ds(zbase, tail_rows)])

        plsc.subcore_barrier()

        sem_g = sems[0:2]
        sem_s = sems[2:4]
        sem_d = sems[4:6]

        def idxs(ref, j):
            off = pl.multiple_of(j * CH, CH)
            return ref.at[pl.ds(off, CH)]

        def gather_fire(j, h, bb, sem, hbm=False):
            srcr = xh if hbm else xsp
            pltpu.async_copy(srcr.at[idxs(dstv, j)], rows.at[h, bb], sem)

        def gather_wait(j, h, bb, sem, hbm=False):
            srcr = xh if hbm else xsp
            pltpu.make_async_copy(srcr.at[idxs(dstv, j)], rows.at[h, bb],
                                  sem).wait()

        def scat_fire(j, h, bb, sem):
            pltpu.async_copy(rows.at[h, bb], acc.at[idxs(srcv, j)], sem,
                             add=True)

        def scat_wait(h, bb, sem):
            pltpu.make_async_copy(rows.at[h, bb], acc.at[idxs(srcv, 0)],
                                  sem).wait()

        def dscat_fire(j, sem):
            pltpu.async_copy(onesb, deg_sh.at[idxs(srcv, j)], sem, add=True)

        def dscat_wait(sem):
            pltpu.make_async_copy(onesb, deg_sh.at[idxs(srcv, 0)],
                                  sem).wait()

        cdone = 0
        for bsz, use_hbm in zip(blk_sizes, blk_hbm):
            ngrp = bsz // NG
            kmax = ngrp // 2 - 1
            cbase = (s * kc + cdone) * CH
            pltpu.sync_copy(ei_hbm.at[0, pl.ds(cbase, bsz * CH)],
                            srcv.at[pl.ds(0, bsz * CH)])
            pltpu.sync_copy(ei_hbm.at[1, pl.ds(cbase, bsz * CH)],
                            dstv.at[pl.ds(0, bsz * CH)])

            for bb in range(NG):
                gather_fire(bb, 0, bb, sem_g[0], use_hbm)

            def pair(k, carry):
                for h in (0, 1):
                    g = 2 * k + h
                    oh = 1 - h
                    jb = g * NG

                    def drain():
                        for bb in range(NG):
                            scat_wait(oh, bb, sem_s[oh])

                            @pl.when(c == (g + 1) % 2)
                            def _():
                                dscat_wait(sem_d[oh])
                    if h == 0:
                        pl.when(k > 0)(drain)
                    else:
                        drain()

                    def fire_next():
                        for bb in range(NG):
                            gather_fire(jb + NG + bb, oh, bb, sem_g[oh],
                                        use_hbm)
                    if h == 0:
                        fire_next()
                    else:
                        pl.when(k < kmax)(fire_next)

                    for bb in range(NG):
                        gather_wait(jb + bb, h, bb, sem_g[h], use_hbm)
                    for bb in range(NG):
                        scat_fire(jb + bb, h, bb, sem_s[h])

                        @pl.when(c == g % 2)
                        def _():
                            dscat_fire(jb + bb, sem_d[h])
                return carry
            lax.fori_loop(0, ngrp // 2, pair, 0)

            for bb in range(NG):
                scat_wait(1, bb, sem_s[1])

                @pl.when(c == (ngrp - 1) % 2)
                def _():
                    dscat_wait(sem_d[1])

            cdone += bsz

        if extras:
            @pl.when(s < extras)
            def _():
                eoff = pl.multiple_of(kc * NS * CH + s * CH, CH)
                pltpu.sync_copy(ei_hbm.at[0, pl.ds(eoff, CH)],
                                srcv.at[pl.ds(0, CH)])
                pltpu.sync_copy(ei_hbm.at[1, pl.ds(eoff, CH)],
                                dstv.at[pl.ds(0, CH)])
                gather_fire(0, 0, 0, sem_g[0])
                gather_wait(0, 0, 0, sem_g[0])
                pltpu.sync_copy(rows.at[0, 0], acc.at[idxs(srcv, 0)],
                                add=True)

                @pl.when(c == s % 2)
                def _():
                    pltpu.sync_copy(onesb, deg_sh.at[idxs(srcv, 0)],
                                    add=True)

        plsc.subcore_barrier()

        for kk in range(nz // CH):
            pltpu.sync_copy(acc.at[pl.ds(zbase + kk * CH, CH)],
                            ns_out.at[c, pl.ds(zbase + kk * CH, CH)])
        if zrem:
            ob = zbase + (nz // CH) * CH
            pltpu.sync_copy(acc.at[pl.ds(ob, zrem)],
                            ns_out.at[c, pl.ds(ob, zrem)])

        pltpu.sync_copy(deg_sh.at[pl.ds(s * nz, nz)],
                        deg_out.at[pl.ds(c * n_acc + s * nz, nz)])

    hd_ = d // NC
    xs = jnp.stack([x[:, cc * hd_:(cc + 1) * hd_] for cc in range(NC)])
    return sc_agg(x, xs, ei)


def _tc_body(x_ref, ns_ref, vec_ref, w_ref, bm_ref, bc_ref,
             gp_ref, out_ref):
    d = x_ref.shape[1]
    vec = vec_ref[...]
    ns = jnp.concatenate([ns_ref[0], ns_ref[1]], axis=1)
    deg = jnp.clip(vec[:, 1:2] + vec[:, 2:3], 1.0, None)
    mn = ns * (1.0 / deg)
    xm = jnp.concatenate([x_ref[...], mn], axis=1)
    z = jnp.dot(xm, w_ref[...], preferred_element_type=jnp.float32)
    g = jax.nn.sigmoid(gp_ref[0] * vec[:, 0:1] + gp_ref[1])
    h_mean = 0.5 * z[:, :d] + bm_ref[...]
    h_cat = z[:, d:] + bc_ref[...]
    out_ref[...] = h_mean + g * (h_cat - h_mean)


def kernel(x, edge_index, delta_agg, W_mean, b_mean, W_ego, b_ego, W_nb, b_nb,
           gate_weight, gate_bias):
    n, d = x.shape
    e = edge_index.shape[1]

    n_acc = (NS * 16) * (-(-(n + 1) // (NS * 16)))

    if e % CH:
        padn = CH - e % CH
        epad = jnp.concatenate(
            [jnp.full((1, padn), n, jnp.int32),
             jnp.zeros((1, padn), jnp.int32)], axis=0)
        edge_index = jnp.concatenate([edge_index, epad], axis=1)

    ns_p, deg_flat = _sc_aggregate(x, edge_index, n, n_acc)

    hd2 = W_ego.shape[0]
    top = jnp.concatenate(
        [W_mean.T, W_ego.T, jnp.zeros((d, d - hd2), jnp.float32)], axis=1)
    bot = jnp.concatenate(
        [W_mean.T, jnp.zeros((d, hd2), jnp.float32), W_nb.T], axis=1)
    wbig = jnp.concatenate([top, bot], axis=0)
    bm = b_mean[None, :]
    bc = jnp.concatenate([b_ego, b_nb])[None, :]
    gp = jnp.stack([gate_weight.astype(jnp.float32),
                    gate_bias.astype(jnp.float32)])
    dlt_pad = jnp.concatenate(
        [delta_agg, jnp.zeros((n_acc - n,), jnp.float32)])
    vec = jnp.stack(
        [dlt_pad, deg_flat[:n_acc], deg_flat[n_acc:]], axis=1)

    r = 2048
    rr = r // 128
    grid = (-(-n // r),)
    h = pl.pallas_call(
        _tc_body,
        grid=grid,
        in_specs=[
            pl.BlockSpec((r, d), lambda i: (i, 0)),
            pl.BlockSpec((NC, r, d // NC), lambda i: (0, i, 0)),
            pl.BlockSpec((r, 3), lambda i: (i, 0)),
            pl.BlockSpec((2 * d, 2 * d), lambda i: (0, 0)),
            pl.BlockSpec((1, d), lambda i: (0, 0)),
            pl.BlockSpec((1, d), lambda i: (0, 0)),
            pl.BlockSpec(memory_space=pltpu.SMEM),
        ],
        out_specs=pl.BlockSpec((r, d), lambda i: (i, 0)),
        out_shape=jax.ShapeDtypeStruct((n, d), jnp.float32),
    )(x, ns_p, vec, wbig, bm, bc, gp)
    return h

# --- scband reference (transcript-rebuilt; emitter-appended) ---
"""Pipeline reference for scband-adaptive-aggregation-layer-24481313587847 (READ-ONLY COPY).

The authoritative reference and input builder live on the scoring server;
editing this copy changes nothing except your own understanding.
"""

import jax, jax.numpy as jnp
import numpy as np

N = 10000
E = 320000
IN_DIM = 128
OUT_DIM = 128
EGO_DIM = OUT_DIM // 2
NB_DIM = OUT_DIM - EGO_DIM


def setup_inputs(seed: int = 0) -> dict:
    key = jax.random.key(seed)
    ks = jax.random.split(key, 8)
    x = jax.random.normal(ks[0], (N, IN_DIM), dtype=jnp.float32)
    edge_index = jax.random.randint(ks[1], (2, E), 0, N, dtype=jnp.int32)
    delta_agg = jax.random.uniform(ks[2], (N,), dtype=jnp.float32)
    W_mean = jax.random.normal(ks[3], (OUT_DIM, IN_DIM), dtype=jnp.float32) * 0.05
    b_mean = jnp.zeros((OUT_DIM,), dtype=jnp.float32)
    W_ego = jax.random.normal(ks[4], (EGO_DIM, IN_DIM), dtype=jnp.float32) * 0.05
    b_ego = jnp.zeros((EGO_DIM,), dtype=jnp.float32)
    W_nb = jax.random.normal(ks[5], (NB_DIM, IN_DIM), dtype=jnp.float32) * 0.05
    b_nb = jnp.zeros((NB_DIM,), dtype=jnp.float32)
    gate_weight = jnp.array(1.0, dtype=jnp.float32)
    gate_bias = jnp.array(0.0, dtype=jnp.float32)
    return {
        "x": x,
        "edge_index": edge_index,
        "delta_agg": delta_agg,
        "W_mean": W_mean,
        "b_mean": b_mean,
        "W_ego": W_ego,
        "b_ego": b_ego,
        "W_nb": W_nb,
        "b_nb": b_nb,
        "gate_weight": gate_weight,
        "gate_bias": gate_bias,
    }


def reference(x, edge_index, delta_agg, W_mean, b_mean, W_ego, b_ego, W_nb, b_nb, gate_weight, gate_bias):
    n = x.shape[0]
    src = edge_index[0]
    dst = edge_index[1]
    # sparse adj @ x: neighbor_sum[i] = sum over edges with row=src=i of x[dst]
    neighbor_sum = jax.ops.segment_sum(x[dst], src, num_segments=n)
    deg = jax.ops.segment_sum(jnp.ones((src.shape[0],), dtype=x.dtype), src, num_segments=n)
    deg = jnp.clip(deg, 1.0, None)
    mean_neighbor = neighbor_sum / deg[:, None]
    h_mean_input = (x + mean_neighbor) / 2
    h_mean = h_mean_input @ W_mean.T + b_mean
    h_ego = x @ W_ego.T + b_ego
    h_neighbor = mean_neighbor @ W_nb.T + b_nb
    h_concat = jnp.concatenate([h_ego, h_neighbor], axis=1)
    gate = jax.nn.sigmoid(gate_weight * delta_agg + gate_bias)
    gate = gate[:, None]
    h = (1 - gate) * h_mean + gate * h_concat
    return h

if __name__ == "__main__":
    import jax
    _d = setup_inputs()
    print(jax.jit(kernel)(*tuple(_d.values())))

</pallas_src>

<mosaic_0001>
#map = affine_map<(d0, d1) -> (0, 0)>
#map1 = affine_map<(d0, d1) -> (0, 0, 0)>
#map2 = affine_map<(d0, d1) -> (0)>
module attributes {stable_mosaic.version = 14 : i64} {
  func.func @sc_agg(%arg0: i32, %arg1: i32, %arg2: memref<10000x128xf32, #tpu.memory_space<hbm>>, %arg3: memref<2x10000x64xf32, #tpu.memory_space<hbm>>, %arg4: memref<2x320000xi32, #tpu.memory_space<hbm>>, %arg5: memref<2x10240x64xf32, #tpu.memory_space<hbm>>, %arg6: memref<20480xf32, #tpu.memory_space<hbm>>, %arg7: memref<4096xi32, #tpu.memory_space<vmem>>, %arg8: memref<4096xi32, #tpu.memory_space<vmem>>, %arg9: memref<2x2x128x64xf32, #tpu.memory_space<vmem>>, %arg10: memref<128xf32, #tpu.memory_space<vmem>>, %arg11: memref<640xf32, #tpu.memory_space<vmem>>, %arg12: memref<10240x64xf32, #tpu.memory_space<vmem_shared>>, %arg13: memref<10240x64xf32, #tpu.memory_space<vmem_shared>>, %arg14: memref<10240xf32, #tpu.memory_space<vmem_shared>>, %arg15: memref<!tpu.dma_semaphore, #tpu.memory_space<semaphore_mem>>, %arg16: memref<!tpu.dma_semaphore, #tpu.memory_space<semaphore_mem>>, %arg17: memref<!tpu.dma_semaphore, #tpu.memory_space<semaphore_mem>>, %arg18: memref<!tpu.dma_semaphore, #tpu.memory_space<semaphore_mem>>, %arg19: memref<!tpu.dma_semaphore, #tpu.memory_space<semaphore_mem>>, %arg20: memref<!tpu.dma_semaphore, #tpu.memory_space<semaphore_mem>>) attributes {dimension_semantics = [#tpu.dimension_semantics<core_parallel>, #tpu.dimension_semantics<subcore_parallel>], iteration_bounds = array<i64: 2, 16>, scalar_prefetch = 0 : i64, scratch_operands = 14 : i64, tpu.core_type = #tpu.core_type<sc_vector_subcore>, window_params = [{transform_indices = #map}, {transform_indices = #map1}, {transform_indices = #map}, {transform_indices = #map1}, {transform_indices = #map2}]} {
    %scan3A = arith.constant 0 : i32
    %scan3A_0 = arith.constant 0 : i32
    %scan3A_1 = arith.constant 128 : i32
    %scan3A_2 = arith.addi %scan3A_0, %scan3A_1 : i32
    %scan3A_3 = arith.constant 1 : i32
    scf.for %scan3A_490 = %scan3A_0 to %scan3A_2 step %scan3A_3  : i32 {
      %broadcast_in_dim3A_491 = arith.constant 0.000000e+00 : f32
      %broadcast_in_dim3A_492 = vector.broadcast %broadcast_in_dim3A_491 : f32 to vector<16xf32>
      %swap3A_493 = arith.constant 0 : i32
      %swap3A_494 = arith.constant 0 : i32
      %swap3A_495 = arith.index_cast %swap3A_493 : i32 to index
      %swap3A_496 = arith.index_cast %swap3A_494 : i32 to index
      %swap3A_497 = arith.index_cast %scan3A_490 : i32 to index
      %swap3A_498 = arith.constant 0 : index
      %swap3A_499 = tpu.vector_load %arg9[%swap3A_495, %swap3A_496, %swap3A_497, %swap3A_498] {strides = array<i32>} : memref<2x2x128x64xf32, #tpu.memory_space<vmem>>, vector<1x1x1x16xf32>,
      %swap3A_500 = vector.shape_cast %swap3A_499 : vector<1x1x1x16xf32> to vector<16xf32>
      %swap3A_501 = vector.shape_cast %broadcast_in_dim3A_492 : vector<16xf32> to vector<1x1x1x16xf32>
      tpu.vector_store %arg9[%swap3A_495, %swap3A_496, %swap3A_497, %swap3A_498], %swap3A_501 {strides = array<i32>} : memref<2x2x128x64xf32, #tpu.memory_space<vmem>>, vector<1x1x1x16xf32>,
      %broadcast_in_dim3A_502 = arith.constant 0.000000e+00 : f32
      %broadcast_in_dim3A_503 = vector.broadcast %broadcast_in_dim3A_502 : f32 to vector<16xf32>
      %swap3A_504 = arith.constant 0 : i32
      %swap3A_505 = arith.constant 0 : i32
      %swap3A_506 = arith.index_cast %swap3A_504 : i32 to index
      %swap3A_507 = arith.index_cast %swap3A_505 : i32 to index
      %swap3A_508 = arith.index_cast %scan3A_490 : i32 to index
      %swap3A_509 = arith.constant 16 : index
      %swap3A_510 = tpu.vector_load %arg9[%swap3A_506, %swap3A_507, %swap3A_508, %swap3A_509] {strides = array<i32>} : memref<2x2x128x64xf32, #tpu.memory_space<vmem>>, vector<1x1x1x16xf32>,
      %swap3A_511 = vector.shape_cast %swap3A_510 : vector<1x1x1x16xf32> to vector<16xf32>
      %swap3A_512 = vector.shape_cast %broadcast_in_dim3A_503 : vector<16xf32> to vector<1x1x1x16xf32>
      tpu.vector_store %arg9[%swap3A_506, %swap3A_507, %swap3A_508, %swap3A_509], %swap3A_512 {strides = array<i32>} : memref<2x2x128x64xf32, #tpu.memory_space<vmem>>, vector<1x1x1x16xf32>,
      %broadcast_in_dim3A_513 = arith.constant 0.000000e+00 : f32
      %broadcast_in_dim3A_514 = vector.broadcast %broadcast_in_dim3A_513 : f32 to vector<16xf32>
      %swap3A_515 = arith.constant 0 : i32
      %swap3A_516 = arith.constant 0 : i32
      %swap3A_517 = arith.index_cast %swap3A_515 : i32 to index
      %swap3A_518 = arith.index_cast %swap3A_516 : i32 to index
      %swap3A_519 = arith.index_cast %scan3A_490 : i32 to index
      %swap3A_520 = arith.constant 32 : index
      %swap3A_521 = tpu.vector_load %arg9[%swap3A_517, %swap3A_518, %swap3A_519, %swap3A_520] {strides = array<i32>} : memref<2x2x128x64xf32, #tpu.memory_space<vmem>>, vector<1x1x1x16xf32>,
      %swap3A_522 = vector.shape_cast %swap3A_521 : vector<1x1x1x16xf32> to vector<16xf32>
      %swap3A_523 = vector.shape_cast %broadcast_in_dim3A_514 : vector<16xf32> to vector<1x1x1x16xf32>
      tpu.vector_store %arg9[%swap3A_517, %swap3A_518, %swap3A_519, %swap3A_520], %swap3A_523 {strides = array<i32>} : memref<2x2x128x64xf32, #tpu.memory_space<vmem>>, vector<1x1x1x16xf32>,
      %broadcast_in_dim3A_524 = arith.constant 0.000000e+00 : f32
      %broadcast_in_dim3A_525 = vector.broadcast %broadcast_in_dim3A_524 : f32 to vector<16xf32>
      %swap3A_526 = arith.constant 0 : i32
      %swap3A_527 = arith.constant 0 : i32
      %swap3A_528 = arith.index_cast %swap3A_526 : i32 to index
      %swap3A_529 = arith.index_cast %swap3A_527 : i32 to index
      %swap3A_530 = arith.index_cast %scan3A_490 : i32 to index
      %swap3A_531 = arith.constant 48 : index
      %swap3A_532 = tpu.vector_load %arg9[%swap3A_528, %swap3A_529, %swap3A_530, %swap3A_531] {strides = array<i32>} : memref<2x2x128x64xf32, #tpu.memory_space<vmem>>, vector<1x1x1x16xf32>,
      %swap3A_533 = vector.shape_cast %swap3A_532 : vector<1x1x1x16xf32> to vector<16xf32>
      %swap3A_534 = vector.shape_cast %broadcast_in_dim3A_525 : vector<16xf32> to vector<1x1x1x16xf32>
      tpu.vector_store %arg9[%swap3A_528, %swap3A_529, %swap3A_530, %swap3A_531], %swap3A_534 {strides = array<i32>} : memref<2x2x128x64xf32, #tpu.memory_space<vmem>>, vector<1x1x1x16xf32>,
    }
    %scan3A_4 = arith.constant 128 : i32
    %mul3A = arith.constant 640 : i32
    %mul3A_5 = arith.muli %arg1, %mul3A : i32
    %add3A = arith.constant 0 : i32
    %add3A_6 = arith.addi %mul3A_5, %add3A : i32
    %run_scoped3A = arith.constant 0 : i32
    %run_scoped3A_7 = arith.constant 0 : i32
    "tpu.region"() ({
      %run_scoped3A_490 = tpu.sem_alloc : memref<!tpu.dma_semaphore, #tpu.memory_space<semaphore_mem>>
      %dma_start3A_491 = arith.constant 0 : i32
      %dma_start3A_492 = arith.constant 0 : i32
      %dma_start3A_493 = tpu.memref_slice %arg9[%run_scoped3A, %run_scoped3A_7, %dma_start3A_491, %dma_start3A_492] : memref<2x2x128x64xf32, #tpu.memory_space<vmem>> -> memref<1x1x128x64xf32, #tpu.memory_space<vmem>>
      %dma_start3A_494 = tpu.memref_squeeze %dma_start3A_493 : memref<1x1x128x64xf32, #tpu.memory_space<vmem>> -> memref<128x64xf32, #tpu.memory_space<vmem>>
      %dma_start3A_495 = arith.constant 0 : i32
      %dma_start3A_496 = tpu.memref_slice %arg12[%add3A_6, %dma_start3A_495] : memref<10240x64xf32, #tpu.memory_space<vmem_shared>> -> memref<128x64xf32, #tpu.memory_space<vmem_shared>>
      %dma_start3A_497 = arith.constant 0 : i32
      %dma_start3A_498 = tpu.memref_slice %arg12[%add3A_6, %dma_start3A_497] : memref<10240x64xf32, #tpu.memory_space<vmem_shared>> -> memref<128x64xf32, #tpu.memory_space<vmem_shared>>
      %dma_start3A_499 = arith.constant 0 : i32
      %dma_start3A_500 = arith.constant 0 : i32
      %dma_start3A_501 = tpu.memref_slice %arg9[%run_scoped3A, %run_scoped3A_7, %dma_start3A_499, %dma_start3A_500] : memref<2x2x128x64xf32, #tpu.memory_space<vmem>> -> memref<1x1x128x64xf32, #tpu.memory_space<vmem>>
      %dma_start3A_502 = tpu.memref_squeeze %dma_start3A_501 : memref<1x1x128x64xf32, #tpu.memory_space<vmem>> -> memref<128x64xf32, #tpu.memory_space<vmem>>
      tpu.enqueue_dma source(%dma_start3A_502 : memref<128x64xf32, #tpu.memory_space<vmem>>) target(%dma_start3A_498 : memref<128x64xf32, #tpu.memory_space<vmem_shared>>) target_semaphore(%run_scoped3A_490 : memref<!tpu.dma_semaphore, #tpu.memory_space<semaphore_mem>>)
      %dma_wait3A_503 = arith.constant 0 : i32
      %dma_wait3A_504 = arith.constant 0 : i32
      %dma_wait3A_505 = tpu.memref_slice %arg9[%run_scoped3A, %run_scoped3A_7, %dma_wait3A_503, %dma_wait3A_504] : memref<2x2x128x64xf32, #tpu.memory_space<vmem>> -> memref<1x1x128x64xf32, #tpu.memory_space<vmem>>
      %dma_wait3A_506 = tpu.memref_squeeze %dma_wait3A_505 : memref<1x1x128x64xf32, #tpu.memory_space<vmem>> -> memref<128x64xf32, #tpu.memory_space<vmem>>
      %dma_wait3A_507 = arith.constant 0 : i32
      %dma_wait3A_508 = tpu.memref_slice %arg12[%add3A_6, %dma_wait3A_507] : memref<10240x64xf32, #tpu.memory_space<vmem_shared>> -> memref<128x64xf32, #tpu.memory_space<vmem_shared>>
      %dma_wait3A_509 = arith.constant 0 : i32
      %dma_wait3A_510 = tpu.memref_slice %arg12[%add3A_6, %dma_wait3A_509] : memref<10240x64xf32, #tpu.memory_space<vmem_shared>> -> memref<128x64xf32, #tpu.memory_space<vmem_shared>>
      %dma_wait3A_511 = arith.constant 0 : i32
      %dma_wait3A_512 = arith.constant 0 : i32
      %dma_wait3A_513 = tpu.memref_slice %arg9[%run_scoped3A, %run_scoped3A_7, %dma_wait3A_511, %dma_wait3A_512] : memref<2x2x128x64xf32, #tpu.memory_space<vmem>> -> memref<1x1x128x64xf32, #tpu.memory_space<vmem>>
      %dma_wait3A_514 = tpu.memref_squeeze %dma_wait3A_513 : memref<1x1x128x64xf32, #tpu.memory_space<vmem>> -> memref<128x64xf32, #tpu.memory_space<vmem>>
      tpu.wait_dma2 semaphore(%run_scoped3A_490 : memref<!tpu.dma_semaphore, #tpu.memory_space<semaphore_mem>>) src(%dma_wait3A_514 : memref<128x64xf32, #tpu.memory_space<vmem>>) dst(%dma_wait3A_510 : memref<128x64xf32, #tpu.memory_space<vmem_shared>>)
      tpu.yield
    }) : () -> ()
    %add3A_8 = arith.constant 128 : i32
    %add3A_9 = arith.addi %mul3A_5, %add3A_8 : i32
    %run_scoped3A_10 = arith.constant 0 : i32
    %run_scoped3A_11 = arith.constant 0 : i32
    "tpu.region"() ({
      %run_scoped3A_490 = tpu.sem_alloc : memref<!tpu.dma_semaphore, #tpu.memory_space<semaphore_mem>>
      %dma_start3A_491 = arith.constant 0 : i32
      %dma_start3A_492 = arith.constant 0 : i32
      %dma_start3A_493 = tpu.memref_slice %arg9[%run_scoped3A_10, %run_scoped3A_11, %dma_start3A_491, %dma_start3A_492] : memref<2x2x128x64xf32, #tpu.memory_space<vmem>> -> memref<1x1x128x64xf32, #tpu.memory_space<vmem>>
      %dma_start3A_494 = tpu.memref_squeeze %dma_start3A_493 : memref<1x1x128x64xf32, #tpu.memory_space<vmem>> -> memref<128x64xf32, #tpu.memory_space<vmem>>
      %dma_start3A_495 = arith.constant 0 : i32
      %dma_start3A_496 = tpu.memref_slice %arg12[%add3A_9, %dma_start3A_495] : memref<10240x64xf32, #tpu.memory_space<vmem_shared>> -> memref<128x64xf32, #tpu.memory_space<vmem_shared>>
      %dma_start3A_497 = arith.constant 0 : i32
      %dma_start3A_498 = tpu.memref_slice %arg12[%add3A_9, %dma_start3A_497] : memref<10240x64xf32, #tpu.memory_space<vmem_shared>> -> memref<128x64xf32, #tpu.memory_space<vmem_shared>>
      %dma_start3A_499 = arith.constant 0 : i32
      %dma_start3A_500 = arith.constant 0 : i32
      %dma_start3A_501 = tpu.memref_slice %arg9[%run_scoped3A_10, %run_scoped3A_11, %dma_start3A_499, %dma_start3A_500] : memref<2x2x128x64xf32, #tpu.memory_space<vmem>> -> memref<1x1x128x64xf32, #tpu.memory_space<vmem>>
      %dma_start3A_502 = tpu.memref_squeeze %dma_start3A_501 : memref<1x1x128x64xf32, #tpu.memory_space<vmem>> -> memref<128x64xf32, #tpu.memory_space<vmem>>
      tpu.enqueue_dma source(%dma_start3A_502 : memref<128x64xf32, #tpu.memory_space<vmem>>) target(%dma_start3A_498 : memref<128x64xf32, #tpu.memory_space<vmem_shared>>) target_semaphore(%run_scoped3A_490 : memref<!tpu.dma_semaphore, #tpu.memory_space<semaphore_mem>>)
      %dma_wait3A_503 = arith.constant 0 : i32
      %dma_wait3A_504 = arith.constant 0 : i32
      %dma_wait3A_505 = tpu.memref_slice %arg9[%run_scoped3A_10, %run_scoped3A_11, %dma_wait3A_503, %dma_wait3A_504] : memref<2x2x128x64xf32, #tpu.memory_space<vmem>> -> memref<1x1x128x64xf32, #tpu.memory_space<vmem>>
      %dma_wait3A_506 = tpu.memref_squeeze %dma_wait3A_505 : memref<1x1x128x64xf32, #tpu.memory_space<vmem>> -> memref<128x64xf32, #tpu.memory_space<vmem>>
      %dma_wait3A_507 = arith.constant 0 : i32
      %dma_wait3A_508 = tpu.memref_slice %arg12[%add3A_9, %dma_wait3A_507] : memref<10240x64xf32, #tpu.memory_space<vmem_shared>> -> memref<128x64xf32, #tpu.memory_space<vmem_shared>>
      %dma_wait3A_509 = arith.constant 0 : i32
      %dma_wait3A_510 = tpu.memref_slice %arg12[%add3A_9, %dma_wait3A_509] : memref<10240x64xf32, #tpu.memory_space<vmem_shared>> -> memref<128x64xf32, #tpu.memory_space<vmem_shared>>
      %dma_wait3A_511 = arith.constant 0 : i32
      %dma_wait3A_512 = arith.constant 0 : i32
      %dma_wait3A_513 = tpu.memref_slice %arg9[%run_scoped3A_10, %run_scoped3A_11, %dma_wait3A_511, %dma_wait3A_512] : memref<2x2x128x64xf32, #tpu.memory_space<vmem>> -> memref<1x1x128x64xf32, #tpu.memory_space<vmem>>
      %dma_wait3A_514 = tpu.memref_squeeze %dma_wait3A_513 : memref<1x1x128x64xf32, #tpu.memory_space<vmem>> -> memref<128x64xf32, #tpu.memory_space<vmem>>
      tpu.wait_dma2 semaphore(%run_scoped3A_490 : memref<!tpu.dma_semaphore, #tpu.memory_space<semaphore_mem>>) src(%dma_wait3A_514 : memref<128x64xf32, #tpu.memory_space<vmem>>) dst(%dma_wait3A_510 : memref<128x64xf32, #tpu.memory_space<vmem_shared>>)
      tpu.yield
    }) : () -> ()
    %add3A_12 = arith.constant 256 : i32
    %add3A_13 = arith.addi %mul3A_5, %add3A_12 : i32
    %run_scoped3A_14 = arith.constant 0 : i32
    %run_scoped3A_15 = arith.constant 0 : i32
    "tpu.region"() ({
      %run_scoped3A_490 = tpu.sem_alloc : memref<!tpu.dma_semaphore, #tpu.memory_space<semaphore_mem>>
      %dma_start3A_491 = arith.constant 0 : i32
      %dma_start3A_492 = arith.constant 0 : i32
      %dma_start3A_493 = tpu.memref_slice %arg9[%run_scoped3A_14, %run_scoped3A_15, %dma_start3A_491, %dma_start3A_492] : memref<2x2x128x64xf32, #tpu.memory_space<vmem>> -> memref<1x1x128x64xf32, #tpu.memory_space<vmem>>
      %dma_start3A_494 = tpu.memref_squeeze %dma_start3A_493 : memref<1x1x128x64xf32, #tpu.memory_space<vmem>> -> memref<128x64xf32, #tpu.memory_space<vmem>>
      %dma_start3A_495 = arith.constant 0 : i32
      %dma_start3A_496 = tpu.memref_slice %arg12[%add3A_13, %dma_start3A_495] : memref<10240x64xf32, #tpu.memory_space<vmem_shared>> -> memref<128x64xf32, #tpu.memory_space<vmem_shared>>
      %dma_start3A_497 = arith.constant 0 : i32
      %dma_start3A_498 = tpu.memref_slice %arg12[%add3A_13, %dma_start3A_497] : memref<10240x64xf32, #tpu.memory_space<vmem_shared>> -> memref<128x64xf32, #tpu.memory_space<vmem_shared>>
      %dma_start3A_499 = arith.constant 0 : i32
      %dma_start3A_500 = arith.constant 0 : i32
      %dma_start3A_501 = tpu.memref_slice %arg9[%run_scoped3A_14, %run_scoped3A_15, %dma_start3A_499, %dma_start3A_500] : memref<2x2x128x64xf32, #tpu.memory_space<vmem>> -> memref<1x1x128x64xf32, #tpu.memory_space<vmem>>
      %dma_start3A_502 = tpu.memref_squeeze %dma_start3A_501 : memref<1x1x128x64xf32, #tpu.memory_space<vmem>> -> memref<128x64xf32, #tpu.memory_space<vmem>>
      tpu.enqueue_dma source(%dma_start3A_502 : memref<128x64xf32, #tpu.memory_space<vmem>>) target(%dma_start3A_498 : memref<128x64xf32, #tpu.memory_space<vmem_shared>>) target_semaphore(%run_scoped3A_490 : memref<!tpu.dma_semaphore, #tpu.memory_space<semaphore_mem>>)
      %dma_wait3A_503 = arith.constant 0 : i32
      %dma_wait3A_504 = arith.constant 0 : i32
      %dma_wait3A_505 = tpu.memref_slice %arg9[%run_scoped3A_14, %run_scoped3A_15, %dma_wait3A_503, %dma_wait3A_504] : memref<2x2x128x64xf32, #tpu.memory_space<vmem>> -> memref<1x1x128x64xf32, #tpu.memory_space<vmem>>
      %dma_wait3A_506 = tpu.memref_squeeze %dma_wait3A_505 : memref<1x1x128x64xf32, #tpu.memory_space<vmem>> -> memref<128x64xf32, #tpu.memory_space<vmem>>
      %dma_wait3A_507 = arith.constant 0 : i32
      %dma_wait3A_508 = tpu.memref_slice %arg12[%add3A_13, %dma_wait3A_507] : memref<10240x64xf32, #tpu.memory_space<vmem_shared>> -> memref<128x64xf32, #tpu.memory_space<vmem_shared>>
      %dma_wait3A_509 = arith.constant 0 : i32
      %dma_wait3A_510 = tpu.memref_slice %arg12[%add3A_13, %dma_wait3A_509] : memref<10240x64xf32, #tpu.memory_space<vmem_shared>> -> memref<128x64xf32, #tpu.memory_space<vmem_shared>>
      %dma_wait3A_511 = arith.constant 0 : i32
      %dma_wait3A_512 = arith.constant 0 : i32
      %dma_wait3A_513 = tpu.memref_slice %arg9[%run_scoped3A_14, %run_scoped3A_15, %dma_wait3A_511, %dma_wait3A_512] : memref<2x2x128x64xf32, #tpu.memory_space<vmem>> -> memref<1x1x128x64xf32, #tpu.memory_space<vmem>>
      %dma_wait3A_514 = tpu.memref_squeeze %dma_wait3A_513 : memref<1x1x128x64xf32, #tpu.memory_space<vmem>> -> memref<128x64xf32, #tpu.memory_space<vmem>>
      tpu.wait_dma2 semaphore(%run_scoped3A_490 : memref<!tpu.dma_semaphore, #tpu.memory_space<semaphore_mem>>) src(%dma_wait3A_514 : memref<128x64xf32, #tpu.memory_space<vmem>>) dst(%dma_wait3A_510 : memref<128x64xf32, #tpu.memory_space<vmem_shared>>)
      tpu.yield
    }) : () -> ()
    %add3A_16 = arith.constant 384 : i32
    %add3A_17 = arith.addi %mul3A_5, %add3A_16 : i32
    %run_scoped3A_18 = arith.constant 0 : i32
    %run_scoped3A_19 = arith.constant 0 : i32
    "tpu.region"() ({
      %run_scoped3A_490 = tpu.sem_alloc : memref<!tpu.dma_semaphore, #tpu.memory_space<semaphore_mem>>
      %dma_start3A_491 = arith.constant 0 : i32
      %dma_start3A_492 = arith.constant 0 : i32
      %dma_start3A_493 = tpu.memref_slice %arg9[%run_scoped3A_18, %run_scoped3A_19, %dma_start3A_491, %dma_start3A_492] : memref<2x2x128x64xf32, #tpu.memory_space<vmem>> -> memref<1x1x128x64xf32, #tpu.memory_space<vmem>>
      %dma_start3A_494 = tpu.memref_squeeze %dma_start3A_493 : memref<1x1x128x64xf32, #tpu.memory_space<vmem>> -> memref<128x64xf32, #tpu.memory_space<vmem>>
      %dma_start3A_495 = arith.constant 0 : i32
      %dma_start3A_496 = tpu.memref_slice %arg12[%add3A_17, %dma_start3A_495] : memref<10240x64xf32, #tpu.memory_space<vmem_shared>> -> memref<128x64xf32, #tpu.memory_space<vmem_shared>>
      %dma_start3A_497 = arith.constant 0 : i32
      %dma_start3A_498 = tpu.memref_slice %arg12[%add3A_17, %dma_start3A_497] : memref<10240x64xf32, #tpu.memory_space<vmem_shared>> -> memref<128x64xf32, #tpu.memory_space<vmem_shared>>
      %dma_start3A_499 = arith.constant 0 : i32
      %dma_start3A_500 = arith.constant 0 : i32
      %dma_start3A_501 = tpu.memref_slice %arg9[%run_scoped3A_18, %run_scoped3A_19, %dma_start3A_499, %dma_start3A_500] : memref<2x2x128x64xf32, #tpu.memory_space<vmem>> -> memref<1x1x128x64xf32, #tpu.memory_space<vmem>>
      %dma_start3A_502 = tpu.memref_squeeze %dma_start3A_501 : memref<1x1x128x64xf32, #tpu.memory_space<vmem>> -> memref<128x64xf32, #tpu.memory_space<vmem>>
      tpu.enqueue_dma source(%dma_start3A_502 : memref<128x64xf32, #tpu.memory_space<vmem>>) target(%dma_start3A_498 : memref<128x64xf32, #tpu.memory_space<vmem_shared>>) target_semaphore(%run_scoped3A_490 : memref<!tpu.dma_semaphore, #tpu.memory_space<semaphore_mem>>)
      %dma_wait3A_503 = arith.constant 0 : i32
      %dma_wait3A_504 = arith.constant 0 : i32
      %dma_wait3A_505 = tpu.memref_slice %arg9[%run_scoped3A_18, %run_scoped3A_19, %dma_wait3A_503, %dma_wait3A_504] : memref<2x2x128x64xf32, #tpu.memory_space<vmem>> -> memref<1x1x128x64xf32, #tpu.memory_space<vmem>>
      %dma_wait3A_506 = tpu.memref_squeeze %dma_wait3A_505 : memref<1x1x128x64xf32, #tpu.memory_space<vmem>> -> memref<128x64xf32, #tpu.memory_space<vmem>>
      %dma_wait3A_507 = arith.constant 0 : i32
      %dma_wait3A_508 = tpu.memref_slice %arg12[%add3A_17, %dma_wait3A_507] : memref<10240x64xf32, #tpu.memory_space<vmem_shared>> -> memref<128x64xf32, #tpu.memory_space<vmem_shared>>
      %dma_wait3A_509 = arith.constant 0 : i32
      %dma_wait3A_510 = tpu.memref_slice %arg12[%add3A_17, %dma_wait3A_509] : memref<10240x64xf32, #tpu.memory_space<vmem_shared>> -> memref<128x64xf32, #tpu.memory_space<vmem_shared>>
      %dma_wait3A_511 = arith.constant 0 : i32
      %dma_wait3A_512 = arith.constant 0 : i32
      %dma_wait3A_513 = tpu.memref_slice %arg9[%run_scoped3A_18, %run_scoped3A_19, %dma_wait3A_511, %dma_wait3A_512] : memref<2x2x128x64xf32, #tpu.memory_space<vmem>> -> memref<1x1x128x64xf32, #tpu.memory_space<vmem>>
      %dma_wait3A_514 = tpu.memref_squeeze %dma_wait3A_513 : memref<1x1x128x64xf32, #tpu.memory_space<vmem>> -> memref<128x64xf32, #tpu.memory_space<vmem>>
      tpu.wait_dma2 semaphore(%run_scoped3A_490 : memref<!tpu.dma_semaphore, #tpu.memory_space<semaphore_mem>>) src(%dma_wait3A_514 : memref<128x64xf32, #tpu.memory_space<vmem>>) dst(%dma_wait3A_510 : memref<128x64xf32, #tpu.memory_space<vmem_shared>>)
      tpu.yield
    }) : () -> ()
    %add3A_20 = arith.constant 512 : i32
    %add3A_21 = arith.addi %mul3A_5, %add3A_20 : i32
    %run_scoped3A_22 = arith.constant 0 : i32
    %run_scoped3A_23 = arith.constant 0 : i32
    "tpu.region"() ({
      %run_scoped3A_490 = tpu.sem_alloc : memref<!tpu.dma_semaphore, #tpu.memory_space<semaphore_mem>>
      %dma_start3A_491 = arith.constant 0 : i32
      %dma_start3A_492 = arith.constant 0 : i32
      %dma_start3A_493 = tpu.memref_slice %arg9[%run_scoped3A_22, %run_scoped3A_23, %dma_start3A_491, %dma_start3A_492] : memref<2x2x128x64xf32, #tpu.memory_space<vmem>> -> memref<1x1x128x64xf32, #tpu.memory_space<vmem>>
      %dma_start3A_494 = tpu.memref_squeeze %dma_start3A_493 : memref<1x1x128x64xf32, #tpu.memory_space<vmem>> -> memref<128x64xf32, #tpu.memory_space<vmem>>
      %dma_start3A_495 = arith.constant 0 : i32
      %dma_start3A_496 = tpu.memref_slice %arg12[%add3A_21, %dma_start3A_495] : memref<10240x64xf32, #tpu.memory_space<vmem_shared>> -> memref<128x64xf32, #tpu.memory_space<vmem_shared>>
      %dma_start3A_497 = arith.constant 0 : i32
      %dma_start3A_498 = tpu.memref_slice %arg12[%add3A_21, %dma_start3A_497] : memref<10240x64xf32, #tpu.memory_space<vmem_shared>> -> memref<128x64xf32, #tpu.memory_space<vmem_shared>>
      %dma_start3A_499 = arith.constant 0 : i32
      %dma_start3A_500 = arith.constant 0 : i32
      %dma_start3A_501 = tpu.memref_slice %arg9[%run_scoped3A_22, %run_scoped3A_23, %dma_start3A_499, %dma_start3A_500] : memref<2x2x128x64xf32, #tpu.memory_space<vmem>> -> memref<1x1x128x64xf32, #tpu.memory_space<vmem>>
      %dma_start3A_502 = tpu.memref_squeeze %dma_start3A_501 : memref<1x1x128x64xf32, #tpu.memory_space<vmem>> -> memref<128x64xf32, #tpu.memory_space<vmem>>
      tpu.enqueue_dma source(%dma_start3A_502 : memref<128x64xf32, #tpu.memory_space<vmem>>) target(%dma_start3A_498 : memref<128x64xf32, #tpu.memory_space<vmem_shared>>) target_semaphore(%run_scoped3A_490 : memref<!tpu.dma_semaphore, #tpu.memory_space<semaphore_mem>>)
      %dma_wait3A_503 = arith.constant 0 : i32
      %dma_wait3A_504 = arith.constant 0 : i32
      %dma_wait3A_505 = tpu.memref_slice %arg9[%run_scoped3A_22, %run_scoped3A_23, %dma_wait3A_503, %dma_wait3A_504] : memref<2x2x128x64xf32, #tpu.memory_space<vmem>> -> memref<1x1x128x64xf32, #tpu.memory_space<vmem>>
      %dma_wait3A_506 = tpu.memref_squeeze %dma_wait3A_505 : memref<1x1x128x64xf32, #tpu.memory_space<vmem>> -> memref<128x64xf32, #tpu.memory_space<vmem>>
      %dma_wait3A_507 = arith.constant 0 : i32
      %dma_wait3A_508 = tpu.memref_slice %arg12[%add3A_21, %dma_wait3A_507] : memref<10240x64xf32, #tpu.memory_space<vmem_shared>> -> memref<128x64xf32, #tpu.memory_space<vmem_shared>>
      %dma_wait3A_509 = arith.constant 0 : i32
      %dma_wait3A_510 = tpu.memref_slice %arg12[%add3A_21, %dma_wait3A_509] : memref<10240x64xf32, #tpu.memory_space<vmem_shared>> -> memref<128x64xf32, #tpu.memory_space<vmem_shared>>
      %dma_wait3A_511 = arith.constant 0 : i32
      %dma_wait3A_512 = arith.constant 0 : i32
      %dma_wait3A_513 = tpu.memref_slice %arg9[%run_scoped3A_22, %run_scoped3A_23, %dma_wait3A_511, %dma_wait3A_512] : memref<2x2x128x64xf32, #tpu.memory_space<vmem>> -> memref<1x1x128x64xf32, #tpu.memory_space<vmem>>
      %dma_wait3A_514 = tpu.memref_squeeze %dma_wait3A_513 : memref<1x1x128x64xf32, #tpu.memory_space<vmem>> -> memref<128x64xf32, #tpu.memory_space<vmem>>
      tpu.wait_dma2 semaphore(%run_scoped3A_490 : memref<!tpu.dma_semaphore, #tpu.memory_space<semaphore_mem>>) src(%dma_wait3A_514 : memref<128x64xf32, #tpu.memory_space<vmem>>) dst(%dma_wait3A_510 : memref<128x64xf32, #tpu.memory_space<vmem_shared>>)
      tpu.yield
    }) : () -> ()
    %broadcast_in_dim3A = arith.constant 1.000000e+00 : f32
    %broadcast_in_dim3A_24 = vector.broadcast %broadcast_in_dim3A : f32 to vector<16xf32>
    %swap3A = arith.constant 0 : index
    %swap3A_25 = tpu.vector_load %arg10[%swap3A] {strides = array<i32>} : memref<128xf32, #tpu.memory_space<vmem>>, vector<16xf32>,
    %swap3A_26 = vector.shape_cast %swap3A_25 : vector<16xf32> to vector<16xf32>
    %swap3A_27 = vector.shape_cast %broadcast_in_dim3A_24 : vector<16xf32> to vector<16xf32>
    tpu.vector_store %arg10[%swap3A], %swap3A_27 {strides = array<i32>} : memref<128xf32, #tpu.memory_space<vmem>>, vector<16xf32>,
    %broadcast_in_dim3A_28 = arith.constant 1.000000e+00 : f32
    %broadcast_in_dim3A_29 = vector.broadcast %broadcast_in_dim3A_28 : f32 to vector<16xf32>
    %swap3A_30 = arith.constant 16 : index
    %swap3A_31 = tpu.vector_load %arg10[%swap3A_30] {strides = array<i32>} : memref<128xf32, #tpu.memory_space<vmem>>, vector<16xf32>,
    %swap3A_32 = vector.shape_cast %swap3A_31 : vector<16xf32> to vector<16xf32>
    %swap3A_33 = vector.shape_cast %broadcast_in_dim3A_29 : vector<16xf32> to vector<16xf32>
    tpu.vector_store %arg10[%swap3A_30], %swap3A_33 {strides = array<i32>} : memref<128xf32, #tpu.memory_space<vmem>>, vector<16xf32>,
    %broadcast_in_dim3A_34 = arith.constant 1.000000e+00 : f32
    %broadcast_in_dim3A_35 = vector.broadcast %broadcast_in_dim3A_34 : f32 to vector<16xf32>
    %swap3A_36 = arith.constant 32 : index
    %swap3A_37 = tpu.vector_load %arg10[%swap3A_36] {strides = array<i32>} : memref<128xf32, #tpu.memory_space<vmem>>, vector<16xf32>,
    %swap3A_38 = vector.shape_cast %swap3A_37 : vector<16xf32> to vector<16xf32>
    %swap3A_39 = vector.shape_cast %broadcast_in_dim3A_35 : vector<16xf32> to vector<16xf32>
    tpu.vector_store %arg10[%swap3A_36], %swap3A_39 {strides = array<i32>} : memref<128xf32, #tpu.memory_space<vmem>>, vector<16xf32>,
    %broadcast_in_dim3A_40 = arith.constant 1.000000e+00 : f32
    %broadcast_in_dim3A_41 = vector.broadcast %broadcast_in_dim3A_40 : f32 to vector<16xf32>
    %swap3A_42 = arith.constant 48 : index
    %swap3A_43 = tpu.vector_load %arg10[%swap3A_42] {strides = array<i32>} : memref<128xf32, #tpu.memory_space<vmem>>, vector<16xf32>,
    %swap3A_44 = vector.shape_cast %swap3A_43 : vector<16xf32> to vector<16xf32>
    %swap3A_45 = vector.shape_cast %broadcast_in_dim3A_41 : vector<16xf32> to vector<16xf32>
    tpu.vector_store %arg10[%swap3A_42], %swap3A_45 {strides = array<i32>} : memref<128xf32, #tpu.memory_space<vmem>>, vector<16xf32>,
    %broadcast_in_dim3A_46 = arith.constant 1.000000e+00 : f32
    %broadcast_in_dim3A_47 = vector.broadcast %broadcast_in_dim3A_46 : f32 to vector<16xf32>
    %swap3A_48 = arith.constant 64 : index
    %swap3A_49 = tpu.vector_load %arg10[%swap3A_48] {strides = array<i32>} : memref<128xf32, #tpu.memory_space<vmem>>, vector<16xf32>,
    %swap3A_50 = vector.shape_cast %swap3A_49 : vector<16xf32> to vector<16xf32>
    %swap3A_51 = vector.shape_cast %broadcast_in_dim3A_47 : vector<16xf32> to vector<16xf32>
    tpu.vector_store %arg10[%swap3A_48], %swap3A_51 {strides = array<i32>} : memref<128xf32, #tpu.memory_space<vmem>>, vector<16xf32>,
    %broadcast_in_dim3A_52 = arith.constant 1.000000e+00 : f32
    %broadcast_in_dim3A_53 = vector.broadcast %broadcast_in_dim3A_52 : f32 to vector<16xf32>
    %swap3A_54 = arith.constant 80 : index
    %swap3A_55 = tpu.vector_load %arg10[%swap3A_54] {strides = array<i32>} : memref<128xf32, #tpu.memory_space<vmem>>, vector<16xf32>,
    %swap3A_56 = vector.shape_cast %swap3A_55 : vector<16xf32> to vector<16xf32>
    %swap3A_57 = vector.shape_cast %broadcast_in_dim3A_53 : vector<16xf32> to vector<16xf32>
    tpu.vector_store %arg10[%swap3A_54], %swap3A_57 {strides = array<i32>} : memref<128xf32, #tpu.memory_space<vmem>>, vector<16xf32>,
    %broadcast_in_dim3A_58 = arith.constant 1.000000e+00 : f32
    %broadcast_in_dim3A_59 = vector.broadcast %broadcast_in_dim3A_58 : f32 to vector<16xf32>
    %swap3A_60 = arith.constant 96 : index
    %swap3A_61 = tpu.vector_load %arg10[%swap3A_60] {strides = array<i32>} : memref<128xf32, #tpu.memory_space<vmem>>, vector<16xf32>,
    %swap3A_62 = vector.shape_cast %swap3A_61 : vector<16xf32> to vector<16xf32>
    %swap3A_63 = vector.shape_cast %broadcast_in_dim3A_59 : vector<16xf32> to vector<16xf32>
    tpu.vector_store %arg10[%swap3A_60], %swap3A_63 {strides = array<i32>} : memref<128xf32, #tpu.memory_space<vmem>>, vector<16xf32>,
    %broadcast_in_dim3A_64 = arith.constant 1.000000e+00 : f32
    %broadcast_in_dim3A_65 = vector.broadcast %broadcast_in_dim3A_64 : f32 to vector<16xf32>
    %swap3A_66 = arith.constant 112 : index
    %swap3A_67 = tpu.vector_load %arg10[%swap3A_66] {strides = array<i32>} : memref<128xf32, #tpu.memory_space<vmem>>, vector<16xf32>,
    %swap3A_68 = vector.shape_cast %swap3A_67 : vector<16xf32> to vector<16xf32>
    %swap3A_69 = vector.shape_cast %broadcast_in_dim3A_65 : vector<16xf32> to vector<16xf32>
    tpu.vector_store %arg10[%swap3A_66], %swap3A_69 {strides = array<i32>} : memref<128xf32, #tpu.memory_space<vmem>>, vector<16xf32>,
    %scan3A_70 = arith.constant 0 : i32
    %scan3A_71 = arith.constant 0 : i32
    %scan3A_72 = arith.constant 40 : i32
    %scan3A_73 = arith.addi %scan3A_71, %scan3A_72 : i32
    %scan3A_74 = arith.constant 1 : i32
    scf.for %scan3A_490 = %scan3A_71 to %scan3A_73 step %scan3A_74  : i32 {
      %broadcast_in_dim3A_491 = arith.constant 0.000000e+00 : f32
      %broadcast_in_dim3A_492 = vector.broadcast %broadcast_in_dim3A_491 : f32 to vector<16xf32>
      %mul3A_493 = arith.constant 16 : i32
      %mul3A_494 = arith.muli %scan3A_490, %mul3A_493 : i32
      %swap3A_495 = arith.index_cast %mul3A_494 : i32 to index
      %swap3A_496 = tpu.vector_load %arg11[%swap3A_495] {strides = array<i32>} : memref<640xf32, #tpu.memory_space<vmem>>, vector<16xf32>,
      %swap3A_497 = vector.shape_cast %swap3A_496 : vector<16xf32> to vector<16xf32>
      %swap3A_498 = vector.shape_cast %broadcast_in_dim3A_492 : vector<16xf32> to vector<16xf32>
      tpu.vector_store %arg11[%swap3A_495], %swap3A_498 {strides = array<i32>} : memref<640xf32, #tpu.memory_space<vmem>>, vector<16xf32>,
    }
    %scan3A_75 = arith.constant 40 : i32
    %mul3A_76 = arith.constant 640 : i32
    %mul3A_77 = arith.muli %arg1, %mul3A_76 : i32
    "tpu.region"() ({
      %run_scoped3A_490 = tpu.sem_alloc : memref<!tpu.dma_semaphore, #tpu.memory_space<semaphore_mem>>
      %dma_start3A_491 = tpu.memref_slice %arg14[%mul3A_77] : memref<10240xf32, #tpu.memory_space<vmem_shared>> -> memref<640xf32, #tpu.memory_space<vmem_shared>>
      %dma_start3A_492 = tpu.memref_slice %arg14[%mul3A_77] : memref<10240xf32, #tpu.memory_space<vmem_shared>> -> memref<640xf32, #tpu.memory_space<vmem_shared>>
      tpu.enqueue_dma source(%arg11 : memref<640xf32, #tpu.memory_space<vmem>>) target(%dma_start3A_492 : memref<640xf32, #tpu.memory_space<vmem_shared>>) target_semaphore(%run_scoped3A_490 : memref<!tpu.dma_semaphore, #tpu.memory_space<semaphore_mem>>)
      %dma_wait3A_493 = tpu.memref_slice %arg14[%mul3A_77] : memref<10240xf32, #tpu.memory_space<vmem_shared>> -> memref<640xf32, #tpu.memory_space<vmem_shared>>
      %dma_wait3A_494 = tpu.memref_slice %arg14[%mul3A_77] : memref<10240xf32, #tpu.memory_space<vmem_shared>> -> memref<640xf32, #tpu.memory_space<vmem_shared>>
      tpu.wait_dma2 semaphore(%run_scoped3A_490 : memref<!tpu.dma_semaphore, #tpu.memory_space<semaphore_mem>>) src(%arg11 : memref<640xf32, #tpu.memory_space<vmem>>) dst(%dma_wait3A_494 : memref<640xf32, #tpu.memory_space<vmem_shared>>)
      tpu.yield
    }) : () -> ()
    %lt3A = arith.constant 15 : i32
    %lt3A_78 = arith.cmpi slt, %arg1, %lt3A : i32
    %convert_element_type3A = arith.extui %lt3A_78 : i1 to i32
    %cond3A = arith.constant 0 : i32
    %cond3A_79 = arith.cmpi ne, %convert_element_type3A, %cond3A : i32
    scf.if %cond3A_79 {
      %mul3A_490 = arith.constant 64 : i32
      %mul3A_491 = arith.muli %arg0, %mul3A_490 : i32
      "tpu.region"() ({
        %run_scoped3A_492 = tpu.sem_alloc : memref<!tpu.dma_semaphore, #tpu.memory_space<semaphore_mem>>
        %dma_start3A_493 = arith.constant 0 : i32
        %dma_start3A_494 = tpu.memref_slice %arg13[%mul3A_5, %dma_start3A_493] : memref<10240x64xf32, #tpu.memory_space<vmem_shared>> -> memref<640x64xf32, #tpu.memory_space<vmem_shared>>
        %dma_start3A_495 = tpu.memref_slice %arg2[%mul3A_5, %mul3A_491] : memref<10000x128xf32, #tpu.memory_space<hbm>> -> memref<640x64xf32, #tpu.memory_space<hbm>>
        tpu.enqueue_dma source(%dma_start3A_495 : memref<640x64xf32, #tpu.memory_space<hbm>>) target(%dma_start3A_494 : memref<640x64xf32, #tpu.memory_space<vmem_shared>>) target_semaphore(%run_scoped3A_492 : memref<!tpu.dma_semaphore, #tpu.memory_space<semaphore_mem>>)
        %dma_wait3A_496 = arith.constant 0 : i32
        %dma_wait3A_497 = tpu.memref_slice %arg13[%mul3A_5, %dma_wait3A_496] : memref<10240x64xf32, #tpu.memory_space<vmem_shared>> -> memref<640x64xf32, #tpu.memory_space<vmem_shared>>
        %dma_wait3A_498 = tpu.memref_slice %arg2[%mul3A_5, %mul3A_491] : memref<10000x128xf32, #tpu.memory_space<hbm>> -> memref<640x64xf32, #tpu.memory_space<hbm>>
        tpu.wait_dma2 semaphore(%run_scoped3A_492 : memref<!tpu.dma_semaphore, #tpu.memory_space<semaphore_mem>>) src(%dma_wait3A_498 : memref<640x64xf32, #tpu.memory_space<hbm>>) dst(%dma_wait3A_497 : memref<640x64xf32, #tpu.memory_space<vmem_shared>>)
        tpu.yield
      }) : () -> ()
    } else {
    }
    %eq3A = arith.constant 15 : i32
    %eq3A_80 = arith.cmpi eq, %arg1, %eq3A : i32
    %convert_element_type3A_81 = arith.extui %eq3A_80 : i1 to i32
    %cond3A_82 = arith.constant 0 : i32
    %cond3A_83 = arith.cmpi ne, %convert_element_type3A_81, %cond3A_82 : i32
    scf.if %cond3A_83 {
      %mul3A_490 = arith.constant 64 : i32
      %mul3A_491 = arith.muli %arg0, %mul3A_490 : i32
      "tpu.region"() ({
        %run_scoped3A_492 = tpu.sem_alloc : memref<!tpu.dma_semaphore, #tpu.memory_space<semaphore_mem>>
        %dma_start3A_493 = arith.constant 0 : i32
        %dma_start3A_494 = tpu.memref_slice %arg13[%mul3A_5, %dma_start3A_493] : memref<10240x64xf32, #tpu.memory_space<vmem_shared>> -> memref<400x64xf32, #tpu.memory_space<vmem_shared>>
        %dma_start3A_495 = tpu.memref_slice %arg2[%mul3A_5, %mul3A_491] : memref<10000x128xf32, #tpu.memory_space<hbm>> -> memref<400x64xf32, #tpu.memory_space<hbm>>
        tpu.enqueue_dma source(%dma_start3A_495 : memref<400x64xf32, #tpu.memory_space<hbm>>) target(%dma_start3A_494 : memref<400x64xf32, #tpu.memory_space<vmem_shared>>) target_semaphore(%run_scoped3A_492 : memref<!tpu.dma_semaphore, #tpu.memory_space<semaphore_mem>>)
        %dma_wait3A_496 = arith.constant 0 : i32
        %dma_wait3A_497 = tpu.memref_slice %arg13[%mul3A_5, %dma_wait3A_496] : memref<10240x64xf32, #tpu.memory_space<vmem_shared>> -> memref<400x64xf32, #tpu.memory_space<vmem_shared>>
        %dma_wait3A_498 = tpu.memref_slice %arg2[%mul3A_5, %mul3A_491] : memref<10000x128xf32, #tpu.memory_space<hbm>> -> memref<400x64xf32, #tpu.memory_space<hbm>>
        tpu.wait_dma2 semaphore(%run_scoped3A_492 : memref<!tpu.dma_semaphore, #tpu.memory_space<semaphore_mem>>) src(%dma_wait3A_498 : memref<400x64xf32, #tpu.memory_space<hbm>>) dst(%dma_wait3A_497 : memref<400x64xf32, #tpu.memory_space<vmem_shared>>)
        tpu.yield
      }) : () -> ()
    } else {
    }
    %barrier3A = arith.constant 0 : index
    tpu.barrier barrier_id(%barrier3A)
    %mul3A_84 = arith.constant 156 : i32
    %mul3A_85 = arith.muli %arg1, %mul3A_84 : i32
    %add3A_86 = arith.constant 0 : i32
    %add3A_87 = arith.addi %mul3A_85, %add3A_86 : i32
    %mul3A_88 = arith.constant 128 : i32
    %mul3A_89 = arith.muli %add3A_87, %mul3A_88 : i32
    %run_scoped3A_90 = arith.constant 0 : i32
    "tpu.region"() ({
      %run_scoped3A_490 = tpu.sem_alloc : memref<!tpu.dma_semaphore, #tpu.memory_space<semaphore_mem>>
      %dma_start3A_491 = arith.constant 0 : i32
      %dma_start3A_492 = tpu.memref_slice %arg7[%dma_start3A_491] : memref<4096xi32, #tpu.memory_space<vmem>> -> memref<4096xi32, #tpu.memory_space<vmem>>
      %dma_start3A_493 = tpu.memref_slice %arg4[%run_scoped3A_90, %mul3A_89] : memref<2x320000xi32, #tpu.memory_space<hbm>> -> memref<1x4096xi32, #tpu.memory_space<hbm>>
      %dma_start3A_494 = tpu.memref_squeeze %dma_start3A_493 : memref<1x4096xi32, #tpu.memory_space<hbm>> -> memref<4096xi32, #tpu.memory_space<hbm>>
      %dma_start3A_495 = arith.constant 0 : i32
      %dma_start3A_496 = tpu.memref_slice %arg7[%dma_start3A_495] : memref<4096xi32, #tpu.memory_space<vmem>> -> memref<4096xi32, #tpu.memory_space<vmem>>
      %dma_start3A_497 = tpu.memref_slice %arg4[%run_scoped3A_90, %mul3A_89] : memref<2x320000xi32, #tpu.memory_space<hbm>> -> memref<1x4096xi32, #tpu.memory_space<hbm>>
      %dma_start3A_498 = tpu.memref_squeeze %dma_start3A_497 : memref<1x4096xi32, #tpu.memory_space<hbm>> -> memref<4096xi32, #tpu.memory_space<hbm>>
      tpu.enqueue_dma source(%dma_start3A_498 : memref<4096xi32, #tpu.memory_space<hbm>>) target(%dma_start3A_496 : memref<4096xi32, #tpu.memory_space<vmem>>) target_semaphore(%run_scoped3A_490 : memref<!tpu.dma_semaphore, #tpu.memory_space<semaphore_mem>>)
      %dma_wait3A_499 = arith.constant 0 : i32
      %dma_wait3A_500 = tpu.memref_slice %arg7[%dma_wait3A_499] : memref<4096xi32, #tpu.memory_space<vmem>> -> memref<4096xi32, #tpu.memory_space<vmem>>
      %dma_wait3A_501 = tpu.memref_slice %arg4[%run_scoped3A_90, %mul3A_89] : memref<2x320000xi32, #tpu.memory_space<hbm>> -> memref<1x4096xi32, #tpu.memory_space<hbm>>
      %dma_wait3A_502 = tpu.memref_squeeze %dma_wait3A_501 : memref<1x4096xi32, #tpu.memory_space<hbm>> -> memref<4096xi32, #tpu.memory_space<hbm>>
      %dma_wait3A_503 = arith.constant 0 : i32
      %dma_wait3A_504 = tpu.memref_slice %arg7[%dma_wait3A_503] : memref<4096xi32, #tpu.memory_space<vmem>> -> memref<4096xi32, #tpu.memory_space<vmem>>
      %dma_wait3A_505 = tpu.memref_slice %arg4[%run_scoped3A_90, %mul3A_89] : memref<2x320000xi32, #tpu.memory_space<hbm>> -> memref<1x4096xi32, #tpu.memory_space<hbm>>
      %dma_wait3A_506 = tpu.memref_squeeze %dma_wait3A_505 : memref<1x4096xi32, #tpu.memory_space<hbm>> -> memref<4096xi32, #tpu.memory_space<hbm>>
      tpu.wait_dma2 semaphore(%run_scoped3A_490 : memref<!tpu.dma_semaphore, #tpu.memory_space<semaphore_mem>>) src(%dma_wait3A_506 : memref<4096xi32, #tpu.memory_space<hbm>>) dst(%dma_wait3A_504 : memref<4096xi32, #tpu.memory_space<vmem>>)
      tpu.yield
    }) : () -> ()
    %run_scoped3A_91 = arith.constant 1 : i32
    "tpu.region"() ({
      %run_scoped3A_490 = tpu.sem_alloc : memref<!tpu.dma_semaphore, #tpu.memory_space<semaphore_mem>>
      %dma_start3A_491 = arith.constant 0 : i32
      %dma_start3A_492 = tpu.memref_slice %arg8[%dma_start3A_491] : memref<4096xi32, #tpu.memory_space<vmem>> -> memref<4096xi32, #tpu.memory_space<vmem>>
      %dma_start3A_493 = tpu.memref_slice %arg4[%run_scoped3A_91, %mul3A_89] : memref<2x320000xi32, #tpu.memory_space<hbm>> -> memref<1x4096xi32, #tpu.memory_space<hbm>>
      %dma_start3A_494 = tpu.memref_squeeze %dma_start3A_493 : memref<1x4096xi32, #tpu.memory_space<hbm>> -> memref<4096xi32, #tpu.memory_space<hbm>>
      %dma_start3A_495 = arith.constant 0 : i32
      %dma_start3A_496 = tpu.memref_slice %arg8[%dma_start3A_495] : memref<4096xi32, #tpu.memory_space<vmem>> -> memref<4096xi32, #tpu.memory_space<vmem>>
      %dma_start3A_497 = tpu.memref_slice %arg4[%run_scoped3A_91, %mul3A_89] : memref<2x320000xi32, #tpu.memory_space<hbm>> -> memref<1x4096xi32, #tpu.memory_space<hbm>>
      %dma_start3A_498 = tpu.memref_squeeze %dma_start3A_497 : memref<1x4096xi32, #tpu.memory_space<hbm>> -> memref<4096xi32, #tpu.memory_space<hbm>>
      tpu.enqueue_dma source(%dma_start3A_498 : memref<4096xi32, #tpu.memory_space<hbm>>) target(%dma_start3A_496 : memref<4096xi32, #tpu.memory_space<vmem>>) target_semaphore(%run_scoped3A_490 : memref<!tpu.dma_semaphore, #tpu.memory_space<semaphore_mem>>)
      %dma_wait3A_499 = arith.constant 0 : i32
      %dma_wait3A_500 = tpu.memref_slice %arg8[%dma_wait3A_499] : memref<4096xi32, #tpu.memory_space<vmem>> -> memref<4096xi32, #tpu.memory_space<vmem>>
      %dma_wait3A_501 = tpu.memref_slice %arg4[%run_scoped3A_91, %mul3A_89] : memref<2x320000xi32, #tpu.memory_space<hbm>> -> memref<1x4096xi32, #tpu.memory_space<hbm>>
      %dma_wait3A_502 = tpu.memref_squeeze %dma_wait3A_501 : memref<1x4096xi32, #tpu.memory_space<hbm>> -> memref<4096xi32, #tpu.memory_space<hbm>>
      %dma_wait3A_503 = arith.constant 0 : i32
      %dma_wait3A_504 = tpu.memref_slice %arg8[%dma_wait3A_503] : memref<4096xi32, #tpu.memory_space<vmem>> -> memref<4096xi32, #tpu.memory_space<vmem>>
      %dma_wait3A_505 = tpu.memref_slice %arg4[%run_scoped3A_91, %mul3A_89] : memref<2x320000xi32, #tpu.memory_space<hbm>> -> memref<1x4096xi32, #tpu.memory_space<hbm>>
      %dma_wait3A_506 = tpu.memref_squeeze %dma_wait3A_505 : memref<1x4096xi32, #tpu.memory_space<hbm>> -> memref<4096xi32, #tpu.memory_space<hbm>>
      tpu.wait_dma2 semaphore(%run_scoped3A_490 : memref<!tpu.dma_semaphore, #tpu.memory_space<semaphore_mem>>) src(%dma_wait3A_506 : memref<4096xi32, #tpu.memory_space<hbm>>) dst(%dma_wait3A_504 : memref<4096xi32, #tpu.memory_space<vmem>>)
      tpu.yield
    }) : () -> ()
    %multiple_of3A = arith.constant 0 : i32
    %multiple_of3A_92 = tpu.assume_multiple %multiple_of3A, 128 : i32
    %dma_start3A = arith.constant 0 : i32
    %dma_start3A_93 = arith.constant 0 : i32
    %dma_start3A_94 = arith.constant 0 : i32
    %dma_start3A_95 = arith.constant 0 : i32
    %dma_start3A_96 = tpu.memref_slice %arg9[%dma_start3A, %dma_start3A_93, %dma_start3A_94, %dma_start3A_95] : memref<2x2x128x64xf32, #tpu.memory_space<vmem>> -> memref<1x1x128x64xf32, #tpu.memory_space<vmem>>
    %dma_start3A_97 = tpu.memref_squeeze %dma_start3A_96 : memref<1x1x128x64xf32, #tpu.memory_space<vmem>> -> memref<128x64xf32, #tpu.memory_space<vmem>>
    %dma_start3A_98 = tpu.memref_slice %arg8[%multiple_of3A_92] : memref<4096xi32, #tpu.memory_space<vmem>> -> memref<128xi32, #tpu.memory_space<vmem>>
    %dma_start3A_99 = arith.constant 0 : i32
    %dma_start3A_100 = arith.constant 0 : i32
    %dma_start3A_101 = tpu.memref_slice %arg13[%dma_start3A_99, %dma_start3A_100] : memref<10240x64xf32, #tpu.memory_space<vmem_shared>> -> memref<10240x64xf32, #tpu.memory_space<vmem_shared>>
    tpu.enqueue_indirect_dma source(%dma_start3A_101 : memref<10240x64xf32, #tpu.memory_space<vmem_shared>>) target(%dma_start3A_97 : memref<128x64xf32, #tpu.memory_space<vmem>>) offsets(%dma_start3A_98 : memref<128xi32, #tpu.memory_space<vmem>>) semaphore(%arg15 : memref<!tpu.dma_semaphore, #tpu.memory_space<semaphore_mem>>)
    %multiple_of3A_102 = arith.constant 128 : i32
    %multiple_of3A_103 = tpu.assume_multiple %multiple_of3A_102, 128 : i32
    %dma_start3A_104 = arith.constant 0 : i32
    %dma_start3A_105 = arith.constant 1 : i32
    %dma_start3A_106 = arith.constant 0 : i32
    %dma_start3A_107 = arith.constant 0 : i32
    %dma_start3A_108 = tpu.memref_slice %arg9[%dma_start3A_104, %dma_start3A_105, %dma_start3A_106, %dma_start3A_107] : memref<2x2x128x64xf32, #tpu.memory_space<vmem>> -> memref<1x1x128x64xf32, #tpu.memory_space<vmem>>
    %dma_start3A_109 = tpu.memref_squeeze %dma_start3A_108 : memref<1x1x128x64xf32, #tpu.memory_space<vmem>> -> memref<128x64xf32, #tpu.memory_space<vmem>>
    %dma_start3A_110 = tpu.memref_slice %arg8[%multiple_of3A_103] : memref<4096xi32, #tpu.memory_space<vmem>> -> memref<128xi32, #tpu.memory_space<vmem>>
    %dma_start3A_111 = arith.constant 0 : i32
    %dma_start3A_112 = arith.constant 0 : i32
    %dma_start3A_113 = tpu.memref_slice %arg13[%dma_start3A_111, %dma_start3A_112] : memref<10240x64xf32, #tpu.memory_space<vmem_shared>> -> memref<10240x64xf32, #tpu.memory_space<vmem_shared>>
    tpu.enqueue_indirect_dma source(%dma_start3A_113 : memref<10240x64xf32, #tpu.memory_space<vmem_shared>>) target(%dma_start3A_109 : memref<128x64xf32, #tpu.memory_space<vmem>>) offsets(%dma_start3A_110 : memref<128xi32, #tpu.memory_space<vmem>>) semaphore(%arg15 : memref<!tpu.dma_semaphore, #tpu.memory_space<semaphore_mem>>)
    %scan3A_114 = arith.constant 0 : i32
    %scan3A_115 = arith.constant 0 : i32
    %scan3A_116 = arith.constant 8 : i32
    %scan3A_117 = arith.addi %scan3A_115, %scan3A_116 : i32
    %scan3A_118 = arith.constant 1 : i32
    scf.for %scan3A_490 = %scan3A_115 to %scan3A_117 step %scan3A_118  : i32 {
      %mul3A_491 = arith.constant 2 : i32
      %mul3A_492 = arith.muli %mul3A_491, %scan3A_490 : i32
      %add3A_493 = arith.constant 0 : i32
      %add3A_494 = arith.addi %mul3A_492, %add3A_493 : i32
      %mul3A_495 = arith.constant 2 : i32
      %mul3A_496 = arith.muli %add3A_494, %mul3A_495 : i32
      %gt3A = arith.constant 0 : i32
      %gt3A_497 = arith.cmpi sgt, %scan3A_490, %gt3A : i32
      %convert_element_type3A_498 = arith.extui %gt3A_497 : i1 to i32
      %cond3A_499 = arith.constant 0 : i32
      %cond3A_500 = arith.cmpi ne, %convert_element_type3A_498, %cond3A_499 : i32
      scf.if %cond3A_500 {
        %multiple_of3A_809 = arith.constant 0 : i32
        %multiple_of3A_810 = tpu.assume_multiple %multiple_of3A_809, 128 : i32
        %dma_wait3A_811 = arith.constant 1 : i32
        %dma_wait3A_812 = arith.constant 0 : i32
        %dma_wait3A_813 = arith.constant 0 : i32
        %dma_wait3A_814 = arith.constant 0 : i32
        %dma_wait3A_815 = tpu.memref_slice %arg9[%dma_wait3A_811, %dma_wait3A_812, %dma_wait3A_813, %dma_wait3A_814] : memref<2x2x128x64xf32, #tpu.memory_space<vmem>> -> memref<1x1x128x64xf32, #tpu.memory_space<vmem>>
        %dma_wait3A_816 = tpu.memref_squeeze %dma_wait3A_815 : memref<1x1x128x64xf32, #tpu.memory_space<vmem>> -> memref<128x64xf32, #tpu.memory_space<vmem>>
        %dma_wait3A_817 = tpu.memref_slice %arg7[%multiple_of3A_810] : memref<4096xi32, #tpu.memory_space<vmem>> -> memref<128xi32, #tpu.memory_space<vmem>>
        %dma_wait3A_818 = arith.constant 0 : i32
        %dma_wait3A_819 = arith.constant 0 : i32
        %dma_wait3A_820 = tpu.memref_slice %arg12[%dma_wait3A_818, %dma_wait3A_819] : memref<10240x64xf32, #tpu.memory_space<vmem_shared>> -> memref<10240x64xf32, #tpu.memory_space<vmem_shared>>
        tpu.wait_indirect_dma semaphore(%arg18 : memref<!tpu.dma_semaphore, #tpu.memory_space<semaphore_mem>>) src(%dma_wait3A_816 : memref<128x64xf32, #tpu.memory_space<vmem>>) dst(%dma_wait3A_820 : memref<10240x64xf32, #tpu.memory_space<vmem_shared>>)
        %add3A_821 = arith.constant 1 : i32
        %add3A_822 = arith.addi %add3A_494, %add3A_821 : i32
        %jit3A_823 = arith.constant 2 : i32
        %eq3A_824 = arith.constant 0 : i32
        %eq3A_825 = arith.cmpi eq, %jit3A_823, %eq3A_824 : i32
        %jit3A_826 = arith.constant 1 : i32
        %select_n3A_827 = arith.select %eq3A_825, %jit3A_826, %jit3A_823 : i32
        %rem3A_828 = arith.remsi %add3A_822, %select_n3A_827 : i32
        %ne3A_829 = arith.constant 0 : i32
        %ne3A_830 = arith.cmpi ne, %rem3A_828, %ne3A_829 : i32
        %lt3A_831 = arith.constant 0 : i32
        %lt3A_832 = arith.cmpi slt, %rem3A_828, %lt3A_831 : i32
        %lt3A_833 = arith.constant 0 : i32
        %lt3A_834 = arith.cmpi slt, %select_n3A_827, %lt3A_833 : i32
        %ne3A_835 = arith.xori %lt3A_832, %lt3A_834 : i1
        %and3A_836 = arith.andi %ne3A_835, %ne3A_830 : i1
        %add3A_837 = arith.addi %rem3A_828, %select_n3A_827 : i32
        %select_n3A_838 = arith.select %and3A_836, %add3A_837, %rem3A_828 : i32
        %eq3A_839 = arith.cmpi eq, %arg0, %select_n3A_838 : i32
        %convert_element_type3A_840 = arith.extui %eq3A_839 : i1 to i32
        %cond3A_841 = arith.constant 0 : i32
        %cond3A_842 = arith.cmpi ne, %convert_element_type3A_840, %cond3A_841 : i32
        scf.if %cond3A_842 {
          %multiple_of3A_877 = arith.constant 0 : i32
          %multiple_of3A_878 = tpu.assume_multiple %multiple_of3A_877, 128 : i32
          %dma_wait3A_879 = tpu.memref_slice %arg7[%multiple_of3A_878] : memref<4096xi32, #tpu.memory_space<vmem>> -> memref<128xi32, #tpu.memory_space<vmem>>
          %dma_wait3A_880 = arith.constant 0 : i32
          %dma_wait3A_881 = tpu.memref_slice %arg14[%dma_wait3A_880] : memref<10240xf32, #tpu.memory_space<vmem_shared>> -> memref<10240xf32, #tpu.memory_space<vmem_shared>>
          tpu.wait_indirect_dma semaphore(%arg20 : memref<!tpu.dma_semaphore, #tpu.memory_space<semaphore_mem>>) src(%arg10 : memref<128xf32, #tpu.memory_space<vmem>>) dst(%dma_wait3A_881 : memref<10240xf32, #tpu.memory_space<vmem_shared>>)
        } else {
        }
        %multiple_of3A_843 = arith.constant 0 : i32
        %multiple_of3A_844 = tpu.assume_multiple %multiple_of3A_843, 128 : i32
        %dma_wait3A_845 = arith.constant 1 : i32
        %dma_wait3A_846 = arith.constant 1 : i32
        %dma_wait3A_847 = arith.constant 0 : i32
        %dma_wait3A_848 = arith.constant 0 : i32
        %dma_wait3A_849 = tpu.memref_slice %arg9[%dma_wait3A_845, %dma_wait3A_846, %dma_wait3A_847, %dma_wait3A_848] : memref<2x2x128x64xf32, #tpu.memory_space<vmem>> -> memref<1x1x128x64xf32, #tpu.memory_space<vmem>>
        %dma_wait3A_850 = tpu.memref_squeeze %dma_wait3A_849 : memref<1x1x128x64xf32, #tpu.memory_space<vmem>> -> memref<128x64xf32, #tpu.memory_space<vmem>>
        %dma_wait3A_851 = tpu.memref_slice %arg7[%multiple_of3A_844] : memref<4096xi32, #tpu.memory_space<vmem>> -> memref<128xi32, #tpu.memory_space<vmem>>
        %dma_wait3A_852 = arith.constant 0 : i32
        %dma_wait3A_853 = arith.constant 0 : i32
        %dma_wait3A_854 = tpu.memref_slice %arg12[%dma_wait3A_852, %dma_wait3A_853] : memref<10240x64xf32, #tpu.memory_space<vmem_shared>> -> memref<10240x64xf32, #tpu.memory_space<vmem_shared>>
        tpu.wait_indirect_dma semaphore(%arg18 : memref<!tpu.dma_semaphore, #tpu.memory_space<semaphore_mem>>) src(%dma_wait3A_850 : memref<128x64xf32, #tpu.memory_space<vmem>>) dst(%dma_wait3A_854 : memref<10240x64xf32, #tpu.memory_space<vmem_shared>>)
        %add3A_855 = arith.constant 1 : i32
        %add3A_856 = arith.addi %add3A_494, %add3A_855 : i32
        %jit3A_857 = arith.constant 2 : i32
        %eq3A_858 = arith.constant 0 : i32
        %eq3A_859 = arith.cmpi eq, %jit3A_857, %eq3A_858 : i32
        %jit3A_860 = arith.constant 1 : i32
        %select_n3A_861 = arith.select %eq3A_859, %jit3A_860, %jit3A_857 : i32
        %rem3A_862 = arith.remsi %add3A_856, %select_n3A_861 : i32
        %ne3A_863 = arith.constant 0 : i32
        %ne3A_864 = arith.cmpi ne, %rem3A_862, %ne3A_863 : i32
        %lt3A_865 = arith.constant 0 : i32
        %lt3A_866 = arith.cmpi slt, %rem3A_862, %lt3A_865 : i32
        %lt3A_867 = arith.constant 0 : i32
        %lt3A_868 = arith.cmpi slt, %select_n3A_861, %lt3A_867 : i32
        %ne3A_869 = arith.xori %lt3A_866, %lt3A_868 : i1
        %and3A_870 = arith.andi %ne3A_869, %ne3A_864 : i1
        %add3A_871 = arith.addi %rem3A_862, %select_n3A_861 : i32
        %select_n3A_872 = arith.select %and3A_870, %add3A_871, %rem3A_862 : i32
        %eq3A_873 = arith.cmpi eq, %arg0, %select_n3A_872 : i32
        %convert_element_type3A_874 = arith.extui %eq3A_873 : i1 to i32
        %cond3A_875 = arith.constant 0 : i32
        %cond3A_876 = arith.cmpi ne, %convert_element_type3A_874, %cond3A_875 : i32
        scf.if %cond3A_876 {
          %multiple_of3A_877 = arith.constant 0 : i32
          %multiple_of3A_878 = tpu.assume_multiple %multiple_of3A_877, 128 : i32
          %dma_wait3A_879 = tpu.memref_slice %arg7[%multiple_of3A_878] : memref<4096xi32, #tpu.memory_space<vmem>> -> memref<128xi32, #tpu.memory_space<vmem>>
          %dma_wait3A_880 = arith.constant 0 : i32
          %dma_wait3A_881 = tpu.memref_slice %arg14[%dma_wait3A_880] : memref<10240xf32, #tpu.memory_space<vmem_shared>> -> memref<10240xf32, #tpu.memory_space<vmem_shared>>
          tpu.wait_indirect_dma semaphore(%arg20 : memref<!tpu.dma_semaphore, #tpu.memory_space<semaphore_mem>>) src(%arg10 : memref<128xf32, #tpu.memory_space<vmem>>) dst(%dma_wait3A_881 : memref<10240xf32, #tpu.memory_space<vmem_shared>>)
        } else {
        }
      } else {
      }
      %add3A_501 = arith.constant 2 : i32
      %add3A_502 = arith.addi %mul3A_496, %add3A_501 : i32
      %add3A_503 = arith.constant 0 : i32
      %add3A_504 = arith.addi %add3A_502, %add3A_503 : i32
      %mul3A_505 = arith.constant 128 : i32
      %mul3A_506 = arith.muli %add3A_504, %mul3A_505 : i32
      %multiple_of3A_507 = tpu.assume_multiple %mul3A_506, 128 : i32
      %dma_start3A_508 = arith.constant 1 : i32
      %dma_start3A_509 = arith.constant 0 : i32
      %dma_start3A_510 = arith.constant 0 : i32
      %dma_start3A_511 = arith.constant 0 : i32
      %dma_start3A_512 = tpu.memref_slice %arg9[%dma_start3A_508, %dma_start3A_509, %dma_start3A_510, %dma_start3A_511] : memref<2x2x128x64xf32, #tpu.memory_space<vmem>> -> memref<1x1x128x64xf32, #tpu.memory_space<vmem>>
      %dma_start3A_513 = tpu.memref_squeeze %dma_start3A_512 : memref<1x1x128x64xf32, #tpu.memory_space<vmem>> -> memref<128x64xf32, #tpu.memory_space<vmem>>
      %dma_start3A_514 = tpu.memref_slice %arg8[%multiple_of3A_507] : memref<4096xi32, #tpu.memory_space<vmem>> -> memref<128xi32, #tpu.memory_space<vmem>>
      %dma_start3A_515 = arith.constant 0 : i32
      %dma_start3A_516 = arith.constant 0 : i32
      %dma_start3A_517 = tpu.memref_slice %arg13[%dma_start3A_515, %dma_start3A_516] : memref<10240x64xf32, #tpu.memory_space<vmem_shared>> -> memref<10240x64xf32, #tpu.memory_space<vmem_shared>>
      tpu.enqueue_indirect_dma source(%dma_start3A_517 : memref<10240x64xf32, #tpu.memory_space<vmem_shared>>) target(%dma_start3A_513 : memref<128x64xf32, #tpu.memory_space<vmem>>) offsets(%dma_start3A_514 : memref<128xi32, #tpu.memory_space<vmem>>) semaphore(%arg16 : memref<!tpu.dma_semaphore, #tpu.memory_space<semaphore_mem>>)
      %add3A_518 = arith.constant 2 : i32
      %add3A_519 = arith.addi %mul3A_496, %add3A_518 : i32
      %add3A_520 = arith.constant 1 : i32
      %add3A_521 = arith.addi %add3A_519, %add3A_520 : i32
      %mul3A_522 = arith.constant 128 : i32
      %mul3A_523 = arith.muli %add3A_521, %mul3A_522 : i32
      %multiple_of3A_524 = tpu.assume_multiple %mul3A_523, 128 : i32
      %dma_start3A_525 = arith.constant 1 : i32
      %dma_start3A_526 = arith.constant 1 : i32
      %dma_start3A_527 = arith.constant 0 : i32
      %dma_start3A_528 = arith.constant 0 : i32
      %dma_start3A_529 = tpu.memref_slice %arg9[%dma_start3A_525, %dma_start3A_526, %dma_start3A_527, %dma_start3A_528] : memref<2x2x128x64xf32, #tpu.memory_space<vmem>> -> memref<1x1x128x64xf32, #tpu.memory_space<vmem>>
      %dma_start3A_530 = tpu.memref_squeeze %dma_start3A_529 : memref<1x1x128x64xf32, #tpu.memory_space<vmem>> -> memref<128x64xf32, #tpu.memory_space<vmem>>
      %dma_start3A_531 = tpu.memref_slice %arg8[%multiple_of3A_524] : memref<4096xi32, #tpu.memory_space<vmem>> -> memref<128xi32, #tpu.memory_space<vmem>>
      %dma_start3A_532 = arith.constant 0 : i32
      %dma_start3A_533 = arith.constant 0 : i32
      %dma_start3A_534 = tpu.memref_slice %arg13[%dma_start3A_532, %dma_start3A_533] : memref<10240x64xf32, #tpu.memory_space<vmem_shared>> -> memref<10240x64xf32, #tpu.memory_space<vmem_shared>>
      tpu.enqueue_indirect_dma source(%dma_start3A_534 : memref<10240x64xf32, #tpu.memory_space<vmem_shared>>) target(%dma_start3A_530 : memref<128x64xf32, #tpu.memory_space<vmem>>) offsets(%dma_start3A_531 : memref<128xi32, #tpu.memory_space<vmem>>) semaphore(%arg16 : memref<!tpu.dma_semaphore, #tpu.memory_space<semaphore_mem>>)
      %add3A_535 = arith.constant 0 : i32
      %add3A_536 = arith.addi %mul3A_496, %add3A_535 : i32
      %mul3A_537 = arith.constant 128 : i32
      %mul3A_538 = arith.muli %add3A_536, %mul3A_537 : i32
      %multiple_of3A_539 = tpu.assume_multiple %mul3A_538, 128 : i32
      %dma_wait3A_540 = arith.constant 0 : i32
      %dma_wait3A_541 = arith.constant 0 : i32
      %dma_wait3A_542 = arith.constant 0 : i32
      %dma_wait3A_543 = arith.constant 0 : i32
      %dma_wait3A_544 = tpu.memref_slice %arg9[%dma_wait3A_540, %dma_wait3A_541, %dma_wait3A_542, %dma_wait3A_543] : memref<2x2x128x64xf32, #tpu.memory_space<vmem>> -> memref<1x1x128x64xf32, #tpu.memory_space<vmem>>
      %dma_wait3A_545 = tpu.memref_squeeze %dma_wait3A_544 : memref<1x1x128x64xf32, #tpu.memory_space<vmem>> -> memref<128x64xf32, #tpu.memory_space<vmem>>
      %dma_wait3A_546 = tpu.memref_slice %arg8[%multiple_of3A_539] : memref<4096xi32, #tpu.memory_space<vmem>> -> memref<128xi32, #tpu.memory_space<vmem>>
      %dma_wait3A_547 = arith.constant 0 : i32
      %dma_wait3A_548 = arith.constant 0 : i32
      %dma_wait3A_549 = tpu.memref_slice %arg13[%dma_wait3A_547, %dma_wait3A_548] : memref<10240x64xf32, #tpu.memory_space<vmem_shared>> -> memref<10240x64xf32, #tpu.memory_space<vmem_shared>>
      tpu.wait_indirect_dma semaphore(%arg15 : memref<!tpu.dma_semaphore, #tpu.memory_space<semaphore_mem>>) src(%dma_wait3A_549 : memref<10240x64xf32, #tpu.memory_space<vmem_shared>>) dst(%dma_wait3A_545 : memref<128x64xf32, #tpu.memory_space<vmem>>)
      %add3A_550 = arith.constant 1 : i32
      %add3A_551 = arith.addi %mul3A_496, %add3A_550 : i32
      %mul3A_552 = arith.constant 128 : i32
      %mul3A_553 = arith.muli %add3A_551, %mul3A_552 : i32
      %multiple_of3A_554 = tpu.assume_multiple %mul3A_553, 128 : i32
      %dma_wait3A_555 = arith.constant 0 : i32
      %dma_wait3A_556 = arith.constant 1 : i32
      %dma_wait3A_557 = arith.constant 0 : i32
      %dma_wait3A_558 = arith.constant 0 : i32
      %dma_wait3A_559 = tpu.memref_slice %arg9[%dma_wait3A_555, %dma_wait3A_556, %dma_wait3A_557, %dma_wait3A_558] : memref<2x2x128x64xf32, #tpu.memory_space<vmem>> -> memref<1x1x128x64xf32, #tpu.memory_space<vmem>>
      %dma_wait3A_560 = tpu.memref_squeeze %dma_wait3A_559 : memref<1x1x128x64xf32, #tpu.memory_space<vmem>> -> memref<128x64xf32, #tpu.memory_space<vmem>>
      %dma_wait3A_561 = tpu.memref_slice %arg8[%multiple_of3A_554] : memref<4096xi32, #tpu.memory_space<vmem>> -> memref<128xi32, #tpu.memory_space<vmem>>
      %dma_wait3A_562 = arith.constant 0 : i32
      %dma_wait3A_563 = arith.constant 0 : i32
      %dma_wait3A_564 = tpu.memref_slice %arg13[%dma_wait3A_562, %dma_wait3A_563] : memref<10240x64xf32, #tpu.memory_space<vmem_shared>> -> memref<10240x64xf32, #tpu.memory_space<vmem_shared>>
      tpu.wait_indirect_dma semaphore(%arg15 : memref<!tpu.dma_semaphore, #tpu.memory_space<semaphore_mem>>) src(%dma_wait3A_564 : memref<10240x64xf32, #tpu.memory_space<vmem_shared>>) dst(%dma_wait3A_560 : memref<128x64xf32, #tpu.memory_space<vmem>>)
      %add3A_565 = arith.constant 0 : i32
      %add3A_566 = arith.addi %mul3A_496, %add3A_565 : i32
      %mul3A_567 = arith.constant 128 : i32
      %mul3A_568 = arith.muli %add3A_566, %mul3A_567 : i32
      %multiple_of3A_569 = tpu.assume_multiple %mul3A_568, 128 : i32
      %dma_start3A_570 = arith.constant 0 : i32
      %dma_start3A_571 = arith.constant 0 : i32
      %dma_start3A_572 = arith.constant 0 : i32
      %dma_start3A_573 = arith.constant 0 : i32
      %dma_start3A_574 = tpu.memref_slice %arg9[%dma_start3A_570, %dma_start3A_571, %dma_start3A_572, %dma_start3A_573] : memref<2x2x128x64xf32, #tpu.memory_space<vmem>> -> memref<1x1x128x64xf32, #tpu.memory_space<vmem>>
      %dma_start3A_575 = tpu.memref_squeeze %dma_start3A_574 : memref<1x1x128x64xf32, #tpu.memory_space<vmem>> -> memref<128x64xf32, #tpu.memory_space<vmem>>
      %dma_start3A_576 = tpu.memref_slice %arg7[%multiple_of3A_569] : memref<4096xi32, #tpu.memory_space<vmem>> -> memref<128xi32, #tpu.memory_space<vmem>>
      %dma_start3A_577 = arith.constant 0 : i32
      %dma_start3A_578 = arith.constant 0 : i32
      %dma_start3A_579 = tpu.memref_slice %arg12[%dma_start3A_577, %dma_start3A_578] : memref<10240x64xf32, #tpu.memory_space<vmem_shared>> -> memref<10240x64xf32, #tpu.memory_space<vmem_shared>>
      tpu.enqueue_indirect_dma source(%dma_start3A_575 : memref<128x64xf32, #tpu.memory_space<vmem>>) target(%dma_start3A_579 : memref<10240x64xf32, #tpu.memory_space<vmem_shared>>) offsets(%dma_start3A_576 : memref<128xi32, #tpu.memory_space<vmem>>) semaphore(%arg17 : memref<!tpu.dma_semaphore, #tpu.memory_space<semaphore_mem>>) {add = true}
      %jit3A = arith.constant 2 : i32
      %eq3A_580 = arith.constant 0 : i32
      %eq3A_581 = arith.cmpi eq, %jit3A, %eq3A_580 : i32
      %jit3A_582 = arith.constant 1 : i32
      %select_n3A = arith.select %eq3A_581, %jit3A_582, %jit3A : i32
      %rem3A = arith.remsi %add3A_494, %select_n3A : i32
      %ne3A = arith.constant 0 : i32
      %ne3A_583 = arith.cmpi ne, %rem3A, %ne3A : i32
      %lt3A_584 = arith.constant 0 : i32
      %lt3A_585 = arith.cmpi slt, %rem3A, %lt3A_584 : i32
      %lt3A_586 = arith.constant 0 : i32
      %lt3A_587 = arith.cmpi slt, %select_n3A, %lt3A_586 : i32
      %ne3A_588 = arith.xori %lt3A_585, %lt3A_587 : i1
      %and3A = arith.andi %ne3A_588, %ne3A_583 : i1
      %add3A_589 = arith.addi %rem3A, %select_n3A : i32
      %select_n3A_590 = arith.select %and3A, %add3A_589, %rem3A : i32
      %eq3A_591 = arith.cmpi eq, %arg0, %select_n3A_590 : i32
      %convert_element_type3A_592 = arith.extui %eq3A_591 : i1 to i32
      %cond3A_593 = arith.constant 0 : i32
      %cond3A_594 = arith.cmpi ne, %convert_element_type3A_592, %cond3A_593 : i32
      scf.if %cond3A_594 {
        %add3A_809 = arith.constant 0 : i32
        %add3A_810 = arith.addi %mul3A_496, %add3A_809 : i32
        %mul3A_811 = arith.constant 128 : i32
        %mul3A_812 = arith.muli %add3A_810, %mul3A_811 : i32
        %multiple_of3A_813 = tpu.assume_multiple %mul3A_812, 128 : i32
        %dma_start3A_814 = tpu.memref_slice %arg7[%multiple_of3A_813] : memref<4096xi32, #tpu.memory_space<vmem>> -> memref<128xi32, #tpu.memory_space<vmem>>
        %dma_start3A_815 = arith.constant 0 : i32
        %dma_start3A_816 = tpu.memref_slice %arg14[%dma_start3A_815] : memref<10240xf32, #tpu.memory_space<vmem_shared>> -> memref<10240xf32, #tpu.memory_space<vmem_shared>>
        tpu.enqueue_indirect_dma source(%arg10 : memref<128xf32, #tpu.memory_space<vmem>>) target(%dma_start3A_816 : memref<10240xf32, #tpu.memory_space<vmem_shared>>) offsets(%dma_start3A_814 : memref<128xi32, #tpu.memory_space<vmem>>) semaphore(%arg19 : memref<!tpu.dma_semaphore, #tpu.memory_space<semaphore_mem>>) {add = true}
      } else {
      }
      %add3A_595 = arith.constant 1 : i32
      %add3A_596 = arith.addi %mul3A_496, %add3A_595 : i32
      %mul3A_597 = arith.constant 128 : i32
      %mul3A_598 = arith.muli %add3A_596, %mul3A_597 : i32
      %multiple_of3A_599 = tpu.assume_multiple %mul3A_598, 128 : i32
      %dma_start3A_600 = arith.constant 0 : i32
      %dma_start3A_601 = arith.constant 1 : i32
      %dma_start3A_602 = arith.constant 0 : i32
      %dma_start3A_603 = arith.constant 0 : i32
      %dma_start3A_604 = tpu.memref_slice %arg9[%dma_start3A_600, %dma_start3A_601, %dma_start3A_602, %dma_start3A_603] : memref<2x2x128x64xf32, #tpu.memory_space<vmem>> -> memref<1x1x128x64xf32, #tpu.memory_space<vmem>>
      %dma_start3A_605 = tpu.memref_squeeze %dma_start3A_604 : memref<1x1x128x64xf32, #tpu.memory_space<vmem>> -> memref<128x64xf32, #tpu.memory_space<vmem>>
      %dma_start3A_606 = tpu.memref_slice %arg7[%multiple_of3A_599] : memref<4096xi32, #tpu.memory_space<vmem>> -> memref<128xi32, #tpu.memory_space<vmem>>
      %dma_start3A_607 = arith.constant 0 : i32
      %dma_start3A_608 = arith.constant 0 : i32
      %dma_start3A_609 = tpu.memref_slice %arg12[%dma_start3A_607, %dma_start3A_608] : memref<10240x64xf32, #tpu.memory_space<vmem_shared>> -> memref<10240x64xf32, #tpu.memory_space<vmem_shared>>
      tpu.enqueue_indirect_dma source(%dma_start3A_605 : memref<128x64xf32, #tpu.memory_space<vmem>>) target(%dma_start3A_609 : memref<10240x64xf32, #tpu.memory_space<vmem_shared>>) offsets(%dma_start3A_606 : memref<128xi32, #tpu.memory_space<vmem>>) semaphore(%arg17 : memref<!tpu.dma_semaphore, #tpu.memory_space<semaphore_mem>>) {add = true}
      %jit3A_610 = arith.constant 2 : i32
      %eq3A_611 = arith.constant 0 : i32
      %eq3A_612 = arith.cmpi eq, %jit3A_610, %eq3A_611 : i32
      %jit3A_613 = arith.constant 1 : i32
      %select_n3A_614 = arith.select %eq3A_612, %jit3A_613, %jit3A_610 : i32
      %rem3A_615 = arith.remsi %add3A_494, %select_n3A_614 : i32
      %ne3A_616 = arith.constant 0 : i32
      %ne3A_617 = arith.cmpi ne, %rem3A_615, %ne3A_616 : i32
      %lt3A_618 = arith.constant 0 : i32
      %lt3A_619 = arith.cmpi slt, %rem3A_615, %lt3A_618 : i32
      %lt3A_620 = arith.constant 0 : i32
      %lt3A_621 = arith.cmpi slt, %select_n3A_614, %lt3A_620 : i32
      %ne3A_622 = arith.xori %lt3A_619, %lt3A_621 : i1
      %and3A_623 = arith.andi %ne3A_622, %ne3A_617 : i1
      %add3A_624 = arith.addi %rem3A_615, %select_n3A_614 : i32
      %select_n3A_625 = arith.select %and3A_623, %add3A_624, %rem3A_615 : i32
      %eq3A_626 = arith.cmpi eq, %arg0, %select_n3A_625 : i32
      %convert_element_type3A_627 = arith.extui %eq3A_626 : i1 to i32
      %cond3A_628 = arith.constant 0 : i32
      %cond3A_629 = arith.cmpi ne, %convert_element_type3A_627, %cond3A_628 : i32
      scf.if %cond3A_629 {
        %add3A_809 = arith.constant 1 : i32
        %add3A_810 = arith.addi %mul3A_496, %add3A_809 : i32
        %mul3A_811 = arith.constant 128 : i32
        %mul3A_812 = arith.muli %add3A_810, %mul3A_811 : i32
        %multiple_of3A_813 = tpu.assume_multiple %mul3A_812, 128 : i32
        %dma_start3A_814 = tpu.memref_slice %arg7[%multiple_of3A_813] : memref<4096xi32, #tpu.memory_space<vmem>> -> memref<128xi32, #tpu.memory_space<vmem>>
        %dma_start3A_815 = arith.constant 0 : i32
        %dma_start3A_816 = tpu.memref_slice %arg14[%dma_start3A_815] : memref<10240xf32, #tpu.memory_space<vmem_shared>> -> memref<10240xf32, #tpu.memory_space<vmem_shared>>
        tpu.enqueue_indirect_dma source(%arg10 : memref<128xf32, #tpu.memory_space<vmem>>) target(%dma_start3A_816 : memref<10240xf32, #tpu.memory_space<vmem_shared>>) offsets(%dma_start3A_814 : memref<128xi32, #tpu.memory_space<vmem>>) semaphore(%arg19 : memref<!tpu.dma_semaphore, #tpu.memory_space<semaphore_mem>>) {add = true}
      } else {
      }
      %mul3A_630 = arith.constant 2 : i32
      %mul3A_631 = arith.muli %mul3A_630, %scan3A_490 : i32
      %add3A_632 = arith.constant 1 : i32
      %add3A_633 = arith.addi %mul3A_631, %add3A_632 : i32
      %mul3A_634 = arith.constant 2 : i32
      %mul3A_635 = arith.muli %add3A_633, %mul3A_634 : i32
      %multiple_of3A_636 = arith.constant 0 : i32
      %multiple_of3A_637 = tpu.assume_multiple %multiple_of3A_636, 128 : i32
      %dma_wait3A_638 = arith.constant 0 : i32
      %dma_wait3A_639 = arith.constant 0 : i32
      %dma_wait3A_640 = arith.constant 0 : i32
      %dma_wait3A_641 = arith.constant 0 : i32
      %dma_wait3A_642 = tpu.memref_slice %arg9[%dma_wait3A_638, %dma_wait3A_639, %dma_wait3A_640, %dma_wait3A_641] : memref<2x2x128x64xf32, #tpu.memory_space<vmem>> -> memref<1x1x128x64xf32, #tpu.memory_space<vmem>>
      %dma_wait3A_643 = tpu.memref_squeeze %dma_wait3A_642 : memref<1x1x128x64xf32, #tpu.memory_space<vmem>> -> memref<128x64xf32, #tpu.memory_space<vmem>>
      %dma_wait3A_644 = tpu.memref_slice %arg7[%multiple_of3A_637] : memref<4096xi32, #tpu.memory_space<vmem>> -> memref<128xi32, #tpu.memory_space<vmem>>
      %dma_wait3A_645 = arith.constant 0 : i32
      %dma_wait3A_646 = arith.constant 0 : i32
      %dma_wait3A_647 = tpu.memref_slice %arg12[%dma_wait3A_645, %dma_wait3A_646] : memref<10240x64xf32, #tpu.memory_space<vmem_shared>> -> memref<10240x64xf32, #tpu.memory_space<vmem_shared>>
      tpu.wait_indirect_dma semaphore(%arg17 : memref<!tpu.dma_semaphore, #tpu.memory_space<semaphore_mem>>) src(%dma_wait3A_643 : memref<128x64xf32, #tpu.memory_space<vmem>>) dst(%dma_wait3A_647 : memref<10240x64xf32, #tpu.memory_space<vmem_shared>>)
      %add3A_648 = arith.constant 1 : i32
      %add3A_649 = arith.addi %add3A_633, %add3A_648 : i32
      %jit3A_650 = arith.constant 2 : i32
      %eq3A_651 = arith.constant 0 : i32
      %eq3A_652 = arith.cmpi eq, %jit3A_650, %eq3A_651 : i32
      %jit3A_653 = arith.constant 1 : i32
      %select_n3A_654 = arith.select %eq3A_652, %jit3A_653, %jit3A_650 : i32
      %rem3A_655 = arith.remsi %add3A_649, %select_n3A_654 : i32
      %ne3A_656 = arith.constant 0 : i32
      %ne3A_657 = arith.cmpi ne, %rem3A_655, %ne3A_656 : i32
      %lt3A_658 = arith.constant 0 : i32
      %lt3A_659 = arith.cmpi slt, %rem3A_655, %lt3A_658 : i32
      %lt3A_660 = arith.constant 0 : i32
      %lt3A_661 = arith.cmpi slt, %select_n3A_654, %lt3A_660 : i32
      %ne3A_662 = arith.xori %lt3A_659, %lt3A_661 : i1
      %and3A_663 = arith.andi %ne3A_662, %ne3A_657 : i1
      %add3A_664 = arith.addi %rem3A_655, %select_n3A_654 : i32
      %select_n3A_665 = arith.select %and3A_663, %add3A_664, %rem3A_655 : i32
      %eq3A_666 = arith.cmpi eq, %arg0, %select_n3A_665 : i32
      %convert_element_type3A_667 = arith.extui %eq3A_666 : i1 to i32
      %cond3A_668 = arith.constant 0 : i32
      %cond3A_669 = arith.cmpi ne, %convert_element_type3A_667, %cond3A_668 : i32
      scf.if %cond3A_669 {
        %multiple_of3A_809 = arith.constant 0 : i32
        %multiple_of3A_810 = tpu.assume_multiple %multiple_of3A_809, 128 : i32
        %dma_wait3A_811 = tpu.memref_slice %arg7[%multiple_of3A_810] : memref<4096xi32, #tpu.memory_space<vmem>> -> memref<128xi32, #tpu.memory_space<vmem>>
        %dma_wait3A_812 = arith.constant 0 : i32
        %dma_wait3A_813 = tpu.memref_slice %arg14[%dma_wait3A_812] : memref<10240xf32, #tpu.memory_space<vmem_shared>> -> memref<10240xf32, #tpu.memory_space<vmem_shared>>
        tpu.wait_indirect_dma semaphore(%arg19 : memref<!tpu.dma_semaphore, #tpu.memory_space<semaphore_mem>>) src(%arg10 : memref<128xf32, #tpu.memory_space<vmem>>) dst(%dma_wait3A_813 : memref<10240xf32, #tpu.memory_space<vmem_shared>>)
      } else {
      }
      %multiple_of3A_670 = arith.constant 0 : i32
      %multiple_of3A_671 = tpu.assume_multiple %multiple_of3A_670, 128 : i32
      %dma_wait3A_672 = arith.constant 0 : i32
      %dma_wait3A_673 = arith.constant 1 : i32
      %dma_wait3A_674 = arith.constant 0 : i32
      %dma_wait3A_675 = arith.constant 0 : i32
      %dma_wait3A_676 = tpu.memref_slice %arg9[%dma_wait3A_672, %dma_wait3A_673, %dma_wait3A_674, %dma_wait3A_675] : memref<2x2x128x64xf32, #tpu.memory_space<vmem>> -> memref<1x1x128x64xf32, #tpu.memory_space<vmem>>
      %dma_wait3A_677 = tpu.memref_squeeze %dma_wait3A_676 : memref<1x1x128x64xf32, #tpu.memory_space<vmem>> -> memref<128x64xf32, #tpu.memory_space<vmem>>
      %dma_wait3A_678 = tpu.memref_slice %arg7[%multiple_of3A_671] : memref<4096xi32, #tpu.memory_space<vmem>> -> memref<128xi32, #tpu.memory_space<vmem>>
      %dma_wait3A_679 = arith.constant 0 : i32
      %dma_wait3A_680 = arith.constant 0 : i32
      %dma_wait3A_681 = tpu.memref_slice %arg12[%dma_wait3A_679, %dma_wait3A_680] : memref<10240x64xf32, #tpu.memory_space<vmem_shared>> -> memref<10240x64xf32, #tpu.memory_space<vmem_shared>>
      tpu.wait_indirect_dma semaphore(%arg17 : memref<!tpu.dma_semaphore, #tpu.memory_space<semaphore_mem>>) src(%dma_wait3A_677 : memref<128x64xf32, #tpu.memory_space<vmem>>) dst(%dma_wait3A_681 : memref<10240x64xf32, #tpu.memory_space<vmem_shared>>)
      %add3A_682 = arith.constant 1 : i32
      %add3A_683 = arith.addi %add3A_633, %add3A_682 : i32
      %jit3A_684 = arith.constant 2 : i32
      %eq3A_685 = arith.constant 0 : i32
      %eq3A_686 = arith.cmpi eq, %jit3A_684, %eq3A_685 : i32
      %jit3A_687 = arith.constant 1 : i32
      %select_n3A_688 = arith.select %eq3A_686, %jit3A_687, %jit3A_684 : i32
      %rem3A_689 = arith.remsi %add3A_683, %select_n3A_688 : i32
      %ne3A_690 = arith.constant 0 : i32
      %ne3A_691 = arith.cmpi ne, %rem3A_689, %ne3A_690 : i32
      %lt3A_692 = arith.constant 0 : i32
      %lt3A_693 = arith.cmpi slt, %rem3A_689, %lt3A_692 : i32
      %lt3A_694 = arith.constant 0 : i32
      %lt3A_695 = arith.cmpi slt, %select_n3A_688, %lt3A_694 : i32
      %ne3A_696 = arith.xori %lt3A_693, %lt3A_695 : i1
      %and3A_697 = arith.andi %ne3A_696, %ne3A_691 : i1
      %add3A_698 = arith.addi %rem3A_689, %select_n3A_688 : i32
      %select_n3A_699 = arith.select %and3A_697, %add3A_698, %rem3A_689 : i32
      %eq3A_700 = arith.cmpi eq, %arg0, %select_n3A_699 : i32
      %convert_element_type3A_701 = arith.extui %eq3A_700 : i1 to i32
      %cond3A_702 = arith.constant 0 : i32
      %cond3A_703 = arith.cmpi ne, %convert_element_type3A_701, %cond3A_702 : i32
      scf.if %cond3A_703 {
        %multiple_of3A_809 = arith.constant 0 : i32
        %multiple_of3A_810 = tpu.assume_multiple %multiple_of3A_809, 128 : i32
        %dma_wait3A_811 = tpu.memref_slice %arg7[%multiple_of3A_810] : memref<4096xi32, #tpu.memory_space<vmem>> -> memref<128xi32, #tpu.memory_space<vmem>>
        %dma_wait3A_812 = arith.constant 0 : i32
        %dma_wait3A_813 = tpu.memref_slice %arg14[%dma_wait3A_812] : memref<10240xf32, #tpu.memory_space<vmem_shared>> -> memref<10240xf32, #tpu.memory_space<vmem_shared>>
        tpu.wait_indirect_dma semaphore(%arg19 : memref<!tpu.dma_semaphore, #tpu.memory_space<semaphore_mem>>) src(%arg10 : memref<128xf32, #tpu.memory_space<vmem>>) dst(%dma_wait3A_813 : memref<10240xf32, #tpu.memory_space<vmem_shared>>)
      } else {
      }
      %lt3A_704 = arith.constant 7 : i32
      %lt3A_705 = arith.cmpi slt, %scan3A_490, %lt3A_704 : i32
      %convert_element_type3A_706 = arith.extui %lt3A_705 : i1 to i32
      %cond3A_707 = arith.constant 0 : i32
      %cond3A_708 = arith.cmpi ne, %convert_element_type3A_706, %cond3A_707 : i32
      scf.if %cond3A_708 {
        %add3A_809 = arith.constant 2 : i32
        %add3A_810 = arith.addi %mul3A_635, %add3A_809 : i32
        %add3A_811 = arith.constant 0 : i32
        %add3A_812 = arith.addi %add3A_810, %add3A_811 : i32
        %mul3A_813 = arith.constant 128 : i32
        %mul3A_814 = arith.muli %add3A_812, %mul3A_813 : i32
        %multiple_of3A_815 = tpu.assume_multiple %mul3A_814, 128 : i32
        %dma_start3A_816 = arith.constant 0 : i32
        %dma_start3A_817 = arith.constant 0 : i32
        %dma_start3A_818 = arith.constant 0 : i32
        %dma_start3A_819 = arith.constant 0 : i32
        %dma_start3A_820 = tpu.memref_slice %arg9[%dma_start3A_816, %dma_start3A_817, %dma_start3A_818, %dma_start3A_819] : memref<2x2x128x64xf32, #tpu.memory_space<vmem>> -> memref<1x1x128x64xf32, #tpu.memory_space<vmem>>
        %dma_start3A_821 = tpu.memref_squeeze %dma_start3A_820 : memref<1x1x128x64xf32, #tpu.memory_space<vmem>> -> memref<128x64xf32, #tpu.memory_space<vmem>>
        %dma_start3A_822 = tpu.memref_slice %arg8[%multiple_of3A_815] : memref<4096xi32, #tpu.memory_space<vmem>> -> memref<128xi32, #tpu.memory_space<vmem>>
        %dma_start3A_823 = arith.constant 0 : i32
        %dma_start3A_824 = arith.constant 0 : i32
        %dma_start3A_825 = tpu.memref_slice %arg13[%dma_start3A_823, %dma_start3A_824] : memref<10240x64xf32, #tpu.memory_space<vmem_shared>> -> memref<10240x64xf32, #tpu.memory_space<vmem_shared>>
        tpu.enqueue_indirect_dma source(%dma_start3A_825 : memref<10240x64xf32, #tpu.memory_space<vmem_shared>>) target(%dma_start3A_821 : memref<128x64xf32, #tpu.memory_space<vmem>>) offsets(%dma_start3A_822 : memref<128xi32, #tpu.memory_space<vmem>>) semaphore(%arg15 : memref<!tpu.dma_semaphore, #tpu.memory_space<semaphore_mem>>)
        %add3A_826 = arith.constant 2 : i32
        %add3A_827 = arith.addi %mul3A_635, %add3A_826 : i32
        %add3A_828 = arith.constant 1 : i32
        %add3A_829 = arith.addi %add3A_827, %add3A_828 : i32
        %mul3A_830 = arith.constant 128 : i32
        %mul3A_831 = arith.muli %add3A_829, %mul3A_830 : i32
        %multiple_of3A_832 = tpu.assume_multiple %mul3A_831, 128 : i32
        %dma_start3A_833 = arith.constant 0 : i32
        %dma_start3A_834 = arith.constant 1 : i32
        %dma_start3A_835 = arith.constant 0 : i32
        %dma_start3A_836 = arith.constant 0 : i32
        %dma_start3A_837 = tpu.memref_slice %arg9[%dma_start3A_833, %dma_start3A_834, %dma_start3A_835, %dma_start3A_836] : memref<2x2x128x64xf32, #tpu.memory_space<vmem>> -> memref<1x1x128x64xf32, #tpu.memory_space<vmem>>
        %dma_start3A_838 = tpu.memref_squeeze %dma_start3A_837 : memref<1x1x128x64xf32, #tpu.memory_space<vmem>> -> memref<128x64xf32, #tpu.memory_space<vmem>>
        %dma_start3A_839 = tpu.memref_slice %arg8[%multiple_of3A_832] : memref<4096xi32, #tpu.memory_space<vmem>> -> memref<128xi32, #tpu.memory_space<vmem>>
        %dma_start3A_840 = arith.constant 0 : i32
        %dma_start3A_841 = arith.constant 0 : i32
        %dma_start3A_842 = tpu.memref_slice %arg13[%dma_start3A_840, %dma_start3A_841] : memref<10240x64xf32, #tpu.memory_space<vmem_shared>> -> memref<10240x64xf32, #tpu.memory_space<vmem_shared>>
        tpu.enqueue_indirect_dma source(%dma_start3A_842 : memref<10240x64xf32, #tpu.memory_space<vmem_shared>>) target(%dma_start3A_838 : memref<128x64xf32, #tpu.memory_space<vmem>>) offsets(%dma_start3A_839 : memref<128xi32, #tpu.memory_space<vmem>>) semaphore(%arg15 : memref<!tpu.dma_semaphore, #tpu.memory_space<semaphore_mem>>)
      } else {
      }
      %add3A_709 = arith.constant 0 : i32
      %add3A_710 = arith.addi %mul3A_635, %add3A_709 : i32
      %mul3A_711 = arith.constant 128 : i32
      %mul3A_712 = arith.muli %add3A_710, %mul3A_711 : i32
      %multiple_of3A_713 = tpu.assume_multiple %mul3A_712, 128 : i32
      %dma_wait3A_714 = arith.constant 1 : i32
      %dma_wait3A_715 = arith.constant 0 : i32
      %dma_wait3A_716 = arith.constant 0 : i32
      %dma_wait3A_717 = arith.constant 0 : i32
      %dma_wait3A_718 = tpu.memref_slice %arg9[%dma_wait3A_714, %dma_wait3A_715, %dma_wait3A_716, %dma_wait3A_717] : memref<2x2x128x64xf32, #tpu.memory_space<vmem>> -> memref<1x1x128x64xf32, #tpu.memory_space<vmem>>
      %dma_wait3A_719 = tpu.memref_squeeze %dma_wait3A_718 : memref<1x1x128x64xf32, #tpu.memory_space<vmem>> -> memref<128x64xf32, #tpu.memory_space<vmem>>
      %dma_wait3A_720 = tpu.memref_slice %arg8[%multiple_of3A_713] : memref<4096xi32, #tpu.memory_space<vmem>> -> memref<128xi32, #tpu.memory_space<vmem>>
      %dma_wait3A_721 = arith.constant 0 : i32
      %dma_wait3A_722 = arith.constant 0 : i32
      %dma_wait3A_723 = tpu.memref_slice %arg13[%dma_wait3A_721, %dma_wait3A_722] : memref<10240x64xf32, #tpu.memory_space<vmem_shared>> -> memref<10240x64xf32, #tpu.memory_space<vmem_shared>>
      tpu.wait_indirect_dma semaphore(%arg16 : memref<!tpu.dma_semaphore, #tpu.memory_space<semaphore_mem>>) src(%dma_wait3A_723 : memref<10240x64xf32, #tpu.memory_space<vmem_shared>>) dst(%dma_wait3A_719 : memref<128x64xf32, #tpu.memory_space<vmem>>)
      %add3A_724 = arith.constant 1 : i32
      %add3A_725 = arith.addi %mul3A_635, %add3A_724 : i32
      %mul3A_726 = arith.constant 128 : i32
      %mul3A_727 = arith.muli %add3A_725, %mul3A_726 : i32
      %multiple_of3A_728 = tpu.assume_multiple %mul3A_727, 128 : i32
      %dma_wait3A_729 = arith.constant 1 : i32
      %dma_wait3A_730 = arith.constant 1 : i32
      %dma_wait3A_731 = arith.constant 0 : i32
      %dma_wait3A_732 = arith.constant 0 : i32
      %dma_wait3A_733 = tpu.memref_slice %arg9[%dma_wait3A_729, %dma_wait3A_730, %dma_wait3A_731, %dma_wait3A_732] : memref<2x2x128x64xf32, #tpu.memory_space<vmem>> -> memref<1x1x128x64xf32, #tpu.memory_space<vmem>>
      %dma_wait3A_734 = tpu.memref_squeeze %dma_wait3A_733 : memref<1x1x128x64xf32, #tpu.memory_space<vmem>> -> memref<128x64xf32, #tpu.memory_space<vmem>>
      %dma_wait3A_735 = tpu.memref_slice %arg8[%multiple_of3A_728] : memref<4096xi32, #tpu.memory_space<vmem>> -> memref<128xi32, #tpu.memory_space<vmem>>
      %dma_wait3A_736 = arith.constant 0 : i32
      %dma_wait3A_737 = arith.constant 0 : i32
      %dma_wait3A_738 = tpu.memref_slice %arg13[%dma_wait3A_736, %dma_wait3A_737] : memref<10240x64xf32, #tpu.memory_space<vmem_shared>> -> memref<10240x64xf32, #tpu.memory_space<vmem_shared>>
      tpu.wait_indirect_dma semaphore(%arg16 : memref<!tpu.dma_semaphore, #tpu.memory_space<semaphore_mem>>) src(%dma_wait3A_738 : memref<10240x64xf32, #tpu.memory_space<vmem_shared>>) dst(%dma_wait3A_734 : memref<128x64xf32, #tpu.memory_space<vmem>>)
      %add3A_739 = arith.constant 0 : i32
      %add3A_740 = arith.addi %mul3A_635, %add3A_739 : i32
      %mul3A_741 = arith.constant 128 : i32
      %mul3A_742 = arith.muli %add3A_740, %mul3A_741 : i32
      %multiple_of3A_743 = tpu.assume_multiple %mul3A_742, 128 : i32
      %dma_start3A_744 = arith.constant 1 : i32
      %dma_start3A_745 = arith.constant 0 : i32
      %dma_start3A_746 = arith.constant 0 : i32
      %dma_start3A_747 = arith.constant 0 : i32
      %dma_start3A_748 = tpu.memref_slice %arg9[%dma_start3A_744, %dma_start3A_745, %dma_start3A_746, %dma_start3A_747] : memref<2x2x128x64xf32, #tpu.memory_space<vmem>> -> memref<1x1x128x64xf32, #tpu.memory_space<vmem>>
      %dma_start3A_749 = tpu.memref_squeeze %dma_start3A_748 : memref<1x1x128x64xf32, #tpu.memory_space<vmem>> -> memref<128x64xf32, #tpu.memory_space<vmem>>
      %dma_start3A_750 = tpu.memref_slice %arg7[%multiple_of3A_743] : memref<4096xi32, #tpu.memory_space<vmem>> -> memref<128xi32, #tpu.memory_space<vmem>>
      %dma_start3A_751 = arith.constant 0 : i32
      %dma_start3A_752 = arith.constant 0 : i32
      %dma_start3A_753 = tpu.memref_slice %arg12[%dma_start3A_751, %dma_start3A_752] : memref<10240x64xf32, #tpu.memory_space<vmem_shared>> -> memref<10240x64xf32, #tpu.memory_space<vmem_shared>>
      tpu.enqueue_indirect_dma source(%dma_start3A_749 : memref<128x64xf32, #tpu.memory_space<vmem>>) target(%dma_start3A_753 : memref<10240x64xf32, #tpu.memory_space<vmem_shared>>) offsets(%dma_start3A_750 : memref<128xi32, #tpu.memory_space<vmem>>) semaphore(%arg18 : memref<!tpu.dma_semaphore, #tpu.memory_space<semaphore_mem>>) {add = true}
      %jit3A_754 = arith.constant 2 : i32
      %eq3A_755 = arith.constant 0 : i32
      %eq3A_756 = arith.cmpi eq, %jit3A_754, %eq3A_755 : i32
      %jit3A_757 = arith.constant 1 : i32
      %select_n3A_758 = arith.select %eq3A_756, %jit3A_757, %jit3A_754 : i32
      %rem3A_759 = arith.remsi %add3A_633, %select_n3A_758 : i32
      %ne3A_760 = arith.constant 0 : i32
      %ne3A_761 = arith.cmpi ne, %rem3A_759, %ne3A_760 : i32
      %lt3A_762 = arith.constant 0 : i32
      %lt3A_763 = arith.cmpi slt, %rem3A_759, %lt3A_762 : i32
      %lt3A_764 = arith.constant 0 : i32
      %lt3A_765 = arith.cmpi slt, %select_n3A_758, %lt3A_764 : i32
      %ne3A_766 = arith.xori %lt3A_763, %lt3A_765 : i1
      %and3A_767 = arith.andi %ne3A_766, %ne3A_761 : i1
      %add3A_768 = arith.addi %rem3A_759, %select_n3A_758 : i32
      %select_n3A_769 = arith.select %and3A_767, %add3A_768, %rem3A_759 : i32
      %eq3A_770 = arith.cmpi eq, %arg0, %select_n3A_769 : i32
      %convert_element_type3A_771 = arith.extui %eq3A_770 : i1 to i32
      %cond3A_772 = arith.constant 0 : i32
      %cond3A_773 = arith.cmpi ne, %convert_element_type3A_771, %cond3A_772 : i32
      scf.if %cond3A_773 {
        %add3A_809 = arith.constant 0 : i32
        %add3A_810 = arith.addi %mul3A_635, %add3A_809 : i32
        %mul3A_811 = arith.constant 128 : i32
        %mul3A_812 = arith.muli %add3A_810, %mul3A_811 : i32
        %multiple_of3A_813 = tpu.assume_multiple %mul3A_812, 128 : i32
        %dma_start3A_814 = tpu.memref_slice %arg7[%multiple_of3A_813] : memref<4096xi32, #tpu.memory_space<vmem>> -> memref<128xi32, #tpu.memory_space<vmem>>
        %dma_start3A_815 = arith.constant 0 : i32
        %dma_start3A_816 = tpu.memref_slice %arg14[%dma_start3A_815] : memref<10240xf32, #tpu.memory_space<vmem_shared>> -> memref<10240xf32, #tpu.memory_space<vmem_shared>>
        tpu.enqueue_indirect_dma source(%arg10 : memref<128xf32, #tpu.memory_space<vmem>>) target(%dma_start3A_816 : memref<10240xf32, #tpu.memory_space<vmem_shared>>) offsets(%dma_start3A_814 : memref<128xi32, #tpu.memory_space<vmem>>) semaphore(%arg20 : memref<!tpu.dma_semaphore, #tpu.memory_space<semaphore_mem>>) {add = true}
      } else {
      }
      %add3A_774 = arith.constant 1 : i32
      %add3A_775 = arith.addi %mul3A_635, %add3A_774 : i32
      %mul3A_776 = arith.constant 128 : i32
      %mul3A_777 = arith.muli %add3A_775, %mul3A_776 : i32
      %multiple_of3A_778 = tpu.assume_multiple %mul3A_777, 128 : i32
      %dma_start3A_779 = arith.constant 1 : i32
      %dma_start3A_780 = arith.constant 1 : i32
      %dma_start3A_781 = arith.constant 0 : i32
      %dma_start3A_782 = arith.constant 0 : i32
      %dma_start3A_783 = tpu.memref_slice %arg9[%dma_start3A_779, %dma_start3A_780, %dma_start3A_781, %dma_start3A_782] : memref<2x2x128x64xf32, #tpu.memory_space<vmem>> -> memref<1x1x128x64xf32, #tpu.memory_space<vmem>>
      %dma_start3A_784 = tpu.memref_squeeze %dma_start3A_783 : memref<1x1x128x64xf32, #tpu.memory_space<vmem>> -> memref<128x64xf32, #tpu.memory_space<vmem>>
      %dma_start3A_785 = tpu.memref_slice %arg7[%multiple_of3A_778] : memref<4096xi32, #tpu.memory_space<vmem>> -> memref<128xi32, #tpu.memory_space<vmem>>
      %dma_start3A_786 = arith.constant 0 : i32
      %dma_start3A_787 = arith.constant 0 : i32
      %dma_start3A_788 = tpu.memref_slice %arg12[%dma_start3A_786, %dma_start3A_787] : memref<10240x64xf32, #tpu.memory_space<vmem_shared>> -> memref<10240x64xf32, #tpu.memory_space<vmem_shared>>
      tpu.enqueue_indirect_dma source(%dma_start3A_784 : memref<128x64xf32, #tpu.memory_space<vmem>>) target(%dma_start3A_788 : memref<10240x64xf32, #tpu.memory_space<vmem_shared>>) offsets(%dma_start3A_785 : memref<128xi32, #tpu.memory_space<vmem>>) semaphore(%arg18 : memref<!tpu.dma_semaphore, #tpu.memory_space<semaphore_mem>>) {add = true}
      %jit3A_789 = arith.constant 2 : i32
      %eq3A_790 = arith.constant 0 : i32
      %eq3A_791 = arith.cmpi eq, %jit3A_789, %eq3A_790 : i32
      %jit3A_792 = arith.constant 1 : i32
      %select_n3A_793 = arith.select %eq3A_791, %jit3A_792, %jit3A_789 : i32
      %rem3A_794 = arith.remsi %add3A_633, %select_n3A_793 : i32
      %ne3A_795 = arith.constant 0 : i32
      %ne3A_796 = arith.cmpi ne, %rem3A_794, %ne3A_795 : i32
      %lt3A_797 = arith.constant 0 : i32
      %lt3A_798 = arith.cmpi slt, %rem3A_794, %lt3A_797 : i32
      %lt3A_799 = arith.constant 0 : i32
      %lt3A_800 = arith.cmpi slt, %select_n3A_793, %lt3A_799 : i32
      %ne3A_801 = arith.xori %lt3A_798, %lt3A_800 : i1
      %and3A_802 = arith.andi %ne3A_801, %ne3A_796 : i1
      %add3A_803 = arith.addi %rem3A_794, %select_n3A_793 : i32
      %select_n3A_804 = arith.select %and3A_802, %add3A_803, %rem3A_794 : i32
      %eq3A_805 = arith.cmpi eq, %arg0, %select_n3A_804 : i32
      %convert_element_type3A_806 = arith.extui %eq3A_805 : i1 to i32
      %cond3A_807 = arith.constant 0 : i32
      %cond3A_808 = arith.cmpi ne, %convert_element_type3A_806, %cond3A_807 : i32
      scf.if %cond3A_808 {
        %add3A_809 = arith.constant 1 : i32
        %add3A_810 = arith.addi %mul3A_635, %add3A_809 : i32
        %mul3A_811 = arith.constant 128 : i32
        %mul3A_812 = arith.muli %add3A_810, %mul3A_811 : i32
        %multiple_of3A_813 = tpu.assume_multiple %mul3A_812, 128 : i32
        %dma_start3A_814 = tpu.memref_slice %arg7[%multiple_of3A_813] : memref<4096xi32, #tpu.memory_space<vmem>> -> memref<128xi32, #tpu.memory_space<vmem>>
        %dma_start3A_815 = arith.constant 0 : i32
        %dma_start3A_816 = tpu.memref_slice %arg14[%dma_start3A_815] : memref<10240xf32, #tpu.memory_space<vmem_shared>> -> memref<10240xf32, #tpu.memory_space<vmem_shared>>
        tpu.enqueue_indirect_dma source(%arg10 : memref<128xf32, #tpu.memory_space<vmem>>) target(%dma_start3A_816 : memref<10240xf32, #tpu.memory_space<vmem_shared>>) offsets(%dma_start3A_814 : memref<128xi32, #tpu.memory_space<vmem>>) semaphore(%arg20 : memref<!tpu.dma_semaphore, #tpu.memory_space<semaphore_mem>>) {add = true}
      } else {
      }
    }
    %scan3A_119 = arith.constant 8 : i32
    %multiple_of3A_120 = arith.constant 0 : i32
    %multiple_of3A_121 = tpu.assume_multiple %multiple_of3A_120, 128 : i32
    %dma_wait3A = arith.constant 1 : i32
    %dma_wait3A_122 = arith.constant 0 : i32
    %dma_wait3A_123 = arith.constant 0 : i32
    %dma_wait3A_124 = arith.constant 0 : i32
    %dma_wait3A_125 = tpu.memref_slice %arg9[%dma_wait3A, %dma_wait3A_122, %dma_wait3A_123, %dma_wait3A_124] : memref<2x2x128x64xf32, #tpu.memory_space<vmem>> -> memref<1x1x128x64xf32, #tpu.memory_space<vmem>>
    %dma_wait3A_126 = tpu.memref_squeeze %dma_wait3A_125 : memref<1x1x128x64xf32, #tpu.memory_space<vmem>> -> memref<128x64xf32, #tpu.memory_space<vmem>>
    %dma_wait3A_127 = tpu.memref_slice %arg7[%multiple_of3A_121] : memref<4096xi32, #tpu.memory_space<vmem>> -> memref<128xi32, #tpu.memory_space<vmem>>
    %dma_wait3A_128 = arith.constant 0 : i32
    %dma_wait3A_129 = arith.constant 0 : i32
    %dma_wait3A_130 = tpu.memref_slice %arg12[%dma_wait3A_128, %dma_wait3A_129] : memref<10240x64xf32, #tpu.memory_space<vmem_shared>> -> memref<10240x64xf32, #tpu.memory_space<vmem_shared>>
    tpu.wait_indirect_dma semaphore(%arg18 : memref<!tpu.dma_semaphore, #tpu.memory_space<semaphore_mem>>) src(%dma_wait3A_126 : memref<128x64xf32, #tpu.memory_space<vmem>>) dst(%dma_wait3A_130 : memref<10240x64xf32, #tpu.memory_space<vmem_shared>>)
    %eq3A_131 = arith.constant 1 : i32
    %eq3A_132 = arith.cmpi eq, %arg0, %eq3A_131 : i32
    %convert_element_type3A_133 = arith.extui %eq3A_132 : i1 to i32
    %cond3A_134 = arith.constant 0 : i32
    %cond3A_135 = arith.cmpi ne, %convert_element_type3A_133, %cond3A_134 : i32
    scf.if %cond3A_135 {
      %multiple_of3A_490 = arith.constant 0 : i32
      %multiple_of3A_491 = tpu.assume_multiple %multiple_of3A_490, 128 : i32
      %dma_wait3A_492 = tpu.memref_slice %arg7[%multiple_of3A_491] : memref<4096xi32, #tpu.memory_space<vmem>> -> memref<128xi32, #tpu.memory_space<vmem>>
      %dma_wait3A_493 = arith.constant 0 : i32
      %dma_wait3A_494 = tpu.memref_slice %arg14[%dma_wait3A_493] : memref<10240xf32, #tpu.memory_space<vmem_shared>> -> memref<10240xf32, #tpu.memory_space<vmem_shared>>
      tpu.wait_indirect_dma semaphore(%arg20 : memref<!tpu.dma_semaphore, #tpu.memory_space<semaphore_mem>>) src(%arg10 : memref<128xf32, #tpu.memory_space<vmem>>) dst(%dma_wait3A_494 : memref<10240xf32, #tpu.memory_space<vmem_shared>>)
    } else {
    }
    %multiple_of3A_136 = arith.constant 0 : i32
    %multiple_of3A_137 = tpu.assume_multiple %multiple_of3A_136, 128 : i32
    %dma_wait3A_138 = arith.constant 1 : i32
    %dma_wait3A_139 = arith.constant 1 : i32
    %dma_wait3A_140 = arith.constant 0 : i32
    %dma_wait3A_141 = arith.constant 0 : i32
    %dma_wait3A_142 = tpu.memref_slice %arg9[%dma_wait3A_138, %dma_wait3A_139, %dma_wait3A_140, %dma_wait3A_141] : memref<2x2x128x64xf32, #tpu.memory_space<vmem>> -> memref<1x1x128x64xf32, #tpu.memory_space<vmem>>
    %dma_wait3A_143 = tpu.memref_squeeze %dma_wait3A_142 : memref<1x1x128x64xf32, #tpu.memory_space<vmem>> -> memref<128x64xf32, #tpu.memory_space<vmem>>
    %dma_wait3A_144 = tpu.memref_slice %arg7[%multiple_of3A_137] : memref<4096xi32, #tpu.memory_space<vmem>> -> memref<128xi32, #tpu.memory_space<vmem>>
    %dma_wait3A_145 = arith.constant 0 : i32
    %dma_wait3A_146 = arith.constant 0 : i32
    %dma_wait3A_147 = tpu.memref_slice %arg12[%dma_wait3A_145, %dma_wait3A_146] : memref<10240x64xf32, #tpu.memory_space<vmem_shared>> -> memref<10240x64xf32, #tpu.memory_space<vmem_shared>>
    tpu.wait_indirect_dma semaphore(%arg18 : memref<!tpu.dma_semaphore, #tpu.memory_space<semaphore_mem>>) src(%dma_wait3A_143 : memref<128x64xf32, #tpu.memory_space<vmem>>) dst(%dma_wait3A_147 : memref<10240x64xf32, #tpu.memory_space<vmem_shared>>)
    %eq3A_148 = arith.constant 1 : i32
    %eq3A_149 = arith.cmpi eq, %arg0, %eq3A_148 : i32
    %convert_element_type3A_150 = arith.extui %eq3A_149 : i1 to i32
    %cond3A_151 = arith.constant 0 : i32
    %cond3A_152 = arith.cmpi ne, %convert_element_type3A_150, %cond3A_151 : i32
    scf.if %cond3A_152 {
      %multiple_of3A_490 = arith.constant 0 : i32
      %multiple_of3A_491 = tpu.assume_multiple %multiple_of3A_490, 128 : i32
      %dma_wait3A_492 = tpu.memref_slice %arg7[%multiple_of3A_491] : memref<4096xi32, #tpu.memory_space<vmem>> -> memref<128xi32, #tpu.memory_space<vmem>>
      %dma_wait3A_493 = arith.constant 0 : i32
      %dma_wait3A_494 = tpu.memref_slice %arg14[%dma_wait3A_493] : memref<10240xf32, #tpu.memory_space<vmem_shared>> -> memref<10240xf32, #tpu.memory_space<vmem_shared>>
      tpu.wait_indirect_dma semaphore(%arg20 : memref<!tpu.dma_semaphore, #tpu.memory_space<semaphore_mem>>) src(%arg10 : memref<128xf32, #tpu.memory_space<vmem>>) dst(%dma_wait3A_494 : memref<10240xf32, #tpu.memory_space<vmem_shared>>)
    } else {
    }
    %mul3A_153 = arith.constant 156 : i32
    %mul3A_154 = arith.muli %arg1, %mul3A_153 : i32
    %add3A_155 = arith.constant 32 : i32
    %add3A_156 = arith.addi %mul3A_154, %add3A_155 : i32
    %mul3A_157 = arith.constant 128 : i32
    %mul3A_158 = arith.muli %add3A_156, %mul3A_157 : i32
    %run_scoped3A_159 = arith.constant 0 : i32
    "tpu.region"() ({
      %run_scoped3A_490 = tpu.sem_alloc : memref<!tpu.dma_semaphore, #tpu.memory_space<semaphore_mem>>
      %dma_start3A_491 = arith.constant 0 : i32
      %dma_start3A_492 = tpu.memref_slice %arg7[%dma_start3A_491] : memref<4096xi32, #tpu.memory_space<vmem>> -> memref<4096xi32, #tpu.memory_space<vmem>>
      %dma_start3A_493 = tpu.memref_slice %arg4[%run_scoped3A_159, %mul3A_158] : memref<2x320000xi32, #tpu.memory_space<hbm>> -> memref<1x4096xi32, #tpu.memory_space<hbm>>
      %dma_start3A_494 = tpu.memref_squeeze %dma_start3A_493 : memref<1x4096xi32, #tpu.memory_space<hbm>> -> memref<4096xi32, #tpu.memory_space<hbm>>
      %dma_start3A_495 = arith.constant 0 : i32
      %dma_start3A_496 = tpu.memref_slice %arg7[%dma_start3A_495] : memref<4096xi32, #tpu.memory_space<vmem>> -> memref<4096xi32, #tpu.memory_space<vmem>>
      %dma_start3A_497 = tpu.memref_slice %arg4[%run_scoped3A_159, %mul3A_158] : memref<2x320000xi32, #tpu.memory_space<hbm>> -> memref<1x4096xi32, #tpu.memory_space<hbm>>
      %dma_start3A_498 = tpu.memref_squeeze %dma_start3A_497 : memref<1x4096xi32, #tpu.memory_space<hbm>> -> memref<4096xi32, #tpu.memory_space<hbm>>
      tpu.enqueue_dma source(%dma_start3A_498 : memref<4096xi32, #tpu.memory_space<hbm>>) target(%dma_start3A_496 : memref<4096xi32, #tpu.memory_space<vmem>>) target_semaphore(%run_scoped3A_490 : memref<!tpu.dma_semaphore, #tpu.memory_space<semaphore_mem>>)
      %dma_wait3A_499 = arith.constant 0 : i32
      %dma_wait3A_500 = tpu.memref_slice %arg7[%dma_wait3A_499] : memref<4096xi32, #tpu.memory_space<vmem>> -> memref<4096xi32, #tpu.memory_space<vmem>>
      %dma_wait3A_501 = tpu.memref_slice %arg4[%run_scoped3A_159, %mul3A_158] : memref<2x320000xi32, #tpu.memory_space<hbm>> -> memref<1x4096xi32, #tpu.memory_space<hbm>>
      %dma_wait3A_502 = tpu.memref_squeeze %dma_wait3A_501 : memref<1x4096xi32, #tpu.memory_space<hbm>> -> memref<4096xi32, #tpu.memory_space<hbm>>
      %dma_wait3A_503 = arith.constant 0 : i32
      %dma_wait3A_504 = tpu.memref_slice %arg7[%dma_wait3A_503] : memref<4096xi32, #tpu.memory_space<vmem>> -> memref<4096xi32, #tpu.memory_space<vmem>>
      %dma_wait3A_505 = tpu.memref_slice %arg4[%run_scoped3A_159, %mul3A_158] : memref<2x320000xi32, #tpu.memory_space<hbm>> -> memref<1x4096xi32, #tpu.memory_space<hbm>>
      %dma_wait3A_506 = tpu.memref_squeeze %dma_wait3A_505 : memref<1x4096xi32, #tpu.memory_space<hbm>> -> memref<4096xi32, #tpu.memory_space<hbm>>
      tpu.wait_dma2 semaphore(%run_scoped3A_490 : memref<!tpu.dma_semaphore, #tpu.memory_space<semaphore_mem>>) src(%dma_wait3A_506 : memref<4096xi32, #tpu.memory_space<hbm>>) dst(%dma_wait3A_504 : memref<4096xi32, #tpu.memory_space<vmem>>)
      tpu.yield
    }) : () -> ()
    %run_scoped3A_160 = arith.constant 1 : i32
    "tpu.region"() ({
      %run_scoped3A_490 = tpu.sem_alloc : memref<!tpu.dma_semaphore, #tpu.memory_space<semaphore_mem>>
      %dma_start3A_491 = arith.constant 0 : i32
      %dma_start3A_492 = tpu.memref_slice %arg8[%dma_start3A_491] : memref<4096xi32, #tpu.memory_space<vmem>> -> memref<4096xi32, #tpu.memory_space<vmem>>
      %dma_start3A_493 = tpu.memref_slice %arg4[%run_scoped3A_160, %mul3A_158] : memref<2x320000xi32, #tpu.memory_space<hbm>> -> memref<1x4096xi32, #tpu.memory_space<hbm>>
      %dma_start3A_494 = tpu.memref_squeeze %dma_start3A_493 : memref<1x4096xi32, #tpu.memory_space<hbm>> -> memref<4096xi32, #tpu.memory_space<hbm>>
      %dma_start3A_495 = arith.constant 0 : i32
      %dma_start3A_496 = tpu.memref_slice %arg8[%dma_start3A_495] : memref<4096xi32, #tpu.memory_space<vmem>> -> memref<4096xi32, #tpu.memory_space<vmem>>
      %dma_start3A_497 = tpu.memref_slice %arg4[%run_scoped3A_160, %mul3A_158] : memref<2x320000xi32, #tpu.memory_space<hbm>> -> memref<1x4096xi32, #tpu.memory_space<hbm>>
      %dma_start3A_498 = tpu.memref_squeeze %dma_start3A_497 : memref<1x4096xi32, #tpu.memory_space<hbm>> -> memref<4096xi32, #tpu.memory_space<hbm>>
      tpu.enqueue_dma source(%dma_start3A_498 : memref<4096xi32, #tpu.memory_space<hbm>>) target(%dma_start3A_496 : memref<4096xi32, #tpu.memory_space<vmem>>) target_semaphore(%run_scoped3A_490 : memref<!tpu.dma_semaphore, #tpu.memory_space<semaphore_mem>>)
      %dma_wait3A_499 = arith.constant 0 : i32
      %dma_wait3A_500 = tpu.memref_slice %arg8[%dma_wait3A_499] : memref<4096xi32, #tpu.memory_space<vmem>> -> memref<4096xi32, #tpu.memory_space<vmem>>
      %dma_wait3A_501 = tpu.memref_slice %arg4[%run_scoped3A_160, %mul3A_158] : memref<2x320000xi32, #tpu.memory_space<hbm>> -> memref<1x4096xi32, #tpu.memory_space<hbm>>
      %dma_wait3A_502 = tpu.memref_squeeze %dma_wait3A_501 : memref<1x4096xi32, #tpu.memory_space<hbm>> -> memref<4096xi32, #tpu.memory_space<hbm>>
      %dma_wait3A_503 = arith.constant 0 : i32
      %dma_wait3A_504 = tpu.memref_slice %arg8[%dma_wait3A_503] : memref<4096xi32, #tpu.memory_space<vmem>> -> memref<4096xi32, #tpu.memory_space<vmem>>
      %dma_wait3A_505 = tpu.memref_slice %arg4[%run_scoped3A_160, %mul3A_158] : memref<2x320000xi32, #tpu.memory_space<hbm>> -> memref<1x4096xi32, #tpu.memory_space<hbm>>
      %dma_wait3A_506 = tpu.memref_squeeze %dma_wait3A_505 : memref<1x4096xi32, #tpu.memory_space<hbm>> -> memref<4096xi32, #tpu.memory_space<hbm>>
      tpu.wait_dma2 semaphore(%run_scoped3A_490 : memref<!tpu.dma_semaphore, #tpu.memory_space<semaphore_mem>>) src(%dma_wait3A_506 : memref<4096xi32, #tpu.memory_space<hbm>>) dst(%dma_wait3A_504 : memref<4096xi32, #tpu.memory_space<vmem>>)
      tpu.yield
    }) : () -> ()
    %multiple_of3A_161 = arith.constant 0 : i32
    %multiple_of3A_162 = tpu.assume_multiple %multiple_of3A_161, 128 : i32
    %dma_start3A_163 = arith.constant 0 : i32
    %dma_start3A_164 = arith.constant 0 : i32
    %dma_start3A_165 = arith.constant 0 : i32
    %dma_start3A_166 = arith.constant 0 : i32
    %dma_start3A_167 = tpu.memref_slice %arg9[%dma_start3A_163, %dma_start3A_164, %dma_start3A_165, %dma_start3A_166] : memref<2x2x128x64xf32, #tpu.memory_space<vmem>> -> memref<1x1x128x64xf32, #tpu.memory_space<vmem>>
    %dma_start3A_168 = tpu.memref_squeeze %dma_start3A_167 : memref<1x1x128x64xf32, #tpu.memory_space<vmem>> -> memref<128x64xf32, #tpu.memory_space<vmem>>
    %dma_start3A_169 = tpu.memref_slice %arg8[%multiple_of3A_162] : memref<4096xi32, #tpu.memory_space<vmem>> -> memref<128xi32, #tpu.memory_space<vmem>>
    %dma_start3A_170 = arith.constant 0 : i32
    %dma_start3A_171 = arith.constant 0 : i32
    %dma_start3A_172 = tpu.memref_slice %arg3[%arg0, %dma_start3A_170, %dma_start3A_171] : memref<2x10000x64xf32, #tpu.memory_space<hbm>> -> memref<1x10000x64xf32, #tpu.memory_space<hbm>>
    %dma_start3A_173 = tpu.memref_squeeze %dma_start3A_172 : memref<1x10000x64xf32, #tpu.memory_space<hbm>> -> memref<10000x64xf32, #tpu.memory_space<hbm>>
    %dma_start3A_174 = arith.constant 0 : i32
    %dma_start3A_175 = arith.constant 0 : i32
    %dma_start3A_176 = tpu.memref_slice %dma_start3A_173[%dma_start3A_174, %dma_start3A_175] : memref<10000x64xf32, #tpu.memory_space<hbm>> -> memref<10000x64xf32, #tpu.memory_space<hbm>>
    tpu.enqueue_indirect_dma source(%dma_start3A_176 : memref<10000x64xf32, #tpu.memory_space<hbm>>) target(%dma_start3A_168 : memref<128x64xf32, #tpu.memory_space<vmem>>) offsets(%dma_start3A_169 : memref<128xi32, #tpu.memory_space<vmem>>) semaphore(%arg15 : memref<!tpu.dma_semaphore, #tpu.memory_space<semaphore_mem>>)
    %multiple_of3A_177 = arith.constant 128 : i32
    %multiple_of3A_178 = tpu.assume_multiple %multiple_of3A_177, 128 : i32
    %dma_start3A_179 = arith.constant 0 : i32
    %dma_start3A_180 = arith.constant 1 : i32
    %dma_start3A_181 = arith.constant 0 : i32
    %dma_start3A_182 = arith.constant 0 : i32
    %dma_start3A_183 = tpu.memref_slice %arg9[%dma_start3A_179, %dma_start3A_180, %dma_start3A_181, %dma_start3A_182] : memref<2x2x128x64xf32, #tpu.memory_space<vmem>> -> memref<1x1x128x64xf32, #tpu.memory_space<vmem>>
    %dma_start3A_184 = tpu.memref_squeeze %dma_start3A_183 : memref<1x1x128x64xf32, #tpu.memory_space<vmem>> -> memref<128x64xf32, #tpu.memory_space<vmem>>
    %dma_start3A_185 = tpu.memref_slice %arg8[%multiple_of3A_178] : memref<4096xi32, #tpu.memory_space<vmem>> -> memref<128xi32, #tpu.memory_space<vmem>>
    %dma_start3A_186 = arith.constant 0 : i32
    %dma_start3A_187 = arith.constant 0 : i32
    %dma_start3A_188 = tpu.memref_slice %arg3[%arg0, %dma_start3A_186, %dma_start3A_187] : memref<2x10000x64xf32, #tpu.memory_space<hbm>> -> memref<1x10000x64xf32, #tpu.memory_space<hbm>>
    %dma_start3A_189 = tpu.memref_squeeze %dma_start3A_188 : memref<1x10000x64xf32, #tpu.memory_space<hbm>> -> memref<10000x64xf32, #tpu.memory_space<hbm>>
    %dma_start3A_190 = arith.constant 0 : i32
    %dma_start3A_191 = arith.constant 0 : i32
    %dma_start3A_192 = tpu.memref_slice %dma_start3A_189[%dma_start3A_190, %dma_start3A_191] : memref<10000x64xf32, #tpu.memory_space<hbm>> -> memref<10000x64xf32, #tpu.memory_space<hbm>>
    tpu.enqueue_indirect_dma source(%dma_start3A_192 : memref<10000x64xf32, #tpu.memory_space<hbm>>) target(%dma_start3A_184 : memref<128x64xf32, #tpu.memory_space<vmem>>) offsets(%dma_start3A_185 : memref<128xi32, #tpu.memory_space<vmem>>) semaphore(%arg15 : memref<!tpu.dma_semaphore, #tpu.memory_space<semaphore_mem>>)
    %scan3A_193 = arith.constant 0 : i32
    %scan3A_194 = arith.constant 0 : i32
    %scan3A_195 = arith.constant 8 : i32
    %scan3A_196 = arith.addi %scan3A_194, %scan3A_195 : i32
    %scan3A_197 = arith.constant 1 : i32
    scf.for %scan3A_490 = %scan3A_194 to %scan3A_196 step %scan3A_197  : i32 {
      %mul3A_491 = arith.constant 2 : i32
      %mul3A_492 = arith.muli %mul3A_491, %scan3A_490 : i32
      %add3A_493 = arith.constant 0 : i32
      %add3A_494 = arith.addi %mul3A_492, %add3A_493 : i32
      %mul3A_495 = arith.constant 2 : i32
      %mul3A_496 = arith.muli %add3A_494, %mul3A_495 : i32
      %gt3A = arith.constant 0 : i32
      %gt3A_497 = arith.cmpi sgt, %scan3A_490, %gt3A : i32
      %convert_element_type3A_498 = arith.extui %gt3A_497 : i1 to i32
      %cond3A_499 = arith.constant 0 : i32
      %cond3A_500 = arith.cmpi ne, %convert_element_type3A_498, %cond3A_499 : i32
      scf.if %cond3A_500 {
        %multiple_of3A_833 = arith.constant 0 : i32
        %multiple_of3A_834 = tpu.assume_multiple %multiple_of3A_833, 128 : i32
        %dma_wait3A_835 = arith.constant 1 : i32
        %dma_wait3A_836 = arith.constant 0 : i32
        %dma_wait3A_837 = arith.constant 0 : i32
        %dma_wait3A_838 = arith.constant 0 : i32
        %dma_wait3A_839 = tpu.memref_slice %arg9[%dma_wait3A_835, %dma_wait3A_836, %dma_wait3A_837, %dma_wait3A_838] : memref<2x2x128x64xf32, #tpu.memory_space<vmem>> -> memref<1x1x128x64xf32, #tpu.memory_space<vmem>>
        %dma_wait3A_840 = tpu.memref_squeeze %dma_wait3A_839 : memref<1x1x128x64xf32, #tpu.memory_space<vmem>> -> memref<128x64xf32, #tpu.memory_space<vmem>>
        %dma_wait3A_841 = tpu.memref_slice %arg7[%multiple_of3A_834] : memref<4096xi32, #tpu.memory_space<vmem>> -> memref<128xi32, #tpu.memory_space<vmem>>
        %dma_wait3A_842 = arith.constant 0 : i32
        %dma_wait3A_843 = arith.constant 0 : i32
        %dma_wait3A_844 = tpu.memref_slice %arg12[%dma_wait3A_842, %dma_wait3A_843] : memref<10240x64xf32, #tpu.memory_space<vmem_shared>> -> memref<10240x64xf32, #tpu.memory_space<vmem_shared>>
        tpu.wait_indirect_dma semaphore(%arg18 : memref<!tpu.dma_semaphore, #tpu.memory_space<semaphore_mem>>) src(%dma_wait3A_840 : memref<128x64xf32, #tpu.memory_space<vmem>>) dst(%dma_wait3A_844 : memref<10240x64xf32, #tpu.memory_space<vmem_shared>>)
        %add3A_845 = arith.constant 1 : i32
        %add3A_846 = arith.addi %add3A_494, %add3A_845 : i32
        %jit3A_847 = arith.constant 2 : i32
        %eq3A_848 = arith.constant 0 : i32
        %eq3A_849 = arith.cmpi eq, %jit3A_847, %eq3A_848 : i32
        %jit3A_850 = arith.constant 1 : i32
        %select_n3A_851 = arith.select %eq3A_849, %jit3A_850, %jit3A_847 : i32
        %rem3A_852 = arith.remsi %add3A_846, %select_n3A_851 : i32
        %ne3A_853 = arith.constant 0 : i32
        %ne3A_854 = arith.cmpi ne, %rem3A_852, %ne3A_853 : i32
        %lt3A_855 = arith.constant 0 : i32
        %lt3A_856 = arith.cmpi slt, %rem3A_852, %lt3A_855 : i32
        %lt3A_857 = arith.constant 0 : i32
        %lt3A_858 = arith.cmpi slt, %select_n3A_851, %lt3A_857 : i32
        %ne3A_859 = arith.xori %lt3A_856, %lt3A_858 : i1
        %and3A_860 = arith.andi %ne3A_859, %ne3A_854 : i1
        %add3A_861 = arith.addi %rem3A_852, %select_n3A_851 : i32
        %select_n3A_862 = arith.select %and3A_860, %add3A_861, %rem3A_852 : i32
        %eq3A_863 = arith.cmpi eq, %arg0, %select_n3A_862 : i32
        %convert_element_type3A_864 = arith.extui %eq3A_863 : i1 to i32
        %cond3A_865 = arith.constant 0 : i32
        %cond3A_866 = arith.cmpi ne, %convert_element_type3A_864, %cond3A_865 : i32
        scf.if %cond3A_866 {
          %multiple_of3A_901 = arith.constant 0 : i32
          %multiple_of3A_902 = tpu.assume_multiple %multiple_of3A_901, 128 : i32
          %dma_wait3A_903 = tpu.memref_slice %arg7[%multiple_of3A_902] : memref<4096xi32, #tpu.memory_space<vmem>> -> memref<128xi32, #tpu.memory_space<vmem>>
          %dma_wait3A_904 = arith.constant 0 : i32
          %dma_wait3A_905 = tpu.memref_slice %arg14[%dma_wait3A_904] : memref<10240xf32, #tpu.memory_space<vmem_shared>> -> memref<10240xf32, #tpu.memory_space<vmem_shared>>
          tpu.wait_indirect_dma semaphore(%arg20 : memref<!tpu.dma_semaphore, #tpu.memory_space<semaphore_mem>>) src(%arg10 : memref<128xf32, #tpu.memory_space<vmem>>) dst(%dma_wait3A_905 : memref<10240xf32, #tpu.memory_space<vmem_shared>>)
        } else {
        }
        %multiple_of3A_867 = arith.constant 0 : i32
        %multiple_of3A_868 = tpu.assume_multiple %multiple_of3A_867, 128 : i32
        %dma_wait3A_869 = arith.constant 1 : i32
        %dma_wait3A_870 = arith.constant 1 : i32
        %dma_wait3A_871 = arith.constant 0 : i32
        %dma_wait3A_872 = arith.constant 0 : i32
        %dma_wait3A_873 = tpu.memref_slice %arg9[%dma_wait3A_869, %dma_wait3A_870, %dma_wait3A_871, %dma_wait3A_872] : memref<2x2x128x64xf32, #tpu.memory_space<vmem>> -> memref<1x1x128x64xf32, #tpu.memory_space<vmem>>
        %dma_wait3A_874 = tpu.memref_squeeze %dma_wait3A_873 : memref<1x1x128x64xf32, #tpu.memory_space<vmem>> -> memref<128x64xf32, #tpu.memory_space<vmem>>
        %dma_wait3A_875 = tpu.memref_slice %arg7[%multiple_of3A_868] : memref<4096xi32, #tpu.memory_space<vmem>> -> memref<128xi32, #tpu.memory_space<vmem>>
        %dma_wait3A_876 = arith.constant 0 : i32
        %dma_wait3A_877 = arith.constant 0 : i32
        %dma_wait3A_878 = tpu.memref_slice %arg12[%dma_wait3A_876, %dma_wait3A_877] : memref<10240x64xf32, #tpu.memory_space<vmem_shared>> -> memref<10240x64xf32, #tpu.memory_space<vmem_shared>>
        tpu.wait_indirect_dma semaphore(%arg18 : memref<!tpu.dma_semaphore, #tpu.memory_space<semaphore_mem>>) src(%dma_wait3A_874 : memref<128x64xf32, #tpu.memory_space<vmem>>) dst(%dma_wait3A_878 : memref<10240x64xf32, #tpu.memory_space<vmem_shared>>)
        %add3A_879 = arith.constant 1 : i32
        %add3A_880 = arith.addi %add3A_494, %add3A_879 : i32
        %jit3A_881 = arith.constant 2 : i32
        %eq3A_882 = arith.constant 0 : i32
        %eq3A_883 = arith.cmpi eq, %jit3A_881, %eq3A_882 : i32
        %jit3A_884 = arith.constant 1 : i32
        %select_n3A_885 = arith.select %eq3A_883, %jit3A_884, %jit3A_881 : i32
        %rem3A_886 = arith.remsi %add3A_880, %select_n3A_885 : i32
        %ne3A_887 = arith.constant 0 : i32
        %ne3A_888 = arith.cmpi ne, %rem3A_886, %ne3A_887 : i32
        %lt3A_889 = arith.constant 0 : i32
        %lt3A_890 = arith.cmpi slt, %rem3A_886, %lt3A_889 : i32
        %lt3A_891 = arith.constant 0 : i32
        %lt3A_892 = arith.cmpi slt, %select_n3A_885, %lt3A_891 : i32
        %ne3A_893 = arith.xori %lt3A_890, %lt3A_892 : i1
        %and3A_894 = arith.andi %ne3A_893, %ne3A_888 : i1
        %add3A_895 = arith.addi %rem3A_886, %select_n3A_885 : i32
        %select_n3A_896 = arith.select %and3A_894, %add3A_895, %rem3A_886 : i32
        %eq3A_897 = arith.cmpi eq, %arg0, %select_n3A_896 : i32
        %convert_element_type3A_898 = arith.extui %eq3A_897 : i1 to i32
        %cond3A_899 = arith.constant 0 : i32
        %cond3A_900 = arith.cmpi ne, %convert_element_type3A_898, %cond3A_899 : i32
        scf.if %cond3A_900 {
          %multiple_of3A_901 = arith.constant 0 : i32
          %multiple_of3A_902 = tpu.assume_multiple %multiple_of3A_901, 128 : i32
          %dma_wait3A_903 = tpu.memref_slice %arg7[%multiple_of3A_902] : memref<4096xi32, #tpu.memory_space<vmem>> -> memref<128xi32, #tpu.memory_space<vmem>>
          %dma_wait3A_904 = arith.constant 0 : i32
          %dma_wait3A_905 = tpu.memref_slice %arg14[%dma_wait3A_904] : memref<10240xf32, #tpu.memory_space<vmem_shared>> -> memref<10240xf32, #tpu.memory_space<vmem_shared>>
          tpu.wait_indirect_dma semaphore(%arg20 : memref<!tpu.dma_semaphore, #tpu.memory_space<semaphore_mem>>) src(%arg10 : memref<128xf32, #tpu.memory_space<vmem>>) dst(%dma_wait3A_905 : memref<10240xf32, #tpu.memory_space<vmem_shared>>)
        } else {
        }
      } else {
      }
      %add3A_501 = arith.constant 2 : i32
      %add3A_502 = arith.addi %mul3A_496, %add3A_501 : i32
      %add3A_503 = arith.constant 0 : i32
      %add3A_504 = arith.addi %add3A_502, %add3A_503 : i32
      %mul3A_505 = arith.constant 128 : i32
      %mul3A_506 = arith.muli %add3A_504, %mul3A_505 : i32
      %multiple_of3A_507 = tpu.assume_multiple %mul3A_506, 128 : i32
      %dma_start3A_508 = arith.constant 1 : i32
      %dma_start3A_509 = arith.constant 0 : i32
      %dma_start3A_510 = arith.constant 0 : i32
      %dma_start3A_511 = arith.constant 0 : i32
      %dma_start3A_512 = tpu.memref_slice %arg9[%dma_start3A_508, %dma_start3A_509, %dma_start3A_510, %dma_start3A_511] : memref<2x2x128x64xf32, #tpu.memory_space<vmem>> -> memref<1x1x128x64xf32, #tpu.memory_space<vmem>>
      %dma_start3A_513 = tpu.memref_squeeze %dma_start3A_512 : memref<1x1x128x64xf32, #tpu.memory_space<vmem>> -> memref<128x64xf32, #tpu.memory_space<vmem>>
      %dma_start3A_514 = tpu.memref_slice %arg8[%multiple_of3A_507] : memref<4096xi32, #tpu.memory_space<vmem>> -> memref<128xi32, #tpu.memory_space<vmem>>
      %dma_start3A_515 = arith.constant 0 : i32
      %dma_start3A_516 = arith.constant 0 : i32
      %dma_start3A_517 = tpu.memref_slice %arg3[%arg0, %dma_start3A_515, %dma_start3A_516] : memref<2x10000x64xf32, #tpu.memory_space<hbm>> -> memref<1x10000x64xf32, #tpu.memory_space<hbm>>
      %dma_start3A_518 = tpu.memref_squeeze %dma_start3A_517 : memref<1x10000x64xf32, #tpu.memory_space<hbm>> -> memref<10000x64xf32, #tpu.memory_space<hbm>>
      %dma_start3A_519 = arith.constant 0 : i32
      %dma_start3A_520 = arith.constant 0 : i32
      %dma_start3A_521 = tpu.memref_slice %dma_start3A_518[%dma_start3A_519, %dma_start3A_520] : memref<10000x64xf32, #tpu.memory_space<hbm>> -> memref<10000x64xf32, #tpu.memory_space<hbm>>
      tpu.enqueue_indirect_dma source(%dma_start3A_521 : memref<10000x64xf32, #tpu.memory_space<hbm>>) target(%dma_start3A_513 : memref<128x64xf32, #tpu.memory_space<vmem>>) offsets(%dma_start3A_514 : memref<128xi32, #tpu.memory_space<vmem>>) semaphore(%arg16 : memref<!tpu.dma_semaphore, #tpu.memory_space<semaphore_mem>>)
      %add3A_522 = arith.constant 2 : i32
      %add3A_523 = arith.addi %mul3A_496, %add3A_522 : i32
      %add3A_524 = arith.constant 1 : i32
      %add3A_525 = arith.addi %add3A_523, %add3A_524 : i32
      %mul3A_526 = arith.constant 128 : i32
      %mul3A_527 = arith.muli %add3A_525, %mul3A_526 : i32
      %multiple_of3A_528 = tpu.assume_multiple %mul3A_527, 128 : i32
      %dma_start3A_529 = arith.constant 1 : i32
      %dma_start3A_530 = arith.constant 1 : i32
      %dma_start3A_531 = arith.constant 0 : i32
      %dma_start3A_532 = arith.constant 0 : i32
      %dma_start3A_533 = tpu.memref_slice %arg9[%dma_start3A_529, %dma_start3A_530, %dma_start3A_531, %dma_start3A_532] : memref<2x2x128x64xf32, #tpu.memory_space<vmem>> -> memref<1x1x128x64xf32, #tpu.memory_space<vmem>>
      %dma_start3A_534 = tpu.memref_squeeze %dma_start3A_533 : memref<1x1x128x64xf32, #tpu.memory_space<vmem>> -> memref<128x64xf32, #tpu.memory_space<vmem>>
      %dma_start3A_535 = tpu.memref_slice %arg8[%multiple_of3A_528] : memref<4096xi32, #tpu.memory_space<vmem>> -> memref<128xi32, #tpu.memory_space<vmem>>
      %dma_start3A_536 = arith.constant 0 : i32
      %dma_start3A_537 = arith.constant 0 : i32
      %dma_start3A_538 = tpu.memref_slice %arg3[%arg0, %dma_start3A_536, %dma_start3A_537] : memref<2x10000x64xf32, #tpu.memory_space<hbm>> -> memref<1x10000x64xf32, #tpu.memory_space<hbm>>
      %dma_start3A_539 = tpu.memref_squeeze %dma_start3A_538 : memref<1x10000x64xf32, #tpu.memory_space<hbm>> -> memref<10000x64xf32, #tpu.memory_space<hbm>>
      %dma_start3A_540 = arith.constant 0 : i32
      %dma_start3A_541 = arith.constant 0 : i32
      %dma_start3A_542 = tpu.memref_slice %dma_start3A_539[%dma_start3A_540, %dma_start3A_541] : memref<10000x64xf32, #tpu.memory_space<hbm>> -> memref<10000x64xf32, #tpu.memory_space<hbm>>
      tpu.enqueue_indirect_dma source(%dma_start3A_542 : memref<10000x64xf32, #tpu.memory_space<hbm>>) target(%dma_start3A_534 : memref<128x64xf32, #tpu.memory_space<vmem>>) offsets(%dma_start3A_535 : memref<128xi32, #tpu.memory_space<vmem>>) semaphore(%arg16 : memref<!tpu.dma_semaphore, #tpu.memory_space<semaphore_mem>>)
      %add3A_543 = arith.constant 0 : i32
      %add3A_544 = arith.addi %mul3A_496, %add3A_543 : i32
      %mul3A_545 = arith.constant 128 : i32
      %mul3A_546 = arith.muli %add3A_544, %mul3A_545 : i32
      %multiple_of3A_547 = tpu.assume_multiple %mul3A_546, 128 : i32
      %dma_wait3A_548 = arith.constant 0 : i32
      %dma_wait3A_549 = arith.constant 0 : i32
      %dma_wait3A_550 = arith.constant 0 : i32
      %dma_wait3A_551 = arith.constant 0 : i32
      %dma_wait3A_552 = tpu.memref_slice %arg9[%dma_wait3A_548, %dma_wait3A_549, %dma_wait3A_550, %dma_wait3A_551] : memref<2x2x128x64xf32, #tpu.memory_space<vmem>> -> memref<1x1x128x64xf32, #tpu.memory_space<vmem>>
      %dma_wait3A_553 = tpu.memref_squeeze %dma_wait3A_552 : memref<1x1x128x64xf32, #tpu.memory_space<vmem>> -> memref<128x64xf32, #tpu.memory_space<vmem>>
      %dma_wait3A_554 = tpu.memref_slice %arg8[%multiple_of3A_547] : memref<4096xi32, #tpu.memory_space<vmem>> -> memref<128xi32, #tpu.memory_space<vmem>>
      %dma_wait3A_555 = arith.constant 0 : i32
      %dma_wait3A_556 = arith.constant 0 : i32
      %dma_wait3A_557 = tpu.memref_slice %arg3[%arg0, %dma_wait3A_555, %dma_wait3A_556] : memref<2x10000x64xf32, #tpu.memory_space<hbm>> -> memref<1x10000x64xf32, #tpu.memory_space<hbm>>
      %dma_wait3A_558 = tpu.memref_squeeze %dma_wait3A_557 : memref<1x10000x64xf32, #tpu.memory_space<hbm>> -> memref<10000x64xf32, #tpu.memory_space<hbm>>
      %dma_wait3A_559 = arith.constant 0 : i32
      %dma_wait3A_560 = arith.constant 0 : i32
      %dma_wait3A_561 = tpu.memref_slice %dma_wait3A_558[%dma_wait3A_559, %dma_wait3A_560] : memref<10000x64xf32, #tpu.memory_space<hbm>> -> memref<10000x64xf32, #tpu.memory_space<hbm>>
      tpu.wait_indirect_dma semaphore(%arg15 : memref<!tpu.dma_semaphore, #tpu.memory_space<semaphore_mem>>) src(%dma_wait3A_561 : memref<10000x64xf32, #tpu.memory_space<hbm>>) dst(%dma_wait3A_553 : memref<128x64xf32, #tpu.memory_space<vmem>>)
      %add3A_562 = arith.constant 1 : i32
      %add3A_563 = arith.addi %mul3A_496, %add3A_562 : i32
      %mul3A_564 = arith.constant 128 : i32
      %mul3A_565 = arith.muli %add3A_563, %mul3A_564 : i32
      %multiple_of3A_566 = tpu.assume_multiple %mul3A_565, 128 : i32
      %dma_wait3A_567 = arith.constant 0 : i32
      %dma_wait3A_568 = arith.constant 1 : i32
      %dma_wait3A_569 = arith.constant 0 : i32
      %dma_wait3A_570 = arith.constant 0 : i32
      %dma_wait3A_571 = tpu.memref_slice %arg9[%dma_wait3A_567, %dma_wait3A_568, %dma_wait3A_569, %dma_wait3A_570] : memref<2x2x128x64xf32, #tpu.memory_space<vmem>> -> memref<1x1x128x64xf32, #tpu.memory_space<vmem>>
      %dma_wait3A_572 = tpu.memref_squeeze %dma_wait3A_571 : memref<1x1x128x64xf32, #tpu.memory_space<vmem>> -> memref<128x64xf32, #tpu.memory_space<vmem>>
      %dma_wait3A_573 = tpu.memref_slice %arg8[%multiple_of3A_566] : memref<4096xi32, #tpu.memory_space<vmem>> -> memref<128xi32, #tpu.memory_space<vmem>>
      %dma_wait3A_574 = arith.constant 0 : i32
      %dma_wait3A_575 = arith.constant 0 : i32
      %dma_wait3A_576 = tpu.memref_slice %arg3[%arg0, %dma_wait3A_574, %dma_wait3A_575] : memref<2x10000x64xf32, #tpu.memory_space<hbm>> -> memref<1x10000x64xf32, #tpu.memory_space<hbm>>
      %dma_wait3A_577 = tpu.memref_squeeze %dma_wait3A_576 : memref<1x10000x64xf32, #tpu.memory_space<hbm>> -> memref<10000x64xf32, #tpu.memory_space<hbm>>
      %dma_wait3A_578 = arith.constant 0 : i32
      %dma_wait3A_579 = arith.constant 0 : i32
      %dma_wait3A_580 = tpu.memref_slice %dma_wait3A_577[%dma_wait3A_578, %dma_wait3A_579] : memref<10000x64xf32, #tpu.memory_space<hbm>> -> memref<10000x64xf32, #tpu.memory_space<hbm>>
      tpu.wait_indirect_dma semaphore(%arg15 : memref<!tpu.dma_semaphore, #tpu.memory_space<semaphore_mem>>) src(%dma_wait3A_580 : memref<10000x64xf32, #tpu.memory_space<hbm>>) dst(%dma_wait3A_572 : memref<128x64xf32, #tpu.memory_space<vmem>>)
      %add3A_581 = arith.constant 0 : i32
      %add3A_582 = arith.addi %mul3A_496, %add3A_581 : i32
      %mul3A_583 = arith.constant 128 : i32
      %mul3A_584 = arith.muli %add3A_582, %mul3A_583 : i32
      %multiple_of3A_585 = tpu.assume_multiple %mul3A_584, 128 : i32
      %dma_start3A_586 = arith.constant 0 : i32
      %dma_start3A_587 = arith.constant 0 : i32
      %dma_start3A_588 = arith.constant 0 : i32
      %dma_start3A_589 = arith.constant 0 : i32
      %dma_start3A_590 = tpu.memref_slice %arg9[%dma_start3A_586, %dma_start3A_587, %dma_start3A_588, %dma_start3A_589] : memref<2x2x128x64xf32, #tpu.memory_space<vmem>> -> memref<1x1x128x64xf32, #tpu.memory_space<vmem>>
      %dma_start3A_591 = tpu.memref_squeeze %dma_start3A_590 : memref<1x1x128x64xf32, #tpu.memory_space<vmem>> -> memref<128x64xf32, #tpu.memory_space<vmem>>
      %dma_start3A_592 = tpu.memref_slice %arg7[%multiple_of3A_585] : memref<4096xi32, #tpu.memory_space<vmem>> -> memref<128xi32, #tpu.memory_space<vmem>>
      %dma_start3A_593 = arith.constant 0 : i32
      %dma_start3A_594 = arith.constant 0 : i32
      %dma_start3A_595 = tpu.memref_slice %arg12[%dma_start3A_593, %dma_start3A_594] : memref<10240x64xf32, #tpu.memory_space<vmem_shared>> -> memref<10240x64xf32, #tpu.memory_space<vmem_shared>>
      tpu.enqueue_indirect_dma source(%dma_start3A_591 : memref<128x64xf32, #tpu.memory_space<vmem>>) target(%dma_start3A_595 : memref<10240x64xf32, #tpu.memory_space<vmem_shared>>) offsets(%dma_start3A_592 : memref<128xi32, #tpu.memory_space<vmem>>) semaphore(%arg17 : memref<!tpu.dma_semaphore, #tpu.memory_space<semaphore_mem>>) {add = true}
      %jit3A = arith.constant 2 : i32
      %eq3A_596 = arith.constant 0 : i32
      %eq3A_597 = arith.cmpi eq, %jit3A, %eq3A_596 : i32
      %jit3A_598 = arith.constant 1 : i32
      %select_n3A = arith.select %eq3A_597, %jit3A_598, %jit3A : i32
      %rem3A = arith.remsi %add3A_494, %select_n3A : i32
      %ne3A = arith.constant 0 : i32
      %ne3A_599 = arith.cmpi ne, %rem3A, %ne3A : i32
      %lt3A_600 = arith.constant 0 : i32
      %lt3A_601 = arith.cmpi slt, %rem3A, %lt3A_600 : i32
      %lt3A_602 = arith.constant 0 : i32
      %lt3A_603 = arith.cmpi slt, %select_n3A, %lt3A_602 : i32
      %ne3A_604 = arith.xori %lt3A_601, %lt3A_603 : i1
      %and3A = arith.andi %ne3A_604, %ne3A_599 : i1
      %add3A_605 = arith.addi %rem3A, %select_n3A : i32
      %select_n3A_606 = arith.select %and3A, %add3A_605, %rem3A : i32
      %eq3A_607 = arith.cmpi eq, %arg0, %select_n3A_606 : i32
      %convert_element_type3A_608 = arith.extui %eq3A_607 : i1 to i32
      %cond3A_609 = arith.constant 0 : i32
      %cond3A_610 = arith.cmpi ne, %convert_element_type3A_608, %cond3A_609 : i32
      scf.if %cond3A_610 {
        %add3A_833 = arith.constant 0 : i32
        %add3A_834 = arith.addi %mul3A_496, %add3A_833 : i32
        %mul3A_835 = arith.constant 128 : i32
        %mul3A_836 = arith.muli %add3A_834, %mul3A_835 : i32
        %multiple_of3A_837 = tpu.assume_multiple %mul3A_836, 128 : i32
        %dma_start3A_838 = tpu.memref_slice %arg7[%multiple_of3A_837] : memref<4096xi32, #tpu.memory_space<vmem>> -> memref<128xi32, #tpu.memory_space<vmem>>
        %dma_start3A_839 = arith.constant 0 : i32
        %dma_start3A_840 = tpu.memref_slice %arg14[%dma_start3A_839] : memref<10240xf32, #tpu.memory_space<vmem_shared>> -> memref<10240xf32, #tpu.memory_space<vmem_shared>>
        tpu.enqueue_indirect_dma source(%arg10 : memref<128xf32, #tpu.memory_space<vmem>>) target(%dma_start3A_840 : memref<10240xf32, #tpu.memory_space<vmem_shared>>) offsets(%dma_start3A_838 : memref<128xi32, #tpu.memory_space<vmem>>) semaphore(%arg19 : memref<!tpu.dma_semaphore, #tpu.memory_space<semaphore_mem>>) {add = true}
      } else {
      }
      %add3A_611 = arith.constant 1 : i32
      %add3A_612 = arith.addi %mul3A_496, %add3A_611 : i32
      %mul3A_613 = arith.constant 128 : i32
      %mul3A_614 = arith.muli %add3A_612, %mul3A_613 : i32
      %multiple_of3A_615 = tpu.assume_multiple %mul3A_614, 128 : i32
      %dma_start3A_616 = arith.constant 0 : i32
      %dma_start3A_617 = arith.constant 1 : i32
      %dma_start3A_618 = arith.constant 0 : i32
      %dma_start3A_619 = arith.constant 0 : i32
      %dma_start3A_620 = tpu.memref_slice %arg9[%dma_start3A_616, %dma_start3A_617, %dma_start3A_618, %dma_start3A_619] : memref<2x2x128x64xf32, #tpu.memory_space<vmem>> -> memref<1x1x128x64xf32, #tpu.memory_space<vmem>>
      %dma_start3A_621 = tpu.memref_squeeze %dma_start3A_620 : memref<1x1x128x64xf32, #tpu.memory_space<vmem>> -> memref<128x64xf32, #tpu.memory_space<vmem>>
      %dma_start3A_622 = tpu.memref_slice %arg7[%multiple_of3A_615] : memref<4096xi32, #tpu.memory_space<vmem>> -> memref<128xi32, #tpu.memory_space<vmem>>
      %dma_start3A_623 = arith.constant 0 : i32
      %dma_start3A_624 = arith.constant 0 : i32
      %dma_start3A_625 = tpu.memref_slice %arg12[%dma_start3A_623, %dma_start3A_624] : memref<10240x64xf32, #tpu.memory_space<vmem_shared>> -> memref<10240x64xf32, #tpu.memory_space<vmem_shared>>
      tpu.enqueue_indirect_dma source(%dma_start3A_621 : memref<128x64xf32, #tpu.memory_space<vmem>>) target(%dma_start3A_625 : memref<10240x64xf32, #tpu.memory_space<vmem_shared>>) offsets(%dma_start3A_622 : memref<128xi32, #tpu.memory_space<vmem>>) semaphore(%arg17 : memref<!tpu.dma_semaphore, #tpu.memory_space<semaphore_mem>>) {add = true}
      %jit3A_626 = arith.constant 2 : i32
      %eq3A_627 = arith.constant 0 : i32
      %eq3A_628 = arith.cmpi eq, %jit3A_626, %eq3A_627 : i32
      %jit3A_629 = arith.constant 1 : i32
      %select_n3A_630 = arith.select %eq3A_628, %jit3A_629, %jit3A_626 : i32
      %rem3A_631 = arith.remsi %add3A_494, %select_n3A_630 : i32
      %ne3A_632 = arith.constant 0 : i32
      %ne3A_633 = arith.cmpi ne, %rem3A_631, %ne3A_632 : i32
      %lt3A_634 = arith.constant 0 : i32
      %lt3A_635 = arith.cmpi slt, %rem3A_631, %lt3A_634 : i32
      %lt3A_636 = arith.constant 0 : i32
      %lt3A_637 = arith.cmpi slt, %select_n3A_630, %lt3A_636 : i32
      %ne3A_638 = arith.xori %lt3A_635, %lt3A_637 : i1
      %and3A_639 = arith.andi %ne3A_638, %ne3A_633 : i1
      %add3A_640 = arith.addi %rem3A_631, %select_n3A_630 : i32
      %select_n3A_641 = arith.select %and3A_639, %add3A_640, %rem3A_631 : i32
      %eq3A_642 = arith.cmpi eq, %arg0, %select_n3A_641 : i32
      %convert_element_type3A_643 = arith.extui %eq3A_642 : i1 to i32
      %cond3A_644 = arith.constant 0 : i32
      %cond3A_645 = arith.cmpi ne, %convert_element_type3A_643, %cond3A_644 : i32
      scf.if %cond3A_645 {
        %add3A_833 = arith.constant 1 : i32
        %add3A_834 = arith.addi %mul3A_496, %add3A_833 : i32
        %mul3A_835 = arith.constant 128 : i32
        %mul3A_836 = arith.muli %add3A_834, %mul3A_835 : i32
        %multiple_of3A_837 = tpu.assume_multiple %mul3A_836, 128 : i32
        %dma_start3A_838 = tpu.memref_slice %arg7[%multiple_of3A_837] : memref<4096xi32, #tpu.memory_space<vmem>> -> memref<128xi32, #tpu.memory_space<vmem>>
        %dma_start3A_839 = arith.constant 0 : i32
        %dma_start3A_840 = tpu.memref_slice %arg14[%dma_start3A_839] : memref<10240xf32, #tpu.memory_space<vmem_shared>> -> memref<10240xf32, #tpu.memory_space<vmem_shared>>
        tpu.enqueue_indirect_dma source(%arg10 : memref<128xf32, #tpu.memory_space<vmem>>) target(%dma_start3A_840 : memref<10240xf32, #tpu.memory_space<vmem_shared>>) offsets(%dma_start3A_838 : memref<128xi32, #tpu.memory_space<vmem>>) semaphore(%arg19 : memref<!tpu.dma_semaphore, #tpu.memory_space<semaphore_mem>>) {add = true}
      } else {
      }
      %mul3A_646 = arith.constant 2 : i32
      %mul3A_647 = arith.muli %mul3A_646, %scan3A_490 : i32
      %add3A_648 = arith.constant 1 : i32
      %add3A_649 = arith.addi %mul3A_647, %add3A_648 : i32
      %mul3A_650 = arith.constant 2 : i32
      %mul3A_651 = arith.muli %add3A_649, %mul3A_650 : i32
      %multiple_of3A_652 = arith.constant 0 : i32
      %multiple_of3A_653 = tpu.assume_multiple %multiple_of3A_652, 128 : i32
      %dma_wait3A_654 = arith.constant 0 : i32
      %dma_wait3A_655 = arith.constant 0 : i32
      %dma_wait3A_656 = arith.constant 0 : i32
      %dma_wait3A_657 = arith.constant 0 : i32
      %dma_wait3A_658 = tpu.memref_slice %arg9[%dma_wait3A_654, %dma_wait3A_655, %dma_wait3A_656, %dma_wait3A_657] : memref<2x2x128x64xf32, #tpu.memory_space<vmem>> -> memref<1x1x128x64xf32, #tpu.memory_space<vmem>>
      %dma_wait3A_659 = tpu.memref_squeeze %dma_wait3A_658 : memref<1x1x128x64xf32, #tpu.memory_space<vmem>> -> memref<128x64xf32, #tpu.memory_space<vmem>>
      %dma_wait3A_660 = tpu.memref_slice %arg7[%multiple_of3A_653] : memref<4096xi32, #tpu.memory_space<vmem>> -> memref<128xi32, #tpu.memory_space<vmem>>
      %dma_wait3A_661 = arith.constant 0 : i32
      %dma_wait3A_662 = arith.constant 0 : i32
      %dma_wait3A_663 = tpu.memref_slice %arg12[%dma_wait3A_661, %dma_wait3A_662] : memref<10240x64xf32, #tpu.memory_space<vmem_shared>> -> memref<10240x64xf32, #tpu.memory_space<vmem_shared>>
      tpu.wait_indirect_dma semaphore(%arg17 : memref<!tpu.dma_semaphore, #tpu.memory_space<semaphore_mem>>) src(%dma_wait3A_659 : memref<128x64xf32, #tpu.memory_space<vmem>>) dst(%dma_wait3A_663 : memref<10240x64xf32, #tpu.memory_space<vmem_shared>>)
      %add3A_664 = arith.constant 1 : i32
      %add3A_665 = arith.addi %add3A_649, %add3A_664 : i32
      %jit3A_666 = arith.constant 2 : i32
      %eq3A_667 = arith.constant 0 : i32
      %eq3A_668 = arith.cmpi eq, %jit3A_666, %eq3A_667 : i32
      %jit3A_669 = arith.constant 1 : i32
      %select_n3A_670 = arith.select %eq3A_668, %jit3A_669, %jit3A_666 : i32
      %rem3A_671 = arith.remsi %add3A_665, %select_n3A_670 : i32
      %ne3A_672 = arith.constant 0 : i32
      %ne3A_673 = arith.cmpi ne, %rem3A_671, %ne3A_672 : i32
      %lt3A_674 = arith.constant 0 : i32
      %lt3A_675 = arith.cmpi slt, %rem3A_671, %lt3A_674 : i32
      %lt3A_676 = arith.constant 0 : i32
      %lt3A_677 = arith.cmpi slt, %select_n3A_670, %lt3A_676 : i32
      %ne3A_678 = arith.xori %lt3A_675, %lt3A_677 : i1
      %and3A_679 = arith.andi %ne3A_678, %ne3A_673 : i1
      %add3A_680 = arith.addi %rem3A_671, %select_n3A_670 : i32
      %select_n3A_681 = arith.select %and3A_679, %add3A_680, %rem3A_671 : i32
      %eq3A_682 = arith.cmpi eq, %arg0, %select_n3A_681 : i32
      %convert_element_type3A_683 = arith.extui %eq3A_682 : i1 to i32
      %cond3A_684 = arith.constant 0 : i32
      %cond3A_685 = arith.cmpi ne, %convert_element_type3A_683, %cond3A_684 : i32
      scf.if %cond3A_685 {
        %multiple_of3A_833 = arith.constant 0 : i32
        %multiple_of3A_834 = tpu.assume_multiple %multiple_of3A_833, 128 : i32
        %dma_wait3A_835 = tpu.memref_slice %arg7[%multiple_of3A_834] : memref<4096xi32, #tpu.memory_space<vmem>> -> memref<128xi32, #tpu.memory_space<vmem>>
        %dma_wait3A_836 = arith.constant 0 : i32
        %dma_wait3A_837 = tpu.memref_slice %arg14[%dma_wait3A_836] : memref<10240xf32, #tpu.memory_space<vmem_shared>> -> memref<10240xf32, #tpu.memory_space<vmem_shared>>
        tpu.wait_indirect_dma semaphore(%arg19 : memref<!tpu.dma_semaphore, #tpu.memory_space<semaphore_mem>>) src(%arg10 : memref<128xf32, #tpu.memory_space<vmem>>) dst(%dma_wait3A_837 : memref<10240xf32, #tpu.memory_space<vmem_shared>>)
      } else {
      }
      %multiple_of3A_686 = arith.constant 0 : i32
      %multiple_of3A_687 = tpu.assume_multiple %multiple_of3A_686, 128 : i32
      %dma_wait3A_688 = arith.constant 0 : i32
      %dma_wait3A_689 = arith.constant 1 : i32
      %dma_wait3A_690 = arith.constant 0 : i32
      %dma_wait3A_691 = arith.constant 0 : i32
      %dma_wait3A_692 = tpu.memref_slice %arg9[%dma_wait3A_688, %dma_wait3A_689, %dma_wait3A_690, %dma_wait3A_691] : memref<2x2x128x64xf32, #tpu.memory_space<vmem>> -> memref<1x1x128x64xf32, #tpu.memory_space<vmem>>
      %dma_wait3A_693 = tpu.memref_squeeze %dma_wait3A_692 : memref<1x1x128x64xf32, #tpu.memory_space<vmem>> -> memref<128x64xf32, #tpu.memory_space<vmem>>
      %dma_wait3A_694 = tpu.memref_slice %arg7[%multiple_of3A_687] : memref<4096xi32, #tpu.memory_space<vmem>> -> memref<128xi32, #tpu.memory_space<vmem>>
      %dma_wait3A_695 = arith.constant 0 : i32
      %dma_wait3A_696 = arith.constant 0 : i32
      %dma_wait3A_697 = tpu.memref_slice %arg12[%dma_wait3A_695, %dma_wait3A_696] : memref<10240x64xf32, #tpu.memory_space<vmem_shared>> -> memref<10240x64xf32, #tpu.memory_space<vmem_shared>>
      tpu.wait_indirect_dma semaphore(%arg17 : memref<!tpu.dma_semaphore, #tpu.memory_space<semaphore_mem>>) src(%dma_wait3A_693 : memref<128x64xf32, #tpu.memory_space<vmem>>) dst(%dma_wait3A_697 : memref<10240x64xf32, #tpu.memory_space<vmem_shared>>)
      %add3A_698 = arith.constant 1 : i32
      %add3A_699 = arith.addi %add3A_649, %add3A_698 : i32
      %jit3A_700 = arith.constant 2 : i32
      %eq3A_701 = arith.constant 0 : i32
      %eq3A_702 = arith.cmpi eq, %jit3A_700, %eq3A_701 : i32
      %jit3A_703 = arith.constant 1 : i32
      %select_n3A_704 = arith.select %eq3A_702, %jit3A_703, %jit3A_700 : i32
      %rem3A_705 = arith.remsi %add3A_699, %select_n3A_704 : i32
      %ne3A_706 = arith.constant 0 : i32
      %ne3A_707 = arith.cmpi ne, %rem3A_705, %ne3A_706 : i32
      %lt3A_708 = arith.constant 0 : i32
      %lt3A_709 = arith.cmpi slt, %rem3A_705, %lt3A_708 : i32
      %lt3A_710 = arith.constant 0 : i32
      %lt3A_711 = arith.cmpi slt, %select_n3A_704, %lt3A_710 : i32
      %ne3A_712 = arith.xori %lt3A_709, %lt3A_711 : i1
      %and3A_713 = arith.andi %ne3A_712, %ne3A_707 : i1
      %add3A_714 = arith.addi %rem3A_705, %select_n3A_704 : i32
      %select_n3A_715 = arith.select %and3A_713, %add3A_714, %rem3A_705 : i32
      %eq3A_716 = arith.cmpi eq, %arg0, %select_n3A_715 : i32
      %convert_element_type3A_717 = arith.extui %eq3A_716 : i1 to i32
      %cond3A_718 = arith.constant 0 : i32
      %cond3A_719 = arith.cmpi ne, %convert_element_type3A_717, %cond3A_718 : i32
      scf.if %cond3A_719 {
        %multiple_of3A_833 = arith.constant 0 : i32
        %multiple_of3A_834 = tpu.assume_multiple %multiple_of3A_833, 128 : i32
        %dma_wait3A_835 = tpu.memref_slice %arg7[%multiple_of3A_834] : memref<4096xi32, #tpu.memory_space<vmem>> -> memref<128xi32, #tpu.memory_space<vmem>>
        %dma_wait3A_836 = arith.constant 0 : i32
        %dma_wait3A_837 = tpu.memref_slice %arg14[%dma_wait3A_836] : memref<10240xf32, #tpu.memory_space<vmem_shared>> -> memref<10240xf32, #tpu.memory_space<vmem_shared>>
        tpu.wait_indirect_dma semaphore(%arg19 : memref<!tpu.dma_semaphore, #tpu.memory_space<semaphore_mem>>) src(%arg10 : memref<128xf32, #tpu.memory_space<vmem>>) dst(%dma_wait3A_837 : memref<10240xf32, #tpu.memory_space<vmem_shared>>)
      } else {
      }
      %lt3A_720 = arith.constant 7 : i32
      %lt3A_721 = arith.cmpi slt, %scan3A_490, %lt3A_720 : i32
      %convert_element_type3A_722 = arith.extui %lt3A_721 : i1 to i32
      %cond3A_723 = arith.constant 0 : i32
      %cond3A_724 = arith.cmpi ne, %convert_element_type3A_722, %cond3A_723 : i32
      scf.if %cond3A_724 {
        %add3A_833 = arith.constant 2 : i32
        %add3A_834 = arith.addi %mul3A_651, %add3A_833 : i32
        %add3A_835 = arith.constant 0 : i32
        %add3A_836 = arith.addi %add3A_834, %add3A_835 : i32
        %mul3A_837 = arith.constant 128 : i32
        %mul3A_838 = arith.muli %add3A_836, %mul3A_837 : i32
        %multiple_of3A_839 = tpu.assume_multiple %mul3A_838, 128 : i32
        %dma_start3A_840 = arith.constant 0 : i32
        %dma_start3A_841 = arith.constant 0 : i32
        %dma_start3A_842 = arith.constant 0 : i32
        %dma_start3A_843 = arith.constant 0 : i32
        %dma_start3A_844 = tpu.memref_slice %arg9[%dma_start3A_840, %dma_start3A_841, %dma_start3A_842, %dma_start3A_843] : memref<2x2x128x64xf32, #tpu.memory_space<vmem>> -> memref<1x1x128x64xf32, #tpu.memory_space<vmem>>
        %dma_start3A_845 = tpu.memref_squeeze %dma_start3A_844 : memref<1x1x128x64xf32, #tpu.memory_space<vmem>> -> memref<128x64xf32, #tpu.memory_space<vmem>>
        %dma_start3A_846 = tpu.memref_slice %arg8[%multiple_of3A_839] : memref<4096xi32, #tpu.memory_space<vmem>> -> memref<128xi32, #tpu.memory_space<vmem>>
        %dma_start3A_847 = arith.constant 0 : i32
        %dma_start3A_848 = arith.constant 0 : i32
        %dma_start3A_849 = tpu.memref_slice %arg3[%arg0, %dma_start3A_847, %dma_start3A_848] : memref<2x10000x64xf32, #tpu.memory_space<hbm>> -> memref<1x10000x64xf32, #tpu.memory_space<hbm>>
        %dma_start3A_850 = tpu.memref_squeeze %dma_start3A_849 : memref<1x10000x64xf32, #tpu.memory_space<hbm>> -> memref<10000x64xf32, #tpu.memory_space<hbm>>
        %dma_start3A_851 = arith.constant 0 : i32
        %dma_start3A_852 = arith.constant 0 : i32
        %dma_start3A_853 = tpu.memref_slice %dma_start3A_850[%dma_start3A_851, %dma_start3A_852] : memref<10000x64xf32, #tpu.memory_space<hbm>> -> memref<10000x64xf32, #tpu.memory_space<hbm>>
        tpu.enqueue_indirect_dma source(%dma_start3A_853 : memref<10000x64xf32, #tpu.memory_space<hbm>>) target(%dma_start3A_845 : memref<128x64xf32, #tpu.memory_space<vmem>>) offsets(%dma_start3A_846 : memref<128xi32, #tpu.memory_space<vmem>>) semaphore(%arg15 : memref<!tpu.dma_semaphore, #tpu.memory_space<semaphore_mem>>)
        %add3A_854 = arith.constant 2 : i32
        %add3A_855 = arith.addi %mul3A_651, %add3A_854 : i32
        %add3A_856 = arith.constant 1 : i32
        %add3A_857 = arith.addi %add3A_855, %add3A_856 : i32
        %mul3A_858 = arith.constant 128 : i32
        %mul3A_859 = arith.muli %add3A_857, %mul3A_858 : i32
        %multiple_of3A_860 = tpu.assume_multiple %mul3A_859, 128 : i32
        %dma_start3A_861 = arith.constant 0 : i32
        %dma_start3A_862 = arith.constant 1 : i32
        %dma_start3A_863 = arith.constant 0 : i32
        %dma_start3A_864 = arith.constant 0 : i32
        %dma_start3A_865 = tpu.memref_slice %arg9[%dma_start3A_861, %dma_start3A_862, %dma_start3A_863, %dma_start3A_864] : memref<2x2x128x64xf32, #tpu.memory_space<vmem>> -> memref<1x1x128x64xf32, #tpu.memory_space<vmem>>
        %dma_start3A_866 = tpu.memref_squeeze %dma_start3A_865 : memref<1x1x128x64xf32, #tpu.memory_space<vmem>> -> memref<128x64xf32, #tpu.memory_space<vmem>>
        %dma_start3A_867 = tpu.memref_slice %arg8[%multiple_of3A_860] : memref<4096xi32, #tpu.memory_space<vmem>> -> memref<128xi32, #tpu.memory_space<vmem>>
        %dma_start3A_868 = arith.constant 0 : i32
        %dma_start3A_869 = arith.constant 0 : i32
        %dma_start3A_870 = tpu.memref_slice %arg3[%arg0, %dma_start3A_868, %dma_start3A_869] : memref<2x10000x64xf32, #tpu.memory_space<hbm>> -> memref<1x10000x64xf32, #tpu.memory_space<hbm>>
        %dma_start3A_871 = tpu.memref_squeeze %dma_start3A_870 : memref<1x10000x64xf32, #tpu.memory_space<hbm>> -> memref<10000x64xf32, #tpu.memory_space<hbm>>
        %dma_start3A_872 = arith.constant 0 : i32
        %dma_start3A_873 = arith.constant 0 : i32
        %dma_start3A_874 = tpu.memref_slice %dma_start3A_871[%dma_start3A_872, %dma_start3A_873] : memref<10000x64xf32, #tpu.memory_space<hbm>> -> memref<10000x64xf32, #tpu.memory_space<hbm>>
        tpu.enqueue_indirect_dma source(%dma_start3A_874 : memref<10000x64xf32, #tpu.memory_space<hbm>>) target(%dma_start3A_866 : memref<128x64xf32, #tpu.memory_space<vmem>>) offsets(%dma_start3A_867 : memref<128xi32, #tpu.memory_space<vmem>>) semaphore(%arg15 : memref<!tpu.dma_semaphore, #tpu.memory_space<semaphore_mem>>)
      } else {
      }
      %add3A_725 = arith.constant 0 : i32
      %add3A_726 = arith.addi %mul3A_651, %add3A_725 : i32
      %mul3A_727 = arith.constant 128 : i32
      %mul3A_728 = arith.muli %add3A_726, %mul3A_727 : i32
      %multiple_of3A_729 = tpu.assume_multiple %mul3A_728, 128 : i32
      %dma_wait3A_730 = arith.constant 1 : i32
      %dma_wait3A_731 = arith.constant 0 : i32
      %dma_wait3A_732 = arith.constant 0 : i32
      %dma_wait3A_733 = arith.constant 0 : i32
      %dma_wait3A_734 = tpu.memref_slice %arg9[%dma_wait3A_730, %dma_wait3A_731, %dma_wait3A_732, %dma_wait3A_733] : memref<2x2x128x64xf32, #tpu.memory_space<vmem>> -> memref<1x1x128x64xf32, #tpu.memory_space<vmem>>
      %dma_wait3A_735 = tpu.memref_squeeze %dma_wait3A_734 : memref<1x1x128x64xf32, #tpu.memory_space<vmem>> -> memref<128x64xf32, #tpu.memory_space<vmem>>
      %dma_wait3A_736 = tpu.memref_slice %arg8[%multiple_of3A_729] : memref<4096xi32, #tpu.memory_space<vmem>> -> memref<128xi32, #tpu.memory_space<vmem>>
      %dma_wait3A_737 = arith.constant 0 : i32
      %dma_wait3A_738 = arith.constant 0 : i32
      %dma_wait3A_739 = tpu.memref_slice %arg3[%arg0, %dma_wait3A_737, %dma_wait3A_738] : memref<2x10000x64xf32, #tpu.memory_space<hbm>> -> memref<1x10000x64xf32, #tpu.memory_space<hbm>>
      %dma_wait3A_740 = tpu.memref_squeeze %dma_wait3A_739 : memref<1x10000x64xf32, #tpu.memory_space<hbm>> -> memref<10000x64xf32, #tpu.memory_space<hbm>>
      %dma_wait3A_741 = arith.constant 0 : i32
      %dma_wait3A_742 = arith.constant 0 : i32
      %dma_wait3A_743 = tpu.memref_slice %dma_wait3A_740[%dma_wait3A_741, %dma_wait3A_742] : memref<10000x64xf32, #tpu.memory_space<hbm>> -> memref<10000x64xf32, #tpu.memory_space<hbm>>
      tpu.wait_indirect_dma semaphore(%arg16 : memref<!tpu.dma_semaphore, #tpu.memory_space<semaphore_mem>>) src(%dma_wait3A_743 : memref<10000x64xf32, #tpu.memory_space<hbm>>) dst(%dma_wait3A_735 : memref<128x64xf32, #tpu.memory_space<vmem>>)
      %add3A_744 = arith.constant 1 : i32
      %add3A_745 = arith.addi %mul3A_651, %add3A_744 : i32
      %mul3A_746 = arith.constant 128 : i32
      %mul3A_747 = arith.muli %add3A_745, %mul3A_746 : i32
      %multiple_of3A_748 = tpu.assume_multiple %mul3A_747, 128 : i32
      %dma_wait3A_749 = arith.constant 1 : i32
      %dma_wait3A_750 = arith.constant 1 : i32
      %dma_wait3A_751 = arith.constant 0 : i32
      %dma_wait3A_752 = arith.constant 0 : i32
      %dma_wait3A_753 = tpu.memref_slice %arg9[%dma_wait3A_749, %dma_wait3A_750, %dma_wait3A_751, %dma_wait3A_752] : memref<2x2x128x64xf32, #tpu.memory_space<vmem>> -> memref<1x1x128x64xf32, #tpu.memory_space<vmem>>
      %dma_wait3A_754 = tpu.memref_squeeze %dma_wait3A_753 : memref<1x1x128x64xf32, #tpu.memory_space<vmem>> -> memref<128x64xf32, #tpu.memory_space<vmem>>
      %dma_wait3A_755 = tpu.memref_slice %arg8[%multiple_of3A_748] : memref<4096xi32, #tpu.memory_space<vmem>> -> memref<128xi32, #tpu.memory_space<vmem>>
      %dma_wait3A_756 = arith.constant 0 : i32
      %dma_wait3A_757 = arith.constant 0 : i32
      %dma_wait3A_758 = tpu.memref_slice %arg3[%arg0, %dma_wait3A_756, %dma_wait3A_757] : memref<2x10000x64xf32, #tpu.memory_space<hbm>> -> memref<1x10000x64xf32, #tpu.memory_space<hbm>>
      %dma_wait3A_759 = tpu.memref_squeeze %dma_wait3A_758 : memref<1x10000x64xf32, #tpu.memory_space<hbm>> -> memref<10000x64xf32, #tpu.memory_space<hbm>>
      %dma_wait3A_760 = arith.constant 0 : i32
      %dma_wait3A_761 = arith.constant 0 : i32
      %dma_wait3A_762 = tpu.memref_slice %dma_wait3A_759[%dma_wait3A_760, %dma_wait3A_761] : memref<10000x64xf32, #tpu.memory_space<hbm>> -> memref<10000x64xf32, #tpu.memory_space<hbm>>
      tpu.wait_indirect_dma semaphore(%arg16 : memref<!tpu.dma_semaphore, #tpu.memory_space<semaphore_mem>>) src(%dma_wait3A_762 : memref<10000x64xf32, #tpu.memory_space<hbm>>) dst(%dma_wait3A_754 : memref<128x64xf32, #tpu.memory_space<vmem>>)
      %add3A_763 = arith.constant 0 : i32
      %add3A_764 = arith.addi %mul3A_651, %add3A_763 : i32
      %mul3A_765 = arith.constant 128 : i32
      %mul3A_766 = arith.muli %add3A_764, %mul3A_765 : i32
      %multiple_of3A_767 = tpu.assume_multiple %mul3A_766, 128 : i32
      %dma_start3A_768 = arith.constant 1 : i32
      %dma_start3A_769 = arith.constant 0 : i32
      %dma_start3A_770 = arith.constant 0 : i32
      %dma_start3A_771 = arith.constant 0 : i32
      %dma_start3A_772 = tpu.memref_slice %arg9[%dma_start3A_768, %dma_start3A_769, %dma_start3A_770, %dma_start3A_771] : memref<2x2x128x64xf32, #tpu.memory_space<vmem>> -> memref<1x1x128x64xf32, #tpu.memory_space<vmem>>
      %dma_start3A_773 = tpu.memref_squeeze %dma_start3A_772 : memref<1x1x128x64xf32, #tpu.memory_space<vmem>> -> memref<128x64xf32, #tpu.memory_space<vmem>>
      %dma_start3A_774 = tpu.memref_slice %arg7[%multiple_of3A_767] : memref<4096xi32, #tpu.memory_space<vmem>> -> memref<128xi32, #tpu.memory_space<vmem>>
      %dma_start3A_775 = arith.constant 0 : i32
      %dma_start3A_776 = arith.constant 0 : i32
      %dma_start3A_777 = tpu.memref_slice %arg12[%dma_start3A_775, %dma_start3A_776] : memref<10240x64xf32, #tpu.memory_space<vmem_shared>> -> memref<10240x64xf32, #tpu.memory_space<vmem_shared>>
      tpu.enqueue_indirect_dma source(%dma_start3A_773 : memref<128x64xf32, #tpu.memory_space<vmem>>) target(%dma_start3A_777 : memref<10240x64xf32, #tpu.memory_space<vmem_shared>>) offsets(%dma_start3A_774 : memref<128xi32, #tpu.memory_space<vmem>>) semaphore(%arg18 : memref<!tpu.dma_semaphore, #tpu.memory_space<semaphore_mem>>) {add = true}
      %jit3A_778 = arith.constant 2 : i32
      %eq3A_779 = arith.constant 0 : i32
      %eq3A_780 = arith.cmpi eq, %jit3A_778, %eq3A_779 : i32
      %jit3A_781 = arith.constant 1 : i32
      %select_n3A_782 = arith.select %eq3A_780, %jit3A_781, %jit3A_778 : i32
      %rem3A_783 = arith.remsi %add3A_649, %select_n3A_782 : i32
      %ne3A_784 = arith.constant 0 : i32
      %ne3A_785 = arith.cmpi ne, %rem3A_783, %ne3A_784 : i32
      %lt3A_786 = arith.constant 0 : i32
      %lt3A_787 = arith.cmpi slt, %rem3A_783, %lt3A_786 : i32
      %lt3A_788 = arith.constant 0 : i32
      %lt3A_789 = arith.cmpi slt, %select_n3A_782, %lt3A_788 : i32
      %ne3A_790 = arith.xori %lt3A_787, %lt3A_789 : i1
      %and3A_791 = arith.andi %ne3A_790, %ne3A_785 : i1
      %add3A_792 = arith.addi %rem3A_783, %select_n3A_782 : i32
      %select_n3A_793 = arith.select %and3A_791, %add3A_792, %rem3A_783 : i32
      %eq3A_794 = arith.cmpi eq, %arg0, %select_n3A_793 : i32
      %convert_element_type3A_795 = arith.extui %eq3A_794 : i1 to i32
      %cond3A_796 = arith.constant 0 : i32
      %cond3A_797 = arith.cmpi ne, %convert_element_type3A_795, %cond3A_796 : i32
      scf.if %cond3A_797 {
        %add3A_833 = arith.constant 0 : i32
        %add3A_834 = arith.addi %mul3A_651, %add3A_833 : i32
        %mul3A_835 = arith.constant 128 : i32
        %mul3A_836 = arith.muli %add3A_834, %mul3A_835 : i32
        %multiple_of3A_837 = tpu.assume_multiple %mul3A_836, 128 : i32
        %dma_start3A_838 = tpu.memref_slice %arg7[%multiple_of3A_837] : memref<4096xi32, #tpu.memory_space<vmem>> -> memref<128xi32, #tpu.memory_space<vmem>>
        %dma_start3A_839 = arith.constant 0 : i32
        %dma_start3A_840 = tpu.memref_slice %arg14[%dma_start3A_839] : memref<10240xf32, #tpu.memory_space<vmem_shared>> -> memref<10240xf32, #tpu.memory_space<vmem_shared>>
        tpu.enqueue_indirect_dma source(%arg10 : memref<128xf32, #tpu.memory_space<vmem>>) target(%dma_start3A_840 : memref<10240xf32, #tpu.memory_space<vmem_shared>>) offsets(%dma_start3A_838 : memref<128xi32, #tpu.memory_space<vmem>>) semaphore(%arg20 : memref<!tpu.dma_semaphore, #tpu.memory_space<semaphore_mem>>) {add = true}
      } else {
      }
      %add3A_798 = arith.constant 1 : i32
      %add3A_799 = arith.addi %mul3A_651, %add3A_798 : i32
      %mul3A_800 = arith.constant 128 : i32
      %mul3A_801 = arith.muli %add3A_799, %mul3A_800 : i32
      %multiple_of3A_802 = tpu.assume_multiple %mul3A_801, 128 : i32
      %dma_start3A_803 = arith.constant 1 : i32
      %dma_start3A_804 = arith.constant 1 : i32
      %dma_start3A_805 = arith.constant 0 : i32
      %dma_start3A_806 = arith.constant 0 : i32
      %dma_start3A_807 = tpu.memref_slice %arg9[%dma_start3A_803, %dma_start3A_804, %dma_start3A_805, %dma_start3A_806] : memref<2x2x128x64xf32, #tpu.memory_space<vmem>> -> memref<1x1x128x64xf32, #tpu.memory_space<vmem>>
      %dma_start3A_808 = tpu.memref_squeeze %dma_start3A_807 : memref<1x1x128x64xf32, #tpu.memory_space<vmem>> -> memref<128x64xf32, #tpu.memory_space<vmem>>
      %dma_start3A_809 = tpu.memref_slice %arg7[%multiple_of3A_802] : memref<4096xi32, #tpu.memory_space<vmem>> -> memref<128xi32, #tpu.memory_space<vmem>>
      %dma_start3A_810 = arith.constant 0 : i32
      %dma_start3A_811 = arith.constant 0 : i32
      %dma_start3A_812 = tpu.memref_slice %arg12[%dma_start3A_810, %dma_start3A_811] : memref<10240x64xf32, #tpu.memory_space<vmem_shared>> -> memref<10240x64xf32, #tpu.memory_space<vmem_shared>>
      tpu.enqueue_indirect_dma source(%dma_start3A_808 : memref<128x64xf32, #tpu.memory_space<vmem>>) target(%dma_start3A_812 : memref<10240x64xf32, #tpu.memory_space<vmem_shared>>) offsets(%dma_start3A_809 : memref<128xi32, #tpu.memory_space<vmem>>) semaphore(%arg18 : memref<!tpu.dma_semaphore, #tpu.memory_space<semaphore_mem>>) {add = true}
      %jit3A_813 = arith.constant 2 : i32
      %eq3A_814 = arith.constant 0 : i32
      %eq3A_815 = arith.cmpi eq, %jit3A_813, %eq3A_814 : i32
      %jit3A_816 = arith.constant 1 : i32
      %select_n3A_817 = arith.select %eq3A_815, %jit3A_816, %jit3A_813 : i32
      %rem3A_818 = arith.remsi %add3A_649, %select_n3A_817 : i32
      %ne3A_819 = arith.constant 0 : i32
      %ne3A_820 = arith.cmpi ne, %rem3A_818, %ne3A_819 : i32
      %lt3A_821 = arith.constant 0 : i32
      %lt3A_822 = arith.cmpi slt, %rem3A_818, %lt3A_821 : i32
      %lt3A_823 = arith.constant 0 : i32
      %lt3A_824 = arith.cmpi slt, %select_n3A_817, %lt3A_823 : i32
      %ne3A_825 = arith.xori %lt3A_822, %lt3A_824 : i1
      %and3A_826 = arith.andi %ne3A_825, %ne3A_820 : i1
      %add3A_827 = arith.addi %rem3A_818, %select_n3A_817 : i32
      %select_n3A_828 = arith.select %and3A_826, %add3A_827, %rem3A_818 : i32
      %eq3A_829 = arith.cmpi eq, %arg0, %select_n3A_828 : i32
      %convert_element_type3A_830 = arith.extui %eq3A_829 : i1 to i32
      %cond3A_831 = arith.constant 0 : i32
      %cond3A_832 = arith.cmpi ne, %convert_element_type3A_830, %cond3A_831 : i32
      scf.if %cond3A_832 {
        %add3A_833 = arith.constant 1 : i32
        %add3A_834 = arith.addi %mul3A_651, %add3A_833 : i32
        %mul3A_835 = arith.constant 128 : i32
        %mul3A_836 = arith.muli %add3A_834, %mul3A_835 : i32
        %multiple_of3A_837 = tpu.assume_multiple %mul3A_836, 128 : i32
        %dma_start3A_838 = tpu.memref_slice %arg7[%multiple_of3A_837] : memref<4096xi32, #tpu.memory_space<vmem>> -> memref<128xi32, #tpu.memory_space<vmem>>
        %dma_start3A_839 = arith.constant 0 : i32
        %dma_start3A_840 = tpu.memref_slice %arg14[%dma_start3A_839] : memref<10240xf32, #tpu.memory_space<vmem_shared>> -> memref<10240xf32, #tpu.memory_space<vmem_shared>>
        tpu.enqueue_indirect_dma source(%arg10 : memref<128xf32, #tpu.memory_space<vmem>>) target(%dma_start3A_840 : memref<10240xf32, #tpu.memory_space<vmem_shared>>) offsets(%dma_start3A_838 : memref<128xi32, #tpu.memory_space<vmem>>) semaphore(%arg20 : memref<!tpu.dma_semaphore, #tpu.memory_space<semaphore_mem>>) {add = true}
      } else {
      }
    }
    %scan3A_198 = arith.constant 8 : i32
    %multiple_of3A_199 = arith.constant 0 : i32
    %multiple_of3A_200 = tpu.assume_multiple %multiple_of3A_199, 128 : i32
    %dma_wait3A_201 = arith.constant 1 : i32
    %dma_wait3A_202 = arith.constant 0 : i32
    %dma_wait3A_203 = arith.constant 0 : i32
    %dma_wait3A_204 = arith.constant 0 : i32
    %dma_wait3A_205 = tpu.memref_slice %arg9[%dma_wait3A_201, %dma_wait3A_202, %dma_wait3A_203, %dma_wait3A_204] : memref<2x2x128x64xf32, #tpu.memory_space<vmem>> -> memref<1x1x128x64xf32, #tpu.memory_space<vmem>>
    %dma_wait3A_206 = tpu.memref_squeeze %dma_wait3A_205 : memref<1x1x128x64xf32, #tpu.memory_space<vmem>> -> memref<128x64xf32, #tpu.memory_space<vmem>>
    %dma_wait3A_207 = tpu.memref_slice %arg7[%multiple_of3A_200] : memref<4096xi32, #tpu.memory_space<vmem>> -> memref<128xi32, #tpu.memory_space<vmem>>
    %dma_wait3A_208 = arith.constant 0 : i32
    %dma_wait3A_209 = arith.constant 0 : i32
    %dma_wait3A_210 = tpu.memref_slice %arg12[%dma_wait3A_208, %dma_wait3A_209] : memref<10240x64xf32, #tpu.memory_space<vmem_shared>> -> memref<10240x64xf32, #tpu.memory_space<vmem_shared>>
    tpu.wait_indirect_dma semaphore(%arg18 : memref<!tpu.dma_semaphore, #tpu.memory_space<semaphore_mem>>) src(%dma_wait3A_206 : memref<128x64xf32, #tpu.memory_space<vmem>>) dst(%dma_wait3A_210 : memref<10240x64xf32, #tpu.memory_space<vmem_shared>>)
    %eq3A_211 = arith.constant 1 : i32
    %eq3A_212 = arith.cmpi eq, %arg0, %eq3A_211 : i32
    %convert_element_type3A_213 = arith.extui %eq3A_212 : i1 to i32
    %cond3A_214 = arith.constant 0 : i32
    %cond3A_215 = arith.cmpi ne, %convert_element_type3A_213, %cond3A_214 : i32
    scf.if %cond3A_215 {
      %multiple_of3A_490 = arith.constant 0 : i32
      %multiple_of3A_491 = tpu.assume_multiple %multiple_of3A_490, 128 : i32
      %dma_wait3A_492 = tpu.memref_slice %arg7[%multiple_of3A_491] : memref<4096xi32, #tpu.memory_space<vmem>> -> memref<128xi32, #tpu.memory_space<vmem>>
      %dma_wait3A_493 = arith.constant 0 : i32
      %dma_wait3A_494 = tpu.memref_slice %arg14[%dma_wait3A_493] : memref<10240xf32, #tpu.memory_space<vmem_shared>> -> memref<10240xf32, #tpu.memory_space<vmem_shared>>
      tpu.wait_indirect_dma semaphore(%arg20 : memref<!tpu.dma_semaphore, #tpu.memory_space<semaphore_mem>>) src(%arg10 : memref<128xf32, #tpu.memory_space<vmem>>) dst(%dma_wait3A_494 : memref<10240xf32, #tpu.memory_space<vmem_shared>>)
    } else {
    }
    %multiple_of3A_216 = arith.constant 0 : i32
    %multiple_of3A_217 = tpu.assume_multiple %multiple_of3A_216, 128 : i32
    %dma_wait3A_218 = arith.constant 1 : i32
    %dma_wait3A_219 = arith.constant 1 : i32
    %dma_wait3A_220 = arith.constant 0 : i32
    %dma_wait3A_221 = arith.constant 0 : i32
    %dma_wait3A_222 = tpu.memref_slice %arg9[%dma_wait3A_218, %dma_wait3A_219, %dma_wait3A_220, %dma_wait3A_221] : memref<2x2x128x64xf32, #tpu.memory_space<vmem>> -> memref<1x1x128x64xf32, #tpu.memory_space<vmem>>
    %dma_wait3A_223 = tpu.memref_squeeze %dma_wait3A_222 : memref<1x1x128x64xf32, #tpu.memory_space<vmem>> -> memref<128x64xf32, #tpu.memory_space<vmem>>
    %dma_wait3A_224 = tpu.memref_slice %arg7[%multiple_of3A_217] : memref<4096xi32, #tpu.memory_space<vmem>> -> memref<128xi32, #tpu.memory_space<vmem>>
    %dma_wait3A_225 = arith.constant 0 : i32
    %dma_wait3A_226 = arith.constant 0 : i32
    %dma_wait3A_227 = tpu.memref_slice %arg12[%dma_wait3A_225, %dma_wait3A_226] : memref<10240x64xf32, #tpu.memory_space<vmem_shared>> -> memref<10240x64xf32, #tpu.memory_space<vmem_shared>>
    tpu.wait_indirect_dma semaphore(%arg18 : memref<!tpu.dma_semaphore, #tpu.memory_space<semaphore_mem>>) src(%dma_wait3A_223 : memref<128x64xf32, #tpu.memory_space<vmem>>) dst(%dma_wait3A_227 : memref<10240x64xf32, #tpu.memory_space<vmem_shared>>)
    %eq3A_228 = arith.constant 1 : i32
    %eq3A_229 = arith.cmpi eq, %arg0, %eq3A_228 : i32
    %convert_element_type3A_230 = arith.extui %eq3A_229 : i1 to i32
    %cond3A_231 = arith.constant 0 : i32
    %cond3A_232 = arith.cmpi ne, %convert_element_type3A_230, %cond3A_231 : i32
    scf.if %cond3A_232 {
      %multiple_of3A_490 = arith.constant 0 : i32
      %multiple_of3A_491 = tpu.assume_multiple %multiple_of3A_490, 128 : i32
      %dma_wait3A_492 = tpu.memref_slice %arg7[%multiple_of3A_491] : memref<4096xi32, #tpu.memory_space<vmem>> -> memref<128xi32, #tpu.memory_space<vmem>>
      %dma_wait3A_493 = arith.constant 0 : i32
      %dma_wait3A_494 = tpu.memref_slice %arg14[%dma_wait3A_493] : memref<10240xf32, #tpu.memory_space<vmem_shared>> -> memref<10240xf32, #tpu.memory_space<vmem_shared>>
      tpu.wait_indirect_dma semaphore(%arg20 : memref<!tpu.dma_semaphore, #tpu.memory_space<semaphore_mem>>) src(%arg10 : memref<128xf32, #tpu.memory_space<vmem>>) dst(%dma_wait3A_494 : memref<10240xf32, #tpu.memory_space<vmem_shared>>)
    } else {
    }
    %mul3A_233 = arith.constant 156 : i32
    %mul3A_234 = arith.muli %arg1, %mul3A_233 : i32
    %add3A_235 = arith.constant 64 : i32
    %add3A_236 = arith.addi %mul3A_234, %add3A_235 : i32
    %mul3A_237 = arith.constant 128 : i32
    %mul3A_238 = arith.muli %add3A_236, %mul3A_237 : i32
    %run_scoped3A_239 = arith.constant 0 : i32
    "tpu.region"() ({
      %run_scoped3A_490 = tpu.sem_alloc : memref<!tpu.dma_semaphore, #tpu.memory_space<semaphore_mem>>
      %dma_start3A_491 = arith.constant 0 : i32
      %dma_start3A_492 = tpu.memref_slice %arg7[%dma_start3A_491] : memref<4096xi32, #tpu.memory_space<vmem>> -> memref<4096xi32, #tpu.memory_space<vmem>>
      %dma_start3A_493 = tpu.memref_slice %arg4[%run_scoped3A_239, %mul3A_238] : memref<2x320000xi32, #tpu.memory_space<hbm>> -> memref<1x4096xi32, #tpu.memory_space<hbm>>
      %dma_start3A_494 = tpu.memref_squeeze %dma_start3A_493 : memref<1x4096xi32, #tpu.memory_space<hbm>> -> memref<4096xi32, #tpu.memory_space<hbm>>
      %dma_start3A_495 = arith.constant 0 : i32
      %dma_start3A_496 = tpu.memref_slice %arg7[%dma_start3A_495] : memref<4096xi32, #tpu.memory_space<vmem>> -> memref<4096xi32, #tpu.memory_space<vmem>>
      %dma_start3A_497 = tpu.memref_slice %arg4[%run_scoped3A_239, %mul3A_238] : memref<2x320000xi32, #tpu.memory_space<hbm>> -> memref<1x4096xi32, #tpu.memory_space<hbm>>
      %dma_start3A_498 = tpu.memref_squeeze %dma_start3A_497 : memref<1x4096xi32, #tpu.memory_space<hbm>> -> memref<4096xi32, #tpu.memory_space<hbm>>
      tpu.enqueue_dma source(%dma_start3A_498 : memref<4096xi32, #tpu.memory_space<hbm>>) target(%dma_start3A_496 : memref<4096xi32, #tpu.memory_space<vmem>>) target_semaphore(%run_scoped3A_490 : memref<!tpu.dma_semaphore, #tpu.memory_space<semaphore_mem>>)
      %dma_wait3A_499 = arith.constant 0 : i32
      %dma_wait3A_500 = tpu.memref_slice %arg7[%dma_wait3A_499] : memref<4096xi32, #tpu.memory_space<vmem>> -> memref<4096xi32, #tpu.memory_space<vmem>>
      %dma_wait3A_501 = tpu.memref_slice %arg4[%run_scoped3A_239, %mul3A_238] : memref<2x320000xi32, #tpu.memory_space<hbm>> -> memref<1x4096xi32, #tpu.memory_space<hbm>>
      %dma_wait3A_502 = tpu.memref_squeeze %dma_wait3A_501 : memref<1x4096xi32, #tpu.memory_space<hbm>> -> memref<4096xi32, #tpu.memory_space<hbm>>
      %dma_wait3A_503 = arith.constant 0 : i32
      %dma_wait3A_504 = tpu.memref_slice %arg7[%dma_wait3A_503] : memref<4096xi32, #tpu.memory_space<vmem>> -> memref<4096xi32, #tpu.memory_space<vmem>>
      %dma_wait3A_505 = tpu.memref_slice %arg4[%run_scoped3A_239, %mul3A_238] : memref<2x320000xi32, #tpu.memory_space<hbm>> -> memref<1x4096xi32, #tpu.memory_space<hbm>>
      %dma_wait3A_506 = tpu.memref_squeeze %dma_wait3A_505 : memref<1x4096xi32, #tpu.memory_space<hbm>> -> memref<4096xi32, #tpu.memory_space<hbm>>
      tpu.wait_dma2 semaphore(%run_scoped3A_490 : memref<!tpu.dma_semaphore, #tpu.memory_space<semaphore_mem>>) src(%dma_wait3A_506 : memref<4096xi32, #tpu.memory_space<hbm>>) dst(%dma_wait3A_504 : memref<4096xi32, #tpu.memory_space<vmem>>)
      tpu.yield
    }) : () -> ()
    %run_scoped3A_240 = arith.constant 1 : i32
    "tpu.region"() ({
      %run_scoped3A_490 = tpu.sem_alloc : memref<!tpu.dma_semaphore, #tpu.memory_space<semaphore_mem>>
      %dma_start3A_491 = arith.constant 0 : i32
      %dma_start3A_492 = tpu.memref_slice %arg8[%dma_start3A_491] : memref<4096xi32, #tpu.memory_space<vmem>> -> memref<4096xi32, #tpu.memory_space<vmem>>
      %dma_start3A_493 = tpu.memref_slice %arg4[%run_scoped3A_240, %mul3A_238] : memref<2x320000xi32, #tpu.memory_space<hbm>> -> memref<1x4096xi32, #tpu.memory_space<hbm>>
      %dma_start3A_494 = tpu.memref_squeeze %dma_start3A_493 : memref<1x4096xi32, #tpu.memory_space<hbm>> -> memref<4096xi32, #tpu.memory_space<hbm>>
      %dma_start3A_495 = arith.constant 0 : i32
      %dma_start3A_496 = tpu.memref_slice %arg8[%dma_start3A_495] : memref<4096xi32, #tpu.memory_space<vmem>> -> memref<4096xi32, #tpu.memory_space<vmem>>
      %dma_start3A_497 = tpu.memref_slice %arg4[%run_scoped3A_240, %mul3A_238] : memref<2x320000xi32, #tpu.memory_space<hbm>> -> memref<1x4096xi32, #tpu.memory_space<hbm>>
      %dma_start3A_498 = tpu.memref_squeeze %dma_start3A_497 : memref<1x4096xi32, #tpu.memory_space<hbm>> -> memref<4096xi32, #tpu.memory_space<hbm>>
      tpu.enqueue_dma source(%dma_start3A_498 : memref<4096xi32, #tpu.memory_space<hbm>>) target(%dma_start3A_496 : memref<4096xi32, #tpu.memory_space<vmem>>) target_semaphore(%run_scoped3A_490 : memref<!tpu.dma_semaphore, #tpu.memory_space<semaphore_mem>>)
      %dma_wait3A_499 = arith.constant 0 : i32
      %dma_wait3A_500 = tpu.memref_slice %arg8[%dma_wait3A_499] : memref<4096xi32, #tpu.memory_space<vmem>> -> memref<4096xi32, #tpu.memory_space<vmem>>
      %dma_wait3A_501 = tpu.memref_slice %arg4[%run_scoped3A_240, %mul3A_238] : memref<2x320000xi32, #tpu.memory_space<hbm>> -> memref<1x4096xi32, #tpu.memory_space<hbm>>
      %dma_wait3A_502 = tpu.memref_squeeze %dma_wait3A_501 : memref<1x4096xi32, #tpu.memory_space<hbm>> -> memref<4096xi32, #tpu.memory_space<hbm>>
      %dma_wait3A_503 = arith.constant 0 : i32
      %dma_wait3A_504 = tpu.memref_slice %arg8[%dma_wait3A_503] : memref<4096xi32, #tpu.memory_space<vmem>> -> memref<4096xi32, #tpu.memory_space<vmem>>
      %dma_wait3A_505 = tpu.memref_slice %arg4[%run_scoped3A_240, %mul3A_238] : memref<2x320000xi32, #tpu.memory_space<hbm>> -> memref<1x4096xi32, #tpu.memory_space<hbm>>
      %dma_wait3A_506 = tpu.memref_squeeze %dma_wait3A_505 : memref<1x4096xi32, #tpu.memory_space<hbm>> -> memref<4096xi32, #tpu.memory_space<hbm>>
      tpu.wait_dma2 semaphore(%run_scoped3A_490 : memref<!tpu.dma_semaphore, #tpu.memory_space<semaphore_mem>>) src(%dma_wait3A_506 : memref<4096xi32, #tpu.memory_space<hbm>>) dst(%dma_wait3A_504 : memref<4096xi32, #tpu.memory_space<vmem>>)
      tpu.yield
    }) : () -> ()
    %multiple_of3A_241 = arith.constant 0 : i32
    %multiple_of3A_242 = tpu.assume_multiple %multiple_of3A_241, 128 : i32
    %dma_start3A_243 = arith.constant 0 : i32
    %dma_start3A_244 = arith.constant 0 : i32
    %dma_start3A_245 = arith.constant 0 : i32
    %dma_start3A_246 = arith.constant 0 : i32
    %dma_start3A_247 = tpu.memref_slice %arg9[%dma_start3A_243, %dma_start3A_244, %dma_start3A_245, %dma_start3A_246] : memref<2x2x128x64xf32, #tpu.memory_space<vmem>> -> memref<1x1x128x64xf32, #tpu.memory_space<vmem>>
    %dma_start3A_248 = tpu.memref_squeeze %dma_start3A_247 : memref<1x1x128x64xf32, #tpu.memory_space<vmem>> -> memref<128x64xf32, #tpu.memory_space<vmem>>
    %dma_start3A_249 = tpu.memref_slice %arg8[%multiple_of3A_242] : memref<4096xi32, #tpu.memory_space<vmem>> -> memref<128xi32, #tpu.memory_space<vmem>>
    %dma_start3A_250 = arith.constant 0 : i32
    %dma_start3A_251 = arith.constant 0 : i32
    %dma_start3A_252 = tpu.memref_slice %arg13[%dma_start3A_250, %dma_start3A_251] : memref<10240x64xf32, #tpu.memory_space<vmem_shared>> -> memref<10240x64xf32, #tpu.memory_space<vmem_shared>>
    tpu.enqueue_indirect_dma source(%dma_start3A_252 : memref<10240x64xf32, #tpu.memory_space<vmem_shared>>) target(%dma_start3A_248 : memref<128x64xf32, #tpu.memory_space<vmem>>) offsets(%dma_start3A_249 : memref<128xi32, #tpu.memory_space<vmem>>) semaphore(%arg15 : memref<!tpu.dma_semaphore, #tpu.memory_space<semaphore_mem>>)
    %multiple_of3A_253 = arith.constant 128 : i32
    %multiple_of3A_254 = tpu.assume_multiple %multiple_of3A_253, 128 : i32
    %dma_start3A_255 = arith.constant 0 : i32
    %dma_start3A_256 = arith.constant 1 : i32
    %dma_start3A_257 = arith.constant 0 : i32
    %dma_start3A_258 = arith.constant 0 : i32
    %dma_start3A_259 = tpu.memref_slice %arg9[%dma_start3A_255, %dma_start3A_256, %dma_start3A_257, %dma_start3A_258] : memref<2x2x128x64xf32, #tpu.memory_space<vmem>> -> memref<1x1x128x64xf32, #tpu.memory_space<vmem>>
    %dma_start3A_260 = tpu.memref_squeeze %dma_start3A_259 : memref<1x1x128x64xf32, #tpu.memory_space<vmem>> -> memref<128x64xf32, #tpu.memory_space<vmem>>
    %dma_start3A_261 = tpu.memref_slice %arg8[%multiple_of3A_254] : memref<4096xi32, #tpu.memory_space<vmem>> -> memref<128xi32, #tpu.memory_space<vmem>>
    %dma_start3A_262 = arith.constant 0 : i32
    %dma_start3A_263 = arith.constant 0 : i32
    %dma_start3A_264 = tpu.memref_slice %arg13[%dma_start3A_262, %dma_start3A_263] : memref<10240x64xf32, #tpu.memory_space<vmem_shared>> -> memref<10240x64xf32, #tpu.memory_space<vmem_shared>>
    tpu.enqueue_indirect_dma source(%dma_start3A_264 : memref<10240x64xf32, #tpu.memory_space<vmem_shared>>) target(%dma_start3A_260 : memref<128x64xf32, #tpu.memory_space<vmem>>) offsets(%dma_start3A_261 : memref<128xi32, #tpu.memory_space<vmem>>) semaphore(%arg15 : memref<!tpu.dma_semaphore, #tpu.memory_space<semaphore_mem>>)
    %scan3A_265 = arith.constant 0 : i32
    %scan3A_266 = arith.constant 0 : i32
    %scan3A_267 = arith.constant 8 : i32
    %scan3A_268 = arith.addi %scan3A_266, %scan3A_267 : i32
    %scan3A_269 = arith.constant 1 : i32
    scf.for %scan3A_490 = %scan3A_266 to %scan3A_268 step %scan3A_269  : i32 {
      %mul3A_491 = arith.constant 2 : i32
      %mul3A_492 = arith.muli %mul3A_491, %scan3A_490 : i32
      %add3A_493 = arith.constant 0 : i32
      %add3A_494 = arith.addi %mul3A_492, %add3A_493 : i32
      %mul3A_495 = arith.constant 2 : i32
      %mul3A_496 = arith.muli %add3A_494, %mul3A_495 : i32
      %gt3A = arith.constant 0 : i32
      %gt3A_497 = arith.cmpi sgt, %scan3A_490, %gt3A : i32
      %convert_element_type3A_498 = arith.extui %gt3A_497 : i1 to i32
      %cond3A_499 = arith.constant 0 : i32
      %cond3A_500 = arith.cmpi ne, %convert_element_type3A_498, %cond3A_499 : i32
      scf.if %cond3A_500 {
        %multiple_of3A_809 = arith.constant 0 : i32
        %multiple_of3A_810 = tpu.assume_multiple %multiple_of3A_809, 128 : i32
        %dma_wait3A_811 = arith.constant 1 : i32
        %dma_wait3A_812 = arith.constant 0 : i32
        %dma_wait3A_813 = arith.constant 0 : i32
        %dma_wait3A_814 = arith.constant 0 : i32
        %dma_wait3A_815 = tpu.memref_slice %arg9[%dma_wait3A_811, %dma_wait3A_812, %dma_wait3A_813, %dma_wait3A_814] : memref<2x2x128x64xf32, #tpu.memory_space<vmem>> -> memref<1x1x128x64xf32, #tpu.memory_space<vmem>>
        %dma_wait3A_816 = tpu.memref_squeeze %dma_wait3A_815 : memref<1x1x128x64xf32, #tpu.memory_space<vmem>> -> memref<128x64xf32, #tpu.memory_space<vmem>>
        %dma_wait3A_817 = tpu.memref_slice %arg7[%multiple_of3A_810] : memref<4096xi32, #tpu.memory_space<vmem>> -> memref<128xi32, #tpu.memory_space<vmem>>
        %dma_wait3A_818 = arith.constant 0 : i32
        %dma_wait3A_819 = arith.constant 0 : i32
        %dma_wait3A_820 = tpu.memref_slice %arg12[%dma_wait3A_818, %dma_wait3A_819] : memref<10240x64xf32, #tpu.memory_space<vmem_shared>> -> memref<10240x64xf32, #tpu.memory_space<vmem_shared>>
        tpu.wait_indirect_dma semaphore(%arg18 : memref<!tpu.dma_semaphore, #tpu.memory_space<semaphore_mem>>) src(%dma_wait3A_816 : memref<128x64xf32, #tpu.memory_space<vmem>>) dst(%dma_wait3A_820 : memref<10240x64xf32, #tpu.memory_space<vmem_shared>>)
        %add3A_821 = arith.constant 1 : i32
        %add3A_822 = arith.addi %add3A_494, %add3A_821 : i32
        %jit3A_823 = arith.constant 2 : i32
        %eq3A_824 = arith.constant 0 : i32
        %eq3A_825 = arith.cmpi eq, %jit3A_823, %eq3A_824 : i32
        %jit3A_826 = arith.constant 1 : i32
        %select_n3A_827 = arith.select %eq3A_825, %jit3A_826, %jit3A_823 : i32
        %rem3A_828 = arith.remsi %add3A_822, %select_n3A_827 : i32
        %ne3A_829 = arith.constant 0 : i32
        %ne3A_830 = arith.cmpi ne, %rem3A_828, %ne3A_829 : i32
        %lt3A_831 = arith.constant 0 : i32
        %lt3A_832 = arith.cmpi slt, %rem3A_828, %lt3A_831 : i32
        %lt3A_833 = arith.constant 0 : i32
        %lt3A_834 = arith.cmpi slt, %select_n3A_827, %lt3A_833 : i32
        %ne3A_835 = arith.xori %lt3A_832, %lt3A_834 : i1
        %and3A_836 = arith.andi %ne3A_835, %ne3A_830 : i1
        %add3A_837 = arith.addi %rem3A_828, %select_n3A_827 : i32
        %select_n3A_838 = arith.select %and3A_836, %add3A_837, %rem3A_828 : i32
        %eq3A_839 = arith.cmpi eq, %arg0, %select_n3A_838 : i32
        %convert_element_type3A_840 = arith.extui %eq3A_839 : i1 to i32
        %cond3A_841 = arith.constant 0 : i32
        %cond3A_842 = arith.cmpi ne, %convert_element_type3A_840, %cond3A_841 : i32
        scf.if %cond3A_842 {
          %multiple_of3A_877 = arith.constant 0 : i32
          %multiple_of3A_878 = tpu.assume_multiple %multiple_of3A_877, 128 : i32
          %dma_wait3A_879 = tpu.memref_slice %arg7[%multiple_of3A_878] : memref<4096xi32, #tpu.memory_space<vmem>> -> memref<128xi32, #tpu.memory_space<vmem>>
          %dma_wait3A_880 = arith.constant 0 : i32
          %dma_wait3A_881 = tpu.memref_slice %arg14[%dma_wait3A_880] : memref<10240xf32, #tpu.memory_space<vmem_shared>> -> memref<10240xf32, #tpu.memory_space<vmem_shared>>
          tpu.wait_indirect_dma semaphore(%arg20 : memref<!tpu.dma_semaphore, #tpu.memory_space<semaphore_mem>>) src(%arg10 : memref<128xf32, #tpu.memory_space<vmem>>) dst(%dma_wait3A_881 : memref<10240xf32, #tpu.memory_space<vmem_shared>>)
        } else {
        }
        %multiple_of3A_843 = arith.constant 0 : i32
        %multiple_of3A_844 = tpu.assume_multiple %multiple_of3A_843, 128 : i32
        %dma_wait3A_845 = arith.constant 1 : i32
        %dma_wait3A_846 = arith.constant 1 : i32
        %dma_wait3A_847 = arith.constant 0 : i32
        %dma_wait3A_848 = arith.constant 0 : i32
        %dma_wait3A_849 = tpu.memref_slice %arg9[%dma_wait3A_845, %dma_wait3A_846, %dma_wait3A_847, %dma_wait3A_848] : memref<2x2x128x64xf32, #tpu.memory_space<vmem>> -> memref<1x1x128x64xf32, #tpu.memory_space<vmem>>
        %dma_wait3A_850 = tpu.memref_squeeze %dma_wait3A_849 : memref<1x1x128x64xf32, #tpu.memory_space<vmem>> -> memref<128x64xf32, #tpu.memory_space<vmem>>
        %dma_wait3A_851 = tpu.memref_slice %arg7[%multiple_of3A_844] : memref<4096xi32, #tpu.memory_space<vmem>> -> memref<128xi32, #tpu.memory_space<vmem>>
        %dma_wait3A_852 = arith.constant 0 : i32
        %dma_wait3A_853 = arith.constant 0 : i32
        %dma_wait3A_854 = tpu.memref_slice %arg12[%dma_wait3A_852, %dma_wait3A_853] : memref<10240x64xf32, #tpu.memory_space<vmem_shared>> -> memref<10240x64xf32, #tpu.memory_space<vmem_shared>>
        tpu.wait_indirect_dma semaphore(%arg18 : memref<!tpu.dma_semaphore, #tpu.memory_space<semaphore_mem>>) src(%dma_wait3A_850 : memref<128x64xf32, #tpu.memory_space<vmem>>) dst(%dma_wait3A_854 : memref<10240x64xf32, #tpu.memory_space<vmem_shared>>)
        %add3A_855 = arith.constant 1 : i32
        %add3A_856 = arith.addi %add3A_494, %add3A_855 : i32
        %jit3A_857 = arith.constant 2 : i32
        %eq3A_858 = arith.constant 0 : i32
        %eq3A_859 = arith.cmpi eq, %jit3A_857, %eq3A_858 : i32
        %jit3A_860 = arith.constant 1 : i32
        %select_n3A_861 = arith.select %eq3A_859, %jit3A_860, %jit3A_857 : i32
        %rem3A_862 = arith.remsi %add3A_856, %select_n3A_861 : i32
        %ne3A_863 = arith.constant 0 : i32
        %ne3A_864 = arith.cmpi ne, %rem3A_862, %ne3A_863 : i32
        %lt3A_865 = arith.constant 0 : i32
        %lt3A_866 = arith.cmpi slt, %rem3A_862, %lt3A_865 : i32
        %lt3A_867 = arith.constant 0 : i32
        %lt3A_868 = arith.cmpi slt, %select_n3A_861, %lt3A_867 : i32
        %ne3A_869 = arith.xori %lt3A_866, %lt3A_868 : i1
        %and3A_870 = arith.andi %ne3A_869, %ne3A_864 : i1
        %add3A_871 = arith.addi %rem3A_862, %select_n3A_861 : i32
        %select_n3A_872 = arith.select %and3A_870, %add3A_871, %rem3A_862 : i32
        %eq3A_873 = arith.cmpi eq, %arg0, %select_n3A_872 : i32
        %convert_element_type3A_874 = arith.extui %eq3A_873 : i1 to i32
        %cond3A_875 = arith.constant 0 : i32
        %cond3A_876 = arith.cmpi ne, %convert_element_type3A_874, %cond3A_875 : i32
        scf.if %cond3A_876 {
          %multiple_of3A_877 = arith.constant 0 : i32
          %multiple_of3A_878 = tpu.assume_multiple %multiple_of3A_877, 128 : i32
          %dma_wait3A_879 = tpu.memref_slice %arg7[%multiple_of3A_878] : memref<4096xi32, #tpu.memory_space<vmem>> -> memref<128xi32, #tpu.memory_space<vmem>>
          %dma_wait3A_880 = arith.constant 0 : i32
          %dma_wait3A_881 = tpu.memref_slice %arg14[%dma_wait3A_880] : memref<10240xf32, #tpu.memory_space<vmem_shared>> -> memref<10240xf32, #tpu.memory_space<vmem_shared>>
          tpu.wait_indirect_dma semaphore(%arg20 : memref<!tpu.dma_semaphore, #tpu.memory_space<semaphore_mem>>) src(%arg10 : memref<128xf32, #tpu.memory_space<vmem>>) dst(%dma_wait3A_881 : memref<10240xf32, #tpu.memory_space<vmem_shared>>)
        } else {
        }
      } else {
      }
      %add3A_501 = arith.constant 2 : i32
      %add3A_502 = arith.addi %mul3A_496, %add3A_501 : i32
      %add3A_503 = arith.constant 0 : i32
      %add3A_504 = arith.addi %add3A_502, %add3A_503 : i32
      %mul3A_505 = arith.constant 128 : i32
      %mul3A_506 = arith.muli %add3A_504, %mul3A_505 : i32
      %multiple_of3A_507 = tpu.assume_multiple %mul3A_506, 128 : i32
      %dma_start3A_508 = arith.constant 1 : i32
      %dma_start3A_509 = arith.constant 0 : i32
      %dma_start3A_510 = arith.constant 0 : i32
      %dma_start3A_511 = arith.constant 0 : i32
      %dma_start3A_512 = tpu.memref_slice %arg9[%dma_start3A_508, %dma_start3A_509, %dma_start3A_510, %dma_start3A_511] : memref<2x2x128x64xf32, #tpu.memory_space<vmem>> -> memref<1x1x128x64xf32, #tpu.memory_space<vmem>>
      %dma_start3A_513 = tpu.memref_squeeze %dma_start3A_512 : memref<1x1x128x64xf32, #tpu.memory_space<vmem>> -> memref<128x64xf32, #tpu.memory_space<vmem>>
      %dma_start3A_514 = tpu.memref_slice %arg8[%multiple_of3A_507] : memref<4096xi32, #tpu.memory_space<vmem>> -> memref<128xi32, #tpu.memory_space<vmem>>
      %dma_start3A_515 = arith.constant 0 : i32
      %dma_start3A_516 = arith.constant 0 : i32
      %dma_start3A_517 = tpu.memref_slice %arg13[%dma_start3A_515, %dma_start3A_516] : memref<10240x64xf32, #tpu.memory_space<vmem_shared>> -> memref<10240x64xf32, #tpu.memory_space<vmem_shared>>
      tpu.enqueue_indirect_dma source(%dma_start3A_517 : memref<10240x64xf32, #tpu.memory_space<vmem_shared>>) target(%dma_start3A_513 : memref<128x64xf32, #tpu.memory_space<vmem>>) offsets(%dma_start3A_514 : memref<128xi32, #tpu.memory_space<vmem>>) semaphore(%arg16 : memref<!tpu.dma_semaphore, #tpu.memory_space<semaphore_mem>>)
      %add3A_518 = arith.constant 2 : i32
      %add3A_519 = arith.addi %mul3A_496, %add3A_518 : i32
      %add3A_520 = arith.constant 1 : i32
      %add3A_521 = arith.addi %add3A_519, %add3A_520 : i32
      %mul3A_522 = arith.constant 128 : i32
      %mul3A_523 = arith.muli %add3A_521, %mul3A_522 : i32
      %multiple_of3A_524 = tpu.assume_multiple %mul3A_523, 128 : i32
      %dma_start3A_525 = arith.constant 1 : i32
      %dma_start3A_526 = arith.constant 1 : i32
      %dma_start3A_527 = arith.constant 0 : i32
      %dma_start3A_528 = arith.constant 0 : i32
      %dma_start3A_529 = tpu.memref_slice %arg9[%dma_start3A_525, %dma_start3A_526, %dma_start3A_527, %dma_start3A_528] : memref<2x2x128x64xf32, #tpu.memory_space<vmem>> -> memref<1x1x128x64xf32, #tpu.memory_space<vmem>>
      %dma_start3A_530 = tpu.memref_squeeze %dma_start3A_529 : memref<1x1x128x64xf32, #tpu.memory_space<vmem>> -> memref<128x64xf32, #tpu.memory_space<vmem>>
      %dma_start3A_531 = tpu.memref_slice %arg8[%multiple_of3A_524] : memref<4096xi32, #tpu.memory_space<vmem>> -> memref<128xi32, #tpu.memory_space<vmem>>
      %dma_start3A_532 = arith.constant 0 : i32
      %dma_start3A_533 = arith.constant 0 : i32
      %dma_start3A_534 = tpu.memref_slice %arg13[%dma_start3A_532, %dma_start3A_533] : memref<10240x64xf32, #tpu.memory_space<vmem_shared>> -> memref<10240x64xf32, #tpu.memory_space<vmem_shared>>
      tpu.enqueue_indirect_dma source(%dma_start3A_534 : memref<10240x64xf32, #tpu.memory_space<vmem_shared>>) target(%dma_start3A_530 : memref<128x64xf32, #tpu.memory_space<vmem>>) offsets(%dma_start3A_531 : memref<128xi32, #tpu.memory_space<vmem>>) semaphore(%arg16 : memref<!tpu.dma_semaphore, #tpu.memory_space<semaphore_mem>>)
      %add3A_535 = arith.constant 0 : i32
      %add3A_536 = arith.addi %mul3A_496, %add3A_535 : i32
      %mul3A_537 = arith.constant 128 : i32
      %mul3A_538 = arith.muli %add3A_536, %mul3A_537 : i32
      %multiple_of3A_539 = tpu.assume_multiple %mul3A_538, 128 : i32
      %dma_wait3A_540 = arith.constant 0 : i32
      %dma_wait3A_541 = arith.constant 0 : i32
      %dma_wait3A_542 = arith.constant 0 : i32
      %dma_wait3A_543 = arith.constant 0 : i32
      %dma_wait3A_544 = tpu.memref_slice %arg9[%dma_wait3A_540, %dma_wait3A_541, %dma_wait3A_542, %dma_wait3A_543] : memref<2x2x128x64xf32, #tpu.memory_space<vmem>> -> memref<1x1x128x64xf32, #tpu.memory_space<vmem>>
      %dma_wait3A_545 = tpu.memref_squeeze %dma_wait3A_544 : memref<1x1x128x64xf32, #tpu.memory_space<vmem>> -> memref<128x64xf32, #tpu.memory_space<vmem>>
      %dma_wait3A_546 = tpu.memref_slice %arg8[%multiple_of3A_539] : memref<4096xi32, #tpu.memory_space<vmem>> -> memref<128xi32, #tpu.memory_space<vmem>>
      %dma_wait3A_547 = arith.constant 0 : i32
      %dma_wait3A_548 = arith.constant 0 : i32
      %dma_wait3A_549 = tpu.memref_slice %arg13[%dma_wait3A_547, %dma_wait3A_548] : memref<10240x64xf32, #tpu.memory_space<vmem_shared>> -> memref<10240x64xf32, #tpu.memory_space<vmem_shared>>
      tpu.wait_indirect_dma semaphore(%arg15 : memref<!tpu.dma_semaphore, #tpu.memory_space<semaphore_mem>>) src(%dma_wait3A_549 : memref<10240x64xf32, #tpu.memory_space<vmem_shared>>) dst(%dma_wait3A_545 : memref<128x64xf32, #tpu.memory_space<vmem>>)
      %add3A_550 = arith.constant 1 : i32
      %add3A_551 = arith.addi %mul3A_496, %add3A_550 : i32
      %mul3A_552 = arith.constant 128 : i32
      %mul3A_553 = arith.muli %add3A_551, %mul3A_552 : i32
      %multiple_of3A_554 = tpu.assume_multiple %mul3A_553, 128 : i32
      %dma_wait3A_555 = arith.constant 0 : i32
      %dma_wait3A_556 = arith.constant 1 : i32
      %dma_wait3A_557 = arith.constant 0 : i32
      %dma_wait3A_558 = arith.constant 0 : i32
      %dma_wait3A_559 = tpu.memref_slice %arg9[%dma_wait3A_555, %dma_wait3A_556, %dma_wait3A_557, %dma_wait3A_558] : memref<2x2x128x64xf32, #tpu.memory_space<vmem>> -> memref<1x1x128x64xf32, #tpu.memory_space<vmem>>
      %dma_wait3A_560 = tpu.memref_squeeze %dma_wait3A_559 : memref<1x1x128x64xf32, #tpu.memory_space<vmem>> -> memref<128x64xf32, #tpu.memory_space<vmem>>
      %dma_wait3A_561 = tpu.memref_slice %arg8[%multiple_of3A_554] : memref<4096xi32, #tpu.memory_space<vmem>> -> memref<128xi32, #tpu.memory_space<vmem>>
      %dma_wait3A_562 = arith.constant 0 : i32
      %dma_wait3A_563 = arith.constant 0 : i32
      %dma_wait3A_564 = tpu.memref_slice %arg13[%dma_wait3A_562, %dma_wait3A_563] : memref<10240x64xf32, #tpu.memory_space<vmem_shared>> -> memref<10240x64xf32, #tpu.memory_space<vmem_shared>>
      tpu.wait_indirect_dma semaphore(%arg15 : memref<!tpu.dma_semaphore, #tpu.memory_space<semaphore_mem>>) src(%dma_wait3A_564 : memref<10240x64xf32, #tpu.memory_space<vmem_shared>>) dst(%dma_wait3A_560 : memref<128x64xf32, #tpu.memory_space<vmem>>)
      %add3A_565 = arith.constant 0 : i32
      %add3A_566 = arith.addi %mul3A_496, %add3A_565 : i32
      %mul3A_567 = arith.constant 128 : i32
      %mul3A_568 = arith.muli %add3A_566, %mul3A_567 : i32
      %multiple_of3A_569 = tpu.assume_multiple %mul3A_568, 128 : i32
      %dma_start3A_570 = arith.constant 0 : i32
      %dma_start3A_571 = arith.constant 0 : i32
      %dma_start3A_572 = arith.constant 0 : i32
      %dma_start3A_573 = arith.constant 0 : i32
      %dma_start3A_574 = tpu.memref_slice %arg9[%dma_start3A_570, %dma_start3A_571, %dma_start3A_572, %dma_start3A_573] : memref<2x2x128x64xf32, #tpu.memory_space<vmem>> -> memref<1x1x128x64xf32, #tpu.memory_space<vmem>>
      %dma_start3A_575 = tpu.memref_squeeze %dma_start3A_574 : memref<1x1x128x64xf32, #tpu.memory_space<vmem>> -> memref<128x64xf32, #tpu.memory_space<vmem>>
      %dma_start3A_576 = tpu.memref_slice %arg7[%multiple_of3A_569] : memref<4096xi32, #tpu.memory_space<vmem>> -> memref<128xi32, #tpu.memory_space<vmem>>
      %dma_start3A_577 = arith.constant 0 : i32
      %dma_start3A_578 = arith.constant 0 : i32
      %dma_start3A_579 = tpu.memref_slice %arg12[%dma_start3A_577, %dma_start3A_578] : memref<10240x64xf32, #tpu.memory_space<vmem_shared>> -> memref<10240x64xf32, #tpu.memory_space<vmem_shared>>
      tpu.enqueue_indirect_dma source(%dma_start3A_575 : memref<128x64xf32, #tpu.memory_space<vmem>>) target(%dma_start3A_579 : memref<10240x64xf32, #tpu.memory_space<vmem_shared>>) offsets(%dma_start3A_576 : memref<128xi32, #tpu.memory_space<vmem>>) semaphore(%arg17 : memref<!tpu.dma_semaphore, #tpu.memory_space<semaphore_mem>>) {add = true}
      %jit3A = arith.constant 2 : i32
      %eq3A_580 = arith.constant 0 : i32
      %eq3A_581 = arith.cmpi eq, %jit3A, %eq3A_580 : i32
      %jit3A_582 = arith.constant 1 : i32
      %select_n3A = arith.select %eq3A_581, %jit3A_582, %jit3A : i32
      %rem3A = arith.remsi %add3A_494, %select_n3A : i32
      %ne3A = arith.constant 0 : i32
      %ne3A_583 = arith.cmpi ne, %rem3A, %ne3A : i32
      %lt3A_584 = arith.constant 0 : i32
      %lt3A_585 = arith.cmpi slt, %rem3A, %lt3A_584 : i32
      %lt3A_586 = arith.constant 0 : i32
      %lt3A_587 = arith.cmpi slt, %select_n3A, %lt3A_586 : i32
      %ne3A_588 = arith.xori %lt3A_585, %lt3A_587 : i1
      %and3A = arith.andi %ne3A_588, %ne3A_583 : i1
      %add3A_589 = arith.addi %rem3A, %select_n3A : i32
      %select_n3A_590 = arith.select %and3A, %add3A_589, %rem3A : i32
      %eq3A_591 = arith.cmpi eq, %arg0, %select_n3A_590 : i32
      %convert_element_type3A_592 = arith.extui %eq3A_591 : i1 to i32
      %cond3A_593 = arith.constant 0 : i32
      %cond3A_594 = arith.cmpi ne, %convert_element_type3A_592, %cond3A_593 : i32
      scf.if %cond3A_594 {
        %add3A_809 = arith.constant 0 : i32
        %add3A_810 = arith.addi %mul3A_496, %add3A_809 : i32
        %mul3A_811 = arith.constant 128 : i32
        %mul3A_812 = arith.muli %add3A_810, %mul3A_811 : i32
        %multiple_of3A_813 = tpu.assume_multiple %mul3A_812, 128 : i32
        %dma_start3A_814 = tpu.memref_slice %arg7[%multiple_of3A_813] : memref<4096xi32, #tpu.memory_space<vmem>> -> memref<128xi32, #tpu.memory_space<vmem>>
        %dma_start3A_815 = arith.constant 0 : i32
        %dma_start3A_816 = tpu.memref_slice %arg14[%dma_start3A_815] : memref<10240xf32, #tpu.memory_space<vmem_shared>> -> memref<10240xf32, #tpu.memory_space<vmem_shared>>
        tpu.enqueue_indirect_dma source(%arg10 : memref<128xf32, #tpu.memory_space<vmem>>) target(%dma_start3A_816 : memref<10240xf32, #tpu.memory_space<vmem_shared>>) offsets(%dma_start3A_814 : memref<128xi32, #tpu.memory_space<vmem>>) semaphore(%arg19 : memref<!tpu.dma_semaphore, #tpu.memory_space<semaphore_mem>>) {add = true}
      } else {
      }
      %add3A_595 = arith.constant 1 : i32
      %add3A_596 = arith.addi %mul3A_496, %add3A_595 : i32
      %mul3A_597 = arith.constant 128 : i32
      %mul3A_598 = arith.muli %add3A_596, %mul3A_597 : i32
      %multiple_of3A_599 = tpu.assume_multiple %mul3A_598, 128 : i32
      %dma_start3A_600 = arith.constant 0 : i32
      %dma_start3A_601 = arith.constant 1 : i32
      %dma_start3A_602 = arith.constant 0 : i32
      %dma_start3A_603 = arith.constant 0 : i32
      %dma_start3A_604 = tpu.memref_slice %arg9[%dma_start3A_600, %dma_start3A_601, %dma_start3A_602, %dma_start3A_603] : memref<2x2x128x64xf32, #tpu.memory_space<vmem>> -> memref<1x1x128x64xf32, #tpu.memory_space<vmem>>
      %dma_start3A_605 = tpu.memref_squeeze %dma_start3A_604 : memref<1x1x128x64xf32, #tpu.memory_space<vmem>> -> memref<128x64xf32, #tpu.memory_space<vmem>>
      %dma_start3A_606 = tpu.memref_slice %arg7[%multiple_of3A_599] : memref<4096xi32, #tpu.memory_space<vmem>> -> memref<128xi32, #tpu.memory_space<vmem>>
      %dma_start3A_607 = arith.constant 0 : i32
      %dma_start3A_608 = arith.constant 0 : i32
      %dma_start3A_609 = tpu.memref_slice %arg12[%dma_start3A_607, %dma_start3A_608] : memref<10240x64xf32, #tpu.memory_space<vmem_shared>> -> memref<10240x64xf32, #tpu.memory_space<vmem_shared>>
      tpu.enqueue_indirect_dma source(%dma_start3A_605 : memref<128x64xf32, #tpu.memory_space<vmem>>) target(%dma_start3A_609 : memref<10240x64xf32, #tpu.memory_space<vmem_shared>>) offsets(%dma_start3A_606 : memref<128xi32, #tpu.memory_space<vmem>>) semaphore(%arg17 : memref<!tpu.dma_semaphore, #tpu.memory_space<semaphore_mem>>) {add = true}
      %jit3A_610 = arith.constant 2 : i32
      %eq3A_611 = arith.constant 0 : i32
      %eq3A_612 = arith.cmpi eq, %jit3A_610, %eq3A_611 : i32
      %jit3A_613 = arith.constant 1 : i32
      %select_n3A_614 = arith.select %eq3A_612, %jit3A_613, %jit3A_610 : i32
      %rem3A_615 = arith.remsi %add3A_494, %select_n3A_614 : i32
      %ne3A_616 = arith.constant 0 : i32
      %ne3A_617 = arith.cmpi ne, %rem3A_615, %ne3A_616 : i32
      %lt3A_618 = arith.constant 0 : i32
      %lt3A_619 = arith.cmpi slt, %rem3A_615, %lt3A_618 : i32
      %lt3A_620 = arith.constant 0 : i32
      %lt3A_621 = arith.cmpi slt, %select_n3A_614, %lt3A_620 : i32
      %ne3A_622 = arith.xori %lt3A_619, %lt3A_621 : i1
      %and3A_623 = arith.andi %ne3A_622, %ne3A_617 : i1
      %add3A_624 = arith.addi %rem3A_615, %select_n3A_614 : i32
      %select_n3A_625 = arith.select %and3A_623, %add3A_624, %rem3A_615 : i32
      %eq3A_626 = arith.cmpi eq, %arg0, %select_n3A_625 : i32
      %convert_element_type3A_627 = arith.extui %eq3A_626 : i1 to i32
      %cond3A_628 = arith.constant 0 : i32
      %cond3A_629 = arith.cmpi ne, %convert_element_type3A_627, %cond3A_628 : i32
      scf.if %cond3A_629 {
        %add3A_809 = arith.constant 1 : i32
        %add3A_810 = arith.addi %mul3A_496, %add3A_809 : i32
        %mul3A_811 = arith.constant 128 : i32
        %mul3A_812 = arith.muli %add3A_810, %mul3A_811 : i32
        %multiple_of3A_813 = tpu.assume_multiple %mul3A_812, 128 : i32
        %dma_start3A_814 = tpu.memref_slice %arg7[%multiple_of3A_813] : memref<4096xi32, #tpu.memory_space<vmem>> -> memref<128xi32, #tpu.memory_space<vmem>>
        %dma_start3A_815 = arith.constant 0 : i32
        %dma_start3A_816 = tpu.memref_slice %arg14[%dma_start3A_815] : memref<10240xf32, #tpu.memory_space<vmem_shared>> -> memref<10240xf32, #tpu.memory_space<vmem_shared>>
        tpu.enqueue_indirect_dma source(%arg10 : memref<128xf32, #tpu.memory_space<vmem>>) target(%dma_start3A_816 : memref<10240xf32, #tpu.memory_space<vmem_shared>>) offsets(%dma_start3A_814 : memref<128xi32, #tpu.memory_space<vmem>>) semaphore(%arg19 : memref<!tpu.dma_semaphore, #tpu.memory_space<semaphore_mem>>) {add = true}
      } else {
      }
      %mul3A_630 = arith.constant 2 : i32
      %mul3A_631 = arith.muli %mul3A_630, %scan3A_490 : i32
      %add3A_632 = arith.constant 1 : i32
      %add3A_633 = arith.addi %mul3A_631, %add3A_632 : i32
      %mul3A_634 = arith.constant 2 : i32
      %mul3A_635 = arith.muli %add3A_633, %mul3A_634 : i32
      %multiple_of3A_636 = arith.constant 0 : i32
      %multiple_of3A_637 = tpu.assume_multiple %multiple_of3A_636, 128 : i32
      %dma_wait3A_638 = arith.constant 0 : i32
      %dma_wait3A_639 = arith.constant 0 : i32
      %dma_wait3A_640 = arith.constant 0 : i32
      %dma_wait3A_641 = arith.constant 0 : i32
      %dma_wait3A_642 = tpu.memref_slice %arg9[%dma_wait3A_638, %dma_wait3A_639, %dma_wait3A_640, %dma_wait3A_641] : memref<2x2x128x64xf32, #tpu.memory_space<vmem>> -> memref<1x1x128x64xf32, #tpu.memory_space<vmem>>
      %dma_wait3A_643 = tpu.memref_squeeze %dma_wait3A_642 : memref<1x1x128x64xf32, #tpu.memory_space<vmem>> -> memref<128x64xf32, #tpu.memory_space<vmem>>
      %dma_wait3A_644 = tpu.memref_slice %arg7[%multiple_of3A_637] : memref<4096xi32, #tpu.memory_space<vmem>> -> memref<128xi32, #tpu.memory_space<vmem>>
      %dma_wait3A_645 = arith.constant 0 : i32
      %dma_wait3A_646 = arith.constant 0 : i32
      %dma_wait3A_647 = tpu.memref_slice %arg12[%dma_wait3A_645, %dma_wait3A_646] : memref<10240x64xf32, #tpu.memory_space<vmem_shared>> -> memref<10240x64xf32, #tpu.memory_space<vmem_shared>>
      tpu.wait_indirect_dma semaphore(%arg17 : memref<!tpu.dma_semaphore, #tpu.memory_space<semaphore_mem>>) src(%dma_wait3A_643 : memref<128x64xf32, #tpu.memory_space<vmem>>) dst(%dma_wait3A_647 : memref<10240x64xf32, #tpu.memory_space<vmem_shared>>)
      %add3A_648 = arith.constant 1 : i32
      %add3A_649 = arith.addi %add3A_633, %add3A_648 : i32
      %jit3A_650 = arith.constant 2 : i32
      %eq3A_651 = arith.constant 0 : i32
      %eq3A_652 = arith.cmpi eq, %jit3A_650, %eq3A_651 : i32
      %jit3A_653 = arith.constant 1 : i32
      %select_n3A_654 = arith.select %eq3A_652, %jit3A_653, %jit3A_650 : i32
      %rem3A_655 = arith.remsi %add3A_649, %select_n3A_654 : i32
      %ne3A_656 = arith.constant 0 : i32
      %ne3A_657 = arith.cmpi ne, %rem3A_655, %ne3A_656 : i32
      %lt3A_658 = arith.constant 0 : i32
      %lt3A_659 = arith.cmpi slt, %rem3A_655, %lt3A_658 : i32
      %lt3A_660 = arith.constant 0 : i32
      %lt3A_661 = arith.cmpi slt, %select_n3A_654, %lt3A_660 : i32
      %ne3A_662 = arith.xori %lt3A_659, %lt3A_661 : i1
      %and3A_663 = arith.andi %ne3A_662, %ne3A_657 : i1
      %add3A_664 = arith.addi %rem3A_655, %select_n3A_654 : i32
      %select_n3A_665 = arith.select %and3A_663, %add3A_664, %rem3A_655 : i32
      %eq3A_666 = arith.cmpi eq, %arg0, %select_n3A_665 : i32
      %convert_element_type3A_667 = arith.extui %eq3A_666 : i1 to i32
      %cond3A_668 = arith.constant 0 : i32
      %cond3A_669 = arith.cmpi ne, %convert_element_type3A_667, %cond3A_668 : i32
      scf.if %cond3A_669 {
        %multiple_of3A_809 = arith.constant 0 : i32
        %multiple_of3A_810 = tpu.assume_multiple %multiple_of3A_809, 128 : i32
        %dma_wait3A_811 = tpu.memref_slice %arg7[%multiple_of3A_810] : memref<4096xi32, #tpu.memory_space<vmem>> -> memref<128xi32, #tpu.memory_space<vmem>>
        %dma_wait3A_812 = arith.constant 0 : i32
        %dma_wait3A_813 = tpu.memref_slice %arg14[%dma_wait3A_812] : memref<10240xf32, #tpu.memory_space<vmem_shared>> -> memref<10240xf32, #tpu.memory_space<vmem_shared>>
        tpu.wait_indirect_dma semaphore(%arg19 : memref<!tpu.dma_semaphore, #tpu.memory_space<semaphore_mem>>) src(%arg10 : memref<128xf32, #tpu.memory_space<vmem>>) dst(%dma_wait3A_813 : memref<10240xf32, #tpu.memory_space<vmem_shared>>)
      } else {
      }
      %multiple_of3A_670 = arith.constant 0 : i32
      %multiple_of3A_671 = tpu.assume_multiple %multiple_of3A_670, 128 : i32
      %dma_wait3A_672 = arith.constant 0 : i32
      %dma_wait3A_673 = arith.constant 1 : i32
      %dma_wait3A_674 = arith.constant 0 : i32
      %dma_wait3A_675 = arith.constant 0 : i32
      %dma_wait3A_676 = tpu.memref_slice %arg9[%dma_wait3A_672, %dma_wait3A_673, %dma_wait3A_674, %dma_wait3A_675] : memref<2x2x128x64xf32, #tpu.memory_space<vmem>> -> memref<1x1x128x64xf32, #tpu.memory_space<vmem>>
      %dma_wait3A_677 = tpu.memref_squeeze %dma_wait3A_676 : memref<1x1x128x64xf32, #tpu.memory_space<vmem>> -> memref<128x64xf32, #tpu.memory_space<vmem>>
      %dma_wait3A_678 = tpu.memref_slice %arg7[%multiple_of3A_671] : memref<4096xi32, #tpu.memory_space<vmem>> -> memref<128xi32, #tpu.memory_space<vmem>>
      %dma_wait3A_679 = arith.constant 0 : i32
      %dma_wait3A_680 = arith.constant 0 : i32
      %dma_wait3A_681 = tpu.memref_slice %arg12[%dma_wait3A_679, %dma_wait3A_680] : memref<10240x64xf32, #tpu.memory_space<vmem_shared>> -> memref<10240x64xf32, #tpu.memory_space<vmem_shared>>
      tpu.wait_indirect_dma semaphore(%arg17 : memref<!tpu.dma_semaphore, #tpu.memory_space<semaphore_mem>>) src(%dma_wait3A_677 : memref<128x64xf32, #tpu.memory_space<vmem>>) dst(%dma_wait3A_681 : memref<10240x64xf32, #tpu.memory_space<vmem_shared>>)
      %add3A_682 = arith.constant 1 : i32
      %add3A_683 = arith.addi %add3A_633, %add3A_682 : i32
      %jit3A_684 = arith.constant 2 : i32
      %eq3A_685 = arith.constant 0 : i32
      %eq3A_686 = arith.cmpi eq, %jit3A_684, %eq3A_685 : i32
      %jit3A_687 = arith.constant 1 : i32
      %select_n3A_688 = arith.select %eq3A_686, %jit3A_687, %jit3A_684 : i32
      %rem3A_689 = arith.remsi %add3A_683, %select_n3A_688 : i32
      %ne3A_690 = arith.constant 0 : i32
      %ne3A_691 = arith.cmpi ne, %rem3A_689, %ne3A_690 : i32
      %lt3A_692 = arith.constant 0 : i32
      %lt3A_693 = arith.cmpi slt, %rem3A_689, %lt3A_692 : i32
      %lt3A_694 = arith.constant 0 : i32
      %lt3A_695 = arith.cmpi slt, %select_n3A_688, %lt3A_694 : i32
      %ne3A_696 = arith.xori %lt3A_693, %lt3A_695 : i1
      %and3A_697 = arith.andi %ne3A_696, %ne3A_691 : i1
      %add3A_698 = arith.addi %rem3A_689, %select_n3A_688 : i32
      %select_n3A_699 = arith.select %and3A_697, %add3A_698, %rem3A_689 : i32
      %eq3A_700 = arith.cmpi eq, %arg0, %select_n3A_699 : i32
      %convert_element_type3A_701 = arith.extui %eq3A_700 : i1 to i32
      %cond3A_702 = arith.constant 0 : i32
      %cond3A_703 = arith.cmpi ne, %convert_element_type3A_701, %cond3A_702 : i32
      scf.if %cond3A_703 {
        %multiple_of3A_809 = arith.constant 0 : i32
        %multiple_of3A_810 = tpu.assume_multiple %multiple_of3A_809, 128 : i32
        %dma_wait3A_811 = tpu.memref_slice %arg7[%multiple_of3A_810] : memref<4096xi32, #tpu.memory_space<vmem>> -> memref<128xi32, #tpu.memory_space<vmem>>
        %dma_wait3A_812 = arith.constant 0 : i32
        %dma_wait3A_813 = tpu.memref_slice %arg14[%dma_wait3A_812] : memref<10240xf32, #tpu.memory_space<vmem_shared>> -> memref<10240xf32, #tpu.memory_space<vmem_shared>>
        tpu.wait_indirect_dma semaphore(%arg19 : memref<!tpu.dma_semaphore, #tpu.memory_space<semaphore_mem>>) src(%arg10 : memref<128xf32, #tpu.memory_space<vmem>>) dst(%dma_wait3A_813 : memref<10240xf32, #tpu.memory_space<vmem_shared>>)
      } else {
      }
      %lt3A_704 = arith.constant 7 : i32
      %lt3A_705 = arith.cmpi slt, %scan3A_490, %lt3A_704 : i32
      %convert_element_type3A_706 = arith.extui %lt3A_705 : i1 to i32
      %cond3A_707 = arith.constant 0 : i32
      %cond3A_708 = arith.cmpi ne, %convert_element_type3A_706, %cond3A_707 : i32
      scf.if %cond3A_708 {
        %add3A_809 = arith.constant 2 : i32
        %add3A_810 = arith.addi %mul3A_635, %add3A_809 : i32
        %add3A_811 = arith.constant 0 : i32
        %add3A_812 = arith.addi %add3A_810, %add3A_811 : i32
        %mul3A_813 = arith.constant 128 : i32
        %mul3A_814 = arith.muli %add3A_812, %mul3A_813 : i32
        %multiple_of3A_815 = tpu.assume_multiple %mul3A_814, 128 : i32
        %dma_start3A_816 = arith.constant 0 : i32
        %dma_start3A_817 = arith.constant 0 : i32
        %dma_start3A_818 = arith.constant 0 : i32
        %dma_start3A_819 = arith.constant 0 : i32
        %dma_start3A_820 = tpu.memref_slice %arg9[%dma_start3A_816, %dma_start3A_817, %dma_start3A_818, %dma_start3A_819] : memref<2x2x128x64xf32, #tpu.memory_space<vmem>> -> memref<1x1x128x64xf32, #tpu.memory_space<vmem>>
        %dma_start3A_821 = tpu.memref_squeeze %dma_start3A_820 : memref<1x1x128x64xf32, #tpu.memory_space<vmem>> -> memref<128x64xf32, #tpu.memory_space<vmem>>
        %dma_start3A_822 = tpu.memref_slice %arg8[%multiple_of3A_815] : memref<4096xi32, #tpu.memory_space<vmem>> -> memref<128xi32, #tpu.memory_space<vmem>>
        %dma_start3A_823 = arith.constant 0 : i32
        %dma_start3A_824 = arith.constant 0 : i32
        %dma_start3A_825 = tpu.memref_slice %arg13[%dma_start3A_823, %dma_start3A_824] : memref<10240x64xf32, #tpu.memory_space<vmem_shared>> -> memref<10240x64xf32, #tpu.memory_space<vmem_shared>>
        tpu.enqueue_indirect_dma source(%dma_start3A_825 : memref<10240x64xf32, #tpu.memory_space<vmem_shared>>) target(%dma_start3A_821 : memref<128x64xf32, #tpu.memory_space<vmem>>) offsets(%dma_start3A_822 : memref<128xi32, #tpu.memory_space<vmem>>) semaphore(%arg15 : memref<!tpu.dma_semaphore, #tpu.memory_space<semaphore_mem>>)
        %add3A_826 = arith.constant 2 : i32
        %add3A_827 = arith.addi %mul3A_635, %add3A_826 : i32
        %add3A_828 = arith.constant 1 : i32
        %add3A_829 = arith.addi %add3A_827, %add3A_828 : i32
        %mul3A_830 = arith.constant 128 : i32
        %mul3A_831 = arith.muli %add3A_829, %mul3A_830 : i32
        %multiple_of3A_832 = tpu.assume_multiple %mul3A_831, 128 : i32
        %dma_start3A_833 = arith.constant 0 : i32
        %dma_start3A_834 = arith.constant 1 : i32
        %dma_start3A_835 = arith.constant 0 : i32
        %dma_start3A_836 = arith.constant 0 : i32
        %dma_start3A_837 = tpu.memref_slice %arg9[%dma_start3A_833, %dma_start3A_834, %dma_start3A_835, %dma_start3A_836] : memref<2x2x128x64xf32, #tpu.memory_space<vmem>> -> memref<1x1x128x64xf32, #tpu.memory_space<vmem>>
        %dma_start3A_838 = tpu.memref_squeeze %dma_start3A_837 : memref<1x1x128x64xf32, #tpu.memory_space<vmem>> -> memref<128x64xf32, #tpu.memory_space<vmem>>
        %dma_start3A_839 = tpu.memref_slice %arg8[%multiple_of3A_832] : memref<4096xi32, #tpu.memory_space<vmem>> -> memref<128xi32, #tpu.memory_space<vmem>>
        %dma_start3A_840 = arith.constant 0 : i32
        %dma_start3A_841 = arith.constant 0 : i32
        %dma_start3A_842 = tpu.memref_slice %arg13[%dma_start3A_840, %dma_start3A_841] : memref<10240x64xf32, #tpu.memory_space<vmem_shared>> -> memref<10240x64xf32, #tpu.memory_space<vmem_shared>>
        tpu.enqueue_indirect_dma source(%dma_start3A_842 : memref<10240x64xf32, #tpu.memory_space<vmem_shared>>) target(%dma_start3A_838 : memref<128x64xf32, #tpu.memory_space<vmem>>) offsets(%dma_start3A_839 : memref<128xi32, #tpu.memory_space<vmem>>) semaphore(%arg15 : memref<!tpu.dma_semaphore, #tpu.memory_space<semaphore_mem>>)
      } else {
      }
      %add3A_709 = arith.constant 0 : i32
      %add3A_710 = arith.addi %mul3A_635, %add3A_709 : i32
      %mul3A_711 = arith.constant 128 : i32
      %mul3A_712 = arith.muli %add3A_710, %mul3A_711 : i32
      %multiple_of3A_713 = tpu.assume_multiple %mul3A_712, 128 : i32
      %dma_wait3A_714 = arith.constant 1 : i32
      %dma_wait3A_715 = arith.constant 0 : i32
      %dma_wait3A_716 = arith.constant 0 : i32
      %dma_wait3A_717 = arith.constant 0 : i32
      %dma_wait3A_718 = tpu.memref_slice %arg9[%dma_wait3A_714, %dma_wait3A_715, %dma_wait3A_716, %dma_wait3A_717] : memref<2x2x128x64xf32, #tpu.memory_space<vmem>> -> memref<1x1x128x64xf32, #tpu.memory_space<vmem>>
      %dma_wait3A_719 = tpu.memref_squeeze %dma_wait3A_718 : memref<1x1x128x64xf32, #tpu.memory_space<vmem>> -> memref<128x64xf32, #tpu.memory_space<vmem>>
      %dma_wait3A_720 = tpu.memref_slice %arg8[%multiple_of3A_713] : memref<4096xi32, #tpu.memory_space<vmem>> -> memref<128xi32, #tpu.memory_space<vmem>>
      %dma_wait3A_721 = arith.constant 0 : i32
      %dma_wait3A_722 = arith.constant 0 : i32
      %dma_wait3A_723 = tpu.memref_slice %arg13[%dma_wait3A_721, %dma_wait3A_722] : memref<10240x64xf32, #tpu.memory_space<vmem_shared>> -> memref<10240x64xf32, #tpu.memory_space<vmem_shared>>
      tpu.wait_indirect_dma semaphore(%arg16 : memref<!tpu.dma_semaphore, #tpu.memory_space<semaphore_mem>>) src(%dma_wait3A_723 : memref<10240x64xf32, #tpu.memory_space<vmem_shared>>) dst(%dma_wait3A_719 : memref<128x64xf32, #tpu.memory_space<vmem>>)
      %add3A_724 = arith.constant 1 : i32
      %add3A_725 = arith.addi %mul3A_635, %add3A_724 : i32
      %mul3A_726 = arith.constant 128 : i32
      %mul3A_727 = arith.muli %add3A_725, %mul3A_726 : i32
      %multiple_of3A_728 = tpu.assume_multiple %mul3A_727, 128 : i32
      %dma_wait3A_729 = arith.constant 1 : i32
      %dma_wait3A_730 = arith.constant 1 : i32
      %dma_wait3A_731 = arith.constant 0 : i32
      %dma_wait3A_732 = arith.constant 0 : i32
      %dma_wait3A_733 = tpu.memref_slice %arg9[%dma_wait3A_729, %dma_wait3A_730, %dma_wait3A_731, %dma_wait3A_732] : memref<2x2x128x64xf32, #tpu.memory_space<vmem>> -> memref<1x1x128x64xf32, #tpu.memory_space<vmem>>
      %dma_wait3A_734 = tpu.memref_squeeze %dma_wait3A_733 : memref<1x1x128x64xf32, #tpu.memory_space<vmem>> -> memref<128x64xf32, #tpu.memory_space<vmem>>
      %dma_wait3A_735 = tpu.memref_slice %arg8[%multiple_of3A_728] : memref<4096xi32, #tpu.memory_space<vmem>> -> memref<128xi32, #tpu.memory_space<vmem>>
      %dma_wait3A_736 = arith.constant 0 : i32
      %dma_wait3A_737 = arith.constant 0 : i32
      %dma_wait3A_738 = tpu.memref_slice %arg13[%dma_wait3A_736, %dma_wait3A_737] : memref<10240x64xf32, #tpu.memory_space<vmem_shared>> -> memref<10240x64xf32, #tpu.memory_space<vmem_shared>>
      tpu.wait_indirect_dma semaphore(%arg16 : memref<!tpu.dma_semaphore, #tpu.memory_space<semaphore_mem>>) src(%dma_wait3A_738 : memref<10240x64xf32, #tpu.memory_space<vmem_shared>>) dst(%dma_wait3A_734 : memref<128x64xf32, #tpu.memory_space<vmem>>)
      %add3A_739 = arith.constant 0 : i32
      %add3A_740 = arith.addi %mul3A_635, %add3A_739 : i32
      %mul3A_741 = arith.constant 128 : i32
      %mul3A_742 = arith.muli %add3A_740, %mul3A_741 : i32
      %multiple_of3A_743 = tpu.assume_multiple %mul3A_742, 128 : i32
      %dma_start3A_744 = arith.constant 1 : i32
      %dma_start3A_745 = arith.constant 0 : i32
      %dma_start3A_746 = arith.constant 0 : i32
      %dma_start3A_747 = arith.constant 0 : i32
      %dma_start3A_748 = tpu.memref_slice %arg9[%dma_start3A_744, %dma_start3A_745, %dma_start3A_746, %dma_start3A_747] : memref<2x2x128x64xf32, #tpu.memory_space<vmem>> -> memref<1x1x128x64xf32, #tpu.memory_space<vmem>>
      %dma_start3A_749 = tpu.memref_squeeze %dma_start3A_748 : memref<1x1x128x64xf32, #tpu.memory_space<vmem>> -> memref<128x64xf32, #tpu.memory_space<vmem>>
      %dma_start3A_750 = tpu.memref_slice %arg7[%multiple_of3A_743] : memref<4096xi32, #tpu.memory_space<vmem>> -> memref<128xi32, #tpu.memory_space<vmem>>
      %dma_start3A_751 = arith.constant 0 : i32
      %dma_start3A_752 = arith.constant 0 : i32
      %dma_start3A_753 = tpu.memref_slice %arg12[%dma_start3A_751, %dma_start3A_752] : memref<10240x64xf32, #tpu.memory_space<vmem_shared>> -> memref<10240x64xf32, #tpu.memory_space<vmem_shared>>
      tpu.enqueue_indirect_dma source(%dma_start3A_749 : memref<128x64xf32, #tpu.memory_space<vmem>>) target(%dma_start3A_753 : memref<10240x64xf32, #tpu.memory_space<vmem_shared>>) offsets(%dma_start3A_750 : memref<128xi32, #tpu.memory_space<vmem>>) semaphore(%arg18 : memref<!tpu.dma_semaphore, #tpu.memory_space<semaphore_mem>>) {add = true}
      %jit3A_754 = arith.constant 2 : i32
      %eq3A_755 = arith.constant 0 : i32
      %eq3A_756 = arith.cmpi eq, %jit3A_754, %eq3A_755 : i32
      %jit3A_757 = arith.constant 1 : i32
      %select_n3A_758 = arith.select %eq3A_756, %jit3A_757, %jit3A_754 : i32
      %rem3A_759 = arith.remsi %add3A_633, %select_n3A_758 : i32
      %ne3A_760 = arith.constant 0 : i32
      %ne3A_761 = arith.cmpi ne, %rem3A_759, %ne3A_760 : i32
      %lt3A_762 = arith.constant 0 : i32
      %lt3A_763 = arith.cmpi slt, %rem3A_759, %lt3A_762 : i32
      %lt3A_764 = arith.constant 0 : i32
      %lt3A_765 = arith.cmpi slt, %select_n3A_758, %lt3A_764 : i32
      %ne3A_766 = arith.xori %lt3A_763, %lt3A_765 : i1
      %and3A_767 = arith.andi %ne3A_766, %ne3A_761 : i1
      %add3A_768 = arith.addi %rem3A_759, %select_n3A_758 : i32
      %select_n3A_769 = arith.select %and3A_767, %add3A_768, %rem3A_759 : i32
      %eq3A_770 = arith.cmpi eq, %arg0, %select_n3A_769 : i32
      %convert_element_type3A_771 = arith.extui %eq3A_770 : i1 to i32
      %cond3A_772 = arith.constant 0 : i32
      %cond3A_773 = arith.cmpi ne, %convert_element_type3A_771, %cond3A_772 : i32
      scf.if %cond3A_773 {
        %add3A_809 = arith.constant 0 : i32
        %add3A_810 = arith.addi %mul3A_635, %add3A_809 : i32
        %mul3A_811 = arith.constant 128 : i32
        %mul3A_812 = arith.muli %add3A_810, %mul3A_811 : i32
        %multiple_of3A_813 = tpu.assume_multiple %mul3A_812, 128 : i32
        %dma_start3A_814 = tpu.memref_slice %arg7[%multiple_of3A_813] : memref<4096xi32, #tpu.memory_space<vmem>> -> memref<128xi32, #tpu.memory_space<vmem>>
        %dma_start3A_815 = arith.constant 0 : i32
        %dma_start3A_816 = tpu.memref_slice %arg14[%dma_start3A_815] : memref<10240xf32, #tpu.memory_space<vmem_shared>> -> memref<10240xf32, #tpu.memory_space<vmem_shared>>
        tpu.enqueue_indirect_dma source(%arg10 : memref<128xf32, #tpu.memory_space<vmem>>) target(%dma_start3A_816 : memref<10240xf32, #tpu.memory_space<vmem_shared>>) offsets(%dma_start3A_814 : memref<128xi32, #tpu.memory_space<vmem>>) semaphore(%arg20 : memref<!tpu.dma_semaphore, #tpu.memory_space<semaphore_mem>>) {add = true}
      } else {
      }
      %add3A_774 = arith.constant 1 : i32
      %add3A_775 = arith.addi %mul3A_635, %add3A_774 : i32
      %mul3A_776 = arith.constant 128 : i32
      %mul3A_777 = arith.muli %add3A_775, %mul3A_776 : i32
      %multiple_of3A_778 = tpu.assume_multiple %mul3A_777, 128 : i32
      %dma_start3A_779 = arith.constant 1 : i32
      %dma_start3A_780 = arith.constant 1 : i32
      %dma_start3A_781 = arith.constant 0 : i32
      %dma_start3A_782 = arith.constant 0 : i32
      %dma_start3A_783 = tpu.memref_slice %arg9[%dma_start3A_779, %dma_start3A_780, %dma_start3A_781, %dma_start3A_782] : memref<2x2x128x64xf32, #tpu.memory_space<vmem>> -> memref<1x1x128x64xf32, #tpu.memory_space<vmem>>
      %dma_start3A_784 = tpu.memref_squeeze %dma_start3A_783 : memref<1x1x128x64xf32, #tpu.memory_space<vmem>> -> memref<128x64xf32, #tpu.memory_space<vmem>>
      %dma_start3A_785 = tpu.memref_slice %arg7[%multiple_of3A_778] : memref<4096xi32, #tpu.memory_space<vmem>> -> memref<128xi32, #tpu.memory_space<vmem>>
      %dma_start3A_786 = arith.constant 0 : i32
      %dma_start3A_787 = arith.constant 0 : i32
      %dma_start3A_788 = tpu.memref_slice %arg12[%dma_start3A_786, %dma_start3A_787] : memref<10240x64xf32, #tpu.memory_space<vmem_shared>> -> memref<10240x64xf32, #tpu.memory_space<vmem_shared>>
      tpu.enqueue_indirect_dma source(%dma_start3A_784 : memref<128x64xf32, #tpu.memory_space<vmem>>) target(%dma_start3A_788 : memref<10240x64xf32, #tpu.memory_space<vmem_shared>>) offsets(%dma_start3A_785 : memref<128xi32, #tpu.memory_space<vmem>>) semaphore(%arg18 : memref<!tpu.dma_semaphore, #tpu.memory_space<semaphore_mem>>) {add = true}
      %jit3A_789 = arith.constant 2 : i32
      %eq3A_790 = arith.constant 0 : i32
      %eq3A_791 = arith.cmpi eq, %jit3A_789, %eq3A_790 : i32
      %jit3A_792 = arith.constant 1 : i32
      %select_n3A_793 = arith.select %eq3A_791, %jit3A_792, %jit3A_789 : i32
      %rem3A_794 = arith.remsi %add3A_633, %select_n3A_793 : i32
      %ne3A_795 = arith.constant 0 : i32
      %ne3A_796 = arith.cmpi ne, %rem3A_794, %ne3A_795 : i32
      %lt3A_797 = arith.constant 0 : i32
      %lt3A_798 = arith.cmpi slt, %rem3A_794, %lt3A_797 : i32
      %lt3A_799 = arith.constant 0 : i32
      %lt3A_800 = arith.cmpi slt, %select_n3A_793, %lt3A_799 : i32
      %ne3A_801 = arith.xori %lt3A_798, %lt3A_800 : i1
      %and3A_802 = arith.andi %ne3A_801, %ne3A_796 : i1
      %add3A_803 = arith.addi %rem3A_794, %select_n3A_793 : i32
      %select_n3A_804 = arith.select %and3A_802, %add3A_803, %rem3A_794 : i32
      %eq3A_805 = arith.cmpi eq, %arg0, %select_n3A_804 : i32
      %convert_element_type3A_806 = arith.extui %eq3A_805 : i1 to i32
      %cond3A_807 = arith.constant 0 : i32
      %cond3A_808 = arith.cmpi ne, %convert_element_type3A_806, %cond3A_807 : i32
      scf.if %cond3A_808 {
        %add3A_809 = arith.constant 1 : i32
        %add3A_810 = arith.addi %mul3A_635, %add3A_809 : i32
        %mul3A_811 = arith.constant 128 : i32
        %mul3A_812 = arith.muli %add3A_810, %mul3A_811 : i32
        %multiple_of3A_813 = tpu.assume_multiple %mul3A_812, 128 : i32
        %dma_start3A_814 = tpu.memref_slice %arg7[%multiple_of3A_813] : memref<4096xi32, #tpu.memory_space<vmem>> -> memref<128xi32, #tpu.memory_space<vmem>>
        %dma_start3A_815 = arith.constant 0 : i32
        %dma_start3A_816 = tpu.memref_slice %arg14[%dma_start3A_815] : memref<10240xf32, #tpu.memory_space<vmem_shared>> -> memref<10240xf32, #tpu.memory_space<vmem_shared>>
        tpu.enqueue_indirect_dma source(%arg10 : memref<128xf32, #tpu.memory_space<vmem>>) target(%dma_start3A_816 : memref<10240xf32, #tpu.memory_space<vmem_shared>>) offsets(%dma_start3A_814 : memref<128xi32, #tpu.memory_space<vmem>>) semaphore(%arg20 : memref<!tpu.dma_semaphore, #tpu.memory_space<semaphore_mem>>) {add = true}
      } else {
      }
    }
    %scan3A_270 = arith.constant 8 : i32
    %multiple_of3A_271 = arith.constant 0 : i32
    %multiple_of3A_272 = tpu.assume_multiple %multiple_of3A_271, 128 : i32
    %dma_wait3A_273 = arith.constant 1 : i32
    %dma_wait3A_274 = arith.constant 0 : i32
    %dma_wait3A_275 = arith.constant 0 : i32
    %dma_wait3A_276 = arith.constant 0 : i32
    %dma_wait3A_277 = tpu.memref_slice %arg9[%dma_wait3A_273, %dma_wait3A_274, %dma_wait3A_275, %dma_wait3A_276] : memref<2x2x128x64xf32, #tpu.memory_space<vmem>> -> memref<1x1x128x64xf32, #tpu.memory_space<vmem>>
    %dma_wait3A_278 = tpu.memref_squeeze %dma_wait3A_277 : memref<1x1x128x64xf32, #tpu.memory_space<vmem>> -> memref<128x64xf32, #tpu.memory_space<vmem>>
    %dma_wait3A_279 = tpu.memref_slice %arg7[%multiple_of3A_272] : memref<4096xi32, #tpu.memory_space<vmem>> -> memref<128xi32, #tpu.memory_space<vmem>>
    %dma_wait3A_280 = arith.constant 0 : i32
    %dma_wait3A_281 = arith.constant 0 : i32
    %dma_wait3A_282 = tpu.memref_slice %arg12[%dma_wait3A_280, %dma_wait3A_281] : memref<10240x64xf32, #tpu.memory_space<vmem_shared>> -> memref<10240x64xf32, #tpu.memory_space<vmem_shared>>
    tpu.wait_indirect_dma semaphore(%arg18 : memref<!tpu.dma_semaphore, #tpu.memory_space<semaphore_mem>>) src(%dma_wait3A_278 : memref<128x64xf32, #tpu.memory_space<vmem>>) dst(%dma_wait3A_282 : memref<10240x64xf32, #tpu.memory_space<vmem_shared>>)
    %eq3A_283 = arith.constant 1 : i32
    %eq3A_284 = arith.cmpi eq, %arg0, %eq3A_283 : i32
    %convert_element_type3A_285 = arith.extui %eq3A_284 : i1 to i32
    %cond3A_286 = arith.constant 0 : i32
    %cond3A_287 = arith.cmpi ne, %convert_element_type3A_285, %cond3A_286 : i32
    scf.if %cond3A_287 {
      %multiple_of3A_490 = arith.constant 0 : i32
      %multiple_of3A_491 = tpu.assume_multiple %multiple_of3A_490, 128 : i32
      %dma_wait3A_492 = tpu.memref_slice %arg7[%multiple_of3A_491] : memref<4096xi32, #tpu.memory_space<vmem>> -> memref<128xi32, #tpu.memory_space<vmem>>
      %dma_wait3A_493 = arith.constant 0 : i32
      %dma_wait3A_494 = tpu.memref_slice %arg14[%dma_wait3A_493] : memref<10240xf32, #tpu.memory_space<vmem_shared>> -> memref<10240xf32, #tpu.memory_space<vmem_shared>>
      tpu.wait_indirect_dma semaphore(%arg20 : memref<!tpu.dma_semaphore, #tpu.memory_space<semaphore_mem>>) src(%arg10 : memref<128xf32, #tpu.memory_space<vmem>>) dst(%dma_wait3A_494 : memref<10240xf32, #tpu.memory_space<vmem_shared>>)
    } else {
    }
    %multiple_of3A_288 = arith.constant 0 : i32
    %multiple_of3A_289 = tpu.assume_multiple %multiple_of3A_288, 128 : i32
    %dma_wait3A_290 = arith.constant 1 : i32
    %dma_wait3A_291 = arith.constant 1 : i32
    %dma_wait3A_292 = arith.constant 0 : i32
    %dma_wait3A_293 = arith.constant 0 : i32
    %dma_wait3A_294 = tpu.memref_slice %arg9[%dma_wait3A_290, %dma_wait3A_291, %dma_wait3A_292, %dma_wait3A_293] : memref<2x2x128x64xf32, #tpu.memory_space<vmem>> -> memref<1x1x128x64xf32, #tpu.memory_space<vmem>>
    %dma_wait3A_295 = tpu.memref_squeeze %dma_wait3A_294 : memref<1x1x128x64xf32, #tpu.memory_space<vmem>> -> memref<128x64xf32, #tpu.memory_space<vmem>>
    %dma_wait3A_296 = tpu.memref_slice %arg7[%multiple_of3A_289] : memref<4096xi32, #tpu.memory_space<vmem>> -> memref<128xi32, #tpu.memory_space<vmem>>
    %dma_wait3A_297 = arith.constant 0 : i32
    %dma_wait3A_298 = arith.constant 0 : i32
    %dma_wait3A_299 = tpu.memref_slice %arg12[%dma_wait3A_297, %dma_wait3A_298] : memref<10240x64xf32, #tpu.memory_space<vmem_shared>> -> memref<10240x64xf32, #tpu.memory_space<vmem_shared>>
    tpu.wait_indirect_dma semaphore(%arg18 : memref<!tpu.dma_semaphore, #tpu.memory_space<semaphore_mem>>) src(%dma_wait3A_295 : memref<128x64xf32, #tpu.memory_space<vmem>>) dst(%dma_wait3A_299 : memref<10240x64xf32, #tpu.memory_space<vmem_shared>>)
    %eq3A_300 = arith.constant 1 : i32
    %eq3A_301 = arith.cmpi eq, %arg0, %eq3A_300 : i32
    %convert_element_type3A_302 = arith.extui %eq3A_301 : i1 to i32
    %cond3A_303 = arith.constant 0 : i32
    %cond3A_304 = arith.cmpi ne, %convert_element_type3A_302, %cond3A_303 : i32
    scf.if %cond3A_304 {
      %multiple_of3A_490 = arith.constant 0 : i32
      %multiple_of3A_491 = tpu.assume_multiple %multiple_of3A_490, 128 : i32
      %dma_wait3A_492 = tpu.memref_slice %arg7[%multiple_of3A_491] : memref<4096xi32, #tpu.memory_space<vmem>> -> memref<128xi32, #tpu.memory_space<vmem>>
      %dma_wait3A_493 = arith.constant 0 : i32
      %dma_wait3A_494 = tpu.memref_slice %arg14[%dma_wait3A_493] : memref<10240xf32, #tpu.memory_space<vmem_shared>> -> memref<10240xf32, #tpu.memory_space<vmem_shared>>
      tpu.wait_indirect_dma semaphore(%arg20 : memref<!tpu.dma_semaphore, #tpu.memory_space<semaphore_mem>>) src(%arg10 : memref<128xf32, #tpu.memory_space<vmem>>) dst(%dma_wait3A_494 : memref<10240xf32, #tpu.memory_space<vmem_shared>>)
    } else {
    }
    %mul3A_305 = arith.constant 156 : i32
    %mul3A_306 = arith.muli %arg1, %mul3A_305 : i32
    %add3A_307 = arith.constant 96 : i32
    %add3A_308 = arith.addi %mul3A_306, %add3A_307 : i32
    %mul3A_309 = arith.constant 128 : i32
    %mul3A_310 = arith.muli %add3A_308, %mul3A_309 : i32
    %run_scoped3A_311 = arith.constant 0 : i32
    "tpu.region"() ({
      %run_scoped3A_490 = tpu.sem_alloc : memref<!tpu.dma_semaphore, #tpu.memory_space<semaphore_mem>>
      %dma_start3A_491 = arith.constant 0 : i32
      %dma_start3A_492 = tpu.memref_slice %arg7[%dma_start3A_491] : memref<4096xi32, #tpu.memory_space<vmem>> -> memref<4096xi32, #tpu.memory_space<vmem>>
      %dma_start3A_493 = tpu.memref_slice %arg4[%run_scoped3A_311, %mul3A_310] : memref<2x320000xi32, #tpu.memory_space<hbm>> -> memref<1x4096xi32, #tpu.memory_space<hbm>>
      %dma_start3A_494 = tpu.memref_squeeze %dma_start3A_493 : memref<1x4096xi32, #tpu.memory_space<hbm>> -> memref<4096xi32, #tpu.memory_space<hbm>>
      %dma_start3A_495 = arith.constant 0 : i32
      %dma_start3A_496 = tpu.memref_slice %arg7[%dma_start3A_495] : memref<4096xi32, #tpu.memory_space<vmem>> -> memref<4096xi32, #tpu.memory_space<vmem>>
      %dma_start3A_497 = tpu.memref_slice %arg4[%run_scoped3A_311, %mul3A_310] : memref<2x320000xi32, #tpu.memory_space<hbm>> -> memref<1x4096xi32, #tpu.memory_space<hbm>>
      %dma_start3A_498 = tpu.memref_squeeze %dma_start3A_497 : memref<1x4096xi32, #tpu.memory_space<hbm>> -> memref<4096xi32, #tpu.memory_space<hbm>>
      tpu.enqueue_dma source(%dma_start3A_498 : memref<4096xi32, #tpu.memory_space<hbm>>) target(%dma_start3A_496 : memref<4096xi32, #tpu.memory_space<vmem>>) target_semaphore(%run_scoped3A_490 : memref<!tpu.dma_semaphore, #tpu.memory_space<semaphore_mem>>)
      %dma_wait3A_499 = arith.constant 0 : i32
      %dma_wait3A_500 = tpu.memref_slice %arg7[%dma_wait3A_499] : memref<4096xi32, #tpu.memory_space<vmem>> -> memref<4096xi32, #tpu.memory_space<vmem>>
      %dma_wait3A_501 = tpu.memref_slice %arg4[%run_scoped3A_311, %mul3A_310] : memref<2x320000xi32, #tpu.memory_space<hbm>> -> memref<1x4096xi32, #tpu.memory_space<hbm>>
      %dma_wait3A_502 = tpu.memref_squeeze %dma_wait3A_501 : memref<1x4096xi32, #tpu.memory_space<hbm>> -> memref<4096xi32, #tpu.memory_space<hbm>>
      %dma_wait3A_503 = arith.constant 0 : i32
      %dma_wait3A_504 = tpu.memref_slice %arg7[%dma_wait3A_503] : memref<4096xi32, #tpu.memory_space<vmem>> -> memref<4096xi32, #tpu.memory_space<vmem>>
      %dma_wait3A_505 = tpu.memref_slice %arg4[%run_scoped3A_311, %mul3A_310] : memref<2x320000xi32, #tpu.memory_space<hbm>> -> memref<1x4096xi32, #tpu.memory_space<hbm>>
      %dma_wait3A_506 = tpu.memref_squeeze %dma_wait3A_505 : memref<1x4096xi32, #tpu.memory_space<hbm>> -> memref<4096xi32, #tpu.memory_space<hbm>>
      tpu.wait_dma2 semaphore(%run_scoped3A_490 : memref<!tpu.dma_semaphore, #tpu.memory_space<semaphore_mem>>) src(%dma_wait3A_506 : memref<4096xi32, #tpu.memory_space<hbm>>) dst(%dma_wait3A_504 : memref<4096xi32, #tpu.memory_space<vmem>>)
      tpu.yield
    }) : () -> ()
    %run_scoped3A_312 = arith.constant 1 : i32
    "tpu.region"() ({
      %run_scoped3A_490 = tpu.sem_alloc : memref<!tpu.dma_semaphore, #tpu.memory_space<semaphore_mem>>
      %dma_start3A_491 = arith.constant 0 : i32
      %dma_start3A_492 = tpu.memref_slice %arg8[%dma_start3A_491] : memref<4096xi32, #tpu.memory_space<vmem>> -> memref<4096xi32, #tpu.memory_space<vmem>>
      %dma_start3A_493 = tpu.memref_slice %arg4[%run_scoped3A_312, %mul3A_310] : memref<2x320000xi32, #tpu.memory_space<hbm>> -> memref<1x4096xi32, #tpu.memory_space<hbm>>
      %dma_start3A_494 = tpu.memref_squeeze %dma_start3A_493 : memref<1x4096xi32, #tpu.memory_space<hbm>> -> memref<4096xi32, #tpu.memory_space<hbm>>
      %dma_start3A_495 = arith.constant 0 : i32
      %dma_start3A_496 = tpu.memref_slice %arg8[%dma_start3A_495] : memref<4096xi32, #tpu.memory_space<vmem>> -> memref<4096xi32, #tpu.memory_space<vmem>>
      %dma_start3A_497 = tpu.memref_slice %arg4[%run_scoped3A_312, %mul3A_310] : memref<2x320000xi32, #tpu.memory_space<hbm>> -> memref<1x4096xi32, #tpu.memory_space<hbm>>
      %dma_start3A_498 = tpu.memref_squeeze %dma_start3A_497 : memref<1x4096xi32, #tpu.memory_space<hbm>> -> memref<4096xi32, #tpu.memory_space<hbm>>
      tpu.enqueue_dma source(%dma_start3A_498 : memref<4096xi32, #tpu.memory_space<hbm>>) target(%dma_start3A_496 : memref<4096xi32, #tpu.memory_space<vmem>>) target_semaphore(%run_scoped3A_490 : memref<!tpu.dma_semaphore, #tpu.memory_space<semaphore_mem>>)
      %dma_wait3A_499 = arith.constant 0 : i32
      %dma_wait3A_500 = tpu.memref_slice %arg8[%dma_wait3A_499] : memref<4096xi32, #tpu.memory_space<vmem>> -> memref<4096xi32, #tpu.memory_space<vmem>>
      %dma_wait3A_501 = tpu.memref_slice %arg4[%run_scoped3A_312, %mul3A_310] : memref<2x320000xi32, #tpu.memory_space<hbm>> -> memref<1x4096xi32, #tpu.memory_space<hbm>>
      %dma_wait3A_502 = tpu.memref_squeeze %dma_wait3A_501 : memref<1x4096xi32, #tpu.memory_space<hbm>> -> memref<4096xi32, #tpu.memory_space<hbm>>
      %dma_wait3A_503 = arith.constant 0 : i32
      %dma_wait3A_504 = tpu.memref_slice %arg8[%dma_wait3A_503] : memref<4096xi32, #tpu.memory_space<vmem>> -> memref<4096xi32, #tpu.memory_space<vmem>>
      %dma_wait3A_505 = tpu.memref_slice %arg4[%run_scoped3A_312, %mul3A_310] : memref<2x320000xi32, #tpu.memory_space<hbm>> -> memref<1x4096xi32, #tpu.memory_space<hbm>>
      %dma_wait3A_506 = tpu.memref_squeeze %dma_wait3A_505 : memref<1x4096xi32, #tpu.memory_space<hbm>> -> memref<4096xi32, #tpu.memory_space<hbm>>
      tpu.wait_dma2 semaphore(%run_scoped3A_490 : memref<!tpu.dma_semaphore, #tpu.memory_space<semaphore_mem>>) src(%dma_wait3A_506 : memref<4096xi32, #tpu.memory_space<hbm>>) dst(%dma_wait3A_504 : memref<4096xi32, #tpu.memory_space<vmem>>)
      tpu.yield
    }) : () -> ()
    %multiple_of3A_313 = arith.constant 0 : i32
    %multiple_of3A_314 = tpu.assume_multiple %multiple_of3A_313, 128 : i32
    %dma_start3A_315 = arith.constant 0 : i32
    %dma_start3A_316 = arith.constant 0 : i32
    %dma_start3A_317 = arith.constant 0 : i32
    %dma_start3A_318 = arith.constant 0 : i32
    %dma_start3A_319 = tpu.memref_slice %arg9[%dma_start3A_315, %dma_start3A_316, %dma_start3A_317, %dma_start3A_318] : memref<2x2x128x64xf32, #tpu.memory_space<vmem>> -> memref<1x1x128x64xf32, #tpu.memory_space<vmem>>
    %dma_start3A_320 = tpu.memref_squeeze %dma_start3A_319 : memref<1x1x128x64xf32, #tpu.memory_space<vmem>> -> memref<128x64xf32, #tpu.memory_space<vmem>>
    %dma_start3A_321 = tpu.memref_slice %arg8[%multiple_of3A_314] : memref<4096xi32, #tpu.memory_space<vmem>> -> memref<128xi32, #tpu.memory_space<vmem>>
    %dma_start3A_322 = arith.constant 0 : i32
    %dma_start3A_323 = arith.constant 0 : i32
    %dma_start3A_324 = tpu.memref_slice %arg3[%arg0, %dma_start3A_322, %dma_start3A_323] : memref<2x10000x64xf32, #tpu.memory_space<hbm>> -> memref<1x10000x64xf32, #tpu.memory_space<hbm>>
    %dma_start3A_325 = tpu.memref_squeeze %dma_start3A_324 : memref<1x10000x64xf32, #tpu.memory_space<hbm>> -> memref<10000x64xf32, #tpu.memory_space<hbm>>
    %dma_start3A_326 = arith.constant 0 : i32
    %dma_start3A_327 = arith.constant 0 : i32
    %dma_start3A_328 = tpu.memref_slice %dma_start3A_325[%dma_start3A_326, %dma_start3A_327] : memref<10000x64xf32, #tpu.memory_space<hbm>> -> memref<10000x64xf32, #tpu.memory_space<hbm>>
    tpu.enqueue_indirect_dma source(%dma_start3A_328 : memref<10000x64xf32, #tpu.memory_space<hbm>>) target(%dma_start3A_320 : memref<128x64xf32, #tpu.memory_space<vmem>>) offsets(%dma_start3A_321 : memref<128xi32, #tpu.memory_space<vmem>>) semaphore(%arg15 : memref<!tpu.dma_semaphore, #tpu.memory_space<semaphore_mem>>)
    %multiple_of3A_329 = arith.constant 128 : i32
    %multiple_of3A_330 = tpu.assume_multiple %multiple_of3A_329, 128 : i32
    %dma_start3A_331 = arith.constant 0 : i32
    %dma_start3A_332 = arith.constant 1 : i32
    %dma_start3A_333 = arith.constant 0 : i32
    %dma_start3A_334 = arith.constant 0 : i32
    %dma_start3A_335 = tpu.memref_slice %arg9[%dma_start3A_331, %dma_start3A_332, %dma_start3A_333, %dma_start3A_334] : memref<2x2x128x64xf32, #tpu.memory_space<vmem>> -> memref<1x1x128x64xf32, #tpu.memory_space<vmem>>
    %dma_start3A_336 = tpu.memref_squeeze %dma_start3A_335 : memref<1x1x128x64xf32, #tpu.memory_space<vmem>> -> memref<128x64xf32, #tpu.memory_space<vmem>>
    %dma_start3A_337 = tpu.memref_slice %arg8[%multiple_of3A_330] : memref<4096xi32, #tpu.memory_space<vmem>> -> memref<128xi32, #tpu.memory_space<vmem>>
    %dma_start3A_338 = arith.constant 0 : i32
    %dma_start3A_339 = arith.constant 0 : i32
    %dma_start3A_340 = tpu.memref_slice %arg3[%arg0, %dma_start3A_338, %dma_start3A_339] : memref<2x10000x64xf32, #tpu.memory_space<hbm>> -> memref<1x10000x64xf32, #tpu.memory_space<hbm>>
    %dma_start3A_341 = tpu.memref_squeeze %dma_start3A_340 : memref<1x10000x64xf32, #tpu.memory_space<hbm>> -> memref<10000x64xf32, #tpu.memory_space<hbm>>
    %dma_start3A_342 = arith.constant 0 : i32
    %dma_start3A_343 = arith.constant 0 : i32
    %dma_start3A_344 = tpu.memref_slice %dma_start3A_341[%dma_start3A_342, %dma_start3A_343] : memref<10000x64xf32, #tpu.memory_space<hbm>> -> memref<10000x64xf32, #tpu.memory_space<hbm>>
    tpu.enqueue_indirect_dma source(%dma_start3A_344 : memref<10000x64xf32, #tpu.memory_space<hbm>>) target(%dma_start3A_336 : memref<128x64xf32, #tpu.memory_space<vmem>>) offsets(%dma_start3A_337 : memref<128xi32, #tpu.memory_space<vmem>>) semaphore(%arg15 : memref<!tpu.dma_semaphore, #tpu.memory_space<semaphore_mem>>)
    %scan3A_345 = arith.constant 0 : i32
    %scan3A_346 = arith.constant 0 : i32
    %scan3A_347 = arith.constant 8 : i32
    %scan3A_348 = arith.addi %scan3A_346, %scan3A_347 : i32
    %scan3A_349 = arith.constant 1 : i32
    scf.for %scan3A_490 = %scan3A_346 to %scan3A_348 step %scan3A_349  : i32 {
      %mul3A_491 = arith.constant 2 : i32
      %mul3A_492 = arith.muli %mul3A_491, %scan3A_490 : i32
      %add3A_493 = arith.constant 0 : i32
      %add3A_494 = arith.addi %mul3A_492, %add3A_493 : i32
      %mul3A_495 = arith.constant 2 : i32
      %mul3A_496 = arith.muli %add3A_494, %mul3A_495 : i32
      %gt3A = arith.constant 0 : i32
      %gt3A_497 = arith.cmpi sgt, %scan3A_490, %gt3A : i32
      %convert_element_type3A_498 = arith.extui %gt3A_497 : i1 to i32
      %cond3A_499 = arith.constant 0 : i32
      %cond3A_500 = arith.cmpi ne, %convert_element_type3A_498, %cond3A_499 : i32
      scf.if %cond3A_500 {
        %multiple_of3A_833 = arith.constant 0 : i32
        %multiple_of3A_834 = tpu.assume_multiple %multiple_of3A_833, 128 : i32
        %dma_wait3A_835 = arith.constant 1 : i32
        %dma_wait3A_836 = arith.constant 0 : i32
        %dma_wait3A_837 = arith.constant 0 : i32
        %dma_wait3A_838 = arith.constant 0 : i32
        %dma_wait3A_839 = tpu.memref_slice %arg9[%dma_wait3A_835, %dma_wait3A_836, %dma_wait3A_837, %dma_wait3A_838] : memref<2x2x128x64xf32, #tpu.memory_space<vmem>> -> memref<1x1x128x64xf32, #tpu.memory_space<vmem>>
        %dma_wait3A_840 = tpu.memref_squeeze %dma_wait3A_839 : memref<1x1x128x64xf32, #tpu.memory_space<vmem>> -> memref<128x64xf32, #tpu.memory_space<vmem>>
        %dma_wait3A_841 = tpu.memref_slice %arg7[%multiple_of3A_834] : memref<4096xi32, #tpu.memory_space<vmem>> -> memref<128xi32, #tpu.memory_space<vmem>>
        %dma_wait3A_842 = arith.constant 0 : i32
        %dma_wait3A_843 = arith.constant 0 : i32
        %dma_wait3A_844 = tpu.memref_slice %arg12[%dma_wait3A_842, %dma_wait3A_843] : memref<10240x64xf32, #tpu.memory_space<vmem_shared>> -> memref<10240x64xf32, #tpu.memory_space<vmem_shared>>
        tpu.wait_indirect_dma semaphore(%arg18 : memref<!tpu.dma_semaphore, #tpu.memory_space<semaphore_mem>>) src(%dma_wait3A_840 : memref<128x64xf32, #tpu.memory_space<vmem>>) dst(%dma_wait3A_844 : memref<10240x64xf32, #tpu.memory_space<vmem_shared>>)
        %add3A_845 = arith.constant 1 : i32
        %add3A_846 = arith.addi %add3A_494, %add3A_845 : i32
        %jit3A_847 = arith.constant 2 : i32
        %eq3A_848 = arith.constant 0 : i32
        %eq3A_849 = arith.cmpi eq, %jit3A_847, %eq3A_848 : i32
        %jit3A_850 = arith.constant 1 : i32
        %select_n3A_851 = arith.select %eq3A_849, %jit3A_850, %jit3A_847 : i32
        %rem3A_852 = arith.remsi %add3A_846, %select_n3A_851 : i32
        %ne3A_853 = arith.constant 0 : i32
        %ne3A_854 = arith.cmpi ne, %rem3A_852, %ne3A_853 : i32
        %lt3A_855 = arith.constant 0 : i32
        %lt3A_856 = arith.cmpi slt, %rem3A_852, %lt3A_855 : i32
        %lt3A_857 = arith.constant 0 : i32
        %lt3A_858 = arith.cmpi slt, %select_n3A_851, %lt3A_857 : i32
        %ne3A_859 = arith.xori %lt3A_856, %lt3A_858 : i1
        %and3A_860 = arith.andi %ne3A_859, %ne3A_854 : i1
        %add3A_861 = arith.addi %rem3A_852, %select_n3A_851 : i32
        %select_n3A_862 = arith.select %and3A_860, %add3A_861, %rem3A_852 : i32
        %eq3A_863 = arith.cmpi eq, %arg0, %select_n3A_862 : i32
        %convert_element_type3A_864 = arith.extui %eq3A_863 : i1 to i32
        %cond3A_865 = arith.constant 0 : i32
        %cond3A_866 = arith.cmpi ne, %convert_element_type3A_864, %cond3A_865 : i32
        scf.if %cond3A_866 {
          %multiple_of3A_901 = arith.constant 0 : i32
          %multiple_of3A_902 = tpu.assume_multiple %multiple_of3A_901, 128 : i32
          %dma_wait3A_903 = tpu.memref_slice %arg7[%multiple_of3A_902] : memref<4096xi32, #tpu.memory_space<vmem>> -> memref<128xi32, #tpu.memory_space<vmem>>
          %dma_wait3A_904 = arith.constant 0 : i32
          %dma_wait3A_905 = tpu.memref_slice %arg14[%dma_wait3A_904] : memref<10240xf32, #tpu.memory_space<vmem_shared>> -> memref<10240xf32, #tpu.memory_space<vmem_shared>>
          tpu.wait_indirect_dma semaphore(%arg20 : memref<!tpu.dma_semaphore, #tpu.memory_space<semaphore_mem>>) src(%arg10 : memref<128xf32, #tpu.memory_space<vmem>>) dst(%dma_wait3A_905 : memref<10240xf32, #tpu.memory_space<vmem_shared>>)
        } else {
        }
        %multiple_of3A_867 = arith.constant 0 : i32
        %multiple_of3A_868 = tpu.assume_multiple %multiple_of3A_867, 128 : i32
        %dma_wait3A_869 = arith.constant 1 : i32
        %dma_wait3A_870 = arith.constant 1 : i32
        %dma_wait3A_871 = arith.constant 0 : i32
        %dma_wait3A_872 = arith.constant 0 : i32
        %dma_wait3A_873 = tpu.memref_slice %arg9[%dma_wait3A_869, %dma_wait3A_870, %dma_wait3A_871, %dma_wait3A_872] : memref<2x2x128x64xf32, #tpu.memory_space<vmem>> -> memref<1x1x128x64xf32, #tpu.memory_space<vmem>>
        %dma_wait3A_874 = tpu.memref_squeeze %dma_wait3A_873 : memref<1x1x128x64xf32, #tpu.memory_space<vmem>> -> memref<128x64xf32, #tpu.memory_space<vmem>>
        %dma_wait3A_875 = tpu.memref_slice %arg7[%multiple_of3A_868] : memref<4096xi32, #tpu.memory_space<vmem>> -> memref<128xi32, #tpu.memory_space<vmem>>
        %dma_wait3A_876 = arith.constant 0 : i32
        %dma_wait3A_877 = arith.constant 0 : i32
        %dma_wait3A_878 = tpu.memref_slice %arg12[%dma_wait3A_876, %dma_wait3A_877] : memref<10240x64xf32, #tpu.memory_space<vmem_shared>> -> memref<10240x64xf32, #tpu.memory_space<vmem_shared>>
        tpu.wait_indirect_dma semaphore(%arg18 : memref<!tpu.dma_semaphore, #tpu.memory_space<semaphore_mem>>) src(%dma_wait3A_874 : memref<128x64xf32, #tpu.memory_space<vmem>>) dst(%dma_wait3A_878 : memref<10240x64xf32, #tpu.memory_space<vmem_shared>>)
        %add3A_879 = arith.constant 1 : i32
        %add3A_880 = arith.addi %add3A_494, %add3A_879 : i32
        %jit3A_881 = arith.constant 2 : i32
        %eq3A_882 = arith.constant 0 : i32
        %eq3A_883 = arith.cmpi eq, %jit3A_881, %eq3A_882 : i32
        %jit3A_884 = arith.constant 1 : i32
        %select_n3A_885 = arith.select %eq3A_883, %jit3A_884, %jit3A_881 : i32
        %rem3A_886 = arith.remsi %add3A_880, %select_n3A_885 : i32
        %ne3A_887 = arith.constant 0 : i32
        %ne3A_888 = arith.cmpi ne, %rem3A_886, %ne3A_887 : i32
        %lt3A_889 = arith.constant 0 : i32
        %lt3A_890 = arith.cmpi slt, %rem3A_886, %lt3A_889 : i32
        %lt3A_891 = arith.constant 0 : i32
        %lt3A_892 = arith.cmpi slt, %select_n3A_885, %lt3A_891 : i32
        %ne3A_893 = arith.xori %lt3A_890, %lt3A_892 : i1
        %and3A_894 = arith.andi %ne3A_893, %ne3A_888 : i1
        %add3A_895 = arith.addi %rem3A_886, %select_n3A_885 : i32
        %select_n3A_896 = arith.select %and3A_894, %add3A_895, %rem3A_886 : i32
        %eq3A_897 = arith.cmpi eq, %arg0, %select_n3A_896 : i32
        %convert_element_type3A_898 = arith.extui %eq3A_897 : i1 to i32
        %cond3A_899 = arith.constant 0 : i32
        %cond3A_900 = arith.cmpi ne, %convert_element_type3A_898, %cond3A_899 : i32
        scf.if %cond3A_900 {
          %multiple_of3A_901 = arith.constant 0 : i32
          %multiple_of3A_902 = tpu.assume_multiple %multiple_of3A_901, 128 : i32
          %dma_wait3A_903 = tpu.memref_slice %arg7[%multiple_of3A_902] : memref<4096xi32, #tpu.memory_space<vmem>> -> memref<128xi32, #tpu.memory_space<vmem>>
          %dma_wait3A_904 = arith.constant 0 : i32
          %dma_wait3A_905 = tpu.memref_slice %arg14[%dma_wait3A_904] : memref<10240xf32, #tpu.memory_space<vmem_shared>> -> memref<10240xf32, #tpu.memory_space<vmem_shared>>
          tpu.wait_indirect_dma semaphore(%arg20 : memref<!tpu.dma_semaphore, #tpu.memory_space<semaphore_mem>>) src(%arg10 : memref<128xf32, #tpu.memory_space<vmem>>) dst(%dma_wait3A_905 : memref<10240xf32, #tpu.memory_space<vmem_shared>>)
        } else {
        }
      } else {
      }
      %add3A_501 = arith.constant 2 : i32
      %add3A_502 = arith.addi %mul3A_496, %add3A_501 : i32
      %add3A_503 = arith.constant 0 : i32
      %add3A_504 = arith.addi %add3A_502, %add3A_503 : i32
      %mul3A_505 = arith.constant 128 : i32
      %mul3A_506 = arith.muli %add3A_504, %mul3A_505 : i32
      %multiple_of3A_507 = tpu.assume_multiple %mul3A_506, 128 : i32
      %dma_start3A_508 = arith.constant 1 : i32
      %dma_start3A_509 = arith.constant 0 : i32
      %dma_start3A_510 = arith.constant 0 : i32
      %dma_start3A_511 = arith.constant 0 : i32
      %dma_start3A_512 = tpu.memref_slice %arg9[%dma_start3A_508, %dma_start3A_509, %dma_start3A_510, %dma_start3A_511] : memref<2x2x128x64xf32, #tpu.memory_space<vmem>> -> memref<1x1x128x64xf32, #tpu.memory_space<vmem>>
      %dma_start3A_513 = tpu.memref_squeeze %dma_start3A_512 : memref<1x1x128x64xf32, #tpu.memory_space<vmem>> -> memref<128x64xf32, #tpu.memory_space<vmem>>
      %dma_start3A_514 = tpu.memref_slice %arg8[%multiple_of3A_507] : memref<4096xi32, #tpu.memory_space<vmem>> -> memref<128xi32, #tpu.memory_space<vmem>>
      %dma_start3A_515 = arith.constant 0 : i32
      %dma_start3A_516 = arith.constant 0 : i32
      %dma_start3A_517 = tpu.memref_slice %arg3[%arg0, %dma_start3A_515, %dma_start3A_516] : memref<2x10000x64xf32, #tpu.memory_space<hbm>> -> memref<1x10000x64xf32, #tpu.memory_space<hbm>>
      %dma_start3A_518 = tpu.memref_squeeze %dma_start3A_517 : memref<1x10000x64xf32, #tpu.memory_space<hbm>> -> memref<10000x64xf32, #tpu.memory_space<hbm>>
      %dma_start3A_519 = arith.constant 0 : i32
      %dma_start3A_520 = arith.constant 0 : i32
      %dma_start3A_521 = tpu.memref_slice %dma_start3A_518[%dma_start3A_519, %dma_start3A_520] : memref<10000x64xf32, #tpu.memory_space<hbm>> -> memref<10000x64xf32, #tpu.memory_space<hbm>>
      tpu.enqueue_indirect_dma source(%dma_start3A_521 : memref<10000x64xf32, #tpu.memory_space<hbm>>) target(%dma_start3A_513 : memref<128x64xf32, #tpu.memory_space<vmem>>) offsets(%dma_start3A_514 : memref<128xi32, #tpu.memory_space<vmem>>) semaphore(%arg16 : memref<!tpu.dma_semaphore, #tpu.memory_space<semaphore_mem>>)
      %add3A_522 = arith.constant 2 : i32
      %add3A_523 = arith.addi %mul3A_496, %add3A_522 : i32
      %add3A_524 = arith.constant 1 : i32
      %add3A_525 = arith.addi %add3A_523, %add3A_524 : i32
      %mul3A_526 = arith.constant 128 : i32
      %mul3A_527 = arith.muli %add3A_525, %mul3A_526 : i32
      %multiple_of3A_528 = tpu.assume_multiple %mul3A_527, 128 : i32
      %dma_start3A_529 = arith.constant 1 : i32
      %dma_start3A_530 = arith.constant 1 : i32
      %dma_start3A_531 = arith.constant 0 : i32
      %dma_start3A_532 = arith.constant 0 : i32
      %dma_start3A_533 = tpu.memref_slice %arg9[%dma_start3A_529, %dma_start3A_530, %dma_start3A_531, %dma_start3A_532] : memref<2x2x128x64xf32, #tpu.memory_space<vmem>> -> memref<1x1x128x64xf32, #tpu.memory_space<vmem>>
      %dma_start3A_534 = tpu.memref_squeeze %dma_start3A_533 : memref<1x1x128x64xf32, #tpu.memory_space<vmem>> -> memref<128x64xf32, #tpu.memory_space<vmem>>
      %dma_start3A_535 = tpu.memref_slice %arg8[%multiple_of3A_528] : memref<4096xi32, #tpu.memory_space<vmem>> -> memref<128xi32, #tpu.memory_space<vmem>>
      %dma_start3A_536 = arith.constant 0 : i32
      %dma_start3A_537 = arith.constant 0 : i32
      %dma_start3A_538 = tpu.memref_slice %arg3[%arg0, %dma_start3A_536, %dma_start3A_537] : memref<2x10000x64xf32, #tpu.memory_space<hbm>> -> memref<1x10000x64xf32, #tpu.memory_space<hbm>>
      %dma_start3A_539 = tpu.memref_squeeze %dma_start3A_538 : memref<1x10000x64xf32, #tpu.memory_space<hbm>> -> memref<10000x64xf32, #tpu.memory_space<hbm>>
      %dma_start3A_540 = arith.constant 0 : i32
      %dma_start3A_541 = arith.constant 0 : i32
      %dma_start3A_542 = tpu.memref_slice %dma_start3A_539[%dma_start3A_540, %dma_start3A_541] : memref<10000x64xf32, #tpu.memory_space<hbm>> -> memref<10000x64xf32, #tpu.memory_space<hbm>>
      tpu.enqueue_indirect_dma source(%dma_start3A_542 : memref<10000x64xf32, #tpu.memory_space<hbm>>) target(%dma_start3A_534 : memref<128x64xf32, #tpu.memory_space<vmem>>) offsets(%dma_start3A_535 : memref<128xi32, #tpu.memory_space<vmem>>) semaphore(%arg16 : memref<!tpu.dma_semaphore, #tpu.memory_space<semaphore_mem>>)
      %add3A_543 = arith.constant 0 : i32
      %add3A_544 = arith.addi %mul3A_496, %add3A_543 : i32
      %mul3A_545 = arith.constant 128 : i32
      %mul3A_546 = arith.muli %add3A_544, %mul3A_545 : i32
      %multiple_of3A_547 = tpu.assume_multiple %mul3A_546, 128 : i32
      %dma_wait3A_548 = arith.constant 0 : i32
      %dma_wait3A_549 = arith.constant 0 : i32
      %dma_wait3A_550 = arith.constant 0 : i32
      %dma_wait3A_551 = arith.constant 0 : i32
      %dma_wait3A_552 = tpu.memref_slice %arg9[%dma_wait3A_548, %dma_wait3A_549, %dma_wait3A_550, %dma_wait3A_551] : memref<2x2x128x64xf32, #tpu.memory_space<vmem>> -> memref<1x1x128x64xf32, #tpu.memory_space<vmem>>
      %dma_wait3A_553 = tpu.memref_squeeze %dma_wait3A_552 : memref<1x1x128x64xf32, #tpu.memory_space<vmem>> -> memref<128x64xf32, #tpu.memory_space<vmem>>
      %dma_wait3A_554 = tpu.memref_slice %arg8[%multiple_of3A_547] : memref<4096xi32, #tpu.memory_space<vmem>> -> memref<128xi32, #tpu.memory_space<vmem>>
      %dma_wait3A_555 = arith.constant 0 : i32
      %dma_wait3A_556 = arith.constant 0 : i32
      %dma_wait3A_557 = tpu.memref_slice %arg3[%arg0, %dma_wait3A_555, %dma_wait3A_556] : memref<2x10000x64xf32, #tpu.memory_space<hbm>> -> memref<1x10000x64xf32, #tpu.memory_space<hbm>>
      %dma_wait3A_558 = tpu.memref_squeeze %dma_wait3A_557 : memref<1x10000x64xf32, #tpu.memory_space<hbm>> -> memref<10000x64xf32, #tpu.memory_space<hbm>>
      %dma_wait3A_559 = arith.constant 0 : i32
      %dma_wait3A_560 = arith.constant 0 : i32
      %dma_wait3A_561 = tpu.memref_slice %dma_wait3A_558[%dma_wait3A_559, %dma_wait3A_560] : memref<10000x64xf32, #tpu.memory_space<hbm>> -> memref<10000x64xf32, #tpu.memory_space<hbm>>
      tpu.wait_indirect_dma semaphore(%arg15 : memref<!tpu.dma_semaphore, #tpu.memory_space<semaphore_mem>>) src(%dma_wait3A_561 : memref<10000x64xf32, #tpu.memory_space<hbm>>) dst(%dma_wait3A_553 : memref<128x64xf32, #tpu.memory_space<vmem>>)
      %add3A_562 = arith.constant 1 : i32
      %add3A_563 = arith.addi %mul3A_496, %add3A_562 : i32
      %mul3A_564 = arith.constant 128 : i32
      %mul3A_565 = arith.muli %add3A_563, %mul3A_564 : i32
      %multiple_of3A_566 = tpu.assume_multiple %mul3A_565, 128 : i32
      %dma_wait3A_567 = arith.constant 0 : i32
      %dma_wait3A_568 = arith.constant 1 : i32
      %dma_wait3A_569 = arith.constant 0 : i32
      %dma_wait3A_570 = arith.constant 0 : i32
      %dma_wait3A_571 = tpu.memref_slice %arg9[%dma_wait3A_567, %dma_wait3A_568, %dma_wait3A_569, %dma_wait3A_570] : memref<2x2x128x64xf32, #tpu.memory_space<vmem>> -> memref<1x1x128x64xf32, #tpu.memory_space<vmem>>
      %dma_wait3A_572 = tpu.memref_squeeze %dma_wait3A_571 : memref<1x1x128x64xf32, #tpu.memory_space<vmem>> -> memref<128x64xf32, #tpu.memory_space<vmem>>
      %dma_wait3A_573 = tpu.memref_slice %arg8[%multiple_of3A_566] : memref<4096xi32, #tpu.memory_space<vmem>> -> memref<128xi32, #tpu.memory_space<vmem>>
      %dma_wait3A_574 = arith.constant 0 : i32
      %dma_wait3A_575 = arith.constant 0 : i32
      %dma_wait3A_576 = tpu.memref_slice %arg3[%arg0, %dma_wait3A_574, %dma_wait3A_575] : memref<2x10000x64xf32, #tpu.memory_space<hbm>> -> memref<1x10000x64xf32, #tpu.memory_space<hbm>>
      %dma_wait3A_577 = tpu.memref_squeeze %dma_wait3A_576 : memref<1x10000x64xf32, #tpu.memory_space<hbm>> -> memref<10000x64xf32, #tpu.memory_space<hbm>>
      %dma_wait3A_578 = arith.constant 0 : i32
      %dma_wait3A_579 = arith.constant 0 : i32
      %dma_wait3A_580 = tpu.memref_slice %dma_wait3A_577[%dma_wait3A_578, %dma_wait3A_579] : memref<10000x64xf32, #tpu.memory_space<hbm>> -> memref<10000x64xf32, #tpu.memory_space<hbm>>
      tpu.wait_indirect_dma semaphore(%arg15 : memref<!tpu.dma_semaphore, #tpu.memory_space<semaphore_mem>>) src(%dma_wait3A_580 : memref<10000x64xf32, #tpu.memory_space<hbm>>) dst(%dma_wait3A_572 : memref<128x64xf32, #tpu.memory_space<vmem>>)
      %add3A_581 = arith.constant 0 : i32
      %add3A_582 = arith.addi %mul3A_496, %add3A_581 : i32
      %mul3A_583 = arith.constant 128 : i32
      %mul3A_584 = arith.muli %add3A_582, %mul3A_583 : i32
      %multiple_of3A_585 = tpu.assume_multiple %mul3A_584, 128 : i32
      %dma_start3A_586 = arith.constant 0 : i32
      %dma_start3A_587 = arith.constant 0 : i32
      %dma_start3A_588 = arith.constant 0 : i32
      %dma_start3A_589 = arith.constant 0 : i32
      %dma_start3A_590 = tpu.memref_slice %arg9[%dma_start3A_586, %dma_start3A_587, %dma_start3A_588, %dma_start3A_589] : memref<2x2x128x64xf32, #tpu.memory_space<vmem>> -> memref<1x1x128x64xf32, #tpu.memory_space<vmem>>
      %dma_start3A_591 = tpu.memref_squeeze %dma_start3A_590 : memref<1x1x128x64xf32, #tpu.memory_space<vmem>> -> memref<128x64xf32, #tpu.memory_space<vmem>>
      %dma_start3A_592 = tpu.memref_slice %arg7[%multiple_of3A_585] : memref<4096xi32, #tpu.memory_space<vmem>> -> memref<128xi32, #tpu.memory_space<vmem>>
      %dma_start3A_593 = arith.constant 0 : i32
      %dma_start3A_594 = arith.constant 0 : i32
      %dma_start3A_595 = tpu.memref_slice %arg12[%dma_start3A_593, %dma_start3A_594] : memref<10240x64xf32, #tpu.memory_space<vmem_shared>> -> memref<10240x64xf32, #tpu.memory_space<vmem_shared>>
      tpu.enqueue_indirect_dma source(%dma_start3A_591 : memref<128x64xf32, #tpu.memory_space<vmem>>) target(%dma_start3A_595 : memref<10240x64xf32, #tpu.memory_space<vmem_shared>>) offsets(%dma_start3A_592 : memref<128xi32, #tpu.memory_space<vmem>>) semaphore(%arg17 : memref<!tpu.dma_semaphore, #tpu.memory_space<semaphore_mem>>) {add = true}
      %jit3A = arith.constant 2 : i32
      %eq3A_596 = arith.constant 0 : i32
      %eq3A_597 = arith.cmpi eq, %jit3A, %eq3A_596 : i32
      %jit3A_598 = arith.constant 1 : i32
      %select_n3A = arith.select %eq3A_597, %jit3A_598, %jit3A : i32
      %rem3A = arith.remsi %add3A_494, %select_n3A : i32
      %ne3A = arith.constant 0 : i32
      %ne3A_599 = arith.cmpi ne, %rem3A, %ne3A : i32
      %lt3A_600 = arith.constant 0 : i32
      %lt3A_601 = arith.cmpi slt, %rem3A, %lt3A_600 : i32
      %lt3A_602 = arith.constant 0 : i32
      %lt3A_603 = arith.cmpi slt, %select_n3A, %lt3A_602 : i32
      %ne3A_604 = arith.xori %lt3A_601, %lt3A_603 : i1
      %and3A = arith.andi %ne3A_604, %ne3A_599 : i1
      %add3A_605 = arith.addi %rem3A, %select_n3A : i32
      %select_n3A_606 = arith.select %and3A, %add3A_605, %rem3A : i32
      %eq3A_607 = arith.cmpi eq, %arg0, %select_n3A_606 : i32
      %convert_element_type3A_608 = arith.extui %eq3A_607 : i1 to i32
      %cond3A_609 = arith.constant 0 : i32
      %cond3A_610 = arith.cmpi ne, %convert_element_type3A_608, %cond3A_609 : i32
      scf.if %cond3A_610 {
        %add3A_833 = arith.constant 0 : i32
        %add3A_834 = arith.addi %mul3A_496, %add3A_833 : i32
        %mul3A_835 = arith.constant 128 : i32
        %mul3A_836 = arith.muli %add3A_834, %mul3A_835 : i32
        %multiple_of3A_837 = tpu.assume_multiple %mul3A_836, 128 : i32
        %dma_start3A_838 = tpu.memref_slice %arg7[%multiple_of3A_837] : memref<4096xi32, #tpu.memory_space<vmem>> -> memref<128xi32, #tpu.memory_space<vmem>>
        %dma_start3A_839 = arith.constant 0 : i32
        %dma_start3A_840 = tpu.memref_slice %arg14[%dma_start3A_839] : memref<10240xf32, #tpu.memory_space<vmem_shared>> -> memref<10240xf32, #tpu.memory_space<vmem_shared>>
        tpu.enqueue_indirect_dma source(%arg10 : memref<128xf32, #tpu.memory_space<vmem>>) target(%dma_start3A_840 : memref<10240xf32, #tpu.memory_space<vmem_shared>>) offsets(%dma_start3A_838 : memref<128xi32, #tpu.memory_space<vmem>>) semaphore(%arg19 : memref<!tpu.dma_semaphore, #tpu.memory_space<semaphore_mem>>) {add = true}
      } else {
      }
      %add3A_611 = arith.constant 1 : i32
      %add3A_612 = arith.addi %mul3A_496, %add3A_611 : i32
      %mul3A_613 = arith.constant 128 : i32
      %mul3A_614 = arith.muli %add3A_612, %mul3A_613 : i32
      %multiple_of3A_615 = tpu.assume_multiple %mul3A_614, 128 : i32
      %dma_start3A_616 = arith.constant 0 : i32
      %dma_start3A_617 = arith.constant 1 : i32
      %dma_start3A_618 = arith.constant 0 : i32
      %dma_start3A_619 = arith.constant 0 : i32
      %dma_start3A_620 = tpu.memref_slice %arg9[%dma_start3A_616, %dma_start3A_617, %dma_start3A_618, %dma_start3A_619] : memref<2x2x128x64xf32, #tpu.memory_space<vmem>> -> memref<1x1x128x64xf32, #tpu.memory_space<vmem>>
      %dma_start3A_621 = tpu.memref_squeeze %dma_start3A_620 : memref<1x1x128x64xf32, #tpu.memory_space<vmem>> -> memref<128x64xf32, #tpu.memory_space<vmem>>
      %dma_start3A_622 = tpu.memref_slice %arg7[%multiple_of3A_615] : memref<4096xi32, #tpu.memory_space<vmem>> -> memref<128xi32, #tpu.memory_space<vmem>>
      %dma_start3A_623 = arith.constant 0 : i32
      %dma_start3A_624 = arith.constant 0 : i32
      %dma_start3A_625 = tpu.memref_slice %arg12[%dma_start3A_623, %dma_start3A_624] : memref<10240x64xf32, #tpu.memory_space<vmem_shared>> -> memref<10240x64xf32, #tpu.memory_space<vmem_shared>>
      tpu.enqueue_indirect_dma source(%dma_start3A_621 : memref<128x64xf32, #tpu.memory_space<vmem>>) target(%dma_start3A_625 : memref<10240x64xf32, #tpu.memory_space<vmem_shared>>) offsets(%dma_start3A_622 : memref<128xi32, #tpu.memory_space<vmem>>) semaphore(%arg17 : memref<!tpu.dma_semaphore, #tpu.memory_space<semaphore_mem>>) {add = true}
      %jit3A_626 = arith.constant 2 : i32
      %eq3A_627 = arith.constant 0 : i32
      %eq3A_628 = arith.cmpi eq, %jit3A_626, %eq3A_627 : i32
      %jit3A_629 = arith.constant 1 : i32
      %select_n3A_630 = arith.select %eq3A_628, %jit3A_629, %jit3A_626 : i32
      %rem3A_631 = arith.remsi %add3A_494, %select_n3A_630 : i32
      %ne3A_632 = arith.constant 0 : i32
      %ne3A_633 = arith.cmpi ne, %rem3A_631, %ne3A_632 : i32
      %lt3A_634 = arith.constant 0 : i32
      %lt3A_635 = arith.cmpi slt, %rem3A_631, %lt3A_634 : i32
      %lt3A_636 = arith.constant 0 : i32
      %lt3A_637 = arith.cmpi slt, %select_n3A_630, %lt3A_636 : i32
      %ne3A_638 = arith.xori %lt3A_635, %lt3A_637 : i1
      %and3A_639 = arith.andi %ne3A_638, %ne3A_633 : i1
      %add3A_640 = arith.addi %rem3A_631, %select_n3A_630 : i32
      %select_n3A_641 = arith.select %and3A_639, %add3A_640, %rem3A_631 : i32
      %eq3A_642 = arith.cmpi eq, %arg0, %select_n3A_641 : i32
      %convert_element_type3A_643 = arith.extui %eq3A_642 : i1 to i32
      %cond3A_644 = arith.constant 0 : i32
      %cond3A_645 = arith.cmpi ne, %convert_element_type3A_643, %cond3A_644 : i32
      scf.if %cond3A_645 {
        %add3A_833 = arith.constant 1 : i32
        %add3A_834 = arith.addi %mul3A_496, %add3A_833 : i32
        %mul3A_835 = arith.constant 128 : i32
        %mul3A_836 = arith.muli %add3A_834, %mul3A_835 : i32
        %multiple_of3A_837 = tpu.assume_multiple %mul3A_836, 128 : i32
        %dma_start3A_838 = tpu.memref_slice %arg7[%multiple_of3A_837] : memref<4096xi32, #tpu.memory_space<vmem>> -> memref<128xi32, #tpu.memory_space<vmem>>
        %dma_start3A_839 = arith.constant 0 : i32
        %dma_start3A_840 = tpu.memref_slice %arg14[%dma_start3A_839] : memref<10240xf32, #tpu.memory_space<vmem_shared>> -> memref<10240xf32, #tpu.memory_space<vmem_shared>>
        tpu.enqueue_indirect_dma source(%arg10 : memref<128xf32, #tpu.memory_space<vmem>>) target(%dma_start3A_840 : memref<10240xf32, #tpu.memory_space<vmem_shared>>) offsets(%dma_start3A_838 : memref<128xi32, #tpu.memory_space<vmem>>) semaphore(%arg19 : memref<!tpu.dma_semaphore, #tpu.memory_space<semaphore_mem>>) {add = true}
      } else {
      }
      %mul3A_646 = arith.constant 2 : i32
      %mul3A_647 = arith.muli %mul3A_646, %scan3A_490 : i32
      %add3A_648 = arith.constant 1 : i32
      %add3A_649 = arith.addi %mul3A_647, %add3A_648 : i32
      %mul3A_650 = arith.constant 2 : i32
      %mul3A_651 = arith.muli %add3A_649, %mul3A_650 : i32
      %multiple_of3A_652 = arith.constant 0 : i32
      %multiple_of3A_653 = tpu.assume_multiple %multiple_of3A_652, 128 : i32
      %dma_wait3A_654 = arith.constant 0 : i32
      %dma_wait3A_655 = arith.constant 0 : i32
      %dma_wait3A_656 = arith.constant 0 : i32
      %dma_wait3A_657 = arith.constant 0 : i32
      %dma_wait3A_658 = tpu.memref_slice %arg9[%dma_wait3A_654, %dma_wait3A_655, %dma_wait3A_656, %dma_wait3A_657] : memref<2x2x128x64xf32, #tpu.memory_space<vmem>> -> memref<1x1x128x64xf32, #tpu.memory_space<vmem>>
      %dma_wait3A_659 = tpu.memref_squeeze %dma_wait3A_658 : memref<1x1x128x64xf32, #tpu.memory_space<vmem>> -> memref<128x64xf32, #tpu.memory_space<vmem>>
      %dma_wait3A_660 = tpu.memref_slice %arg7[%multiple_of3A_653] : memref<4096xi32, #tpu.memory_space<vmem>> -> memref<128xi32, #tpu.memory_space<vmem>>
      %dma_wait3A_661 = arith.constant 0 : i32
      %dma_wait3A_662 = arith.constant 0 : i32
      %dma_wait3A_663 = tpu.memref_slice %arg12[%dma_wait3A_661, %dma_wait3A_662] : memref<10240x64xf32, #tpu.memory_space<vmem_shared>> -> memref<10240x64xf32, #tpu.memory_space<vmem_shared>>
      tpu.wait_indirect_dma semaphore(%arg17 : memref<!tpu.dma_semaphore, #tpu.memory_space<semaphore_mem>>) src(%dma_wait3A_659 : memref<128x64xf32, #tpu.memory_space<vmem>>) dst(%dma_wait3A_663 : memref<10240x64xf32, #tpu.memory_space<vmem_shared>>)
      %add3A_664 = arith.constant 1 : i32
      %add3A_665 = arith.addi %add3A_649, %add3A_664 : i32
      %jit3A_666 = arith.constant 2 : i32
      %eq3A_667 = arith.constant 0 : i32
      %eq3A_668 = arith.cmpi eq, %jit3A_666, %eq3A_667 : i32
      %jit3A_669 = arith.constant 1 : i32
      %select_n3A_670 = arith.select %eq3A_668, %jit3A_669, %jit3A_666 : i32
      %rem3A_671 = arith.remsi %add3A_665, %select_n3A_670 : i32
      %ne3A_672 = arith.constant 0 : i32
      %ne3A_673 = arith.cmpi ne, %rem3A_671, %ne3A_672 : i32
      %lt3A_674 = arith.constant 0 : i32
      %lt3A_675 = arith.cmpi slt, %rem3A_671, %lt3A_674 : i32
      %lt3A_676 = arith.constant 0 : i32
      %lt3A_677 = arith.cmpi slt, %select_n3A_670, %lt3A_676 : i32
      %ne3A_678 = arith.xori %lt3A_675, %lt3A_677 : i1
      %and3A_679 = arith.andi %ne3A_678, %ne3A_673 : i1
      %add3A_680 = arith.addi %rem3A_671, %select_n3A_670 : i32
      %select_n3A_681 = arith.select %and3A_679, %add3A_680, %rem3A_671 : i32
      %eq3A_682 = arith.cmpi eq, %arg0, %select_n3A_681 : i32
      %convert_element_type3A_683 = arith.extui %eq3A_682 : i1 to i32
      %cond3A_684 = arith.constant 0 : i32
      %cond3A_685 = arith.cmpi ne, %convert_element_type3A_683, %cond3A_684 : i32
      scf.if %cond3A_685 {
        %multiple_of3A_833 = arith.constant 0 : i32
        %multiple_of3A_834 = tpu.assume_multiple %multiple_of3A_833, 128 : i32
        %dma_wait3A_835 = tpu.memref_slice %arg7[%multiple_of3A_834] : memref<4096xi32, #tpu.memory_space<vmem>> -> memref<128xi32, #tpu.memory_space<vmem>>
        %dma_wait3A_836 = arith.constant 0 : i32
        %dma_wait3A_837 = tpu.memref_slice %arg14[%dma_wait3A_836] : memref<10240xf32, #tpu.memory_space<vmem_shared>> -> memref<10240xf32, #tpu.memory_space<vmem_shared>>
        tpu.wait_indirect_dma semaphore(%arg19 : memref<!tpu.dma_semaphore, #tpu.memory_space<semaphore_mem>>) src(%arg10 : memref<128xf32, #tpu.memory_space<vmem>>) dst(%dma_wait3A_837 : memref<10240xf32, #tpu.memory_space<vmem_shared>>)
      } else {
      }
      %multiple_of3A_686 = arith.constant 0 : i32
      %multiple_of3A_687 = tpu.assume_multiple %multiple_of3A_686, 128 : i32
      %dma_wait3A_688 = arith.constant 0 : i32
      %dma_wait3A_689 = arith.constant 1 : i32
      %dma_wait3A_690 = arith.constant 0 : i32
      %dma_wait3A_691 = arith.constant 0 : i32
      %dma_wait3A_692 = tpu.memref_slice %arg9[%dma_wait3A_688, %dma_wait3A_689, %dma_wait3A_690, %dma_wait3A_691] : memref<2x2x128x64xf32, #tpu.memory_space<vmem>> -> memref<1x1x128x64xf32, #tpu.memory_space<vmem>>
      %dma_wait3A_693 = tpu.memref_squeeze %dma_wait3A_692 : memref<1x1x128x64xf32, #tpu.memory_space<vmem>> -> memref<128x64xf32, #tpu.memory_space<vmem>>
      %dma_wait3A_694 = tpu.memref_slice %arg7[%multiple_of3A_687] : memref<4096xi32, #tpu.memory_space<vmem>> -> memref<128xi32, #tpu.memory_space<vmem>>
      %dma_wait3A_695 = arith.constant 0 : i32
      %dma_wait3A_696 = arith.constant 0 : i32
      %dma_wait3A_697 = tpu.memref_slice %arg12[%dma_wait3A_695, %dma_wait3A_696] : memref<10240x64xf32, #tpu.memory_space<vmem_shared>> -> memref<10240x64xf32, #tpu.memory_space<vmem_shared>>
      tpu.wait_indirect_dma semaphore(%arg17 : memref<!tpu.dma_semaphore, #tpu.memory_space<semaphore_mem>>) src(%dma_wait3A_693 : memref<128x64xf32, #tpu.memory_space<vmem>>) dst(%dma_wait3A_697 : memref<10240x64xf32, #tpu.memory_space<vmem_shared>>)
      %add3A_698 = arith.constant 1 : i32
      %add3A_699 = arith.addi %add3A_649, %add3A_698 : i32
      %jit3A_700 = arith.constant 2 : i32
      %eq3A_701 = arith.constant 0 : i32
      %eq3A_702 = arith.cmpi eq, %jit3A_700, %eq3A_701 : i32
      %jit3A_703 = arith.constant 1 : i32
      %select_n3A_704 = arith.select %eq3A_702, %jit3A_703, %jit3A_700 : i32
      %rem3A_705 = arith.remsi %add3A_699, %select_n3A_704 : i32
      %ne3A_706 = arith.constant 0 : i32
      %ne3A_707 = arith.cmpi ne, %rem3A_705, %ne3A_706 : i32
      %lt3A_708 = arith.constant 0 : i32
      %lt3A_709 = arith.cmpi slt, %rem3A_705, %lt3A_708 : i32
      %lt3A_710 = arith.constant 0 : i32
      %lt3A_711 = arith.cmpi slt, %select_n3A_704, %lt3A_710 : i32
      %ne3A_712 = arith.xori %lt3A_709, %lt3A_711 : i1
      %and3A_713 = arith.andi %ne3A_712, %ne3A_707 : i1
      %add3A_714 = arith.addi %rem3A_705, %select_n3A_704 : i32
      %select_n3A_715 = arith.select %and3A_713, %add3A_714, %rem3A_705 : i32
      %eq3A_716 = arith.cmpi eq, %arg0, %select_n3A_715 : i32
      %convert_element_type3A_717 = arith.extui %eq3A_716 : i1 to i32
      %cond3A_718 = arith.constant 0 : i32
      %cond3A_719 = arith.cmpi ne, %convert_element_type3A_717, %cond3A_718 : i32
      scf.if %cond3A_719 {
        %multiple_of3A_833 = arith.constant 0 : i32
        %multiple_of3A_834 = tpu.assume_multiple %multiple_of3A_833, 128 : i32
        %dma_wait3A_835 = tpu.memref_slice %arg7[%multiple_of3A_834] : memref<4096xi32, #tpu.memory_space<vmem>> -> memref<128xi32, #tpu.memory_space<vmem>>
        %dma_wait3A_836 = arith.constant 0 : i32
        %dma_wait3A_837 = tpu.memref_slice %arg14[%dma_wait3A_836] : memref<10240xf32, #tpu.memory_space<vmem_shared>> -> memref<10240xf32, #tpu.memory_space<vmem_shared>>
        tpu.wait_indirect_dma semaphore(%arg19 : memref<!tpu.dma_semaphore, #tpu.memory_space<semaphore_mem>>) src(%arg10 : memref<128xf32, #tpu.memory_space<vmem>>) dst(%dma_wait3A_837 : memref<10240xf32, #tpu.memory_space<vmem_shared>>)
      } else {
      }
      %lt3A_720 = arith.constant 7 : i32
      %lt3A_721 = arith.cmpi slt, %scan3A_490, %lt3A_720 : i32
      %convert_element_type3A_722 = arith.extui %lt3A_721 : i1 to i32
      %cond3A_723 = arith.constant 0 : i32
      %cond3A_724 = arith.cmpi ne, %convert_element_type3A_722, %cond3A_723 : i32
      scf.if %cond3A_724 {
        %add3A_833 = arith.constant 2 : i32
        %add3A_834 = arith.addi %mul3A_651, %add3A_833 : i32
        %add3A_835 = arith.constant 0 : i32
        %add3A_836 = arith.addi %add3A_834, %add3A_835 : i32
        %mul3A_837 = arith.constant 128 : i32
        %mul3A_838 = arith.muli %add3A_836, %mul3A_837 : i32
        %multiple_of3A_839 = tpu.assume_multiple %mul3A_838, 128 : i32
        %dma_start3A_840 = arith.constant 0 : i32
        %dma_start3A_841 = arith.constant 0 : i32
        %dma_start3A_842 = arith.constant 0 : i32
        %dma_start3A_843 = arith.constant 0 : i32
        %dma_start3A_844 = tpu.memref_slice %arg9[%dma_start3A_840, %dma_start3A_841, %dma_start3A_842, %dma_start3A_843] : memref<2x2x128x64xf32, #tpu.memory_space<vmem>> -> memref<1x1x128x64xf32, #tpu.memory_space<vmem>>
        %dma_start3A_845 = tpu.memref_squeeze %dma_start3A_844 : memref<1x1x128x64xf32, #tpu.memory_space<vmem>> -> memref<128x64xf32, #tpu.memory_space<vmem>>
        %dma_start3A_846 = tpu.memref_slice %arg8[%multiple_of3A_839] : memref<4096xi32, #tpu.memory_space<vmem>> -> memref<128xi32, #tpu.memory_space<vmem>>
        %dma_start3A_847 = arith.constant 0 : i32
        %dma_start3A_848 = arith.constant 0 : i32
        %dma_start3A_849 = tpu.memref_slice %arg3[%arg0, %dma_start3A_847, %dma_start3A_848] : memref<2x10000x64xf32, #tpu.memory_space<hbm>> -> memref<1x10000x64xf32, #tpu.memory_space<hbm>>
        %dma_start3A_850 = tpu.memref_squeeze %dma_start3A_849 : memref<1x10000x64xf32, #tpu.memory_space<hbm>> -> memref<10000x64xf32, #tpu.memory_space<hbm>>
        %dma_start3A_851 = arith.constant 0 : i32
        %dma_start3A_852 = arith.constant 0 : i32
        %dma_start3A_853 = tpu.memref_slice %dma_start3A_850[%dma_start3A_851, %dma_start3A_852] : memref<10000x64xf32, #tpu.memory_space<hbm>> -> memref<10000x64xf32, #tpu.memory_space<hbm>>
        tpu.enqueue_indirect_dma source(%dma_start3A_853 : memref<10000x64xf32, #tpu.memory_space<hbm>>) target(%dma_start3A_845 : memref<128x64xf32, #tpu.memory_space<vmem>>) offsets(%dma_start3A_846 : memref<128xi32, #tpu.memory_space<vmem>>) semaphore(%arg15 : memref<!tpu.dma_semaphore, #tpu.memory_space<semaphore_mem>>)
        %add3A_854 = arith.constant 2 : i32
        %add3A_855 = arith.addi %mul3A_651, %add3A_854 : i32
        %add3A_856 = arith.constant 1 : i32
        %add3A_857 = arith.addi %add3A_855, %add3A_856 : i32
        %mul3A_858 = arith.constant 128 : i32
        %mul3A_859 = arith.muli %add3A_857, %mul3A_858 : i32
        %multiple_of3A_860 = tpu.assume_multiple %mul3A_859, 128 : i32
        %dma_start3A_861 = arith.constant 0 : i32
        %dma_start3A_862 = arith.constant 1 : i32
        %dma_start3A_863 = arith.constant 0 : i32
        %dma_start3A_864 = arith.constant 0 : i32
        %dma_start3A_865 = tpu.memref_slice %arg9[%dma_start3A_861, %dma_start3A_862, %dma_start3A_863, %dma_start3A_864] : memref<2x2x128x64xf32, #tpu.memory_space<vmem>> -> memref<1x1x128x64xf32, #tpu.memory_space<vmem>>
        %dma_start3A_866 = tpu.memref_squeeze %dma_start3A_865 : memref<1x1x128x64xf32, #tpu.memory_space<vmem>> -> memref<128x64xf32, #tpu.memory_space<vmem>>
        %dma_start3A_867 = tpu.memref_slice %arg8[%multiple_of3A_860] : memref<4096xi32, #tpu.memory_space<vmem>> -> memref<128xi32, #tpu.memory_space<vmem>>
        %dma_start3A_868 = arith.constant 0 : i32
        %dma_start3A_869 = arith.constant 0 : i32
        %dma_start3A_870 = tpu.memref_slice %arg3[%arg0, %dma_start3A_868, %dma_start3A_869] : memref<2x10000x64xf32, #tpu.memory_space<hbm>> -> memref<1x10000x64xf32, #tpu.memory_space<hbm>>
        %dma_start3A_871 = tpu.memref_squeeze %dma_start3A_870 : memref<1x10000x64xf32, #tpu.memory_space<hbm>> -> memref<10000x64xf32, #tpu.memory_space<hbm>>
        %dma_start3A_872 = arith.constant 0 : i32
        %dma_start3A_873 = arith.constant 0 : i32
        %dma_start3A_874 = tpu.memref_slice %dma_start3A_871[%dma_start3A_872, %dma_start3A_873] : memref<10000x64xf32, #tpu.memory_space<hbm>> -> memref<10000x64xf32, #tpu.memory_space<hbm>>
        tpu.enqueue_indirect_dma source(%dma_start3A_874 : memref<10000x64xf32, #tpu.memory_space<hbm>>) target(%dma_start3A_866 : memref<128x64xf32, #tpu.memory_space<vmem>>) offsets(%dma_start3A_867 : memref<128xi32, #tpu.memory_space<vmem>>) semaphore(%arg15 : memref<!tpu.dma_semaphore, #tpu.memory_space<semaphore_mem>>)
      } else {
      }
      %add3A_725 = arith.constant 0 : i32
      %add3A_726 = arith.addi %mul3A_651, %add3A_725 : i32
      %mul3A_727 = arith.constant 128 : i32
      %mul3A_728 = arith.muli %add3A_726, %mul3A_727 : i32
      %multiple_of3A_729 = tpu.assume_multiple %mul3A_728, 128 : i32
      %dma_wait3A_730 = arith.constant 1 : i32
      %dma_wait3A_731 = arith.constant 0 : i32
      %dma_wait3A_732 = arith.constant 0 : i32
      %dma_wait3A_733 = arith.constant 0 : i32
      %dma_wait3A_734 = tpu.memref_slice %arg9[%dma_wait3A_730, %dma_wait3A_731, %dma_wait3A_732, %dma_wait3A_733] : memref<2x2x128x64xf32, #tpu.memory_space<vmem>> -> memref<1x1x128x64xf32, #tpu.memory_space<vmem>>
      %dma_wait3A_735 = tpu.memref_squeeze %dma_wait3A_734 : memref<1x1x128x64xf32, #tpu.memory_space<vmem>> -> memref<128x64xf32, #tpu.memory_space<vmem>>
      %dma_wait3A_736 = tpu.memref_slice %arg8[%multiple_of3A_729] : memref<4096xi32, #tpu.memory_space<vmem>> -> memref<128xi32, #tpu.memory_space<vmem>>
      %dma_wait3A_737 = arith.constant 0 : i32
      %dma_wait3A_738 = arith.constant 0 : i32
      %dma_wait3A_739 = tpu.memref_slice %arg3[%arg0, %dma_wait3A_737, %dma_wait3A_738] : memref<2x10000x64xf32, #tpu.memory_space<hbm>> -> memref<1x10000x64xf32, #tpu.memory_space<hbm>>
      %dma_wait3A_740 = tpu.memref_squeeze %dma_wait3A_739 : memref<1x10000x64xf32, #tpu.memory_space<hbm>> -> memref<10000x64xf32, #tpu.memory_space<hbm>>
      %dma_wait3A_741 = arith.constant 0 : i32
      %dma_wait3A_742 = arith.constant 0 : i32
      %dma_wait3A_743 = tpu.memref_slice %dma_wait3A_740[%dma_wait3A_741, %dma_wait3A_742] : memref<10000x64xf32, #tpu.memory_space<hbm>> -> memref<10000x64xf32, #tpu.memory_space<hbm>>
      tpu.wait_indirect_dma semaphore(%arg16 : memref<!tpu.dma_semaphore, #tpu.memory_space<semaphore_mem>>) src(%dma_wait3A_743 : memref<10000x64xf32, #tpu.memory_space<hbm>>) dst(%dma_wait3A_735 : memref<128x64xf32, #tpu.memory_space<vmem>>)
      %add3A_744 = arith.constant 1 : i32
      %add3A_745 = arith.addi %mul3A_651, %add3A_744 : i32
      %mul3A_746 = arith.constant 128 : i32
      %mul3A_747 = arith.muli %add3A_745, %mul3A_746 : i32
      %multiple_of3A_748 = tpu.assume_multiple %mul3A_747, 128 : i32
      %dma_wait3A_749 = arith.constant 1 : i32
      %dma_wait3A_750 = arith.constant 1 : i32
      %dma_wait3A_751 = arith.constant 0 : i32
      %dma_wait3A_752 = arith.constant 0 : i32
      %dma_wait3A_753 = tpu.memref_slice %arg9[%dma_wait3A_749, %dma_wait3A_750, %dma_wait3A_751, %dma_wait3A_752] : memref<2x2x128x64xf32, #tpu.memory_space<vmem>> -> memref<1x1x128x64xf32, #tpu.memory_space<vmem>>
      %dma_wait3A_754 = tpu.memref_squeeze %dma_wait3A_753 : memref<1x1x128x64xf32, #tpu.memory_space<vmem>> -> memref<128x64xf32, #tpu.memory_space<vmem>>
      %dma_wait3A_755 = tpu.memref_slice %arg8[%multiple_of3A_748] : memref<4096xi32, #tpu.memory_space<vmem>> -> memref<128xi32, #tpu.memory_space<vmem>>
      %dma_wait3A_756 = arith.constant 0 : i32
      %dma_wait3A_757 = arith.constant 0 : i32
      %dma_wait3A_758 = tpu.memref_slice %arg3[%arg0, %dma_wait3A_756, %dma_wait3A_757] : memref<2x10000x64xf32, #tpu.memory_space<hbm>> -> memref<1x10000x64xf32, #tpu.memory_space<hbm>>
      %dma_wait3A_759 = tpu.memref_squeeze %dma_wait3A_758 : memref<1x10000x64xf32, #tpu.memory_space<hbm>> -> memref<10000x64xf32, #tpu.memory_space<hbm>>
      %dma_wait3A_760 = arith.constant 0 : i32
      %dma_wait3A_761 = arith.constant 0 : i32
      %dma_wait3A_762 = tpu.memref_slice %dma_wait3A_759[%dma_wait3A_760, %dma_wait3A_761] : memref<10000x64xf32, #tpu.memory_space<hbm>> -> memref<10000x64xf32, #tpu.memory_space<hbm>>
      tpu.wait_indirect_dma semaphore(%arg16 : memref<!tpu.dma_semaphore, #tpu.memory_space<semaphore_mem>>) src(%dma_wait3A_762 : memref<10000x64xf32, #tpu.memory_space<hbm>>) dst(%dma_wait3A_754 : memref<128x64xf32, #tpu.memory_space<vmem>>)
      %add3A_763 = arith.constant 0 : i32
      %add3A_764 = arith.addi %mul3A_651, %add3A_763 : i32
      %mul3A_765 = arith.constant 128 : i32
      %mul3A_766 = arith.muli %add3A_764, %mul3A_765 : i32
      %multiple_of3A_767 = tpu.assume_multiple %mul3A_766, 128 : i32
      %dma_start3A_768 = arith.constant 1 : i32
      %dma_start3A_769 = arith.constant 0 : i32
      %dma_start3A_770 = arith.constant 0 : i32
      %dma_start3A_771 = arith.constant 0 : i32
      %dma_start3A_772 = tpu.memref_slice %arg9[%dma_start3A_768, %dma_start3A_769, %dma_start3A_770, %dma_start3A_771] : memref<2x2x128x64xf32, #tpu.memory_space<vmem>> -> memref<1x1x128x64xf32, #tpu.memory_space<vmem>>
      %dma_start3A_773 = tpu.memref_squeeze %dma_start3A_772 : memref<1x1x128x64xf32, #tpu.memory_space<vmem>> -> memref<128x64xf32, #tpu.memory_space<vmem>>
      %dma_start3A_774 = tpu.memref_slice %arg7[%multiple_of3A_767] : memref<4096xi32, #tpu.memory_space<vmem>> -> memref<128xi32, #tpu.memory_space<vmem>>
      %dma_start3A_775 = arith.constant 0 : i32
      %dma_start3A_776 = arith.constant 0 : i32
      %dma_start3A_777 = tpu.memref_slice %arg12[%dma_start3A_775, %dma_start3A_776] : memref<10240x64xf32, #tpu.memory_space<vmem_shared>> -> memref<10240x64xf32, #tpu.memory_space<vmem_shared>>
      tpu.enqueue_indirect_dma source(%dma_start3A_773 : memref<128x64xf32, #tpu.memory_space<vmem>>) target(%dma_start3A_777 : memref<10240x64xf32, #tpu.memory_space<vmem_shared>>) offsets(%dma_start3A_774 : memref<128xi32, #tpu.memory_space<vmem>>) semaphore(%arg18 : memref<!tpu.dma_semaphore, #tpu.memory_space<semaphore_mem>>) {add = true}
      %jit3A_778 = arith.constant 2 : i32
      %eq3A_779 = arith.constant 0 : i32
      %eq3A_780 = arith.cmpi eq, %jit3A_778, %eq3A_779 : i32
      %jit3A_781 = arith.constant 1 : i32
      %select_n3A_782 = arith.select %eq3A_780, %jit3A_781, %jit3A_778 : i32
      %rem3A_783 = arith.remsi %add3A_649, %select_n3A_782 : i32
      %ne3A_784 = arith.constant 0 : i32
      %ne3A_785 = arith.cmpi ne, %rem3A_783, %ne3A_784 : i32
      %lt3A_786 = arith.constant 0 : i32
      %lt3A_787 = arith.cmpi slt, %rem3A_783, %lt3A_786 : i32
      %lt3A_788 = arith.constant 0 : i32
      %lt3A_789 = arith.cmpi slt, %select_n3A_782, %lt3A_788 : i32
      %ne3A_790 = arith.xori %lt3A_787, %lt3A_789 : i1
      %and3A_791 = arith.andi %ne3A_790, %ne3A_785 : i1
      %add3A_792 = arith.addi %rem3A_783, %select_n3A_782 : i32
      %select_n3A_793 = arith.select %and3A_791, %add3A_792, %rem3A_783 : i32
      %eq3A_794 = arith.cmpi eq, %arg0, %select_n3A_793 : i32
      %convert_element_type3A_795 = arith.extui %eq3A_794 : i1 to i32
      %cond3A_796 = arith.constant 0 : i32
      %cond3A_797 = arith.cmpi ne, %convert_element_type3A_795, %cond3A_796 : i32
      scf.if %cond3A_797 {
        %add3A_833 = arith.constant 0 : i32
        %add3A_834 = arith.addi %mul3A_651, %add3A_833 : i32
        %mul3A_835 = arith.constant 128 : i32
        %mul3A_836 = arith.muli %add3A_834, %mul3A_835 : i32
        %multiple_of3A_837 = tpu.assume_multiple %mul3A_836, 128 : i32
        %dma_start3A_838 = tpu.memref_slice %arg7[%multiple_of3A_837] : memref<4096xi32, #tpu.memory_space<vmem>> -> memref<128xi32, #tpu.memory_space<vmem>>
        %dma_start3A_839 = arith.constant 0 : i32
        %dma_start3A_840 = tpu.memref_slice %arg14[%dma_start3A_839] : memref<10240xf32, #tpu.memory_space<vmem_shared>> -> memref<10240xf32, #tpu.memory_space<vmem_shared>>
        tpu.enqueue_indirect_dma source(%arg10 : memref<128xf32, #tpu.memory_space<vmem>>) target(%dma_start3A_840 : memref<10240xf32, #tpu.memory_space<vmem_shared>>) offsets(%dma_start3A_838 : memref<128xi32, #tpu.memory_space<vmem>>) semaphore(%arg20 : memref<!tpu.dma_semaphore, #tpu.memory_space<semaphore_mem>>) {add = true}
      } else {
      }
      %add3A_798 = arith.constant 1 : i32
      %add3A_799 = arith.addi %mul3A_651, %add3A_798 : i32
      %mul3A_800 = arith.constant 128 : i32
      %mul3A_801 = arith.muli %add3A_799, %mul3A_800 : i32
      %multiple_of3A_802 = tpu.assume_multiple %mul3A_801, 128 : i32
      %dma_start3A_803 = arith.constant 1 : i32
      %dma_start3A_804 = arith.constant 1 : i32
      %dma_start3A_805 = arith.constant 0 : i32
      %dma_start3A_806 = arith.constant 0 : i32
      %dma_start3A_807 = tpu.memref_slice %arg9[%dma_start3A_803, %dma_start3A_804, %dma_start3A_805, %dma_start3A_806] : memref<2x2x128x64xf32, #tpu.memory_space<vmem>> -> memref<1x1x128x64xf32, #tpu.memory_space<vmem>>
      %dma_start3A_808 = tpu.memref_squeeze %dma_start3A_807 : memref<1x1x128x64xf32, #tpu.memory_space<vmem>> -> memref<128x64xf32, #tpu.memory_space<vmem>>
      %dma_start3A_809 = tpu.memref_slice %arg7[%multiple_of3A_802] : memref<4096xi32, #tpu.memory_space<vmem>> -> memref<128xi32, #tpu.memory_space<vmem>>
      %dma_start3A_810 = arith.constant 0 : i32
      %dma_start3A_811 = arith.constant 0 : i32
      %dma_start3A_812 = tpu.memref_slice %arg12[%dma_start3A_810, %dma_start3A_811] : memref<10240x64xf32, #tpu.memory_space<vmem_shared>> -> memref<10240x64xf32, #tpu.memory_space<vmem_shared>>
      tpu.enqueue_indirect_dma source(%dma_start3A_808 : memref<128x64xf32, #tpu.memory_space<vmem>>) target(%dma_start3A_812 : memref<10240x64xf32, #tpu.memory_space<vmem_shared>>) offsets(%dma_start3A_809 : memref<128xi32, #tpu.memory_space<vmem>>) semaphore(%arg18 : memref<!tpu.dma_semaphore, #tpu.memory_space<semaphore_mem>>) {add = true}
      %jit3A_813 = arith.constant 2 : i32
      %eq3A_814 = arith.constant 0 : i32
      %eq3A_815 = arith.cmpi eq, %jit3A_813, %eq3A_814 : i32
      %jit3A_816 = arith.constant 1 : i32
      %select_n3A_817 = arith.select %eq3A_815, %jit3A_816, %jit3A_813 : i32
      %rem3A_818 = arith.remsi %add3A_649, %select_n3A_817 : i32
      %ne3A_819 = arith.constant 0 : i32
      %ne3A_820 = arith.cmpi ne, %rem3A_818, %ne3A_819 : i32
      %lt3A_821 = arith.constant 0 : i32
      %lt3A_822 = arith.cmpi slt, %rem3A_818, %lt3A_821 : i32
      %lt3A_823 = arith.constant 0 : i32
      %lt3A_824 = arith.cmpi slt, %select_n3A_817, %lt3A_823 : i32
      %ne3A_825 = arith.xori %lt3A_822, %lt3A_824 : i1
      %and3A_826 = arith.andi %ne3A_825, %ne3A_820 : i1
      %add3A_827 = arith.addi %rem3A_818, %select_n3A_817 : i32
      %select_n3A_828 = arith.select %and3A_826, %add3A_827, %rem3A_818 : i32
      %eq3A_829 = arith.cmpi eq, %arg0, %select_n3A_828 : i32
      %convert_element_type3A_830 = arith.extui %eq3A_829 : i1 to i32
      %cond3A_831 = arith.constant 0 : i32
      %cond3A_832 = arith.cmpi ne, %convert_element_type3A_830, %cond3A_831 : i32
      scf.if %cond3A_832 {
        %add3A_833 = arith.constant 1 : i32
        %add3A_834 = arith.addi %mul3A_651, %add3A_833 : i32
        %mul3A_835 = arith.constant 128 : i32
        %mul3A_836 = arith.muli %add3A_834, %mul3A_835 : i32
        %multiple_of3A_837 = tpu.assume_multiple %mul3A_836, 128 : i32
        %dma_start3A_838 = tpu.memref_slice %arg7[%multiple_of3A_837] : memref<4096xi32, #tpu.memory_space<vmem>> -> memref<128xi32, #tpu.memory_space<vmem>>
        %dma_start3A_839 = arith.constant 0 : i32
        %dma_start3A_840 = tpu.memref_slice %arg14[%dma_start3A_839] : memref<10240xf32, #tpu.memory_space<vmem_shared>> -> memref<10240xf32, #tpu.memory_space<vmem_shared>>
        tpu.enqueue_indirect_dma source(%arg10 : memref<128xf32, #tpu.memory_space<vmem>>) target(%dma_start3A_840 : memref<10240xf32, #tpu.memory_space<vmem_shared>>) offsets(%dma_start3A_838 : memref<128xi32, #tpu.memory_space<vmem>>) semaphore(%arg20 : memref<!tpu.dma_semaphore, #tpu.memory_space<semaphore_mem>>) {add = true}
      } else {
      }
    }
    %scan3A_350 = arith.constant 8 : i32
    %multiple_of3A_351 = arith.constant 0 : i32
    %multiple_of3A_352 = tpu.assume_multiple %multiple_of3A_351, 128 : i32
    %dma_wait3A_353 = arith.constant 1 : i32
    %dma_wait3A_354 = arith.constant 0 : i32
    %dma_wait3A_355 = arith.constant 0 : i32
    %dma_wait3A_356 = arith.constant 0 : i32
    %dma_wait3A_357 = tpu.memref_slice %arg9[%dma_wait3A_353, %dma_wait3A_354, %dma_wait3A_355, %dma_wait3A_356] : memref<2x2x128x64xf32, #tpu.memory_space<vmem>> -> memref<1x1x128x64xf32, #tpu.memory_space<vmem>>
    %dma_wait3A_358 = tpu.memref_squeeze %dma_wait3A_357 : memref<1x1x128x64xf32, #tpu.memory_space<vmem>> -> memref<128x64xf32, #tpu.memory_space<vmem>>
    %dma_wait3A_359 = tpu.memref_slice %arg7[%multiple_of3A_352] : memref<4096xi32, #tpu.memory_space<vmem>> -> memref<128xi32, #tpu.memory_space<vmem>>
    %dma_wait3A_360 = arith.constant 0 : i32
    %dma_wait3A_361 = arith.constant 0 : i32
    %dma_wait3A_362 = tpu.memref_slice %arg12[%dma_wait3A_360, %dma_wait3A_361] : memref<10240x64xf32, #tpu.memory_space<vmem_shared>> -> memref<10240x64xf32, #tpu.memory_space<vmem_shared>>
    tpu.wait_indirect_dma semaphore(%arg18 : memref<!tpu.dma_semaphore, #tpu.memory_space<semaphore_mem>>) src(%dma_wait3A_358 : memref<128x64xf32, #tpu.memory_space<vmem>>) dst(%dma_wait3A_362 : memref<10240x64xf32, #tpu.memory_space<vmem_shared>>)
    %eq3A_363 = arith.constant 1 : i32
    %eq3A_364 = arith.cmpi eq, %arg0, %eq3A_363 : i32
    %convert_element_type3A_365 = arith.extui %eq3A_364 : i1 to i32
    %cond3A_366 = arith.constant 0 : i32
    %cond3A_367 = arith.cmpi ne, %convert_element_type3A_365, %cond3A_366 : i32
    scf.if %cond3A_367 {
      %multiple_of3A_490 = arith.constant 0 : i32
      %multiple_of3A_491 = tpu.assume_multiple %multiple_of3A_490, 128 : i32
      %dma_wait3A_492 = tpu.memref_slice %arg7[%multiple_of3A_491] : memref<4096xi32, #tpu.memory_space<vmem>> -> memref<128xi32, #tpu.memory_space<vmem>>
      %dma_wait3A_493 = arith.constant 0 : i32
      %dma_wait3A_494 = tpu.memref_slice %arg14[%dma_wait3A_493] : memref<10240xf32, #tpu.memory_space<vmem_shared>> -> memref<10240xf32, #tpu.memory_space<vmem_shared>>
      tpu.wait_indirect_dma semaphore(%arg20 : memref<!tpu.dma_semaphore, #tpu.memory_space<semaphore_mem>>) src(%arg10 : memref<128xf32, #tpu.memory_space<vmem>>) dst(%dma_wait3A_494 : memref<10240xf32, #tpu.memory_space<vmem_shared>>)
    } else {
    }
    %multiple_of3A_368 = arith.constant 0 : i32
    %multiple_of3A_369 = tpu.assume_multiple %multiple_of3A_368, 128 : i32
    %dma_wait3A_370 = arith.constant 1 : i32
    %dma_wait3A_371 = arith.constant 1 : i32
    %dma_wait3A_372 = arith.constant 0 : i32
    %dma_wait3A_373 = arith.constant 0 : i32
    %dma_wait3A_374 = tpu.memref_slice %arg9[%dma_wait3A_370, %dma_wait3A_371, %dma_wait3A_372, %dma_wait3A_373] : memref<2x2x128x64xf32, #tpu.memory_space<vmem>> -> memref<1x1x128x64xf32, #tpu.memory_space<vmem>>
    %dma_wait3A_375 = tpu.memref_squeeze %dma_wait3A_374 : memref<1x1x128x64xf32, #tpu.memory_space<vmem>> -> memref<128x64xf32, #tpu.memory_space<vmem>>
    %dma_wait3A_376 = tpu.memref_slice %arg7[%multiple_of3A_369] : memref<4096xi32, #tpu.memory_space<vmem>> -> memref<128xi32, #tpu.memory_space<vmem>>
    %dma_wait3A_377 = arith.constant 0 : i32
    %dma_wait3A_378 = arith.constant 0 : i32
    %dma_wait3A_379 = tpu.memref_slice %arg12[%dma_wait3A_377, %dma_wait3A_378] : memref<10240x64xf32, #tpu.memory_space<vmem_shared>> -> memref<10240x64xf32, #tpu.memory_space<vmem_shared>>
    tpu.wait_indirect_dma semaphore(%arg18 : memref<!tpu.dma_semaphore, #tpu.memory_space<semaphore_mem>>) src(%dma_wait3A_375 : memref<128x64xf32, #tpu.memory_space<vmem>>) dst(%dma_wait3A_379 : memref<10240x64xf32, #tpu.memory_space<vmem_shared>>)
    %eq3A_380 = arith.constant 1 : i32
    %eq3A_381 = arith.cmpi eq, %arg0, %eq3A_380 : i32
    %convert_element_type3A_382 = arith.extui %eq3A_381 : i1 to i32
    %cond3A_383 = arith.constant 0 : i32
    %cond3A_384 = arith.cmpi ne, %convert_element_type3A_382, %cond3A_383 : i32
    scf.if %cond3A_384 {
      %multiple_of3A_490 = arith.constant 0 : i32
      %multiple_of3A_491 = tpu.assume_multiple %multiple_of3A_490, 128 : i32
      %dma_wait3A_492 = tpu.memref_slice %arg7[%multiple_of3A_491] : memref<4096xi32, #tpu.memory_space<vmem>> -> memref<128xi32, #tpu.memory_space<vmem>>
      %dma_wait3A_493 = arith.constant 0 : i32
      %dma_wait3A_494 = tpu.memref_slice %arg14[%dma_wait3A_493] : memref<10240xf32, #tpu.memory_space<vmem_shared>> -> memref<10240xf32, #tpu.memory_space<vmem_shared>>
      tpu.wait_indirect_dma semaphore(%arg20 : memref<!tpu.dma_semaphore, #tpu.memory_space<semaphore_mem>>) src(%arg10 : memref<128xf32, #tpu.memory_space<vmem>>) dst(%dma_wait3A_494 : memref<10240xf32, #tpu.memory_space<vmem_shared>>)
    } else {
    }
    %mul3A_385 = arith.constant 156 : i32
    %mul3A_386 = arith.muli %arg1, %mul3A_385 : i32
    %add3A_387 = arith.constant 128 : i32
    %add3A_388 = arith.addi %mul3A_386, %add3A_387 : i32
    %mul3A_389 = arith.constant 128 : i32
    %mul3A_390 = arith.muli %add3A_388, %mul3A_389 : i32
    %run_scoped3A_391 = arith.constant 0 : i32
    "tpu.region"() ({
      %run_scoped3A_490 = tpu.sem_alloc : memref<!tpu.dma_semaphore, #tpu.memory_space<semaphore_mem>>
      %dma_start3A_491 = arith.constant 0 : i32
      %dma_start3A_492 = tpu.memref_slice %arg7[%dma_start3A_491] : memref<4096xi32, #tpu.memory_space<vmem>> -> memref<3584xi32, #tpu.memory_space<vmem>>
      %dma_start3A_493 = tpu.memref_slice %arg4[%run_scoped3A_391, %mul3A_390] : memref<2x320000xi32, #tpu.memory_space<hbm>> -> memref<1x3584xi32, #tpu.memory_space<hbm>>
      %dma_start3A_494 = tpu.memref_squeeze %dma_start3A_493 : memref<1x3584xi32, #tpu.memory_space<hbm>> -> memref<3584xi32, #tpu.memory_space<hbm>>
      %dma_start3A_495 = arith.constant 0 : i32
      %dma_start3A_496 = tpu.memref_slice %arg7[%dma_start3A_495] : memref<4096xi32, #tpu.memory_space<vmem>> -> memref<3584xi32, #tpu.memory_space<vmem>>
      %dma_start3A_497 = tpu.memref_slice %arg4[%run_scoped3A_391, %mul3A_390] : memref<2x320000xi32, #tpu.memory_space<hbm>> -> memref<1x3584xi32, #tpu.memory_space<hbm>>
      %dma_start3A_498 = tpu.memref_squeeze %dma_start3A_497 : memref<1x3584xi32, #tpu.memory_space<hbm>> -> memref<3584xi32, #tpu.memory_space<hbm>>
      tpu.enqueue_dma source(%dma_start3A_498 : memref<3584xi32, #tpu.memory_space<hbm>>) target(%dma_start3A_496 : memref<3584xi32, #tpu.memory_space<vmem>>) target_semaphore(%run_scoped3A_490 : memref<!tpu.dma_semaphore, #tpu.memory_space<semaphore_mem>>)
      %dma_wait3A_499 = arith.constant 0 : i32
      %dma_wait3A_500 = tpu.memref_slice %arg7[%dma_wait3A_499] : memref<4096xi32, #tpu.memory_space<vmem>> -> memref<3584xi32, #tpu.memory_space<vmem>>
      %dma_wait3A_501 = tpu.memref_slice %arg4[%run_scoped3A_391, %mul3A_390] : memref<2x320000xi32, #tpu.memory_space<hbm>> -> memref<1x3584xi32, #tpu.memory_space<hbm>>
      %dma_wait3A_502 = tpu.memref_squeeze %dma_wait3A_501 : memref<1x3584xi32, #tpu.memory_space<hbm>> -> memref<3584xi32, #tpu.memory_space<hbm>>
      %dma_wait3A_503 = arith.constant 0 : i32
      %dma_wait3A_504 = tpu.memref_slice %arg7[%dma_wait3A_503] : memref<4096xi32, #tpu.memory_space<vmem>> -> memref<3584xi32, #tpu.memory_space<vmem>>
      %dma_wait3A_505 = tpu.memref_slice %arg4[%run_scoped3A_391, %mul3A_390] : memref<2x320000xi32, #tpu.memory_space<hbm>> -> memref<1x3584xi32, #tpu.memory_space<hbm>>
      %dma_wait3A_506 = tpu.memref_squeeze %dma_wait3A_505 : memref<1x3584xi32, #tpu.memory_space<hbm>> -> memref<3584xi32, #tpu.memory_space<hbm>>
      tpu.wait_dma2 semaphore(%run_scoped3A_490 : memref<!tpu.dma_semaphore, #tpu.memory_space<semaphore_mem>>) src(%dma_wait3A_506 : memref<3584xi32, #tpu.memory_space<hbm>>) dst(%dma_wait3A_504 : memref<3584xi32, #tpu.memory_space<vmem>>)
      tpu.yield
    }) : () -> ()
    %run_scoped3A_392 = arith.constant 1 : i32
    "tpu.region"() ({
      %run_scoped3A_490 = tpu.sem_alloc : memref<!tpu.dma_semaphore, #tpu.memory_space<semaphore_mem>>
      %dma_start3A_491 = arith.constant 0 : i32
      %dma_start3A_492 = tpu.memref_slice %arg8[%dma_start3A_491] : memref<4096xi32, #tpu.memory_space<vmem>> -> memref<3584xi32, #tpu.memory_space<vmem>>
      %dma_start3A_493 = tpu.memref_slice %arg4[%run_scoped3A_392, %mul3A_390] : memref<2x320000xi32, #tpu.memory_space<hbm>> -> memref<1x3584xi32, #tpu.memory_space<hbm>>
      %dma_start3A_494 = tpu.memref_squeeze %dma_start3A_493 : memref<1x3584xi32, #tpu.memory_space<hbm>> -> memref<3584xi32, #tpu.memory_space<hbm>>
      %dma_start3A_495 = arith.constant 0 : i32
      %dma_start3A_496 = tpu.memref_slice %arg8[%dma_start3A_495] : memref<4096xi32, #tpu.memory_space<vmem>> -> memref<3584xi32, #tpu.memory_space<vmem>>
      %dma_start3A_497 = tpu.memref_slice %arg4[%run_scoped3A_392, %mul3A_390] : memref<2x320000xi32, #tpu.memory_space<hbm>> -> memref<1x3584xi32, #tpu.memory_space<hbm>>
      %dma_start3A_498 = tpu.memref_squeeze %dma_start3A_497 : memref<1x3584xi32, #tpu.memory_space<hbm>> -> memref<3584xi32, #tpu.memory_space<hbm>>
      tpu.enqueue_dma source(%dma_start3A_498 : memref<3584xi32, #tpu.memory_space<hbm>>) target(%dma_start3A_496 : memref<3584xi32, #tpu.memory_space<vmem>>) target_semaphore(%run_scoped3A_490 : memref<!tpu.dma_semaphore, #tpu.memory_space<semaphore_mem>>)
      %dma_wait3A_499 = arith.constant 0 : i32
      %dma_wait3A_500 = tpu.memref_slice %arg8[%dma_wait3A_499] : memref<4096xi32, #tpu.memory_space<vmem>> -> memref<3584xi32, #tpu.memory_space<vmem>>
      %dma_wait3A_501 = tpu.memref_slice %arg4[%run_scoped3A_392, %mul3A_390] : memref<2x320000xi32, #tpu.memory_space<hbm>> -> memref<1x3584xi32, #tpu.memory_space<hbm>>
      %dma_wait3A_502 = tpu.memref_squeeze %dma_wait3A_501 : memref<1x3584xi32, #tpu.memory_space<hbm>> -> memref<3584xi32, #tpu.memory_space<hbm>>
      %dma_wait3A_503 = arith.constant 0 : i32
      %dma_wait3A_504 = tpu.memref_slice %arg8[%dma_wait3A_503] : memref<4096xi32, #tpu.memory_space<vmem>> -> memref<3584xi32, #tpu.memory_space<vmem>>
      %dma_wait3A_505 = tpu.memref_slice %arg4[%run_scoped3A_392, %mul3A_390] : memref<2x320000xi32, #tpu.memory_space<hbm>> -> memref<1x3584xi32, #tpu.memory_space<hbm>>
      %dma_wait3A_506 = tpu.memref_squeeze %dma_wait3A_505 : memref<1x3584xi32, #tpu.memory_space<hbm>> -> memref<3584xi32, #tpu.memory_space<hbm>>
      tpu.wait_dma2 semaphore(%run_scoped3A_490 : memref<!tpu.dma_semaphore, #tpu.memory_space<semaphore_mem>>) src(%dma_wait3A_506 : memref<3584xi32, #tpu.memory_space<hbm>>) dst(%dma_wait3A_504 : memref<3584xi32, #tpu.memory_space<vmem>>)
      tpu.yield
    }) : () -> ()
    %multiple_of3A_393 = arith.constant 0 : i32
    %multiple_of3A_394 = tpu.assume_multiple %multiple_of3A_393, 128 : i32
    %dma_start3A_395 = arith.constant 0 : i32
    %dma_start3A_396 = arith.constant 0 : i32
    %dma_start3A_397 = arith.constant 0 : i32
    %dma_start3A_398 = arith.constant 0 : i32
    %dma_start3A_399 = tpu.memref_slice %arg9[%dma_start3A_395, %dma_start3A_396, %dma_start3A_397, %dma_start3A_398] : memref<2x2x128x64xf32, #tpu.memory_space<vmem>> -> memref<1x1x128x64xf32, #tpu.memory_space<vmem>>
    %dma_start3A_400 = tpu.memref_squeeze %dma_start3A_399 : memref<1x1x128x64xf32, #tpu.memory_space<vmem>> -> memref<128x64xf32, #tpu.memory_space<vmem>>
    %dma_start3A_401 = tpu.memref_slice %arg8[%multiple_of3A_394] : memref<4096xi32, #tpu.memory_space<vmem>> -> memref<128xi32, #tpu.memory_space<vmem>>
    %dma_start3A_402 = arith.constant 0 : i32
    %dma_start3A_403 = arith.constant 0 : i32
    %dma_start3A_404 = tpu.memref_slice %arg13[%dma_start3A_402, %dma_start3A_403] : memref<10240x64xf32, #tpu.memory_space<vmem_shared>> -> memref<10240x64xf32, #tpu.memory_space<vmem_shared>>
    tpu.enqueue_indirect_dma source(%dma_start3A_404 : memref<10240x64xf32, #tpu.memory_space<vmem_shared>>) target(%dma_start3A_400 : memref<128x64xf32, #tpu.memory_space<vmem>>) offsets(%dma_start3A_401 : memref<128xi32, #tpu.memory_space<vmem>>) semaphore(%arg15 : memref<!tpu.dma_semaphore, #tpu.memory_space<semaphore_mem>>)
    %multiple_of3A_405 = arith.constant 128 : i32
    %multiple_of3A_406 = tpu.assume_multiple %multiple_of3A_405, 128 : i32
    %dma_start3A_407 = arith.constant 0 : i32
    %dma_start3A_408 = arith.constant 1 : i32
    %dma_start3A_409 = arith.constant 0 : i32
    %dma_start3A_410 = arith.constant 0 : i32
    %dma_start3A_411 = tpu.memref_slice %arg9[%dma_start3A_407, %dma_start3A_408, %dma_start3A_409, %dma_start3A_410] : memref<2x2x128x64xf32, #tpu.memory_space<vmem>> -> memref<1x1x128x64xf32, #tpu.memory_space<vmem>>
    %dma_start3A_412 = tpu.memref_squeeze %dma_start3A_411 : memref<1x1x128x64xf32, #tpu.memory_space<vmem>> -> memref<128x64xf32, #tpu.memory_space<vmem>>
    %dma_start3A_413 = tpu.memref_slice %arg8[%multiple_of3A_406] : memref<4096xi32, #tpu.memory_space<vmem>> -> memref<128xi32, #tpu.memory_space<vmem>>
    %dma_start3A_414 = arith.constant 0 : i32
    %dma_start3A_415 = arith.constant 0 : i32
    %dma_start3A_416 = tpu.memref_slice %arg13[%dma_start3A_414, %dma_start3A_415] : memref<10240x64xf32, #tpu.memory_space<vmem_shared>> -> memref<10240x64xf32, #tpu.memory_space<vmem_shared>>
    tpu.enqueue_indirect_dma source(%dma_start3A_416 : memref<10240x64xf32, #tpu.memory_space<vmem_shared>>) target(%dma_start3A_412 : memref<128x64xf32, #tpu.memory_space<vmem>>) offsets(%dma_start3A_413 : memref<128xi32, #tpu.memory_space<vmem>>) semaphore(%arg15 : memref<!tpu.dma_semaphore, #tpu.memory_space<semaphore_mem>>)
    %scan3A_417 = arith.constant 0 : i32
    %scan3A_418 = arith.constant 0 : i32
    %scan3A_419 = arith.constant 7 : i32
    %scan3A_420 = arith.addi %scan3A_418, %scan3A_419 : i32
    %scan3A_421 = arith.constant 1 : i32
    scf.for %scan3A_490 = %scan3A_418 to %scan3A_420 step %scan3A_421  : i32 {
      %mul3A_491 = arith.constant 2 : i32
      %mul3A_492 = arith.muli %mul3A_491, %scan3A_490 : i32
      %add3A_493 = arith.constant 0 : i32
      %add3A_494 = arith.addi %mul3A_492, %add3A_493 : i32
      %mul3A_495 = arith.constant 2 : i32
      %mul3A_496 = arith.muli %add3A_494, %mul3A_495 : i32
      %gt3A = arith.constant 0 : i32
      %gt3A_497 = arith.cmpi sgt, %scan3A_490, %gt3A : i32
      %convert_element_type3A_498 = arith.extui %gt3A_497 : i1 to i32
      %cond3A_499 = arith.constant 0 : i32
      %cond3A_500 = arith.cmpi ne, %convert_element_type3A_498, %cond3A_499 : i32
      scf.if %cond3A_500 {
        %multiple_of3A_809 = arith.constant 0 : i32
        %multiple_of3A_810 = tpu.assume_multiple %multiple_of3A_809, 128 : i32
        %dma_wait3A_811 = arith.constant 1 : i32
        %dma_wait3A_812 = arith.constant 0 : i32
        %dma_wait3A_813 = arith.constant 0 : i32
        %dma_wait3A_814 = arith.constant 0 : i32
        %dma_wait3A_815 = tpu.memref_slice %arg9[%dma_wait3A_811, %dma_wait3A_812, %dma_wait3A_813, %dma_wait3A_814] : memref<2x2x128x64xf32, #tpu.memory_space<vmem>> -> memref<1x1x128x64xf32, #tpu.memory_space<vmem>>
        %dma_wait3A_816 = tpu.memref_squeeze %dma_wait3A_815 : memref<1x1x128x64xf32, #tpu.memory_space<vmem>> -> memref<128x64xf32, #tpu.memory_space<vmem>>
        %dma_wait3A_817 = tpu.memref_slice %arg7[%multiple_of3A_810] : memref<4096xi32, #tpu.memory_space<vmem>> -> memref<128xi32, #tpu.memory_space<vmem>>
        %dma_wait3A_818 = arith.constant 0 : i32
        %dma_wait3A_819 = arith.constant 0 : i32
        %dma_wait3A_820 = tpu.memref_slice %arg12[%dma_wait3A_818, %dma_wait3A_819] : memref<10240x64xf32, #tpu.memory_space<vmem_shared>> -> memref<10240x64xf32, #tpu.memory_space<vmem_shared>>
        tpu.wait_indirect_dma semaphore(%arg18 : memref<!tpu.dma_semaphore, #tpu.memory_space<semaphore_mem>>) src(%dma_wait3A_816 : memref<128x64xf32, #tpu.memory_space<vmem>>) dst(%dma_wait3A_820 : memref<10240x64xf32, #tpu.memory_space<vmem_shared>>)
        %add3A_821 = arith.constant 1 : i32
        %add3A_822 = arith.addi %add3A_494, %add3A_821 : i32
        %jit3A_823 = arith.constant 2 : i32
        %eq3A_824 = arith.constant 0 : i32
        %eq3A_825 = arith.cmpi eq, %jit3A_823, %eq3A_824 : i32
        %jit3A_826 = arith.constant 1 : i32
        %select_n3A_827 = arith.select %eq3A_825, %jit3A_826, %jit3A_823 : i32
        %rem3A_828 = arith.remsi %add3A_822, %select_n3A_827 : i32
        %ne3A_829 = arith.constant 0 : i32
        %ne3A_830 = arith.cmpi ne, %rem3A_828, %ne3A_829 : i32
        %lt3A_831 = arith.constant 0 : i32
        %lt3A_832 = arith.cmpi slt, %rem3A_828, %lt3A_831 : i32
        %lt3A_833 = arith.constant 0 : i32
        %lt3A_834 = arith.cmpi slt, %select_n3A_827, %lt3A_833 : i32
        %ne3A_835 = arith.xori %lt3A_832, %lt3A_834 : i1
        %and3A_836 = arith.andi %ne3A_835, %ne3A_830 : i1
        %add3A_837 = arith.addi %rem3A_828, %select_n3A_827 : i32
        %select_n3A_838 = arith.select %and3A_836, %add3A_837, %rem3A_828 : i32
        %eq3A_839 = arith.cmpi eq, %arg0, %select_n3A_838 : i32
        %convert_element_type3A_840 = arith.extui %eq3A_839 : i1 to i32
        %cond3A_841 = arith.constant 0 : i32
        %cond3A_842 = arith.cmpi ne, %convert_element_type3A_840, %cond3A_841 : i32
        scf.if %cond3A_842 {
          %multiple_of3A_877 = arith.constant 0 : i32
          %multiple_of3A_878 = tpu.assume_multiple %multiple_of3A_877, 128 : i32
          %dma_wait3A_879 = tpu.memref_slice %arg7[%multiple_of3A_878] : memref<4096xi32, #tpu.memory_space<vmem>> -> memref<128xi32, #tpu.memory_space<vmem>>
          %dma_wait3A_880 = arith.constant 0 : i32
          %dma_wait3A_881 = tpu.memref_slice %arg14[%dma_wait3A_880] : memref<10240xf32, #tpu.memory_space<vmem_shared>> -> memref<10240xf32, #tpu.memory_space<vmem_shared>>
          tpu.wait_indirect_dma semaphore(%arg20 : memref<!tpu.dma_semaphore, #tpu.memory_space<semaphore_mem>>) src(%arg10 : memref<128xf32, #tpu.memory_space<vmem>>) dst(%dma_wait3A_881 : memref<10240xf32, #tpu.memory_space<vmem_shared>>)
        } else {
        }
        %multiple_of3A_843 = arith.constant 0 : i32
        %multiple_of3A_844 = tpu.assume_multiple %multiple_of3A_843, 128 : i32
        %dma_wait3A_845 = arith.constant 1 : i32
        %dma_wait3A_846 = arith.constant 1 : i32
        %dma_wait3A_847 = arith.constant 0 : i32
        %dma_wait3A_848 = arith.constant 0 : i32
        %dma_wait3A_849 = tpu.memref_slice %arg9[%dma_wait3A_845, %dma_wait3A_846, %dma_wait3A_847, %dma_wait3A_848] : memref<2x2x128x64xf32, #tpu.memory_space<vmem>> -> memref<1x1x128x64xf32, #tpu.memory_space<vmem>>
        %dma_wait3A_850 = tpu.memref_squeeze %dma_wait3A_849 : memref<1x1x128x64xf32, #tpu.memory_space<vmem>> -> memref<128x64xf32, #tpu.memory_space<vmem>>
        %dma_wait3A_851 = tpu.memref_slice %arg7[%multiple_of3A_844] : memref<4096xi32, #tpu.memory_space<vmem>> -> memref<128xi32, #tpu.memory_space<vmem>>
        %dma_wait3A_852 = arith.constant 0 : i32
        %dma_wait3A_853 = arith.constant 0 : i32
        %dma_wait3A_854 = tpu.memref_slice %arg12[%dma_wait3A_852, %dma_wait3A_853] : memref<10240x64xf32, #tpu.memory_space<vmem_shared>> -> memref<10240x64xf32, #tpu.memory_space<vmem_shared>>
        tpu.wait_indirect_dma semaphore(%arg18 : memref<!tpu.dma_semaphore, #tpu.memory_space<semaphore_mem>>) src(%dma_wait3A_850 : memref<128x64xf32, #tpu.memory_space<vmem>>) dst(%dma_wait3A_854 : memref<10240x64xf32, #tpu.memory_space<vmem_shared>>)
        %add3A_855 = arith.constant 1 : i32
        %add3A_856 = arith.addi %add3A_494, %add3A_855 : i32
        %jit3A_857 = arith.constant 2 : i32
        %eq3A_858 = arith.constant 0 : i32
        %eq3A_859 = arith.cmpi eq, %jit3A_857, %eq3A_858 : i32
        %jit3A_860 = arith.constant 1 : i32
        %select_n3A_861 = arith.select %eq3A_859, %jit3A_860, %jit3A_857 : i32
        %rem3A_862 = arith.remsi %add3A_856, %select_n3A_861 : i32
        %ne3A_863 = arith.constant 0 : i32
        %ne3A_864 = arith.cmpi ne, %rem3A_862, %ne3A_863 : i32
        %lt3A_865 = arith.constant 0 : i32
        %lt3A_866 = arith.cmpi slt, %rem3A_862, %lt3A_865 : i32
        %lt3A_867 = arith.constant 0 : i32
        %lt3A_868 = arith.cmpi slt, %select_n3A_861, %lt3A_867 : i32
        %ne3A_869 = arith.xori %lt3A_866, %lt3A_868 : i1
        %and3A_870 = arith.andi %ne3A_869, %ne3A_864 : i1
        %add3A_871 = arith.addi %rem3A_862, %select_n3A_861 : i32
        %select_n3A_872 = arith.select %and3A_870, %add3A_871, %rem3A_862 : i32
        %eq3A_873 = arith.cmpi eq, %arg0, %select_n3A_872 : i32
        %convert_element_type3A_874 = arith.extui %eq3A_873 : i1 to i32
        %cond3A_875 = arith.constant 0 : i32
        %cond3A_876 = arith.cmpi ne, %convert_element_type3A_874, %cond3A_875 : i32
        scf.if %cond3A_876 {
          %multiple_of3A_877 = arith.constant 0 : i32
          %multiple_of3A_878 = tpu.assume_multiple %multiple_of3A_877, 128 : i32
          %dma_wait3A_879 = tpu.memref_slice %arg7[%multiple_of3A_878] : memref<4096xi32, #tpu.memory_space<vmem>> -> memref<128xi32, #tpu.memory_space<vmem>>
          %dma_wait3A_880 = arith.constant 0 : i32
          %dma_wait3A_881 = tpu.memref_slice %arg14[%dma_wait3A_880] : memref<10240xf32, #tpu.memory_space<vmem_shared>> -> memref<10240xf32, #tpu.memory_space<vmem_shared>>
          tpu.wait_indirect_dma semaphore(%arg20 : memref<!tpu.dma_semaphore, #tpu.memory_space<semaphore_mem>>) src(%arg10 : memref<128xf32, #tpu.memory_space<vmem>>) dst(%dma_wait3A_881 : memref<10240xf32, #tpu.memory_space<vmem_shared>>)
        } else {
        }
      } else {
      }
      %add3A_501 = arith.constant 2 : i32
      %add3A_502 = arith.addi %mul3A_496, %add3A_501 : i32
      %add3A_503 = arith.constant 0 : i32
      %add3A_504 = arith.addi %add3A_502, %add3A_503 : i32
      %mul3A_505 = arith.constant 128 : i32
      %mul3A_506 = arith.muli %add3A_504, %mul3A_505 : i32
      %multiple_of3A_507 = tpu.assume_multiple %mul3A_506, 128 : i32
      %dma_start3A_508 = arith.constant 1 : i32
      %dma_start3A_509 = arith.constant 0 : i32
      %dma_start3A_510 = arith.constant 0 : i32
      %dma_start3A_511 = arith.constant 0 : i32
      %dma_start3A_512 = tpu.memref_slice %arg9[%dma_start3A_508, %dma_start3A_509, %dma_start3A_510, %dma_start3A_511] : memref<2x2x128x64xf32, #tpu.memory_space<vmem>> -> memref<1x1x128x64xf32, #tpu.memory_space<vmem>>
      %dma_start3A_513 = tpu.memref_squeeze %dma_start3A_512 : memref<1x1x128x64xf32, #tpu.memory_space<vmem>> -> memref<128x64xf32, #tpu.memory_space<vmem>>
      %dma_start3A_514 = tpu.memref_slice %arg8[%multiple_of3A_507] : memref<4096xi32, #tpu.memory_space<vmem>> -> memref<128xi32, #tpu.memory_space<vmem>>
      %dma_start3A_515 = arith.constant 0 : i32
      %dma_start3A_516 = arith.constant 0 : i32
      %dma_start3A_517 = tpu.memref_slice %arg13[%dma_start3A_515, %dma_start3A_516] : memref<10240x64xf32, #tpu.memory_space<vmem_shared>> -> memref<10240x64xf32, #tpu.memory_space<vmem_shared>>
      tpu.enqueue_indirect_dma source(%dma_start3A_517 : memref<10240x64xf32, #tpu.memory_space<vmem_shared>>) target(%dma_start3A_513 : memref<128x64xf32, #tpu.memory_space<vmem>>) offsets(%dma_start3A_514 : memref<128xi32, #tpu.memory_space<vmem>>) semaphore(%arg16 : memref<!tpu.dma_semaphore, #tpu.memory_space<semaphore_mem>>)
      %add3A_518 = arith.constant 2 : i32
      %add3A_519 = arith.addi %mul3A_496, %add3A_518 : i32
      %add3A_520 = arith.constant 1 : i32
      %add3A_521 = arith.addi %add3A_519, %add3A_520 : i32
      %mul3A_522 = arith.constant 128 : i32
      %mul3A_523 = arith.muli %add3A_521, %mul3A_522 : i32
      %multiple_of3A_524 = tpu.assume_multiple %mul3A_523, 128 : i32
      %dma_start3A_525 = arith.constant 1 : i32
      %dma_start3A_526 = arith.constant 1 : i32
      %dma_start3A_527 = arith.constant 0 : i32
      %dma_start3A_528 = arith.constant 0 : i32
      %dma_start3A_529 = tpu.memref_slice %arg9[%dma_start3A_525, %dma_start3A_526, %dma_start3A_527, %dma_start3A_528] : memref<2x2x128x64xf32, #tpu.memory_space<vmem>> -> memref<1x1x128x64xf32, #tpu.memory_space<vmem>>
      %dma_start3A_530 = tpu.memref_squeeze %dma_start3A_529 : memref<1x1x128x64xf32, #tpu.memory_space<vmem>> -> memref<128x64xf32, #tpu.memory_space<vmem>>
      %dma_start3A_531 = tpu.memref_slice %arg8[%multiple_of3A_524] : memref<4096xi32, #tpu.memory_space<vmem>> -> memref<128xi32, #tpu.memory_space<vmem>>
      %dma_start3A_532 = arith.constant 0 : i32
      %dma_start3A_533 = arith.constant 0 : i32
      %dma_start3A_534 = tpu.memref_slice %arg13[%dma_start3A_532, %dma_start3A_533] : memref<10240x64xf32, #tpu.memory_space<vmem_shared>> -> memref<10240x64xf32, #tpu.memory_space<vmem_shared>>
      tpu.enqueue_indirect_dma source(%dma_start3A_534 : memref<10240x64xf32, #tpu.memory_space<vmem_shared>>) target(%dma_start3A_530 : memref<128x64xf32, #tpu.memory_space<vmem>>) offsets(%dma_start3A_531 : memref<128xi32, #tpu.memory_space<vmem>>) semaphore(%arg16 : memref<!tpu.dma_semaphore, #tpu.memory_space<semaphore_mem>>)
      %add3A_535 = arith.constant 0 : i32
      %add3A_536 = arith.addi %mul3A_496, %add3A_535 : i32
      %mul3A_537 = arith.constant 128 : i32
      %mul3A_538 = arith.muli %add3A_536, %mul3A_537 : i32
      %multiple_of3A_539 = tpu.assume_multiple %mul3A_538, 128 : i32
      %dma_wait3A_540 = arith.constant 0 : i32
      %dma_wait3A_541 = arith.constant 0 : i32
      %dma_wait3A_542 = arith.constant 0 : i32
      %dma_wait3A_543 = arith.constant 0 : i32
      %dma_wait3A_544 = tpu.memref_slice %arg9[%dma_wait3A_540, %dma_wait3A_541, %dma_wait3A_542, %dma_wait3A_543] : memref<2x2x128x64xf32, #tpu.memory_space<vmem>> -> memref<1x1x128x64xf32, #tpu.memory_space<vmem>>
      %dma_wait3A_545 = tpu.memref_squeeze %dma_wait3A_544 : memref<1x1x128x64xf32, #tpu.memory_space<vmem>> -> memref<128x64xf32, #tpu.memory_space<vmem>>
      %dma_wait3A_546 = tpu.memref_slice %arg8[%multiple_of3A_539] : memref<4096xi32, #tpu.memory_space<vmem>> -> memref<128xi32, #tpu.memory_space<vmem>>
      %dma_wait3A_547 = arith.constant 0 : i32
      %dma_wait3A_548 = arith.constant 0 : i32
      %dma_wait3A_549 = tpu.memref_slice %arg13[%dma_wait3A_547, %dma_wait3A_548] : memref<10240x64xf32, #tpu.memory_space<vmem_shared>> -> memref<10240x64xf32, #tpu.memory_space<vmem_shared>>
      tpu.wait_indirect_dma semaphore(%arg15 : memref<!tpu.dma_semaphore, #tpu.memory_space<semaphore_mem>>) src(%dma_wait3A_549 : memref<10240x64xf32, #tpu.memory_space<vmem_shared>>) dst(%dma_wait3A_545 : memref<128x64xf32, #tpu.memory_space<vmem>>)
      %add3A_550 = arith.constant 1 : i32
      %add3A_551 = arith.addi %mul3A_496, %add3A_550 : i32
      %mul3A_552 = arith.constant 128 : i32
      %mul3A_553 = arith.muli %add3A_551, %mul3A_552 : i32
      %multiple_of3A_554 = tpu.assume_multiple %mul3A_553, 128 : i32
      %dma_wait3A_555 = arith.constant 0 : i32
      %dma_wait3A_556 = arith.constant 1 : i32
      %dma_wait3A_557 = arith.constant 0 : i32
      %dma_wait3A_558 = arith.constant 0 : i32
      %dma_wait3A_559 = tpu.memref_slice %arg9[%dma_wait3A_555, %dma_wait3A_556, %dma_wait3A_557, %dma_wait3A_558] : memref<2x2x128x64xf32, #tpu.memory_space<vmem>> -> memref<1x1x128x64xf32, #tpu.memory_space<vmem>>
      %dma_wait3A_560 = tpu.memref_squeeze %dma_wait3A_559 : memref<1x1x128x64xf32, #tpu.memory_space<vmem>> -> memref<128x64xf32, #tpu.memory_space<vmem>>
      %dma_wait3A_561 = tpu.memref_slice %arg8[%multiple_of3A_554] : memref<4096xi32, #tpu.memory_space<vmem>> -> memref<128xi32, #tpu.memory_space<vmem>>
      %dma_wait3A_562 = arith.constant 0 : i32
      %dma_wait3A_563 = arith.constant 0 : i32
      %dma_wait3A_564 = tpu.memref_slice %arg13[%dma_wait3A_562, %dma_wait3A_563] : memref<10240x64xf32, #tpu.memory_space<vmem_shared>> -> memref<10240x64xf32, #tpu.memory_space<vmem_shared>>
      tpu.wait_indirect_dma semaphore(%arg15 : memref<!tpu.dma_semaphore, #tpu.memory_space<semaphore_mem>>) src(%dma_wait3A_564 : memref<10240x64xf32, #tpu.memory_space<vmem_shared>>) dst(%dma_wait3A_560 : memref<128x64xf32, #tpu.memory_space<vmem>>)
      %add3A_565 = arith.constant 0 : i32
      %add3A_566 = arith.addi %mul3A_496, %add3A_565 : i32
      %mul3A_567 = arith.constant 128 : i32
      %mul3A_568 = arith.muli %add3A_566, %mul3A_567 : i32
      %multiple_of3A_569 = tpu.assume_multiple %mul3A_568, 128 : i32
      %dma_start3A_570 = arith.constant 0 : i32
      %dma_start3A_571 = arith.constant 0 : i32
      %dma_start3A_572 = arith.constant 0 : i32
      %dma_start3A_573 = arith.constant 0 : i32
      %dma_start3A_574 = tpu.memref_slice %arg9[%dma_start3A_570, %dma_start3A_571, %dma_start3A_572, %dma_start3A_573] : memref<2x2x128x64xf32, #tpu.memory_space<vmem>> -> memref<1x1x128x64xf32, #tpu.memory_space<vmem>>
      %dma_start3A_575 = tpu.memref_squeeze %dma_start3A_574 : memref<1x1x128x64xf32, #tpu.memory_space<vmem>> -> memref<128x64xf32, #tpu.memory_space<vmem>>
      %dma_start3A_576 = tpu.memref_slice %arg7[%multiple_of3A_569] : memref<4096xi32, #tpu.memory_space<vmem>> -> memref<128xi32, #tpu.memory_space<vmem>>
      %dma_start3A_577 = arith.constant 0 : i32
      %dma_start3A_578 = arith.constant 0 : i32
      %dma_start3A_579 = tpu.memref_slice %arg12[%dma_start3A_577, %dma_start3A_578] : memref<10240x64xf32, #tpu.memory_space<vmem_shared>> -> memref<10240x64xf32, #tpu.memory_space<vmem_shared>>
      tpu.enqueue_indirect_dma source(%dma_start3A_575 : memref<128x64xf32, #tpu.memory_space<vmem>>) target(%dma_start3A_579 : memref<10240x64xf32, #tpu.memory_space<vmem_shared>>) offsets(%dma_start3A_576 : memref<128xi32, #tpu.memory_space<vmem>>) semaphore(%arg17 : memref<!tpu.dma_semaphore, #tpu.memory_space<semaphore_mem>>) {add = true}
      %jit3A = arith.constant 2 : i32
      %eq3A_580 = arith.constant 0 : i32
      %eq3A_581 = arith.cmpi eq, %jit3A, %eq3A_580 : i32
      %jit3A_582 = arith.constant 1 : i32
      %select_n3A = arith.select %eq3A_581, %jit3A_582, %jit3A : i32
      %rem3A = arith.remsi %add3A_494, %select_n3A : i32
      %ne3A = arith.constant 0 : i32
      %ne3A_583 = arith.cmpi ne, %rem3A, %ne3A : i32
      %lt3A_584 = arith.constant 0 : i32
      %lt3A_585 = arith.cmpi slt, %rem3A, %lt3A_584 : i32
      %lt3A_586 = arith.constant 0 : i32
      %lt3A_587 = arith.cmpi slt, %select_n3A, %lt3A_586 : i32
      %ne3A_588 = arith.xori %lt3A_585, %lt3A_587 : i1
      %and3A = arith.andi %ne3A_588, %ne3A_583 : i1
      %add3A_589 = arith.addi %rem3A, %select_n3A : i32
      %select_n3A_590 = arith.select %and3A, %add3A_589, %rem3A : i32
      %eq3A_591 = arith.cmpi eq, %arg0, %select_n3A_590 : i32
      %convert_element_type3A_592 = arith.extui %eq3A_591 : i1 to i32
      %cond3A_593 = arith.constant 0 : i32
      %cond3A_594 = arith.cmpi ne, %convert_element_type3A_592, %cond3A_593 : i32
      scf.if %cond3A_594 {
        %add3A_809 = arith.constant 0 : i32
        %add3A_810 = arith.addi %mul3A_496, %add3A_809 : i32
        %mul3A_811 = arith.constant 128 : i32
        %mul3A_812 = arith.muli %add3A_810, %mul3A_811 : i32
        %multiple_of3A_813 = tpu.assume_multiple %mul3A_812, 128 : i32
        %dma_start3A_814 = tpu.memref_slice %arg7[%multiple_of3A_813] : memref<4096xi32, #tpu.memory_space<vmem>> -> memref<128xi32, #tpu.memory_space<vmem>>
        %dma_start3A_815 = arith.constant 0 : i32
        %dma_start3A_816 = tpu.memref_slice %arg14[%dma_start3A_815] : memref<10240xf32, #tpu.memory_space<vmem_shared>> -> memref<10240xf32, #tpu.memory_space<vmem_shared>>
        tpu.enqueue_indirect_dma source(%arg10 : memref<128xf32, #tpu.memory_space<vmem>>) target(%dma_start3A_816 : memref<10240xf32, #tpu.memory_space<vmem_shared>>) offsets(%dma_start3A_814 : memref<128xi32, #tpu.memory_space<vmem>>) semaphore(%arg19 : memref<!tpu.dma_semaphore, #tpu.memory_space<semaphore_mem>>) {add = true}
      } else {
      }
      %add3A_595 = arith.constant 1 : i32
      %add3A_596 = arith.addi %mul3A_496, %add3A_595 : i32
      %mul3A_597 = arith.constant 128 : i32
      %mul3A_598 = arith.muli %add3A_596, %mul3A_597 : i32
      %multiple_of3A_599 = tpu.assume_multiple %mul3A_598, 128 : i32
      %dma_start3A_600 = arith.constant 0 : i32
      %dma_start3A_601 = arith.constant 1 : i32
      %dma_start3A_602 = arith.constant 0 : i32
      %dma_start3A_603 = arith.constant 0 : i32
      %dma_start3A_604 = tpu.memref_slice %arg9[%dma_start3A_600, %dma_start3A_601, %dma_start3A_602, %dma_start3A_603] : memref<2x2x128x64xf32, #tpu.memory_space<vmem>> -> memref<1x1x128x64xf32, #tpu.memory_space<vmem>>
      %dma_start3A_605 = tpu.memref_squeeze %dma_start3A_604 : memref<1x1x128x64xf32, #tpu.memory_space<vmem>> -> memref<128x64xf32, #tpu.memory_space<vmem>>
      %dma_start3A_606 = tpu.memref_slice %arg7[%multiple_of3A_599] : memref<4096xi32, #tpu.memory_space<vmem>> -> memref<128xi32, #tpu.memory_space<vmem>>
      %dma_start3A_607 = arith.constant 0 : i32
      %dma_start3A_608 = arith.constant 0 : i32
      %dma_start3A_609 = tpu.memref_slice %arg12[%dma_start3A_607, %dma_start3A_608] : memref<10240x64xf32, #tpu.memory_space<vmem_shared>> -> memref<10240x64xf32, #tpu.memory_space<vmem_shared>>
      tpu.enqueue_indirect_dma source(%dma_start3A_605 : memref<128x64xf32, #tpu.memory_space<vmem>>) target(%dma_start3A_609 : memref<10240x64xf32, #tpu.memory_space<vmem_shared>>) offsets(%dma_start3A_606 : memref<128xi32, #tpu.memory_space<vmem>>) semaphore(%arg17 : memref<!tpu.dma_semaphore, #tpu.memory_space<semaphore_mem>>) {add = true}
      %jit3A_610 = arith.constant 2 : i32
      %eq3A_611 = arith.constant 0 : i32
      %eq3A_612 = arith.cmpi eq, %jit3A_610, %eq3A_611 : i32
      %jit3A_613 = arith.constant 1 : i32
      %select_n3A_614 = arith.select %eq3A_612, %jit3A_613, %jit3A_610 : i32
      %rem3A_615 = arith.remsi %add3A_494, %select_n3A_614 : i32
      %ne3A_616 = arith.constant 0 : i32
      %ne3A_617 = arith.cmpi ne, %rem3A_615, %ne3A_616 : i32
      %lt3A_618 = arith.constant 0 : i32
      %lt3A_619 = arith.cmpi slt, %rem3A_615, %lt3A_618 : i32
      %lt3A_620 = arith.constant 0 : i32
      %lt3A_621 = arith.cmpi slt, %select_n3A_614, %lt3A_620 : i32
      %ne3A_622 = arith.xori %lt3A_619, %lt3A_621 : i1
      %and3A_623 = arith.andi %ne3A_622, %ne3A_617 : i1
      %add3A_624 = arith.addi %rem3A_615, %select_n3A_614 : i32
      %select_n3A_625 = arith.select %and3A_623, %add3A_624, %rem3A_615 : i32
      %eq3A_626 = arith.cmpi eq, %arg0, %select_n3A_625 : i32
      %convert_element_type3A_627 = arith.extui %eq3A_626 : i1 to i32
      %cond3A_628 = arith.constant 0 : i32
      %cond3A_629 = arith.cmpi ne, %convert_element_type3A_627, %cond3A_628 : i32
      scf.if %cond3A_629 {
        %add3A_809 = arith.constant 1 : i32
        %add3A_810 = arith.addi %mul3A_496, %add3A_809 : i32
        %mul3A_811 = arith.constant 128 : i32
        %mul3A_812 = arith.muli %add3A_810, %mul3A_811 : i32
        %multiple_of3A_813 = tpu.assume_multiple %mul3A_812, 128 : i32
        %dma_start3A_814 = tpu.memref_slice %arg7[%multiple_of3A_813] : memref<4096xi32, #tpu.memory_space<vmem>> -> memref<128xi32, #tpu.memory_space<vmem>>
        %dma_start3A_815 = arith.constant 0 : i32
        %dma_start3A_816 = tpu.memref_slice %arg14[%dma_start3A_815] : memref<10240xf32, #tpu.memory_space<vmem_shared>> -> memref<10240xf32, #tpu.memory_space<vmem_shared>>
        tpu.enqueue_indirect_dma source(%arg10 : memref<128xf32, #tpu.memory_space<vmem>>) target(%dma_start3A_816 : memref<10240xf32, #tpu.memory_space<vmem_shared>>) offsets(%dma_start3A_814 : memref<128xi32, #tpu.memory_space<vmem>>) semaphore(%arg19 : memref<!tpu.dma_semaphore, #tpu.memory_space<semaphore_mem>>) {add = true}
      } else {
      }
      %mul3A_630 = arith.constant 2 : i32
      %mul3A_631 = arith.muli %mul3A_630, %scan3A_490 : i32
      %add3A_632 = arith.constant 1 : i32
      %add3A_633 = arith.addi %mul3A_631, %add3A_632 : i32
      %mul3A_634 = arith.constant 2 : i32
      %mul3A_635 = arith.muli %add3A_633, %mul3A_634 : i32
      %multiple_of3A_636 = arith.constant 0 : i32
      %multiple_of3A_637 = tpu.assume_multiple %multiple_of3A_636, 128 : i32
      %dma_wait3A_638 = arith.constant 0 : i32
      %dma_wait3A_639 = arith.constant 0 : i32
      %dma_wait3A_640 = arith.constant 0 : i32
      %dma_wait3A_641 = arith.constant 0 : i32
      %dma_wait3A_642 = tpu.memref_slice %arg9[%dma_wait3A_638, %dma_wait3A_639, %dma_wait3A_640, %dma_wait3A_641] : memref<2x2x128x64xf32, #tpu.memory_space<vmem>> -> memref<1x1x128x64xf32, #tpu.memory_space<vmem>>
      %dma_wait3A_643 = tpu.memref_squeeze %dma_wait3A_642 : memref<1x1x128x64xf32, #tpu.memory_space<vmem>> -> memref<128x64xf32, #tpu.memory_space<vmem>>
      %dma_wait3A_644 = tpu.memref_slice %arg7[%multiple_of3A_637] : memref<4096xi32, #tpu.memory_space<vmem>> -> memref<128xi32, #tpu.memory_space<vmem>>
      %dma_wait3A_645 = arith.constant 0 : i32
      %dma_wait3A_646 = arith.constant 0 : i32
      %dma_wait3A_647 = tpu.memref_slice %arg12[%dma_wait3A_645, %dma_wait3A_646] : memref<10240x64xf32, #tpu.memory_space<vmem_shared>> -> memref<10240x64xf32, #tpu.memory_space<vmem_shared>>
      tpu.wait_indirect_dma semaphore(%arg17 : memref<!tpu.dma_semaphore, #tpu.memory_space<semaphore_mem>>) src(%dma_wait3A_643 : memref<128x64xf32, #tpu.memory_space<vmem>>) dst(%dma_wait3A_647 : memref<10240x64xf32, #tpu.memory_space<vmem_shared>>)
      %add3A_648 = arith.constant 1 : i32
      %add3A_649 = arith.addi %add3A_633, %add3A_648 : i32
      %jit3A_650 = arith.constant 2 : i32
      %eq3A_651 = arith.constant 0 : i32
      %eq3A_652 = arith.cmpi eq, %jit3A_650, %eq3A_651 : i32
      %jit3A_653 = arith.constant 1 : i32
      %select_n3A_654 = arith.select %eq3A_652, %jit3A_653, %jit3A_650 : i32
      %rem3A_655 = arith.remsi %add3A_649, %select_n3A_654 : i32
      %ne3A_656 = arith.constant 0 : i32
      %ne3A_657 = arith.cmpi ne, %rem3A_655, %ne3A_656 : i32
      %lt3A_658 = arith.constant 0 : i32
      %lt3A_659 = arith.cmpi slt, %rem3A_655, %lt3A_658 : i32
      %lt3A_660 = arith.constant 0 : i32
      %lt3A_661 = arith.cmpi slt, %select_n3A_654, %lt3A_660 : i32
      %ne3A_662 = arith.xori %lt3A_659, %lt3A_661 : i1
      %and3A_663 = arith.andi %ne3A_662, %ne3A_657 : i1
      %add3A_664 = arith.addi %rem3A_655, %select_n3A_654 : i32
      %select_n3A_665 = arith.select %and3A_663, %add3A_664, %rem3A_655 : i32
      %eq3A_666 = arith.cmpi eq, %arg0, %select_n3A_665 : i32
      %convert_element_type3A_667 = arith.extui %eq3A_666 : i1 to i32
      %cond3A_668 = arith.constant 0 : i32
      %cond3A_669 = arith.cmpi ne, %convert_element_type3A_667, %cond3A_668 : i32
      scf.if %cond3A_669 {
        %multiple_of3A_809 = arith.constant 0 : i32
        %multiple_of3A_810 = tpu.assume_multiple %multiple_of3A_809, 128 : i32
        %dma_wait3A_811 = tpu.memref_slice %arg7[%multiple_of3A_810] : memref<4096xi32, #tpu.memory_space<vmem>> -> memref<128xi32, #tpu.memory_space<vmem>>
        %dma_wait3A_812 = arith.constant 0 : i32
        %dma_wait3A_813 = tpu.memref_slice %arg14[%dma_wait3A_812] : memref<10240xf32, #tpu.memory_space<vmem_shared>> -> memref<10240xf32, #tpu.memory_space<vmem_shared>>
        tpu.wait_indirect_dma semaphore(%arg19 : memref<!tpu.dma_semaphore, #tpu.memory_space<semaphore_mem>>) src(%arg10 : memref<128xf32, #tpu.memory_space<vmem>>) dst(%dma_wait3A_813 : memref<10240xf32, #tpu.memory_space<vmem_shared>>)
      } else {
      }
      %multiple_of3A_670 = arith.constant 0 : i32
      %multiple_of3A_671 = tpu.assume_multiple %multiple_of3A_670, 128 : i32
      %dma_wait3A_672 = arith.constant 0 : i32
      %dma_wait3A_673 = arith.constant 1 : i32
      %dma_wait3A_674 = arith.constant 0 : i32
      %dma_wait3A_675 = arith.constant 0 : i32
      %dma_wait3A_676 = tpu.memref_slice %arg9[%dma_wait3A_672, %dma_wait3A_673, %dma_wait3A_674, %dma_wait3A_675] : memref<2x2x128x64xf32, #tpu.memory_space<vmem>> -> memref<1x1x128x64xf32, #tpu.memory_space<vmem>>
      %dma_wait3A_677 = tpu.memref_squeeze %dma_wait3A_676 : memref<1x1x128x64xf32, #tpu.memory_space<vmem>> -> memref<128x64xf32, #tpu.memory_space<vmem>>
      %dma_wait3A_678 = tpu.memref_slice %arg7[%multiple_of3A_671] : memref<4096xi32, #tpu.memory_space<vmem>> -> memref<128xi32, #tpu.memory_space<vmem>>
      %dma_wait3A_679 = arith.constant 0 : i32
      %dma_wait3A_680 = arith.constant 0 : i32
      %dma_wait3A_681 = tpu.memref_slice %arg12[%dma_wait3A_679, %dma_wait3A_680] : memref<10240x64xf32, #tpu.memory_space<vmem_shared>> -> memref<10240x64xf32, #tpu.memory_space<vmem_shared>>
      tpu.wait_indirect_dma semaphore(%arg17 : memref<!tpu.dma_semaphore, #tpu.memory_space<semaphore_mem>>) src(%dma_wait3A_677 : memref<128x64xf32, #tpu.memory_space<vmem>>) dst(%dma_wait3A_681 : memref<10240x64xf32, #tpu.memory_space<vmem_shared>>)
      %add3A_682 = arith.constant 1 : i32
      %add3A_683 = arith.addi %add3A_633, %add3A_682 : i32
      %jit3A_684 = arith.constant 2 : i32
      %eq3A_685 = arith.constant 0 : i32
      %eq3A_686 = arith.cmpi eq, %jit3A_684, %eq3A_685 : i32
      %jit3A_687 = arith.constant 1 : i32
      %select_n3A_688 = arith.select %eq3A_686, %jit3A_687, %jit3A_684 : i32
      %rem3A_689 = arith.remsi %add3A_683, %select_n3A_688 : i32
      %ne3A_690 = arith.constant 0 : i32
      %ne3A_691 = arith.cmpi ne, %rem3A_689, %ne3A_690 : i32
      %lt3A_692 = arith.constant 0 : i32
      %lt3A_693 = arith.cmpi slt, %rem3A_689, %lt3A_692 : i32
      %lt3A_694 = arith.constant 0 : i32
      %lt3A_695 = arith.cmpi slt, %select_n3A_688, %lt3A_694 : i32
      %ne3A_696 = arith.xori %lt3A_693, %lt3A_695 : i1
      %and3A_697 = arith.andi %ne3A_696, %ne3A_691 : i1
      %add3A_698 = arith.addi %rem3A_689, %select_n3A_688 : i32
      %select_n3A_699 = arith.select %and3A_697, %add3A_698, %rem3A_689 : i32
      %eq3A_700 = arith.cmpi eq, %arg0, %select_n3A_699 : i32
      %convert_element_type3A_701 = arith.extui %eq3A_700 : i1 to i32
      %cond3A_702 = arith.constant 0 : i32
      %cond3A_703 = arith.cmpi ne, %convert_element_type3A_701, %cond3A_702 : i32
      scf.if %cond3A_703 {
        %multiple_of3A_809 = arith.constant 0 : i32
        %multiple_of3A_810 = tpu.assume_multiple %multiple_of3A_809, 128 : i32
        %dma_wait3A_811 = tpu.memref_slice %arg7[%multiple_of3A_810] : memref<4096xi32, #tpu.memory_space<vmem>> -> memref<128xi32, #tpu.memory_space<vmem>>
        %dma_wait3A_812 = arith.constant 0 : i32
        %dma_wait3A_813 = tpu.memref_slice %arg14[%dma_wait3A_812] : memref<10240xf32, #tpu.memory_space<vmem_shared>> -> memref<10240xf32, #tpu.memory_space<vmem_shared>>
        tpu.wait_indirect_dma semaphore(%arg19 : memref<!tpu.dma_semaphore, #tpu.memory_space<semaphore_mem>>) src(%arg10 : memref<128xf32, #tpu.memory_space<vmem>>) dst(%dma_wait3A_813 : memref<10240xf32, #tpu.memory_space<vmem_shared>>)
      } else {
      }
      %lt3A_704 = arith.constant 6 : i32
      %lt3A_705 = arith.cmpi slt, %scan3A_490, %lt3A_704 : i32
      %convert_element_type3A_706 = arith.extui %lt3A_705 : i1 to i32
      %cond3A_707 = arith.constant 0 : i32
      %cond3A_708 = arith.cmpi ne, %convert_element_type3A_706, %cond3A_707 : i32
      scf.if %cond3A_708 {
        %add3A_809 = arith.constant 2 : i32
        %add3A_810 = arith.addi %mul3A_635, %add3A_809 : i32
        %add3A_811 = arith.constant 0 : i32
        %add3A_812 = arith.addi %add3A_810, %add3A_811 : i32
        %mul3A_813 = arith.constant 128 : i32
        %mul3A_814 = arith.muli %add3A_812, %mul3A_813 : i32
        %multiple_of3A_815 = tpu.assume_multiple %mul3A_814, 128 : i32
        %dma_start3A_816 = arith.constant 0 : i32
        %dma_start3A_817 = arith.constant 0 : i32
        %dma_start3A_818 = arith.constant 0 : i32
        %dma_start3A_819 = arith.constant 0 : i32
        %dma_start3A_820 = tpu.memref_slice %arg9[%dma_start3A_816, %dma_start3A_817, %dma_start3A_818, %dma_start3A_819] : memref<2x2x128x64xf32, #tpu.memory_space<vmem>> -> memref<1x1x128x64xf32, #tpu.memory_space<vmem>>
        %dma_start3A_821 = tpu.memref_squeeze %dma_start3A_820 : memref<1x1x128x64xf32, #tpu.memory_space<vmem>> -> memref<128x64xf32, #tpu.memory_space<vmem>>
        %dma_start3A_822 = tpu.memref_slice %arg8[%multiple_of3A_815] : memref<4096xi32, #tpu.memory_space<vmem>> -> memref<128xi32, #tpu.memory_space<vmem>>
        %dma_start3A_823 = arith.constant 0 : i32
        %dma_start3A_824 = arith.constant 0 : i32
        %dma_start3A_825 = tpu.memref_slice %arg13[%dma_start3A_823, %dma_start3A_824] : memref<10240x64xf32, #tpu.memory_space<vmem_shared>> -> memref<10240x64xf32, #tpu.memory_space<vmem_shared>>
        tpu.enqueue_indirect_dma source(%dma_start3A_825 : memref<10240x64xf32, #tpu.memory_space<vmem_shared>>) target(%dma_start3A_821 : memref<128x64xf32, #tpu.memory_space<vmem>>) offsets(%dma_start3A_822 : memref<128xi32, #tpu.memory_space<vmem>>) semaphore(%arg15 : memref<!tpu.dma_semaphore, #tpu.memory_space<semaphore_mem>>)
        %add3A_826 = arith.constant 2 : i32
        %add3A_827 = arith.addi %mul3A_635, %add3A_826 : i32
        %add3A_828 = arith.constant 1 : i32
        %add3A_829 = arith.addi %add3A_827, %add3A_828 : i32
        %mul3A_830 = arith.constant 128 : i32
        %mul3A_831 = arith.muli %add3A_829, %mul3A_830 : i32
        %multiple_of3A_832 = tpu.assume_multiple %mul3A_831, 128 : i32
        %dma_start3A_833 = arith.constant 0 : i32
        %dma_start3A_834 = arith.constant 1 : i32
        %dma_start3A_835 = arith.constant 0 : i32
        %dma_start3A_836 = arith.constant 0 : i32
        %dma_start3A_837 = tpu.memref_slice %arg9[%dma_start3A_833, %dma_start3A_834, %dma_start3A_835, %dma_start3A_836] : memref<2x2x128x64xf32, #tpu.memory_space<vmem>> -> memref<1x1x128x64xf32, #tpu.memory_space<vmem>>
        %dma_start3A_838 = tpu.memref_squeeze %dma_start3A_837 : memref<1x1x128x64xf32, #tpu.memory_space<vmem>> -> memref<128x64xf32, #tpu.memory_space<vmem>>
        %dma_start3A_839 = tpu.memref_slice %arg8[%multiple_of3A_832] : memref<4096xi32, #tpu.memory_space<vmem>> -> memref<128xi32, #tpu.memory_space<vmem>>
        %dma_start3A_840 = arith.constant 0 : i32
        %dma_start3A_841 = arith.constant 0 : i32
        %dma_start3A_842 = tpu.memref_slice %arg13[%dma_start3A_840, %dma_start3A_841] : memref<10240x64xf32, #tpu.memory_space<vmem_shared>> -> memref<10240x64xf32, #tpu.memory_space<vmem_shared>>
        tpu.enqueue_indirect_dma source(%dma_start3A_842 : memref<10240x64xf32, #tpu.memory_space<vmem_shared>>) target(%dma_start3A_838 : memref<128x64xf32, #tpu.memory_space<vmem>>) offsets(%dma_start3A_839 : memref<128xi32, #tpu.memory_space<vmem>>) semaphore(%arg15 : memref<!tpu.dma_semaphore, #tpu.memory_space<semaphore_mem>>)
      } else {
      }
      %add3A_709 = arith.constant 0 : i32
      %add3A_710 = arith.addi %mul3A_635, %add3A_709 : i32
      %mul3A_711 = arith.constant 128 : i32
      %mul3A_712 = arith.muli %add3A_710, %mul3A_711 : i32
      %multiple_of3A_713 = tpu.assume_multiple %mul3A_712, 128 : i32
      %dma_wait3A_714 = arith.constant 1 : i32
      %dma_wait3A_715 = arith.constant 0 : i32
      %dma_wait3A_716 = arith.constant 0 : i32
      %dma_wait3A_717 = arith.constant 0 : i32
      %dma_wait3A_718 = tpu.memref_slice %arg9[%dma_wait3A_714, %dma_wait3A_715, %dma_wait3A_716, %dma_wait3A_717] : memref<2x2x128x64xf32, #tpu.memory_space<vmem>> -> memref<1x1x128x64xf32, #tpu.memory_space<vmem>>
      %dma_wait3A_719 = tpu.memref_squeeze %dma_wait3A_718 : memref<1x1x128x64xf32, #tpu.memory_space<vmem>> -> memref<128x64xf32, #tpu.memory_space<vmem>>
      %dma_wait3A_720 = tpu.memref_slice %arg8[%multiple_of3A_713] : memref<4096xi32, #tpu.memory_space<vmem>> -> memref<128xi32, #tpu.memory_space<vmem>>
      %dma_wait3A_721 = arith.constant 0 : i32
      %dma_wait3A_722 = arith.constant 0 : i32
      %dma_wait3A_723 = tpu.memref_slice %arg13[%dma_wait3A_721, %dma_wait3A_722] : memref<10240x64xf32, #tpu.memory_space<vmem_shared>> -> memref<10240x64xf32, #tpu.memory_space<vmem_shared>>
      tpu.wait_indirect_dma semaphore(%arg16 : memref<!tpu.dma_semaphore, #tpu.memory_space<semaphore_mem>>) src(%dma_wait3A_723 : memref<10240x64xf32, #tpu.memory_space<vmem_shared>>) dst(%dma_wait3A_719 : memref<128x64xf32, #tpu.memory_space<vmem>>)
      %add3A_724 = arith.constant 1 : i32
      %add3A_725 = arith.addi %mul3A_635, %add3A_724 : i32
      %mul3A_726 = arith.constant 128 : i32
      %mul3A_727 = arith.muli %add3A_725, %mul3A_726 : i32
      %multiple_of3A_728 = tpu.assume_multiple %mul3A_727, 128 : i32
      %dma_wait3A_729 = arith.constant 1 : i32
      %dma_wait3A_730 = arith.constant 1 : i32
      %dma_wait3A_731 = arith.constant 0 : i32
      %dma_wait3A_732 = arith.constant 0 : i32
      %dma_wait3A_733 = tpu.memref_slice %arg9[%dma_wait3A_729, %dma_wait3A_730, %dma_wait3A_731, %dma_wait3A_732] : memref<2x2x128x64xf32, #tpu.memory_space<vmem>> -> memref<1x1x128x64xf32, #tpu.memory_space<vmem>>
      %dma_wait3A_734 = tpu.memref_squeeze %dma_wait3A_733 : memref<1x1x128x64xf32, #tpu.memory_space<vmem>> -> memref<128x64xf32, #tpu.memory_space<vmem>>
      %dma_wait3A_735 = tpu.memref_slice %arg8[%multiple_of3A_728] : memref<4096xi32, #tpu.memory_space<vmem>> -> memref<128xi32, #tpu.memory_space<vmem>>
      %dma_wait3A_736 = arith.constant 0 : i32
      %dma_wait3A_737 = arith.constant 0 : i32
      %dma_wait3A_738 = tpu.memref_slice %arg13[%dma_wait3A_736, %dma_wait3A_737] : memref<10240x64xf32, #tpu.memory_space<vmem_shared>> -> memref<10240x64xf32, #tpu.memory_space<vmem_shared>>
      tpu.wait_indirect_dma semaphore(%arg16 : memref<!tpu.dma_semaphore, #tpu.memory_space<semaphore_mem>>) src(%dma_wait3A_738 : memref<10240x64xf32, #tpu.memory_space<vmem_shared>>) dst(%dma_wait3A_734 : memref<128x64xf32, #tpu.memory_space<vmem>>)
      %add3A_739 = arith.constant 0 : i32
      %add3A_740 = arith.addi %mul3A_635, %add3A_739 : i32
      %mul3A_741 = arith.constant 128 : i32
      %mul3A_742 = arith.muli %add3A_740, %mul3A_741 : i32
      %multiple_of3A_743 = tpu.assume_multiple %mul3A_742, 128 : i32
      %dma_start3A_744 = arith.constant 1 : i32
      %dma_start3A_745 = arith.constant 0 : i32
      %dma_start3A_746 = arith.constant 0 : i32
      %dma_start3A_747 = arith.constant 0 : i32
      %dma_start3A_748 = tpu.memref_slice %arg9[%dma_start3A_744, %dma_start3A_745, %dma_start3A_746, %dma_start3A_747] : memref<2x2x128x64xf32, #tpu.memory_space<vmem>> -> memref<1x1x128x64xf32, #tpu.memory_space<vmem>>
      %dma_start3A_749 = tpu.memref_squeeze %dma_start3A_748 : memref<1x1x128x64xf32, #tpu.memory_space<vmem>> -> memref<128x64xf32, #tpu.memory_space<vmem>>
      %dma_start3A_750 = tpu.memref_slice %arg7[%multiple_of3A_743] : memref<4096xi32, #tpu.memory_space<vmem>> -> memref<128xi32, #tpu.memory_space<vmem>>
      %dma_start3A_751 = arith.constant 0 : i32
      %dma_start3A_752 = arith.constant 0 : i32
      %dma_start3A_753 = tpu.memref_slice %arg12[%dma_start3A_751, %dma_start3A_752] : memref<10240x64xf32, #tpu.memory_space<vmem_shared>> -> memref<10240x64xf32, #tpu.memory_space<vmem_shared>>
      tpu.enqueue_indirect_dma source(%dma_start3A_749 : memref<128x64xf32, #tpu.memory_space<vmem>>) target(%dma_start3A_753 : memref<10240x64xf32, #tpu.memory_space<vmem_shared>>) offsets(%dma_start3A_750 : memref<128xi32, #tpu.memory_space<vmem>>) semaphore(%arg18 : memref<!tpu.dma_semaphore, #tpu.memory_space<semaphore_mem>>) {add = true}
      %jit3A_754 = arith.constant 2 : i32
      %eq3A_755 = arith.constant 0 : i32
      %eq3A_756 = arith.cmpi eq, %jit3A_754, %eq3A_755 : i32
      %jit3A_757 = arith.constant 1 : i32
      %select_n3A_758 = arith.select %eq3A_756, %jit3A_757, %jit3A_754 : i32
      %rem3A_759 = arith.remsi %add3A_633, %select_n3A_758 : i32
      %ne3A_760 = arith.constant 0 : i32
      %ne3A_761 = arith.cmpi ne, %rem3A_759, %ne3A_760 : i32
      %lt3A_762 = arith.constant 0 : i32
      %lt3A_763 = arith.cmpi slt, %rem3A_759, %lt3A_762 : i32
      %lt3A_764 = arith.constant 0 : i32
      %lt3A_765 = arith.cmpi slt, %select_n3A_758, %lt3A_764 : i32
      %ne3A_766 = arith.xori %lt3A_763, %lt3A_765 : i1
      %and3A_767 = arith.andi %ne3A_766, %ne3A_761 : i1
      %add3A_768 = arith.addi %rem3A_759, %select_n3A_758 : i32
      %select_n3A_769 = arith.select %and3A_767, %add3A_768, %rem3A_759 : i32
      %eq3A_770 = arith.cmpi eq, %arg0, %select_n3A_769 : i32
      %convert_element_type3A_771 = arith.extui %eq3A_770 : i1 to i32
      %cond3A_772 = arith.constant 0 : i32
      %cond3A_773 = arith.cmpi ne, %convert_element_type3A_771, %cond3A_772 : i32
      scf.if %cond3A_773 {
        %add3A_809 = arith.constant 0 : i32
        %add3A_810 = arith.addi %mul3A_635, %add3A_809 : i32
        %mul3A_811 = arith.constant 128 : i32
        %mul3A_812 = arith.muli %add3A_810, %mul3A_811 : i32
        %multiple_of3A_813 = tpu.assume_multiple %mul3A_812, 128 : i32
        %dma_start3A_814 = tpu.memref_slice %arg7[%multiple_of3A_813] : memref<4096xi32, #tpu.memory_space<vmem>> -> memref<128xi32, #tpu.memory_space<vmem>>
        %dma_start3A_815 = arith.constant 0 : i32
        %dma_start3A_816 = tpu.memref_slice %arg14[%dma_start3A_815] : memref<10240xf32, #tpu.memory_space<vmem_shared>> -> memref<10240xf32, #tpu.memory_space<vmem_shared>>
        tpu.enqueue_indirect_dma source(%arg10 : memref<128xf32, #tpu.memory_space<vmem>>) target(%dma_start3A_816 : memref<10240xf32, #tpu.memory_space<vmem_shared>>) offsets(%dma_start3A_814 : memref<128xi32, #tpu.memory_space<vmem>>) semaphore(%arg20 : memref<!tpu.dma_semaphore, #tpu.memory_space<semaphore_mem>>) {add = true}
      } else {
      }
      %add3A_774 = arith.constant 1 : i32
      %add3A_775 = arith.addi %mul3A_635, %add3A_774 : i32
      %mul3A_776 = arith.constant 128 : i32
      %mul3A_777 = arith.muli %add3A_775, %mul3A_776 : i32
      %multiple_of3A_778 = tpu.assume_multiple %mul3A_777, 128 : i32
      %dma_start3A_779 = arith.constant 1 : i32
      %dma_start3A_780 = arith.constant 1 : i32
      %dma_start3A_781 = arith.constant 0 : i32
      %dma_start3A_782 = arith.constant 0 : i32
      %dma_start3A_783 = tpu.memref_slice %arg9[%dma_start3A_779, %dma_start3A_780, %dma_start3A_781, %dma_start3A_782] : memref<2x2x128x64xf32, #tpu.memory_space<vmem>> -> memref<1x1x128x64xf32, #tpu.memory_space<vmem>>
      %dma_start3A_784 = tpu.memref_squeeze %dma_start3A_783 : memref<1x1x128x64xf32, #tpu.memory_space<vmem>> -> memref<128x64xf32, #tpu.memory_space<vmem>>
      %dma_start3A_785 = tpu.memref_slice %arg7[%multiple_of3A_778] : memref<4096xi32, #tpu.memory_space<vmem>> -> memref<128xi32, #tpu.memory_space<vmem>>
      %dma_start3A_786 = arith.constant 0 : i32
      %dma_start3A_787 = arith.constant 0 : i32
      %dma_start3A_788 = tpu.memref_slice %arg12[%dma_start3A_786, %dma_start3A_787] : memref<10240x64xf32, #tpu.memory_space<vmem_shared>> -> memref<10240x64xf32, #tpu.memory_space<vmem_shared>>
      tpu.enqueue_indirect_dma source(%dma_start3A_784 : memref<128x64xf32, #tpu.memory_space<vmem>>) target(%dma_start3A_788 : memref<10240x64xf32, #tpu.memory_space<vmem_shared>>) offsets(%dma_start3A_785 : memref<128xi32, #tpu.memory_space<vmem>>) semaphore(%arg18 : memref<!tpu.dma_semaphore, #tpu.memory_space<semaphore_mem>>) {add = true}
      %jit3A_789 = arith.constant 2 : i32
      %eq3A_790 = arith.constant 0 : i32
      %eq3A_791 = arith.cmpi eq, %jit3A_789, %eq3A_790 : i32
      %jit3A_792 = arith.constant 1 : i32
      %select_n3A_793 = arith.select %eq3A_791, %jit3A_792, %jit3A_789 : i32
      %rem3A_794 = arith.remsi %add3A_633, %select_n3A_793 : i32
      %ne3A_795 = arith.constant 0 : i32
      %ne3A_796 = arith.cmpi ne, %rem3A_794, %ne3A_795 : i32
      %lt3A_797 = arith.constant 0 : i32
      %lt3A_798 = arith.cmpi slt, %rem3A_794, %lt3A_797 : i32
      %lt3A_799 = arith.constant 0 : i32
      %lt3A_800 = arith.cmpi slt, %select_n3A_793, %lt3A_799 : i32
      %ne3A_801 = arith.xori %lt3A_798, %lt3A_800 : i1
      %and3A_802 = arith.andi %ne3A_801, %ne3A_796 : i1
      %add3A_803 = arith.addi %rem3A_794, %select_n3A_793 : i32
      %select_n3A_804 = arith.select %and3A_802, %add3A_803, %rem3A_794 : i32
      %eq3A_805 = arith.cmpi eq, %arg0, %select_n3A_804 : i32
      %convert_element_type3A_806 = arith.extui %eq3A_805 : i1 to i32
      %cond3A_807 = arith.constant 0 : i32
      %cond3A_808 = arith.cmpi ne, %convert_element_type3A_806, %cond3A_807 : i32
      scf.if %cond3A_808 {
        %add3A_809 = arith.constant 1 : i32
        %add3A_810 = arith.addi %mul3A_635, %add3A_809 : i32
        %mul3A_811 = arith.constant 128 : i32
        %mul3A_812 = arith.muli %add3A_810, %mul3A_811 : i32
        %multiple_of3A_813 = tpu.assume_multiple %mul3A_812, 128 : i32
        %dma_start3A_814 = tpu.memref_slice %arg7[%multiple_of3A_813] : memref<4096xi32, #tpu.memory_space<vmem>> -> memref<128xi32, #tpu.memory_space<vmem>>
        %dma_start3A_815 = arith.constant 0 : i32
        %dma_start3A_816 = tpu.memref_slice %arg14[%dma_start3A_815] : memref<10240xf32, #tpu.memory_space<vmem_shared>> -> memref<10240xf32, #tpu.memory_space<vmem_shared>>
        tpu.enqueue_indirect_dma source(%arg10 : memref<128xf32, #tpu.memory_space<vmem>>) target(%dma_start3A_816 : memref<10240xf32, #tpu.memory_space<vmem_shared>>) offsets(%dma_start3A_814 : memref<128xi32, #tpu.memory_space<vmem>>) semaphore(%arg20 : memref<!tpu.dma_semaphore, #tpu.memory_space<semaphore_mem>>) {add = true}
      } else {
      }
    }
    %scan3A_422 = arith.constant 7 : i32
    %multiple_of3A_423 = arith.constant 0 : i32
    %multiple_of3A_424 = tpu.assume_multiple %multiple_of3A_423, 128 : i32
    %dma_wait3A_425 = arith.constant 1 : i32
    %dma_wait3A_426 = arith.constant 0 : i32
    %dma_wait3A_427 = arith.constant 0 : i32
    %dma_wait3A_428 = arith.constant 0 : i32
    %dma_wait3A_429 = tpu.memref_slice %arg9[%dma_wait3A_425, %dma_wait3A_426, %dma_wait3A_427, %dma_wait3A_428] : memref<2x2x128x64xf32, #tpu.memory_space<vmem>> -> memref<1x1x128x64xf32, #tpu.memory_space<vmem>>
    %dma_wait3A_430 = tpu.memref_squeeze %dma_wait3A_429 : memref<1x1x128x64xf32, #tpu.memory_space<vmem>> -> memref<128x64xf32, #tpu.memory_space<vmem>>
    %dma_wait3A_431 = tpu.memref_slice %arg7[%multiple_of3A_424] : memref<4096xi32, #tpu.memory_space<vmem>> -> memref<128xi32, #tpu.memory_space<vmem>>
    %dma_wait3A_432 = arith.constant 0 : i32
    %dma_wait3A_433 = arith.constant 0 : i32
    %dma_wait3A_434 = tpu.memref_slice %arg12[%dma_wait3A_432, %dma_wait3A_433] : memref<10240x64xf32, #tpu.memory_space<vmem_shared>> -> memref<10240x64xf32, #tpu.memory_space<vmem_shared>>
    tpu.wait_indirect_dma semaphore(%arg18 : memref<!tpu.dma_semaphore, #tpu.memory_space<semaphore_mem>>) src(%dma_wait3A_430 : memref<128x64xf32, #tpu.memory_space<vmem>>) dst(%dma_wait3A_434 : memref<10240x64xf32, #tpu.memory_space<vmem_shared>>)
    %eq3A_435 = arith.constant 1 : i32
    %eq3A_436 = arith.cmpi eq, %arg0, %eq3A_435 : i32
    %convert_element_type3A_437 = arith.extui %eq3A_436 : i1 to i32
    %cond3A_438 = arith.constant 0 : i32
    %cond3A_439 = arith.cmpi ne, %convert_element_type3A_437, %cond3A_438 : i32
    scf.if %cond3A_439 {
      %multiple_of3A_490 = arith.constant 0 : i32
      %multiple_of3A_491 = tpu.assume_multiple %multiple_of3A_490, 128 : i32
      %dma_wait3A_492 = tpu.memref_slice %arg7[%multiple_of3A_491] : memref<4096xi32, #tpu.memory_space<vmem>> -> memref<128xi32, #tpu.memory_space<vmem>>
      %dma_wait3A_493 = arith.constant 0 : i32
      %dma_wait3A_494 = tpu.memref_slice %arg14[%dma_wait3A_493] : memref<10240xf32, #tpu.memory_space<vmem_shared>> -> memref<10240xf32, #tpu.memory_space<vmem_shared>>
      tpu.wait_indirect_dma semaphore(%arg20 : memref<!tpu.dma_semaphore, #tpu.memory_space<semaphore_mem>>) src(%arg10 : memref<128xf32, #tpu.memory_space<vmem>>) dst(%dma_wait3A_494 : memref<10240xf32, #tpu.memory_space<vmem_shared>>)
    } else {
    }
    %multiple_of3A_440 = arith.constant 0 : i32
    %multiple_of3A_441 = tpu.assume_multiple %multiple_of3A_440, 128 : i32
    %dma_wait3A_442 = arith.constant 1 : i32
    %dma_wait3A_443 = arith.constant 1 : i32
    %dma_wait3A_444 = arith.constant 0 : i32
    %dma_wait3A_445 = arith.constant 0 : i32
    %dma_wait3A_446 = tpu.memref_slice %arg9[%dma_wait3A_442, %dma_wait3A_443, %dma_wait3A_444, %dma_wait3A_445] : memref<2x2x128x64xf32, #tpu.memory_space<vmem>> -> memref<1x1x128x64xf32, #tpu.memory_space<vmem>>
    %dma_wait3A_447 = tpu.memref_squeeze %dma_wait3A_446 : memref<1x1x128x64xf32, #tpu.memory_space<vmem>> -> memref<128x64xf32, #tpu.memory_space<vmem>>
    %dma_wait3A_448 = tpu.memref_slice %arg7[%multiple_of3A_441] : memref<4096xi32, #tpu.memory_space<vmem>> -> memref<128xi32, #tpu.memory_space<vmem>>
    %dma_wait3A_449 = arith.constant 0 : i32
    %dma_wait3A_450 = arith.constant 0 : i32
    %dma_wait3A_451 = tpu.memref_slice %arg12[%dma_wait3A_449, %dma_wait3A_450] : memref<10240x64xf32, #tpu.memory_space<vmem_shared>> -> memref<10240x64xf32, #tpu.memory_space<vmem_shared>>
    tpu.wait_indirect_dma semaphore(%arg18 : memref<!tpu.dma_semaphore, #tpu.memory_space<semaphore_mem>>) src(%dma_wait3A_447 : memref<128x64xf32, #tpu.memory_space<vmem>>) dst(%dma_wait3A_451 : memref<10240x64xf32, #tpu.memory_space<vmem_shared>>)
    %eq3A_452 = arith.constant 1 : i32
    %eq3A_453 = arith.cmpi eq, %arg0, %eq3A_452 : i32
    %convert_element_type3A_454 = arith.extui %eq3A_453 : i1 to i32
    %cond3A_455 = arith.constant 0 : i32
    %cond3A_456 = arith.cmpi ne, %convert_element_type3A_454, %cond3A_455 : i32
    scf.if %cond3A_456 {
      %multiple_of3A_490 = arith.constant 0 : i32
      %multiple_of3A_491 = tpu.assume_multiple %multiple_of3A_490, 128 : i32
      %dma_wait3A_492 = tpu.memref_slice %arg7[%multiple_of3A_491] : memref<4096xi32, #tpu.memory_space<vmem>> -> memref<128xi32, #tpu.memory_space<vmem>>
      %dma_wait3A_493 = arith.constant 0 : i32
      %dma_wait3A_494 = tpu.memref_slice %arg14[%dma_wait3A_493] : memref<10240xf32, #tpu.memory_space<vmem_shared>> -> memref<10240xf32, #tpu.memory_space<vmem_shared>>
      tpu.wait_indirect_dma semaphore(%arg20 : memref<!tpu.dma_semaphore, #tpu.memory_space<semaphore_mem>>) src(%arg10 : memref<128xf32, #tpu.memory_space<vmem>>) dst(%dma_wait3A_494 : memref<10240xf32, #tpu.memory_space<vmem_shared>>)
    } else {
    }
    %lt3A_457 = arith.constant 4 : i32
    %lt3A_458 = arith.cmpi slt, %arg1, %lt3A_457 : i32
    %convert_element_type3A_459 = arith.extui %lt3A_458 : i1 to i32
    %cond3A_460 = arith.constant 0 : i32
    %cond3A_461 = arith.cmpi ne, %convert_element_type3A_459, %cond3A_460 : i32
    scf.if %cond3A_461 {
      %mul3A_490 = arith.constant 128 : i32
      %mul3A_491 = arith.muli %arg1, %mul3A_490 : i32
      %add3A_492 = arith.constant 319488 : i32
      %add3A_493 = arith.addi %add3A_492, %mul3A_491 : i32
      %multiple_of3A_494 = tpu.assume_multiple %add3A_493, 128 : i32
      %run_scoped3A_495 = arith.constant 0 : i32
      "tpu.region"() ({
        %run_scoped3A_540 = tpu.sem_alloc : memref<!tpu.dma_semaphore, #tpu.memory_space<semaphore_mem>>
        %dma_start3A_541 = arith.constant 0 : i32
        %dma_start3A_542 = tpu.memref_slice %arg7[%dma_start3A_541] : memref<4096xi32, #tpu.memory_space<vmem>> -> memref<128xi32, #tpu.memory_space<vmem>>
        %dma_start3A_543 = tpu.memref_slice %arg4[%run_scoped3A_495, %multiple_of3A_494] : memref<2x320000xi32, #tpu.memory_space<hbm>> -> memref<1x128xi32, #tpu.memory_space<hbm>>
        %dma_start3A_544 = tpu.memref_squeeze %dma_start3A_543 : memref<1x128xi32, #tpu.memory_space<hbm>> -> memref<128xi32, #tpu.memory_space<hbm>>
        %dma_start3A_545 = arith.constant 0 : i32
        %dma_start3A_546 = tpu.memref_slice %arg7[%dma_start3A_545] : memref<4096xi32, #tpu.memory_space<vmem>> -> memref<128xi32, #tpu.memory_space<vmem>>
        %dma_start3A_547 = tpu.memref_slice %arg4[%run_scoped3A_495, %multiple_of3A_494] : memref<2x320000xi32, #tpu.memory_space<hbm>> -> memref<1x128xi32, #tpu.memory_space<hbm>>
        %dma_start3A_548 = tpu.memref_squeeze %dma_start3A_547 : memref<1x128xi32, #tpu.memory_space<hbm>> -> memref<128xi32, #tpu.memory_space<hbm>>
        tpu.enqueue_dma source(%dma_start3A_548 : memref<128xi32, #tpu.memory_space<hbm>>) target(%dma_start3A_546 : memref<128xi32, #tpu.memory_space<vmem>>) target_semaphore(%run_scoped3A_540 : memref<!tpu.dma_semaphore, #tpu.memory_space<semaphore_mem>>)
        %dma_wait3A_549 = arith.constant 0 : i32
        %dma_wait3A_550 = tpu.memref_slice %arg7[%dma_wait3A_549] : memref<4096xi32, #tpu.memory_space<vmem>> -> memref<128xi32, #tpu.memory_space<vmem>>
        %dma_wait3A_551 = tpu.memref_slice %arg4[%run_scoped3A_495, %multiple_of3A_494] : memref<2x320000xi32, #tpu.memory_space<hbm>> -> memref<1x128xi32, #tpu.memory_space<hbm>>
        %dma_wait3A_552 = tpu.memref_squeeze %dma_wait3A_551 : memref<1x128xi32, #tpu.memory_space<hbm>> -> memref<128xi32, #tpu.memory_space<hbm>>
        %dma_wait3A_553 = arith.constant 0 : i32
        %dma_wait3A_554 = tpu.memref_slice %arg7[%dma_wait3A_553] : memref<4096xi32, #tpu.memory_space<vmem>> -> memref<128xi32, #tpu.memory_space<vmem>>
        %dma_wait3A_555 = tpu.memref_slice %arg4[%run_scoped3A_495, %multiple_of3A_494] : memref<2x320000xi32, #tpu.memory_space<hbm>> -> memref<1x128xi32, #tpu.memory_space<hbm>>
        %dma_wait3A_556 = tpu.memref_squeeze %dma_wait3A_555 : memref<1x128xi32, #tpu.memory_space<hbm>> -> memref<128xi32, #tpu.memory_space<hbm>>
        tpu.wait_dma2 semaphore(%run_scoped3A_540 : memref<!tpu.dma_semaphore, #tpu.memory_space<semaphore_mem>>) src(%dma_wait3A_556 : memref<128xi32, #tpu.memory_space<hbm>>) dst(%dma_wait3A_554 : memref<128xi32, #tpu.memory_space<vmem>>)
        tpu.yield
      }) : () -> ()
      %run_scoped3A_496 = arith.constant 1 : i32
      "tpu.region"() ({
        %run_scoped3A_540 = tpu.sem_alloc : memref<!tpu.dma_semaphore, #tpu.memory_space<semaphore_mem>>
        %dma_start3A_541 = arith.constant 0 : i32
        %dma_start3A_542 = tpu.memref_slice %arg8[%dma_start3A_541] : memref<4096xi32, #tpu.memory_space<vmem>> -> memref<128xi32, #tpu.memory_space<vmem>>
        %dma_start3A_543 = tpu.memref_slice %arg4[%run_scoped3A_496, %multiple_of3A_494] : memref<2x320000xi32, #tpu.memory_space<hbm>> -> memref<1x128xi32, #tpu.memory_space<hbm>>
        %dma_start3A_544 = tpu.memref_squeeze %dma_start3A_543 : memref<1x128xi32, #tpu.memory_space<hbm>> -> memref<128xi32, #tpu.memory_space<hbm>>
        %dma_start3A_545 = arith.constant 0 : i32
        %dma_start3A_546 = tpu.memref_slice %arg8[%dma_start3A_545] : memref<4096xi32, #tpu.memory_space<vmem>> -> memref<128xi32, #tpu.memory_space<vmem>>
        %dma_start3A_547 = tpu.memref_slice %arg4[%run_scoped3A_496, %multiple_of3A_494] : memref<2x320000xi32, #tpu.memory_space<hbm>> -> memref<1x128xi32, #tpu.memory_space<hbm>>
        %dma_start3A_548 = tpu.memref_squeeze %dma_start3A_547 : memref<1x128xi32, #tpu.memory_space<hbm>> -> memref<128xi32, #tpu.memory_space<hbm>>
        tpu.enqueue_dma source(%dma_start3A_548 : memref<128xi32, #tpu.memory_space<hbm>>) target(%dma_start3A_546 : memref<128xi32, #tpu.memory_space<vmem>>) target_semaphore(%run_scoped3A_540 : memref<!tpu.dma_semaphore, #tpu.memory_space<semaphore_mem>>)
        %dma_wait3A_549 = arith.constant 0 : i32
        %dma_wait3A_550 = tpu.memref_slice %arg8[%dma_wait3A_549] : memref<4096xi32, #tpu.memory_space<vmem>> -> memref<128xi32, #tpu.memory_space<vmem>>
        %dma_wait3A_551 = tpu.memref_slice %arg4[%run_scoped3A_496, %multiple_of3A_494] : memref<2x320000xi32, #tpu.memory_space<hbm>> -> memref<1x128xi32, #tpu.memory_space<hbm>>
        %dma_wait3A_552 = tpu.memref_squeeze %dma_wait3A_551 : memref<1x128xi32, #tpu.memory_space<hbm>> -> memref<128xi32, #tpu.memory_space<hbm>>
        %dma_wait3A_553 = arith.constant 0 : i32
        %dma_wait3A_554 = tpu.memref_slice %arg8[%dma_wait3A_553] : memref<4096xi32, #tpu.memory_space<vmem>> -> memref<128xi32, #tpu.memory_space<vmem>>
        %dma_wait3A_555 = tpu.memref_slice %arg4[%run_scoped3A_496, %multiple_of3A_494] : memref<2x320000xi32, #tpu.memory_space<hbm>> -> memref<1x128xi32, #tpu.memory_space<hbm>>
        %dma_wait3A_556 = tpu.memref_squeeze %dma_wait3A_555 : memref<1x128xi32, #tpu.memory_space<hbm>> -> memref<128xi32, #tpu.memory_space<hbm>>
        tpu.wait_dma2 semaphore(%run_scoped3A_540 : memref<!tpu.dma_semaphore, #tpu.memory_space<semaphore_mem>>) src(%dma_wait3A_556 : memref<128xi32, #tpu.memory_space<hbm>>) dst(%dma_wait3A_554 : memref<128xi32, #tpu.memory_space<vmem>>)
        tpu.yield
      }) : () -> ()
      %multiple_of3A_497 = arith.constant 0 : i32
      %multiple_of3A_498 = tpu.assume_multiple %multiple_of3A_497, 128 : i32
      %dma_start3A_499 = arith.constant 0 : i32
      %dma_start3A_500 = arith.constant 0 : i32
      %dma_start3A_501 = arith.constant 0 : i32
      %dma_start3A_502 = arith.constant 0 : i32
      %dma_start3A_503 = tpu.memref_slice %arg9[%dma_start3A_499, %dma_start3A_500, %dma_start3A_501, %dma_start3A_502] : memref<2x2x128x64xf32, #tpu.memory_space<vmem>> -> memref<1x1x128x64xf32, #tpu.memory_space<vmem>>
      %dma_start3A_504 = tpu.memref_squeeze %dma_start3A_503 : memref<1x1x128x64xf32, #tpu.memory_space<vmem>> -> memref<128x64xf32, #tpu.memory_space<vmem>>
      %dma_start3A_505 = tpu.memref_slice %arg8[%multiple_of3A_498] : memref<4096xi32, #tpu.memory_space<vmem>> -> memref<128xi32, #tpu.memory_space<vmem>>
      %dma_start3A_506 = arith.constant 0 : i32
      %dma_start3A_507 = arith.constant 0 : i32
      %dma_start3A_508 = tpu.memref_slice %arg13[%dma_start3A_506, %dma_start3A_507] : memref<10240x64xf32, #tpu.memory_space<vmem_shared>> -> memref<10240x64xf32, #tpu.memory_space<vmem_shared>>
      tpu.enqueue_indirect_dma source(%dma_start3A_508 : memref<10240x64xf32, #tpu.memory_space<vmem_shared>>) target(%dma_start3A_504 : memref<128x64xf32, #tpu.memory_space<vmem>>) offsets(%dma_start3A_505 : memref<128xi32, #tpu.memory_space<vmem>>) semaphore(%arg15 : memref<!tpu.dma_semaphore, #tpu.memory_space<semaphore_mem>>)
      %multiple_of3A_509 = arith.constant 0 : i32
      %multiple_of3A_510 = tpu.assume_multiple %multiple_of3A_509, 128 : i32
      %dma_wait3A_511 = arith.constant 0 : i32
      %dma_wait3A_512 = arith.constant 0 : i32
      %dma_wait3A_513 = arith.constant 0 : i32
      %dma_wait3A_514 = arith.constant 0 : i32
      %dma_wait3A_515 = tpu.memref_slice %arg9[%dma_wait3A_511, %dma_wait3A_512, %dma_wait3A_513, %dma_wait3A_514] : memref<2x2x128x64xf32, #tpu.memory_space<vmem>> -> memref<1x1x128x64xf32, #tpu.memory_space<vmem>>
      %dma_wait3A_516 = tpu.memref_squeeze %dma_wait3A_515 : memref<1x1x128x64xf32, #tpu.memory_space<vmem>> -> memref<128x64xf32, #tpu.memory_space<vmem>>
      %dma_wait3A_517 = tpu.memref_slice %arg8[%multiple_of3A_510] : memref<4096xi32, #tpu.memory_space<vmem>> -> memref<128xi32, #tpu.memory_space<vmem>>
      %dma_wait3A_518 = arith.constant 0 : i32
      %dma_wait3A_519 = arith.constant 0 : i32
      %dma_wait3A_520 = tpu.memref_slice %arg13[%dma_wait3A_518, %dma_wait3A_519] : memref<10240x64xf32, #tpu.memory_space<vmem_shared>> -> memref<10240x64xf32, #tpu.memory_space<vmem_shared>>
      tpu.wait_indirect_dma semaphore(%arg15 : memref<!tpu.dma_semaphore, #tpu.memory_space<semaphore_mem>>) src(%dma_wait3A_520 : memref<10240x64xf32, #tpu.memory_space<vmem_shared>>) dst(%dma_wait3A_516 : memref<128x64xf32, #tpu.memory_space<vmem>>)
      %multiple_of3A_521 = arith.constant 0 : i32
      %multiple_of3A_522 = tpu.assume_multiple %multiple_of3A_521, 128 : i32
      %run_scoped3A_523 = arith.constant 0 : i32
      %run_scoped3A_524 = arith.constant 0 : i32
      "tpu.region"() ({
        %run_scoped3A_540 = tpu.sem_alloc : memref<!tpu.dma_semaphore, #tpu.memory_space<semaphore_mem>>
        %dma_start3A_541 = arith.constant 0 : i32
        %dma_start3A_542 = arith.constant 0 : i32
        %dma_start3A_543 = tpu.memref_slice %arg9[%run_scoped3A_523, %run_scoped3A_524, %dma_start3A_541, %dma_start3A_542] : memref<2x2x128x64xf32, #tpu.memory_space<vmem>> -> memref<1x1x128x64xf32, #tpu.memory_space<vmem>>
        %dma_start3A_544 = tpu.memref_squeeze %dma_start3A_543 : memref<1x1x128x64xf32, #tpu.memory_space<vmem>> -> memref<128x64xf32, #tpu.memory_space<vmem>>
        %dma_start3A_545 = tpu.memref_slice %arg7[%multiple_of3A_522] : memref<4096xi32, #tpu.memory_space<vmem>> -> memref<128xi32, #tpu.memory_space<vmem>>
        %dma_start3A_546 = arith.constant 0 : i32
        %dma_start3A_547 = arith.constant 0 : i32
        %dma_start3A_548 = tpu.memref_slice %arg12[%dma_start3A_546, %dma_start3A_547] : memref<10240x64xf32, #tpu.memory_space<vmem_shared>> -> memref<10240x64xf32, #tpu.memory_space<vmem_shared>>
        tpu.enqueue_indirect_dma source(%dma_start3A_544 : memref<128x64xf32, #tpu.memory_space<vmem>>) target(%dma_start3A_548 : memref<10240x64xf32, #tpu.memory_space<vmem_shared>>) offsets(%dma_start3A_545 : memref<128xi32, #tpu.memory_space<vmem>>) semaphore(%run_scoped3A_540 : memref<!tpu.dma_semaphore, #tpu.memory_space<semaphore_mem>>) {add = true}
        %dma_wait3A_549 = arith.constant 0 : i32
        %dma_wait3A_550 = arith.constant 0 : i32
        %dma_wait3A_551 = tpu.memref_slice %arg9[%run_scoped3A_523, %run_scoped3A_524, %dma_wait3A_549, %dma_wait3A_550] : memref<2x2x128x64xf32, #tpu.memory_space<vmem>> -> memref<1x1x128x64xf32, #tpu.memory_space<vmem>>
        %dma_wait3A_552 = tpu.memref_squeeze %dma_wait3A_551 : memref<1x1x128x64xf32, #tpu.memory_space<vmem>> -> memref<128x64xf32, #tpu.memory_space<vmem>>
        %dma_wait3A_553 = tpu.memref_slice %arg7[%multiple_of3A_522] : memref<4096xi32, #tpu.memory_space<vmem>> -> memref<128xi32, #tpu.memory_space<vmem>>
        %dma_wait3A_554 = arith.constant 0 : i32
        %dma_wait3A_555 = arith.constant 0 : i32
        %dma_wait3A_556 = tpu.memref_slice %arg12[%dma_wait3A_554, %dma_wait3A_555] : memref<10240x64xf32, #tpu.memory_space<vmem_shared>> -> memref<10240x64xf32, #tpu.memory_space<vmem_shared>>
        tpu.wait_indirect_dma semaphore(%run_scoped3A_540 : memref<!tpu.dma_semaphore, #tpu.memory_space<semaphore_mem>>) src(%dma_wait3A_552 : memref<128x64xf32, #tpu.memory_space<vmem>>) dst(%dma_wait3A_556 : memref<10240x64xf32, #tpu.memory_space<vmem_shared>>)
        tpu.yield
      }) : () -> ()
      %jit3A = arith.constant 2 : i32
      %eq3A_525 = arith.constant 0 : i32
      %eq3A_526 = arith.cmpi eq, %jit3A, %eq3A_525 : i32
      %jit3A_527 = arith.constant 1 : i32
      %select_n3A = arith.select %eq3A_526, %jit3A_527, %jit3A : i32
      %rem3A = arith.remsi %arg1, %select_n3A : i32
      %ne3A = arith.constant 0 : i32
      %ne3A_528 = arith.cmpi ne, %rem3A, %ne3A : i32
      %lt3A_529 = arith.constant 0 : i32
      %lt3A_530 = arith.cmpi slt, %rem3A, %lt3A_529 : i32
      %lt3A_531 = arith.constant 0 : i32
      %lt3A_532 = arith.cmpi slt, %select_n3A, %lt3A_531 : i32
      %ne3A_533 = arith.xori %lt3A_530, %lt3A_532 : i1
      %and3A = arith.andi %ne3A_533, %ne3A_528 : i1
      %add3A_534 = arith.addi %rem3A, %select_n3A : i32
      %select_n3A_535 = arith.select %and3A, %add3A_534, %rem3A : i32
      %eq3A_536 = arith.cmpi eq, %arg0, %select_n3A_535 : i32
      %convert_element_type3A_537 = arith.extui %eq3A_536 : i1 to i32
      %cond3A_538 = arith.constant 0 : i32
      %cond3A_539 = arith.cmpi ne, %convert_element_type3A_537, %cond3A_538 : i32
      scf.if %cond3A_539 {
        %multiple_of3A_540 = arith.constant 0 : i32
        %multiple_of3A_541 = tpu.assume_multiple %multiple_of3A_540, 128 : i32
        "tpu.region"() ({
          %run_scoped3A_542 = tpu.sem_alloc : memref<!tpu.dma_semaphore, #tpu.memory_space<semaphore_mem>>
          %dma_start3A_543 = tpu.memref_slice %arg7[%multiple_of3A_541] : memref<4096xi32, #tpu.memory_space<vmem>> -> memref<128xi32, #tpu.memory_space<vmem>>
          %dma_start3A_544 = arith.constant 0 : i32
          %dma_start3A_545 = tpu.memref_slice %arg14[%dma_start3A_544] : memref<10240xf32, #tpu.memory_space<vmem_shared>> -> memref<10240xf32, #tpu.memory_space<vmem_shared>>
          tpu.enqueue_indirect_dma source(%arg10 : memref<128xf32, #tpu.memory_space<vmem>>) target(%dma_start3A_545 : memref<10240xf32, #tpu.memory_space<vmem_shared>>) offsets(%dma_start3A_543 : memref<128xi32, #tpu.memory_space<vmem>>) semaphore(%run_scoped3A_542 : memref<!tpu.dma_semaphore, #tpu.memory_space<semaphore_mem>>) {add = true}
          %dma_wait3A_546 = tpu.memref_slice %arg7[%multiple_of3A_541] : memref<4096xi32, #tpu.memory_space<vmem>> -> memref<128xi32, #tpu.memory_space<vmem>>
          %dma_wait3A_547 = arith.constant 0 : i32
          %dma_wait3A_548 = tpu.memref_slice %arg14[%dma_wait3A_547] : memref<10240xf32, #tpu.memory_space<vmem_shared>> -> memref<10240xf32, #tpu.memory_space<vmem_shared>>
          tpu.wait_indirect_dma semaphore(%run_scoped3A_542 : memref<!tpu.dma_semaphore, #tpu.memory_space<semaphore_mem>>) src(%arg10 : memref<128xf32, #tpu.memory_space<vmem>>) dst(%dma_wait3A_548 : memref<10240xf32, #tpu.memory_space<vmem_shared>>)
          tpu.yield
        }) : () -> ()
      } else {
      }
    } else {
    }
    %barrier3A_462 = arith.constant 0 : index
    tpu.barrier barrier_id(%barrier3A_462)
    %add3A_463 = arith.constant 0 : i32
    %add3A_464 = arith.addi %mul3A_5, %add3A_463 : i32
    %add3A_465 = arith.constant 0 : i32
    %add3A_466 = arith.addi %mul3A_5, %add3A_465 : i32
    "tpu.region"() ({
      %run_scoped3A_490 = tpu.sem_alloc : memref<!tpu.dma_semaphore, #tpu.memory_space<semaphore_mem>>
      %dma_start3A_491 = arith.constant 0 : i32
      %dma_start3A_492 = tpu.memref_slice %arg5[%arg0, %add3A_466, %dma_start3A_491] : memref<2x10240x64xf32, #tpu.memory_space<hbm>> -> memref<1x128x64xf32, #tpu.memory_space<hbm>>
      %dma_start3A_493 = tpu.memref_squeeze %dma_start3A_492 : memref<1x128x64xf32, #tpu.memory_space<hbm>> -> memref<128x64xf32, #tpu.memory_space<hbm>>
      %dma_start3A_494 = arith.constant 0 : i32
      %dma_start3A_495 = tpu.memref_slice %arg12[%add3A_464, %dma_start3A_494] : memref<10240x64xf32, #tpu.memory_space<vmem_shared>> -> memref<128x64xf32, #tpu.memory_space<vmem_shared>>
      tpu.enqueue_dma source(%dma_start3A_495 : memref<128x64xf32, #tpu.memory_space<vmem_shared>>) target(%dma_start3A_493 : memref<128x64xf32, #tpu.memory_space<hbm>>) target_semaphore(%run_scoped3A_490 : memref<!tpu.dma_semaphore, #tpu.memory_space<semaphore_mem>>)
      %dma_wait3A_496 = arith.constant 0 : i32
      %dma_wait3A_497 = tpu.memref_slice %arg5[%arg0, %add3A_466, %dma_wait3A_496] : memref<2x10240x64xf32, #tpu.memory_space<hbm>> -> memref<1x128x64xf32, #tpu.memory_space<hbm>>
      %dma_wait3A_498 = tpu.memref_squeeze %dma_wait3A_497 : memref<1x128x64xf32, #tpu.memory_space<hbm>> -> memref<128x64xf32, #tpu.memory_space<hbm>>
      %dma_wait3A_499 = arith.constant 0 : i32
      %dma_wait3A_500 = tpu.memref_slice %arg12[%add3A_464, %dma_wait3A_499] : memref<10240x64xf32, #tpu.memory_space<vmem_shared>> -> memref<128x64xf32, #tpu.memory_space<vmem_shared>>
      tpu.wait_dma2 semaphore(%run_scoped3A_490 : memref<!tpu.dma_semaphore, #tpu.memory_space<semaphore_mem>>) src(%dma_wait3A_500 : memref<128x64xf32, #tpu.memory_space<vmem_shared>>) dst(%dma_wait3A_498 : memref<128x64xf32, #tpu.memory_space<hbm>>)
      tpu.yield
    }) : () -> ()
    %add3A_467 = arith.constant 128 : i32
    %add3A_468 = arith.addi %mul3A_5, %add3A_467 : i32
    %add3A_469 = arith.constant 128 : i32
    %add3A_470 = arith.addi %mul3A_5, %add3A_469 : i32
    "tpu.region"() ({
      %run_scoped3A_490 = tpu.sem_alloc : memref<!tpu.dma_semaphore, #tpu.memory_space<semaphore_mem>>
      %dma_start3A_491 = arith.constant 0 : i32
      %dma_start3A_492 = tpu.memref_slice %arg5[%arg0, %add3A_470, %dma_start3A_491] : memref<2x10240x64xf32, #tpu.memory_space<hbm>> -> memref<1x128x64xf32, #tpu.memory_space<hbm>>
      %dma_start3A_493 = tpu.memref_squeeze %dma_start3A_492 : memref<1x128x64xf32, #tpu.memory_space<hbm>> -> memref<128x64xf32, #tpu.memory_space<hbm>>
      %dma_start3A_494 = arith.constant 0 : i32
      %dma_start3A_495 = tpu.memref_slice %arg12[%add3A_468, %dma_start3A_494] : memref<10240x64xf32, #tpu.memory_space<vmem_shared>> -> memref<128x64xf32, #tpu.memory_space<vmem_shared>>
      tpu.enqueue_dma source(%dma_start3A_495 : memref<128x64xf32, #tpu.memory_space<vmem_shared>>) target(%dma_start3A_493 : memref<128x64xf32, #tpu.memory_space<hbm>>) target_semaphore(%run_scoped3A_490 : memref<!tpu.dma_semaphore, #tpu.memory_space<semaphore_mem>>)
      %dma_wait3A_496 = arith.constant 0 : i32
      %dma_wait3A_497 = tpu.memref_slice %arg5[%arg0, %add3A_470, %dma_wait3A_496] : memref<2x10240x64xf32, #tpu.memory_space<hbm>> -> memref<1x128x64xf32, #tpu.memory_space<hbm>>
      %dma_wait3A_498 = tpu.memref_squeeze %dma_wait3A_497 : memref<1x128x64xf32, #tpu.memory_space<hbm>> -> memref<128x64xf32, #tpu.memory_space<hbm>>
      %dma_wait3A_499 = arith.constant 0 : i32
      %dma_wait3A_500 = tpu.memref_slice %arg12[%add3A_468, %dma_wait3A_499] : memref<10240x64xf32, #tpu.memory_space<vmem_shared>> -> memref<128x64xf32, #tpu.memory_space<vmem_shared>>
      tpu.wait_dma2 semaphore(%run_scoped3A_490 : memref<!tpu.dma_semaphore, #tpu.memory_space<semaphore_mem>>) src(%dma_wait3A_500 : memref<128x64xf32, #tpu.memory_space<vmem_shared>>) dst(%dma_wait3A_498 : memref<128x64xf32, #tpu.memory_space<hbm>>)
      tpu.yield
    }) : () -> ()
    %add3A_471 = arith.constant 256 : i32
    %add3A_472 = arith.addi %mul3A_5, %add3A_471 : i32
    %add3A_473 = arith.constant 256 : i32
    %add3A_474 = arith.addi %mul3A_5, %add3A_473 : i32
    "tpu.region"() ({
      %run_scoped3A_490 = tpu.sem_alloc : memref<!tpu.dma_semaphore, #tpu.memory_space<semaphore_mem>>
      %dma_start3A_491 = arith.constant 0 : i32
      %dma_start3A_492 = tpu.memref_slice %arg5[%arg0, %add3A_474, %dma_start3A_491] : memref<2x10240x64xf32, #tpu.memory_space<hbm>> -> memref<1x128x64xf32, #tpu.memory_space<hbm>>
      %dma_start3A_493 = tpu.memref_squeeze %dma_start3A_492 : memref<1x128x64xf32, #tpu.memory_space<hbm>> -> memref<128x64xf32, #tpu.memory_space<hbm>>
      %dma_start3A_494 = arith.constant 0 : i32
      %dma_start3A_495 = tpu.memref_slice %arg12[%add3A_472, %dma_start3A_494] : memref<10240x64xf32, #tpu.memory_space<vmem_shared>> -> memref<128x64xf32, #tpu.memory_space<vmem_shared>>
      tpu.enqueue_dma source(%dma_start3A_495 : memref<128x64xf32, #tpu.memory_space<vmem_shared>>) target(%dma_start3A_493 : memref<128x64xf32, #tpu.memory_space<hbm>>) target_semaphore(%run_scoped3A_490 : memref<!tpu.dma_semaphore, #tpu.memory_space<semaphore_mem>>)
      %dma_wait3A_496 = arith.constant 0 : i32
      %dma_wait3A_497 = tpu.memref_slice %arg5[%arg0, %add3A_474, %dma_wait3A_496] : memref<2x10240x64xf32, #tpu.memory_space<hbm>> -> memref<1x128x64xf32, #tpu.memory_space<hbm>>
      %dma_wait3A_498 = tpu.memref_squeeze %dma_wait3A_497 : memref<1x128x64xf32, #tpu.memory_space<hbm>> -> memref<128x64xf32, #tpu.memory_space<hbm>>
      %dma_wait3A_499 = arith.constant 0 : i32
      %dma_wait3A_500 = tpu.memref_slice %arg12[%add3A_472, %dma_wait3A_499] : memref<10240x64xf32, #tpu.memory_space<vmem_shared>> -> memref<128x64xf32, #tpu.memory_space<vmem_shared>>
      tpu.wait_dma2 semaphore(%run_scoped3A_490 : memref<!tpu.dma_semaphore, #tpu.memory_space<semaphore_mem>>) src(%dma_wait3A_500 : memref<128x64xf32, #tpu.memory_space<vmem_shared>>) dst(%dma_wait3A_498 : memref<128x64xf32, #tpu.memory_space<hbm>>)
      tpu.yield
    }) : () -> ()
    %add3A_475 = arith.constant 384 : i32
    %add3A_476 = arith.addi %mul3A_5, %add3A_475 : i32
    %add3A_477 = arith.constant 384 : i32
    %add3A_478 = arith.addi %mul3A_5, %add3A_477 : i32
    "tpu.region"() ({
      %run_scoped3A_490 = tpu.sem_alloc : memref<!tpu.dma_semaphore, #tpu.memory_space<semaphore_mem>>
      %dma_start3A_491 = arith.constant 0 : i32
      %dma_start3A_492 = tpu.memref_slice %arg5[%arg0, %add3A_478, %dma_start3A_491] : memref<2x10240x64xf32, #tpu.memory_space<hbm>> -> memref<1x128x64xf32, #tpu.memory_space<hbm>>
      %dma_start3A_493 = tpu.memref_squeeze %dma_start3A_492 : memref<1x128x64xf32, #tpu.memory_space<hbm>> -> memref<128x64xf32, #tpu.memory_space<hbm>>
      %dma_start3A_494 = arith.constant 0 : i32
      %dma_start3A_495 = tpu.memref_slice %arg12[%add3A_476, %dma_start3A_494] : memref<10240x64xf32, #tpu.memory_space<vmem_shared>> -> memref<128x64xf32, #tpu.memory_space<vmem_shared>>
      tpu.enqueue_dma source(%dma_start3A_495 : memref<128x64xf32, #tpu.memory_space<vmem_shared>>) target(%dma_start3A_493 : memref<128x64xf32, #tpu.memory_space<hbm>>) target_semaphore(%run_scoped3A_490 : memref<!tpu.dma_semaphore, #tpu.memory_space<semaphore_mem>>)
      %dma_wait3A_496 = arith.constant 0 : i32
      %dma_wait3A_497 = tpu.memref_slice %arg5[%arg0, %add3A_478, %dma_wait3A_496] : memref<2x10240x64xf32, #tpu.memory_space<hbm>> -> memref<1x128x64xf32, #tpu.memory_space<hbm>>
      %dma_wait3A_498 = tpu.memref_squeeze %dma_wait3A_497 : memref<1x128x64xf32, #tpu.memory_space<hbm>> -> memref<128x64xf32, #tpu.memory_space<hbm>>
      %dma_wait3A_499 = arith.constant 0 : i32
      %dma_wait3A_500 = tpu.memref_slice %arg12[%add3A_476, %dma_wait3A_499] : memref<10240x64xf32, #tpu.memory_space<vmem_shared>> -> memref<128x64xf32, #tpu.memory_space<vmem_shared>>
      tpu.wait_dma2 semaphore(%run_scoped3A_490 : memref<!tpu.dma_semaphore, #tpu.memory_space<semaphore_mem>>) src(%dma_wait3A_500 : memref<128x64xf32, #tpu.memory_space<vmem_shared>>) dst(%dma_wait3A_498 : memref<128x64xf32, #tpu.memory_space<hbm>>)
      tpu.yield
    }) : () -> ()
    %add3A_479 = arith.constant 512 : i32
    %add3A_480 = arith.addi %mul3A_5, %add3A_479 : i32
    %add3A_481 = arith.constant 512 : i32
    %add3A_482 = arith.addi %mul3A_5, %add3A_481 : i32
    "tpu.region"() ({
      %run_scoped3A_490 = tpu.sem_alloc : memref<!tpu.dma_semaphore, #tpu.memory_space<semaphore_mem>>
      %dma_start3A_491 = arith.constant 0 : i32
      %dma_start3A_492 = tpu.memref_slice %arg5[%arg0, %add3A_482, %dma_start3A_491] : memref<2x10240x64xf32, #tpu.memory_space<hbm>> -> memref<1x128x64xf32, #tpu.memory_space<hbm>>
      %dma_start3A_493 = tpu.memref_squeeze %dma_start3A_492 : memref<1x128x64xf32, #tpu.memory_space<hbm>> -> memref<128x64xf32, #tpu.memory_space<hbm>>
      %dma_start3A_494 = arith.constant 0 : i32
      %dma_start3A_495 = tpu.memref_slice %arg12[%add3A_480, %dma_start3A_494] : memref<10240x64xf32, #tpu.memory_space<vmem_shared>> -> memref<128x64xf32, #tpu.memory_space<vmem_shared>>
      tpu.enqueue_dma source(%dma_start3A_495 : memref<128x64xf32, #tpu.memory_space<vmem_shared>>) target(%dma_start3A_493 : memref<128x64xf32, #tpu.memory_space<hbm>>) target_semaphore(%run_scoped3A_490 : memref<!tpu.dma_semaphore, #tpu.memory_space<semaphore_mem>>)
      %dma_wait3A_496 = arith.constant 0 : i32
      %dma_wait3A_497 = tpu.memref_slice %arg5[%arg0, %add3A_482, %dma_wait3A_496] : memref<2x10240x64xf32, #tpu.memory_space<hbm>> -> memref<1x128x64xf32, #tpu.memory_space<hbm>>
      %dma_wait3A_498 = tpu.memref_squeeze %dma_wait3A_497 : memref<1x128x64xf32, #tpu.memory_space<hbm>> -> memref<128x64xf32, #tpu.memory_space<hbm>>
      %dma_wait3A_499 = arith.constant 0 : i32
      %dma_wait3A_500 = tpu.memref_slice %arg12[%add3A_480, %dma_wait3A_499] : memref<10240x64xf32, #tpu.memory_space<vmem_shared>> -> memref<128x64xf32, #tpu.memory_space<vmem_shared>>
      tpu.wait_dma2 semaphore(%run_scoped3A_490 : memref<!tpu.dma_semaphore, #tpu.memory_space<semaphore_mem>>) src(%dma_wait3A_500 : memref<128x64xf32, #tpu.memory_space<vmem_shared>>) dst(%dma_wait3A_498 : memref<128x64xf32, #tpu.memory_space<hbm>>)
      tpu.yield
    }) : () -> ()
    %mul3A_483 = arith.constant 640 : i32
    %mul3A_484 = arith.muli %arg1, %mul3A_483 : i32
    %mul3A_485 = arith.constant 10240 : i32
    %mul3A_486 = arith.muli %arg0, %mul3A_485 : i32
    %mul3A_487 = arith.constant 640 : i32
    %mul3A_488 = arith.muli %arg1, %mul3A_487 : i32
    %add3A_489 = arith.addi %mul3A_486, %mul3A_488 : i32
    "tpu.region"() ({
      %run_scoped3A_490 = tpu.sem_alloc : memref<!tpu.dma_semaphore, #tpu.memory_space<semaphore_mem>>
      %dma_start3A_491 = tpu.memref_slice %arg6[%add3A_489] : memref<20480xf32, #tpu.memory_space<hbm>> -> memref<640xf32, #tpu.memory_space<hbm>>
      %dma_start3A_492 = tpu.memref_slice %arg14[%mul3A_484] : memref<10240xf32, #tpu.memory_space<vmem_shared>> -> memref<640xf32, #tpu.memory_space<vmem_shared>>
      tpu.enqueue_dma source(%dma_start3A_492 : memref<640xf32, #tpu.memory_space<vmem_shared>>) target(%dma_start3A_491 : memref<640xf32, #tpu.memory_space<hbm>>) target_semaphore(%run_scoped3A_490 : memref<!tpu.dma_semaphore, #tpu.memory_space<semaphore_mem>>)
      %dma_wait3A_493 = tpu.memref_slice %arg6[%add3A_489] : memref<20480xf32, #tpu.memory_space<hbm>> -> memref<640xf32, #tpu.memory_space<hbm>>
      %dma_wait3A_494 = tpu.memref_slice %arg14[%mul3A_484] : memref<10240xf32, #tpu.memory_space<vmem_shared>> -> memref<640xf32, #tpu.memory_space<vmem_shared>>
      tpu.wait_dma2 semaphore(%run_scoped3A_490 : memref<!tpu.dma_semaphore, #tpu.memory_space<semaphore_mem>>) src(%dma_wait3A_494 : memref<640xf32, #tpu.memory_space<vmem_shared>>) dst(%dma_wait3A_493 : memref<640xf32, #tpu.memory_space<hbm>>)
      tpu.yield
    }) : () -> ()
    return
  }
}

module attributes {stable_mosaic.version = 14 : i64} {
  func.func @_tc_body(%arg0: i32, %arg1: memref<2048x128xf32, #tpu.memory_space<vmem>>, %arg2: memref<2x2048x64xf32, #tpu.memory_space<vmem>>, %arg3: memref<2048x3xf32, #tpu.memory_space<vmem>>, %arg4: memref<256x256xf32, #tpu.memory_space<vmem>>, %arg5: memref<1x128xf32, #tpu.memory_space<vmem>>, %arg6: memref<1x128xf32, #tpu.memory_space<vmem>>, %arg7: memref<2xf32, #tpu.memory_space<smem>>, %arg8: memref<2048x128xf32, #tpu.memory_space<vmem>>) attributes {dimension_semantics = [#tpu.dimension_semantics<arbitrary>], iteration_bounds = array<i64: 5>, scalar_prefetch = 0 : i64, scratch_operands = 0 : i64, tpu.core_type = #tpu.core_type<tc>, window_params = [{transform_indices = @transform_0, window_bounds = array<i64: 2048, 128>}, {transform_indices = @transform_1, window_bounds = array<i64: 2, 2048, 64>}, {transform_indices = @transform_2, window_bounds = array<i64: 2048, 3>}, {pipeline_mode = #tpu.pipeline_mode<synchronous>, transform_indices = @transform_3, window_bounds = array<i64: 256, 256>}, {pipeline_mode = #tpu.pipeline_mode<synchronous>, transform_indices = @transform_4, window_bounds = array<i64: 1, 128>}, {pipeline_mode = #tpu.pipeline_mode<synchronous>, transform_indices = @transform_5, window_bounds = array<i64: 1, 128>}, {transform_indices = @transform_6, window_bounds = array<i64: 2>}, {transform_indices = @transform_7, window_bounds = array<i64: 2048, 128>}]} {
    %get3A = arith.constant 0 : index
    %get3A_0 = arith.constant 0 : index
    %get3A_1 = vector.load %arg3[%get3A, %get3A_0] : memref<2048x3xf32, #tpu.memory_space<vmem>>, vector<2048x3xf32>
    %get3A_2 = arith.constant 0 : index
    %get3A_3 = arith.constant 0 : index
    %get3A_4 = arith.constant 0 : index
    %get3A_5 = vector.load %arg2[%get3A_2, %get3A_3, %get3A_4] : memref<2x2048x64xf32, #tpu.memory_space<vmem>>, vector<1x2048x64xf32>
    %get3A_6 = vector.shape_cast %get3A_5 : vector<1x2048x64xf32> to vector<2048x64xf32>
    %get3A_7 = arith.constant 1 : index
    %get3A_8 = arith.constant 0 : index
    %get3A_9 = arith.constant 0 : index
    %get3A_10 = vector.load %arg2[%get3A_7, %get3A_8, %get3A_9] : memref<2x2048x64xf32, #tpu.memory_space<vmem>>, vector<1x2048x64xf32>
    %get3A_11 = vector.shape_cast %get3A_10 : vector<1x2048x64xf32> to vector<2048x64xf32>
    %concatenate3A = tpu.concatenate %get3A_6, %get3A_11 in 1 : vector<2048x64xf32>, vector<2048x64xf32> -> vector<2048x128xf32>
    %slice3A = vector.extract_strided_slice %get3A_1 {offsets = [0, 1], sizes = [2048, 1], strides = [1, 1]} : vector<2048x3xf32> to vector<2048x1xf32>
    %slice3A_12 = vector.extract_strided_slice %get3A_1 {offsets = [0, 2], sizes = [2048, 1], strides = [1, 1]} : vector<2048x3xf32> to vector<2048x1xf32>
    %add3A = arith.addf %slice3A, %slice3A_12 : vector<2048x1xf32>
    %jit3A = arith.constant 1.000000e+00 : f32
    %max3A = vector.broadcast %jit3A : f32 to vector<2048x1xf32>
    %max3A_13 = arith.maximumf %max3A, %add3A : vector<2048x1xf32>
    %div3A = arith.constant 1.000000e+00 : f32
    %div3A_14 = vector.broadcast %div3A : f32 to vector<2048x1xf32>
    %div3A_15 = arith.divf %div3A_14, %max3A_13 : vector<2048x1xf32>
    %mul3A = vector.broadcast %div3A_15 : vector<2048x1xf32> to vector<2048x128xf32>
    %mul3A_16 = arith.mulf %concatenate3A, %mul3A : vector<2048x128xf32>
    %get3A_17 = arith.constant 0 : index
    %get3A_18 = arith.constant 0 : index
    %get3A_19 = vector.load %arg1[%get3A_17, %get3A_18] : memref<2048x128xf32, #tpu.memory_space<vmem>>, vector<2048x128xf32>
    %concatenate3A_20 = tpu.concatenate %get3A_19, %mul3A_16 in 1 : vector<2048x128xf32>, vector<2048x128xf32> -> vector<2048x256xf32>
    %get3A_21 = arith.constant 0 : index
    %get3A_22 = arith.constant 0 : index
    %get3A_23 = vector.load %arg4[%get3A_21, %get3A_22] : memref<256x256xf32, #tpu.memory_space<vmem>>, vector<256x256xf32>
    %dot_general3A = arith.constant dense<0.000000e+00> : vector<2048x256xf32>
    %dot_general3A_24 = tpu.matmul %concatenate3A_20, %get3A_23, %dot_general3A {dimension_numbers = #tpu.dot_dimension_numbers<[1], [0], [0], [1], [0, 0, 1, 1], [], []>, transpose_lhs_hint = false} : vector<2048x256xf32>, vector<256x256xf32>, vector<2048x256xf32> -> vector<2048x256xf32>
    %get3A_25 = arith.constant 0 : index
    %get3A_26 = memref.load %arg7[%get3A_25] : memref<2xf32, #tpu.memory_space<smem>>
    %slice3A_27 = vector.extract_strided_slice %get3A_1 {offsets = [0, 0], sizes = [2048, 1], strides = [1, 1]} : vector<2048x3xf32> to vector<2048x1xf32>
    %mul3A_28 = vector.broadcast %get3A_26 : f32 to vector<2048x1xf32>
    %mul3A_29 = arith.mulf %mul3A_28, %slice3A_27 : vector<2048x1xf32>
    %get3A_30 = arith.constant 1 : index
    %get3A_31 = memref.load %arg7[%get3A_30] : memref<2xf32, #tpu.memory_space<smem>>
    %add3A_32 = vector.broadcast %get3A_31 : f32 to vector<2048x1xf32>
    %add3A_33 = arith.addf %mul3A_29, %add3A_32 : vector<2048x1xf32>
    %logistic3A = arith.negf %add3A_33 : vector<2048x1xf32>
    %logistic3A_34 = math.exp %logistic3A : vector<2048x1xf32>
    %logistic3A_35 = arith.constant 1.000000e+00 : f32
    %logistic3A_36 = vector.broadcast %logistic3A_35 : f32 to vector<2048x1xf32>
    %logistic3A_37 = arith.addf %logistic3A_36, %logistic3A_34 : vector<2048x1xf32>
    %logistic3A_38 = arith.divf %logistic3A_36, %logistic3A_37 : vector<2048x1xf32>
    %slice3A_39 = vector.extract_strided_slice %dot_general3A_24 {offsets = [0, 0], sizes = [2048, 128], strides = [1, 1]} : vector<2048x256xf32> to vector<2048x128xf32>
    %mul3A_40 = arith.constant 5.000000e-01 : f32
    %mul3A_41 = vector.broadcast %mul3A_40 : f32 to vector<2048x128xf32>
    %mul3A_42 = arith.mulf %mul3A_41, %slice3A_39 : vector<2048x128xf32>
    %get3A_43 = arith.constant 0 : index
    %get3A_44 = arith.constant 0 : index
    %get3A_45 = vector.load %arg5[%get3A_43, %get3A_44] : memref<1x128xf32, #tpu.memory_space<vmem>>, vector<1x128xf32>
    %add3A_46 = vector.broadcast %get3A_45 : vector<1x128xf32> to vector<2048x128xf32>
    %add3A_47 = arith.addf %mul3A_42, %add3A_46 : vector<2048x128xf32>
    %slice3A_48 = vector.extract_strided_slice %dot_general3A_24 {offsets = [0, 128], sizes = [2048, 128], strides = [1, 1]} : vector<2048x256xf32> to vector<2048x128xf32>
    %get3A_49 = arith.constant 0 : index
    %get3A_50 = arith.constant 0 : index
    %get3A_51 = vector.load %arg6[%get3A_49, %get3A_50] : memref<1x128xf32, #tpu.memory_space<vmem>>, vector<1x128xf32>
    %add3A_52 = vector.broadcast %get3A_51 : vector<1x128xf32> to vector<2048x128xf32>
    %add3A_53 = arith.addf %slice3A_48, %add3A_52 : vector<2048x128xf32>
    %sub3A = arith.subf %add3A_53, %add3A_47 : vector<2048x128xf32>
    %mul3A_54 = vector.broadcast %logistic3A_38 : vector<2048x1xf32> to vector<2048x128xf32>
    %mul3A_55 = arith.mulf %mul3A_54, %sub3A : vector<2048x128xf32>
    %add3A_56 = arith.addf %add3A_47, %mul3A_55 : vector<2048x128xf32>
    %swap3A = arith.constant 0 : index
    %swap3A_57 = arith.constant 0 : index
    %swap3A_58 = vector.load %arg8[%swap3A, %swap3A_57] : memref<2048x128xf32, #tpu.memory_space<vmem>>, vector<2048x128xf32>
    tpu.vector_store %arg8[%swap3A, %swap3A_57], %add3A_56 {strides = array<i32>} : memref<2048x128xf32, #tpu.memory_space<vmem>>, vector<2048x128xf32>,
    return
  }
  func.func @transform_0(%arg0: i32) -> (i32, i32) {
    %c0_i32 = arith.constant 0 : i32
    %c0_i32_0 = arith.constant 0 : i32
    return %arg0, %c0_i32 : i32, i32
  }
  func.func @transform_1(%arg0: i32) -> (i32, i32, i32) {
    %c0_i32 = arith.constant 0 : i32
    %c0_i32_0 = arith.constant 0 : i32
    %c0_i32_1 = arith.constant 0 : i32
    return %c0_i32, %arg0, %c0_i32_0 : i32, i32, i32
  }
  func.func @transform_2(%arg0: i32) -> (i32, i32) {
    %c0_i32 = arith.constant 0 : i32
    %c0_i32_0 = arith.constant 0 : i32
    return %arg0, %c0_i32 : i32, i32
  }
  func.func @transform_3(%arg0: i32) -> (i32, i32) {
    %c0_i32 = arith.constant 0 : i32
    %c0_i32_0 = arith.constant 0 : i32
    %c0_i32_1 = arith.constant 0 : i32
    return %c0_i32, %c0_i32_0 : i32, i32
  }
  func.func @transform_4(%arg0: i32) -> (i32, i32) {
    %c0_i32 = arith.constant 0 : i32
    %c0_i32_0 = arith.constant 0 : i32
    %c0_i32_1 = arith.constant 0 : i32
    return %c0_i32, %c0_i32_0 : i32, i32
  }
  func.func @transform_5(%arg0: i32) -> (i32, i32) {
    %c0_i32 = arith.constant 0 : i32
    %c0_i32_0 = arith.constant 0 : i32
    %c0_i32_1 = arith.constant 0 : i32
    return %c0_i32, %c0_i32_0 : i32, i32
  }
  func.func @transform_6(%arg0: i32) -> i32 {
    %c0_i32 = arith.constant 0 : i32
    %c0_i32_0 = arith.constant 0 : i32
    return %c0_i32 : i32
  }
  func.func @transform_7(%arg0: i32) -> (i32, i32) {
    %c0_i32 = arith.constant 0 : i32
    %c0_i32_0 = arith.constant 0 : i32
    return %arg0, %c0_i32 : i32, i32
  }
}

</mosaic_0001>

<sc_bundles>
// kernel: kernel.4.cloned.1.call-start
scs
__scs_entry_jumppad:
0x0: {  	(pc) =	sbr.rel $0x88, $3  }
0x1: {  	(tag) =	ssettag $0x0;
	lr =	simm.s32 $0x1  }
0x2: {  	[smem:$0x3F96] =	sst lr;
	_ =	strace $0xD0000000  }
0x3: {  	_ = 	snop  }
0x4: {  	_ = 	snop  }
0x5: {  	_ = 	snop  }
0x6: {  	_ = 	snop  }
0x7: {  	_ = 	snop  }
__scs_overlays_trampoline_lowered:
0x8: {  	[smem:$0x3FA5] =	sst s0  }
0x9: {  	[smem:$0x3FA6] =	sst s1  }
0xa: {  	[smem:$0x3FA7] =	sst s2  }
0xb: {  	[smem:$0x3FA8] =	sst s3  }
0xc: {  	[smem:$0x3FA9] =	sst s4  }
0xd: {  	[smem:$0x3FAA] =	sst s5  }
0xe: {  	[smem:$0x3FAB] =	sst s6  }
0xf: {  	[smem:$0x3FAC] =	sst s7  }
0x10: {  	[smem:$0x3FAD] =	sst s8  }
0x11: {  	[smem:$0x3FAE] =	sst s9;
	s0 =	simm.s32 @!p0 $0x0  }
0x12: {  	s1 =	sld [smem:$0x3F94];
	s0 =	simm.s32 @p0 $0x1  }
0x13: {  	[smem:$0x3FAF] =	sst s0;
	s0 =	simm.s32 @!p1 $0x0  }
0x14: {  	s2 =	sld [smem:$0x3F93];
	s0 =	simm.s32 @p1 $0x1  }
0x15: {  	[smem:$0x3FB0] =	sst s0;
	s0 =	simm.s32 @!p2 $0x0  }
0x16: {  	s3 =	sld [smem:$0x3FDB];
	s0 =	simm.s32 @p2 $0x1  }
0x17: {  	s4 =	simm.s32 $0x1BF5;
	[smem:$0x3FB2] =	sst s0  }
0x18: {  	s0 =	sld [smem:$0x3F95];
	_ =	swait.ge [sflag:s4], $0x0  }
0x19: {  	s7 =	sld [smem:$0x3F96]  }
0x1a: {  	s8 =	sadd.s32 $0xFFFFE003, lr  }
0x1b: {  	s9 =	sadd.s32 $0xFFFFFEF7, lr;
	s5 =	simm.s32 $0xFFFFFFFF;
	p2 =	slt.u32 s8, $0xFFFFF086  }
0x1c: {  	p1 =	slt.u32 s9, $0xF7A;
	s5 =	simm.s32 @!p2 $0x0  }
0x1d: {  	s5 =	simm.s32 @p1 $0x1;
	p0 =	seq.s32 s7, s2  }
0x1e: {  	s7 =	smul.u32 @!p0 $0xF7A, s2;
	p2 =	seq.s32 @!p0 s5, $0x0  }
0x1f: {  	s9 =	smul.u32 $0xF7A, s1;
	s8 =	simm.s32 @!p0 $0x1BF5;
	p2 =	por !p2, p0  }
0x20: {  	[sflag:s8] =	ssyncset.s32 @!p0 $0xFFFFF086;
	s6 =	sadd.s32 @!p0 s3, s7;
	s7 =	simm.s32 @!p0 $0x108  }
0x21: {  	s3 =	sadd.s32 s3, s9;
	s6 =	sadd.s32 @!p0 $0x88, s6;
	s7 =	simm.s32 @p2 $0x1082  }
0x22: {  	[simem:s7], [sflag:s8] =	dma.local @!p0 [hbm:s6], $0xF7A  }
0x23: {  	s9 =	sor.u32 $0xD0000000, s2;
	s6 =	simm.s32 $0x108;
	_ =	swait.ge @!p0 [sflag:s8], $0x0  }
0x24: {  	s3 =	sadd.s32 $0x88, s3;
	s6 =	simm.s32 @!p1 $0x1082;
	[sflag:s4] =	ssyncset.s32 $0xFFFFF086  }
0x25: {  	[simem:s6], [sflag:s4] =	dma.local [hbm:s3], $0xF7A  }
0x26: {  	[smem:$0x3F96] =	sst s1;
	(tag) =	ssettag s2;
	_ =	strace s9  }
0x27: {  	s1 =	sld [smem:$0x3FA6]  }
0x28: {  	s2 =	sld [smem:$0x3FA7]  }
0x29: {  	s4 =	sld [smem:$0x3FA9]  }
0x2a: {  	p0 =	seq.s32 s5, $0x0;
	s5 =	sld [smem:$0x3FAA]  }
0x2b: {  	s6 =	sld [smem:$0x3FAB]  }
0x2c: {  	s7 =	sld [smem:$0x3FAC]  }
0x2d: {  	s3 =	simm.s32 $0x108;
	s8 =	sld [smem:$0x3FAD]  }
0x2e: {  	s3 =	simm.s32 @!p0 $0x1082;
	s9 =	sld [smem:$0x3FAE]  }
0x2f: {  	lr =	sadd.s32 s0, s3;
	s0 =	sld [smem:$0x3FA5]  }
0x30: {  	s3 =	sld [smem:$0x3FA8]  }
0x31: {  	[smem:$0x3FB1] =	sst s10  }
0x32: {  	s10 =	sld [smem:$0x3FAF];
	_ =	sdelay $0x3  }
0x33: {  	p0 =	seq.s32 s10, $0x1;
	s10 =	sld [smem:$0x3FB1];
	_ =	sdelay $0x3  }
0x34: {  	[smem:$0x3FB1] =	sst s10  }
0x35: {  	s10 =	sld [smem:$0x3FB0];
	_ =	sdelay $0x3  }
0x36: {  	p1 =	seq.s32 s10, $0x1;
	s10 =	sld [smem:$0x3FB1];
	_ =	sdelay $0x3  }
0x37: {  	[smem:$0x3FB1] =	sst s10  }
0x38: {  	s10 =	sld [smem:$0x3FB2]  }
0x39: {  	_ = 	snop;
	(pc) =	sbr.ind lr, $3  }
0x3a: {  	_ = 	snop  }
0x3b: {  	_ = 	snop  }
0x3c: {  	p2 =	seq.s32 s10, $0x1;
	s10 =	sld [smem:$0x3FB1]  }
0x3d: {  	_ =	shalt  }
0x3e: {  	_ =	shalt  }
0x3f: {  	_ =	shalt  }
0x40: {  	_ =	shalt  }
0x41: {  	_ =	shalt  }
0x42: {  	_ =	shalt  }
0x43: {  	_ =	shalt  }
0x44: {  	_ =	shalt  }
0x45: {  	_ =	shalt  }
0x46: {  	_ =	shalt  }
0x47: {  	_ =	shalt  }
0x48: {  	_ =	shalt  }
0x49: {  	_ =	shalt  }
0x4a: {  	_ =	shalt  }
0x4b: {  	_ =	shalt  }
0x4c: {  	_ =	shalt  }
0x4d: {  	_ =	shalt  }
0x4e: {  	_ =	shalt  }
0x4f: {  	_ =	shalt  }
0x50: {  	_ =	shalt  }
0x51: {  	_ =	shalt  }
0x52: {  	_ =	shalt  }
0x53: {  	_ =	shalt  }
0x54: {  	_ =	shalt  }
0x55: {  	_ =	shalt  }
0x56: {  	_ =	shalt  }
0x57: {  	_ =	shalt  }
0x58: {  	_ =	shalt  }
0x59: {  	_ =	shalt  }
0x5a: {  	_ =	shalt  }
0x5b: {  	_ =	shalt  }
0x5c: {  	_ =	shalt  }
0x5d: {  	_ =	shalt  }
0x5e: {  	_ =	shalt  }
0x5f: {  	_ =	shalt  }
0x60: {  	_ =	shalt  }
0x61: {  	_ =	shalt  }
0x62: {  	_ =	shalt  }
0x63: {  	_ =	shalt  }
0x64: {  	_ =	shalt  }
0x65: {  	_ =	shalt  }
0x66: {  	_ =	shalt  }
0x67: {  	_ =	shalt  }
0x68: {  	_ =	shalt  }
0x69: {  	_ =	shalt  }
0x6a: {  	_ =	shalt  }
0x6b: {  	_ =	shalt  }
0x6c: {  	_ =	shalt  }
0x6d: {  	_ =	shalt  }
0x6e: {  	_ =	shalt  }
0x6f: {  	_ =	shalt  }
0x70: {  	_ =	shalt  }
0x71: {  	_ =	shalt  }
0x72: {  	_ =	shalt  }
0x73: {  	_ =	shalt  }
0x74: {  	_ =	shalt  }
0x75: {  	_ =	shalt  }
0x76: {  	_ =	shalt  }
0x77: {  	_ =	shalt  }
0x78: {  	_ =	shalt  }
0x79: {  	_ =	shalt  }
0x7a: {  	_ =	shalt  }
0x7b: {  	_ =	shalt  }
0x7c: {  	_ =	shalt  }
0x7d: {  	_ =	shalt  }
0x7e: {  	_ =	shalt  }
0x7f: {  	_ =	shalt  }
0x80: {  	_ =	shalt  }
0x81: {  	_ =	shalt  }
0x82: {  	_ =	shalt  }
0x83: {  	_ =	shalt  }
0x84: {  	_ =	shalt  }
0x85: {  	_ =	shalt  }
0x86: {  	_ =	shalt  }
0x87: {  	_ =	shalt  }
.Lfunc_end0:
.L_simem_size_0:
called_computation_lowered:
.L_overlay_start_0:
0x88: {  	s2 =	sld [smem:$0x3FD9]  }
0x89: {  	s3 =	sld [smem:$0x3FFE];
	_ =	sdelay $0x1  }
0x8a: {  	s1 =	srdreg.scid  }
0x8b: {  	s0 =	sand.u32 $0x1, s1  }
0x8c: {  	s17 =	sshll.u32 s0, $0xA;
	s2 =	sadd.s32 s3, s2  }
0x8d: {  	s2 =	sadd.s32 s2, s17  }
0x8e: {  	[smem:$0x3FBD] =	sst s2  }
0x8f: {  	_ = 	snop  }
0x90: {  	s2 =	sld [smem:$0x3FC9]  }
0x91: {  	s18 =	sld [smem:$0x3FD0];
	(tm) =	ssettm $0x1  }
0x92: {  	s4 =	sld [smem:$0x3FFB];
	_ =	sdelay $0x3  }
0x93: {  	_ =	strace s4  }
0x94: {  	s4 =	sld [smem:$0x3FFC];
	_ =	sdelay $0x3  }
0x95: {  	_ =	strace s4  }
0x96: {  	s4 =	sld [smem:$0x3FFD];
	_ =	sdelay $0x3  }
0x97: {  	_ =	strace s4  }
0x98: {  	_ =	strace $0x8FFFFFFF  }
0x99: {  	s19 =	sld [smem:$0x3FDB];
	_ =	sdelay $0x1  }
0x9a: {  	s5 =	simm.s32 $_scs_section_size  }
0x9b: {  	s6 =	simm.s32 $_size__tile_overlayer_lowered;
	s7 =	simm.s32 $_tile_overlayer_lowered  }
0x9c: {  	s22 =	simm.s32 $0x1BFF;
	s21 =	sshll.u32 s7, $0x1;
	s4 =	sadd.s32 s5, s19  }
0x9d: {  	s8 =	simm.s32 $0x0;
	s20 =	sshll.u32 s6, $0x1;
	s6 =	sadd.s32 s21, s4  }
0x9e: {  	[timem:s8], [sflag:s22] =	dma.local [hbm:s6], s20  }
0x9f: {  	_ =	swait.ge [sflag:s22], s20  }
0xa0: {  	s5 =	ssub.s32 $0x0, s20;
	[sflag:s22] =	ssyncset.done $0x0  }
0xa1: {  	[sflag:s22] =	ssyncadd.s32 s5;
	_ =	sdelay $0x1  }
0xa2: {  	s23 =	simm.s32 $0x1B8B  }
0xa3: {  	_ =	swait.ge [sflag:s23], $0x1  }
0xa4: {  	[sflag:s23] =	ssyncset.done $0x0  }
0xa5: {  	s25 =	simm.s32 $0x1B8E;
	s24 =	sld [smem:$0x3FFE];
	[sflag:s23] =	ssyncadd.s32 $0xFFFFFFFF  }
0xa6: {  	s26 =	simm.s32 $execute0_lowered;
	[smem:$0x3FD2] =	sst s25  }
0xa7: {  	s6 =	sshll.u32 s26, $0x1;
	_ =	strace $0x80000046;
	[dreg:$0x1] =	wrdreg $0xFFFFFFFF  }
0xa8: {  	s28 =	simm.s32 $_size_execute0_lowered;
	s4 =	sadd.s32 s4, s6;
	[dreg:$0x0] =	wrdreg $0x0  }
0xa9: {  	s6 =	sshll.u32 s28, $0x1;
	[dreg:$0x2] =	wrdreg s4  }
0xaa: {  	[dreg:$0x3] =	wrdreg s6  }
0xab: {  	[dreg:$0x4] =	wrdreg $0xC0  }
0xac: {  	_ =	task [dreg:s8], $0x5FFFF  }
0xad: {  	[dreg:$0x1] =	wrdreg $0xFFFFFFFF  }
0xae: {  	[dreg:$0x0] =	wrdreg $0x60  }
0xaf: {  	[dreg:$0x2] =	wrdreg s2  }
0xb0: {  	[dreg:$0x3] =	wrdreg s18  }
0xb1: {  	[dreg:$0x4] =	wrdreg s24  }
0xb2: {  	[dreg:$0x5] =	wrdreg $0xA3000  }
0xb3: {  	[dreg:$0x6] =	wrdreg $0x1E3000  }
0xb4: {  	[dreg:$0x7] =	wrdreg $0x143000  }
0xb5: {  	[dreg:$0x8] =	wrdreg $0x9  }
0xb6: {  	_ =	task.clear_ibuf [dreg:s8], $0x9FFFF;
	_ =	strace $0x90000046  }
0xb7: {  	s29 =	simm.s32 $0x9;
	_ =	strace $0x80000048  }
0xb8: {  	_ =	swait.ge [sflag:s29], $0x1  }
0xb9: {  	[sflag:s29] =	ssyncadd.s32 $0xFFFFFFFF  }
0xba: {  	_ =	strace $0x90000048  }
0xbb: {  	_ =	sfence  }
0xbc: {  	s30 =	sld [smem:$0x0];
	_ =	sdelay $0x2  }
0xbd: {  	s31 =	sshll.u32 s1, $0xD;
	s1 =	sshrl.u32 s1, $0x2  }
0xbe: {  	s3 =	sand.u32 $0x4000, s31;
	s1 =	sadd.s32 s1, s30  }
0xbf: {  	s0 =	sor.u32 s3, s0;
	s1 =	sshll.u32 s1, $0x11  }
0xc0: {  	s0 =	sor.u32 s1, s0  }
0xc1: {  	s0 =	sadd.s32 $0x8F2B, s0  }
0xc2: {  	[sflag:s0] =	ssyncadd.remote.s32 $0x1  }
0xc3: {  	_ =	sfence.sel $0xFFFF  }
0xc4: {  	[dreg:$0x0] =	wrdreg $0xFFFFFFFF;
	(pc) =	sbr.abs _section_cstart, $3  }
0xc5: {  	[dreg:$0x1] =	wrdreg $0xFFFFFFFF  }
0xc6: {  	_ =	task.clear_ibuf [dreg:s8], $0x2FFFF;
	_ =	strace $0x9FFFFFFF  }
0xc7: {  	(tm) =	ssettm $0x7FFFFFFF  }
tec
execute0_lowered:
.L_overlay_start_1:
0x0: {  	(tag) =	ssettag $0x1  }
0x1: {  	s0 =	rddreg [dreg:$0x0]  }
0x2: {  	s2 =	rddreg [dreg:$0x1]  }
0x3: {  	s7 =	rddreg [dreg:$0x2]  }
0x4: {  	s1 =	rddreg [dreg:$0x3]  }
0x5: {  	s3 =	rddreg [dreg:$0x4];
	s5 =	stileid.u32  }
0x6: {  	s4 =	rddreg [dreg:$0x5];
	s8 =	smul.u32 $0x280, s5  }
0x7: {  	s6 =	srdreg.scid;
	s22 =	simm.s32 $0x0;
	s13 =	smul.u32 $0xA000, s5  }
0x8: {  	s6 =	sand.u32 $0x1, s6;
	[smem:$0x7FF] =	sst s22;
	s26 =	smul.u32 $0x14000, s5  }
0x9: {  	s10 =	sadd.s32 $0x2600, s7;
	s14 =	sadd.s32 $0x16A00, s7;
	s18 =	smul.u32 $0x4E00, s5  }
0xa: {  	s25 =	sshll.u32 s5, $0x4;
	s9 =	smul.u32 $0x2800, s6;
	_ =	strace $0x80000047  }
0xb: {  	s11 =	ssub.s32 $0x2, s6;
	s17 =	sshll.u32 s6, $0x6;
	s28 =	smul.u32 $0x13880, s6  }
0xc: {  	s20 =	sshll.u32 s6, $0x3;
	s21 =	smul.u32 $0xA0000, s6;
	s12 =	sshrl.u32 s11, $0x1  }
0xd: {  	s15 =	sadd.s32 $0x4000, s13;
	s16 =	sadd.s32 $0x6000, s13;
	s19 =	sadd.s32 $0x8000, s13  }
0xe: {  	s23 =	sshrl.u32 s18, $0x3;
	s9 =	sadd.s32 s8, s9;
	s11 =	ssub.s32 s11, s12  }
0xf: {  	s18 =	sadd.s32 s21, s16;
	s16 =	sadd.s32 s16, s1;
	s9 =	sshrl.u32 s9, $0x3  }
0x10: {  	s12 =	sadd.s32 $0x2000, s13;
	[dreg:$0x12] =	wrdreg s16;
	s7 =	sadd.s32 s9, s7  }
0x11: {  	s9 =	sor.u32 s17, s26;
	s26 =	sadd.s32 s21, s12;
	s12 =	sadd.s32 s12, s1  }
0x12: {  	s17 =	sadd.s32 s21, s15;
	s15 =	sadd.s32 s15, s1;
	[dreg:$0x10] =	wrdreg s12  }
0x13: {  	s24 =	sadd.s32 s13, s21;
	s9 =	sshrl.u32 s9, $0x3;
	[dreg:$0x11] =	wrdreg s15  }
0x14: {  	s9 =	sadd.s32 s0, s9;
	s0 =	sadd.s32 s20, s0;
	s20 =	sadd.s32 s10, s23  }
0x15: {  	s10 =	sadd.s32 s25, s10;
	[dreg:$0x8] =	wrdreg s9;
	s9 =	sadd.s32 s2, s28  }
0x16: {  	s28 =	sshrl.u32 s26, $0x3;
	s26 =	sadd.s32 s13, s4;
	[dreg:$0x9] =	wrdreg s20  }
0x17: {  	s23 =	sadd.s32 s21, s19;
	s0 =	sadd.s32 $0x25800, s0;
	[dreg:$0x15] =	wrdreg s26  }
0x18: {  	s2 =	sshrl.u32 s24, $0x3;
	s21 =	sadd.s32 $0x400, s20;
	[dreg:$0x16] =	wrdreg s0  }
0x19: {  	s25 =	sshrl.u32 s23, $0x3;
	s23 =	sadd.s32 $0xA040, s20;
	[dreg:$0x1e] =	wrdreg s21  }
0x1a: {  	s2 =	sadd.s32 s14, s2;
	[dreg:$0x1f] =	wrdreg s23  }
0x1b: {  	p2 =	seq.s32 s5, $0xF;
	s26 =	sadd.s32 $0x800, s20;
	[dreg:$0xa] =	wrdreg s2  }
0x1c: {  	s0 =	simm.s32 @!p2 $0x0;
	s2 =	sadd.s32 s14, s28;
	[smem:$0x7FB] =	sst s26  }
0x1d: {  	s28 =	sadd.s32 $0x9C00, s10;
	s0 =	simm.s32 @p2 $0x1;
	[dreg:$0xb] =	wrdreg s2  }
0x1e: {  	s2 =	sshrl.u32 s17, $0x3;
	s17 =	sshrl.u32 s18, $0x3;
	[dreg:$0x17] =	wrdreg s28  }
0x1f: {  	s18 =	sadd.s32 s8, s3;
	s8 =	sadd.s32 $0x16000, s7;
	[smem:$0x7F6] =	sst s0  }
0x20: {  	s28 =	sadd.s32 $0xA440, s20;
	[dreg:$0x19] =	wrdreg s8  }
0x21: {  	[smem:$0x7FC] =	sst s28  }
0x22: {  	p1 =	sgt.u32 s5, $0x3;
	s2 =	sadd.s32 s14, s2;
	[dreg:$0x14] =	wrdreg s18  }
0x23: {  	s0 =	simm.s32 @!p1 $0x0;
	s24 =	sadd.s32 s14, s17;
	[dreg:$0xc] =	wrdreg s2  }
0x24: {  	s0 =	simm.s32 @p1 $0x1;
	[dreg:$0xd] =	wrdreg s24  }
0x25: {  	s17 =	sadd.s32 s19, s1;
	s19 =	sadd.s32 $0x9E40, s20;
	[smem:$0x7F7] =	sst s0  }
0x26: {  	s29 =	simm.s32 $0x1;
	s30 =	simm.s32 $0x3;
	[dreg:$0x1d] =	wrdreg s19  }
0x27: {  	s31 =	simm.s32 $0x2;
	s2 =	sadd.s32 s14, s25;
	[dreg:$0x13] =	wrdreg s17  }
0x28: {  	s14 =	sadd.s32 s13, s1;
	s13 =	sadd.s32 $0x200, s20;
	[dreg:$0xe] =	wrdreg s2  }
0x29: {  	p4 =	seq.s32 s6, $0x0;
	s24 =	sadd.s32 $0x600, s20;
	[dreg:$0x1c] =	wrdreg s13  }
0x2a: {  	s25 =	sadd.s32 $0xA240, s20;
	s2 =	sand.u32 $0x1, s5;
	[smem:$0x7F9] =	sst s24  }
0x2b: {  	s23 =	simm.s32 $0x80;
	[smem:$0x7FA] =	sst s25;
	p0 =	sne.s32 @!p1 s6, s2  }
0x2c: {  	[dreg:$0xf] =	wrdreg s14;
	s2 =	sadd.s32 $0x13840, s10;
	p0 =	por p0, p1  }
0x2d: {  	s10 =	smax.u32 s11, $0x1;
	[dreg:$0x18] =	wrdreg s2;
	s0 =	simm.s32 @!p0 $0x0  }
0x2e: {  	p2 =	sne.s32 s6, $0x0;
	[dreg:$0x1a] =	wrdreg s10;
	s0 =	simm.s32 @p0 $0x1  }
0x2f: {  	s11 =	sadd.s32 $0x9C40, s20;
	[smem:$0x7F8] =	sst s0;
	s0 =	simm.s32 @!p4 $0x0  }
0x30: {  	s26 =	simm.s32 $0x6000;
	[dreg:$0x1b] =	wrdreg s11;
	s0 =	simm.s32 @p4 $0x1  }
0x31: {  	v0 =	vimm.f32 $0.0e+00;
	v1 =	vimm.f32 $1.000000000e+00;
	s19 =	simm.s32 $0x8000;
	s13 =	simm.s32 $0x2000;
	[smem:$0x7FD] =	sst s0  }
.LBB2_1:
0x32: {  	[dreg:$0x7] =	wrdreg s22;
	s7 =	simm.s32 $0x100;
	s2 =	simm.s32 $0x0  }
.LBB2_2:
0x33: {  	p0 =	sne.s32 s7, $0x7F00;
	[tilespmem:s2+$0x2030] =	vst v0;
	s8 =	smov.u32 s7;
	s7 =	sadd.s32 $0x100, s7  }
.Ltmp0:
0x34: {  	[tilespmem:s2+$0x2020] =	vst v0;
	(pc) =	sbr.rel @p0 .LBB2_2-.Ltmp0, $3  }
0x35: {  	[tilespmem:s2+$0x2000] =	vst v0  }
0x36: {  	[tilespmem:s2+$0x2010] =	vst v0;
	_ =	sdelay $0x1  }
0x37: {  	s2 =	sshra.s32 s8, $0x2  }
0x38: {  	[tilespmem:s2+$0x2030] =	vst v0  }
0x39: {  	[tilespmem:s2+$0x2020] =	vst v0  }
0x3a: {  	[tilespmem:s2+$0x2000] =	vst v0  }
0x3b: {  	[tilespmem:s2+$0x2010] =	vst v0;
	s25 =	simm.s32 $0x7  }
0x3c: {  	[spmem:s14] =	stream.linear.scatter [tilespmem:s13], [sflag:$0x7], $0x2000, $0x38;
	[tilespmem:$0x1E580] =	vst v63  }
0x3d: {  	_ =	swait.ge [sflag:s25], $0x2000  }
0x3e: {  	[sflag:s25] =	ssyncset.done $0x0  }
0x3f: {  	[sflag:s25] =	ssyncadd.s32 $0xFFFFE000  }
0x40: {  	[spmem:s12] =	stream.linear.scatter [tilespmem:s13], [sflag:$0x7], $0x2000, $0x38;
	[tilespmem:$0x1E580] =	vst v63  }
0x41: {  	_ =	swait.ge [sflag:s25], $0x2000  }
0x42: {  	[sflag:s25] =	ssyncset.done $0x0  }
0x43: {  	[sflag:s25] =	ssyncadd.s32 $0xFFFFE000  }
0x44: {  	[spmem:s15] =	stream.linear.scatter [tilespmem:s13], [sflag:$0x7], $0x2000, $0x38;
	[tilespmem:$0x1E580] =	vst v63  }
0x45: {  	_ =	swait.ge [sflag:s25], $0x2000  }
0x46: {  	[sflag:s25] =	ssyncset.done $0x0  }
0x47: {  	[sflag:s25] =	ssyncadd.s32 $0xFFFFE000  }
0x48: {  	[spmem:s16] =	stream.linear.scatter [tilespmem:s13], [sflag:$0x7], $0x2000, $0x38;
	[tilespmem:$0x1E580] =	vst v63  }
0x49: {  	_ =	swait.ge [sflag:s25], $0x2000  }
0x4a: {  	[sflag:s25] =	ssyncset.done $0x0  }
0x4b: {  	[sflag:s25] =	ssyncadd.s32 $0xFFFFE000  }
0x4c: {  	[spmem:s17] =	stream.linear.scatter [tilespmem:s13], [sflag:$0x7], $0x2000, $0x38;
	[tilespmem:$0x1E580] =	vst v63  }
0x4d: {  	_ =	swait.ge [sflag:s25], $0x2000  }
0x4e: {  	[sflag:s25] =	ssyncset.done $0x0  }
0x4f: {  	[sflag:s25] =	ssyncadd.s32 $0xFFFFE000  }
0x50: {  	[tilespmem:$0xA000] =	vst v1  }
0x51: {  	[tilespmem:$0xA010] =	vst v1  }
0x52: {  	[tilespmem:$0xA020] =	vst v1  }
0x53: {  	[tilespmem:$0xA030] =	vst v1  }
0x54: {  	[tilespmem:$0xA040] =	vst v1  }
0x55: {  	[tilespmem:$0xA050] =	vst v1  }
0x56: {  	[tilespmem:$0xA060] =	vst v1  }
0x57: {  	[tilespmem:$0xA070] =	vst v1  }
0x58: {  	[tilespmem:$0xA080] =	vst v0  }
0x59: {  	[tilespmem:$0xA090] =	vst v0  }
0x5a: {  	[tilespmem:$0xA0A0] =	vst v0  }
0x5b: {  	[tilespmem:$0xA0B0] =	vst v0  }
0x5c: {  	[tilespmem:$0xA0C0] =	vst v0  }
0x5d: {  	[tilespmem:$0xA0D0] =	vst v0  }
0x5e: {  	[tilespmem:$0xA0E0] =	vst v0  }
0x5f: {  	[tilespmem:$0xA0F0] =	vst v0  }
0x60: {  	[tilespmem:$0xA100] =	vst v0  }
0x61: {  	[tilespmem:$0xA110] =	vst v0  }
0x62: {  	[tilespmem:$0xA120] =	vst v0  }
0x63: {  	[tilespmem:$0xA130] =	vst v0  }
0x64: {  	[tilespmem:$0xA140] =	vst v0  }
0x65: {  	[tilespmem:$0xA150] =	vst v0  }
0x66: {  	[tilespmem:$0xA160] =	vst v0  }
0x67: {  	[tilespmem:$0xA170] =	vst v0  }
0x68: {  	[tilespmem:$0xA180] =	vst v0  }
0x69: {  	[tilespmem:$0xA190] =	vst v0  }
0x6a: {  	[tilespmem:$0xA1A0] =	vst v0  }
0x6b: {  	[tilespmem:$0xA1B0] =	vst v0  }
0x6c: {  	[tilespmem:$0xA1C0] =	vst v0  }
0x6d: {  	[tilespmem:$0xA1D0] =	vst v0  }
0x6e: {  	[tilespmem:$0xA1E0] =	vst v0  }
0x6f: {  	[tilespmem:$0xA1F0] =	vst v0  }
0x70: {  	[tilespmem:$0xA200] =	vst v0  }
0x71: {  	[tilespmem:$0xA210] =	vst v0  }
0x72: {  	[tilespmem:$0xA220] =	vst v0  }
0x73: {  	[tilespmem:$0xA230] =	vst v0  }
0x74: {  	[tilespmem:$0xA240] =	vst v0  }
0x75: {  	[tilespmem:$0xA250] =	vst v0  }
0x76: {  	[tilespmem:$0xA260] =	vst v0  }
0x77: {  	[tilespmem:$0xA270] =	vst v0  }
0x78: {  	[tilespmem:$0xA280] =	vst v0  }
0x79: {  	[tilespmem:$0xA290] =	vst v0  }
0x7a: {  	[tilespmem:$0xA2A0] =	vst v0  }
0x7b: {  	[tilespmem:$0xA2B0] =	vst v0  }
0x7c: {  	[tilespmem:$0xA2C0] =	vst v0  }
0x7d: {  	[tilespmem:$0xA2D0] =	vst v0  }
0x7e: {  	[tilespmem:$0xA2E0] =	vst v0  }
0x7f: {  	s0 =	simm.s32 $0xA080;
	[tilespmem:$0xA2F0] =	vst v0  }
0x80: {  	[spmem:s18] =	stream.linear.scatter [tilespmem:s0], [sflag:$0x7], $0x280, $0x38;
	[tilespmem:$0x1E580] =	vst v63  }
0x81: {  	_ =	swait.ge [sflag:s25], $0x280  }
0x82: {  	s15 =	sld [smem:$0x7F6];
	_ =	sdelay $0x1  }
0x83: {  	s0 =	rddreg [dreg:$0x15]  }
0x84: {  	[sflag:s25] =	ssyncset.done $0x0;
	s12 =	rddreg [dreg:$0x16];
	p0 =	seq.s32 s15, $0x1  }
0x85: {  	[sflag:s25] =	ssyncadd.s32 $0xFFFFFD80;
	s2 =	sshrl.u32 @p0 s0, $0x3;
	s7 =	simm.s32 @p0 $0x1  }
0x86: {  	s8 =	simm.s32 @p0 $0x8;
	s10 =	simm.s32 @p0 $0x10;
	s11 =	simm.s32 @p0 $0x1FC7  }
0x87: {  	[spmem:s2@s8], [sflag:s11] =	dma.strided @p0 [hbm:s12@s10], $0xC80, s7, $0x8   }
0x88: {  	s2 =	simm.s32 @p0 $0x7  }
0x89: {  	_ =	swait.ge @p0 [sflag:s2], $0xC80  }
0x8a: {  	s7 =	sshll.u32 @!p0 s5, $0x6;
	s8 =	simm.s32 @!p0 $0x1;
	[sflag:s2] =	ssyncset.done @p0 $0x0  }
0x8b: {  	s10 =	simm.s32 @!p0 $0x8;
	s11 =	simm.s32 @!p0 $0x10;
	[sflag:s2] =	ssyncadd.s32 @p0 $0xFFFFF380  }
0x8c: {  	s2 =	sor.u32 @!p0 $0x1C07, s7;
	s7 =	sshrl.u32 @!p0 s0, $0x3;
	s0 =	rddreg [dreg:$0x8]  }
0x8d: {  	[spmem:s7@s10], [sflag:s2] =	dma.strided @!p0 [hbm:s0@s11], $0x1400, s8, $0x8   }
0x8e: {  	s2 =	simm.s32 @!p0 $0x7  }
0x8f: {  	_ =	swait.ge @!p0 [sflag:s2], $0x1400  }
0x90: {  	[sflag:s2] =	ssyncset.done @!p0 $0x0  }
0x91: {  	[sflag:s2] =	ssyncadd.s32 @!p0 $0xFFFFEC00  }
0x92: {  	[bflag:$0x0] =	sbarrier.arrive $0xFFFF  }
0x93: {  	s16 =	simm.s32 $0x0;
	s17 =	rddreg [dreg:$0x9]  }
0x94: {  	[tilespmem:s16], [sflag:$0x7] =	stream.linear.gather [hbm4b:s17+s16], $0x1000, $0x38;
	[tilespmem:$0x1E580] =	vst v63  }
0x95: {  	_ =	swait.ge [sflag:s25], $0x1000  }
0x96: {  	[sflag:s25] =	ssyncset.done $0x0  }
0x97: {  	s20 =	simm.s32 $0x1000;
	s18 =	rddreg [dreg:$0x1b];
	[sflag:s25] =	ssyncadd.s32 $0xFFFFF000  }
0x98: {  	[tilespmem:s20], [sflag:$0x7] =	stream.linear.gather [hbm4b:s18+s16], $0x1000, $0x38;
	[tilespmem:$0x1E580] =	vst v63  }
0x99: {  	_ =	swait.ge [sflag:s25], $0x1000  }
0x9a: {  	p0 =	por $0x1, $0x1;
	[sflag:s25] =	ssyncset.done $0x0  }
0x9b: {  	s21 =	simm.s32 $0x1080;
	p1 =	por p0, p0;
	[sflag:s25] =	ssyncadd.s32 $0xFFFFF000  }
0x9c: {  	[tilespmem:s13], [sflag:$0x1] =	stream.indirect.gather [spmem:s4], $0x40, s20, s23, $0xb8;
	[tilespmem:$0x1E580] =	vst v63  }
0x9d: {  	s22 =	simm.s32 $0x4000;
	p0 =	seq.s32 @!p0 s6, $0x0;
	s2 =	simm.s32 @!p1 $0x4  }
0x9e: {  	[tilespmem:s22], [sflag:$0x1] =	stream.indirect.gather [spmem:s4], $0x40, s21, s23, $0xb8;
	[tilespmem:$0x1E580] =	vst v63  }
0x9f: {  	p0 =	por p0, p0;
	_ =	swait.ge @!p1 [sflag:s2], $0x2000  }
0xa0: {  	p3 =	por !p0, p1;
	[sflag:s2] =	ssyncset.done @!p1 $0x0  }
0xa1: {  	[sflag:s2] =	ssyncadd.s32 @!p1 $0xFFFFE000;
	s2 =	simm.s32 @!p3 $0x4  }
0xa2: {  	_ =	swait.ge @!p3 [sflag:s2], $0x2000  }
0xa3: {  	p0 =	por p0, p1;
	[sflag:s2] =	ssyncset.done @!p3 $0x0  }
0xa4: {  	[sflag:s2] =	ssyncadd.s32 @!p3 $0xFFFFE000;
	s2 =	simm.s32 @!p0 $0x6  }
0xa5: {  	_ =	swait.ge @!p0 [sflag:s2], $0x80  }
0xa6: {  	[sflag:s2] =	ssyncset.done @!p0 $0x0  }
0xa7: {  	s7 =	simm.s32 @!p0 $0x4;
	[sflag:s2] =	ssyncadd.s32 @!p0 $0xFFFFFF80  }
0xa8: {  	_ =	swait.ge @!p0 [sflag:s7], $0x2000  }
0xa9: {  	[sflag:s7] =	ssyncset.done @!p0 $0x0  }
0xaa: {  	[sflag:s7] =	ssyncadd.s32 @!p0 $0xFFFFE000  }
0xab: {  	_ =	swait.ge @!p0 [sflag:s2], $0x80  }
0xac: {  	[sflag:s2] =	ssyncset.done @!p0 $0x0  }
0xad: {  	s24 =	simm.s32 $0x1100;
	[sflag:s2] =	ssyncadd.s32 @!p0 $0xFFFFFF80  }
0xae: {  	[tilespmem:s26], [sflag:$0x2] =	stream.indirect.gather [spmem:s4], $0x40, s24, s23, $0xb8;
	[tilespmem:$0x1E580] =	vst v63  }
0xaf: {  	s25 =	simm.s32 $0x1180  }
0xb0: {  	[tilespmem:s19], [sflag:$0x2] =	stream.indirect.gather [spmem:s4], $0x40, s25, s23, $0xb8;
	[tilespmem:$0x1E580] =	vst v63  }
0xb1: {  	_ =	swait.ge [sflag:s29], $0x2000  }
0xb2: {  	[sflag:s29] =	ssyncset.done $0x0  }
0xb3: {  	[sflag:s29] =	ssyncadd.s32 $0xFFFFE000  }
0xb4: {  	_ =	swait.ge [sflag:s29], $0x2000  }
0xb5: {  	[sflag:s29] =	ssyncset.done $0x0  }
0xb6: {  	s11 =	simm.s32 $0x0;
	[sflag:s29] =	ssyncadd.s32 $0xFFFFE000  }
0xb7: {  	[spmem:s1] =	stream.indirect.scatter.add.f32 [tilespmem:s13], [sflag:$0x3], $0x40, s11, s23, $0xb8;
	[tilespmem:$0x1E580] =	vst v63  }
0xb8: {  	s8 =	simm.s32 @p2 $0x80;
	s0 =	simm.s32 @p2 $0x80;
	s2 =	simm.s32 @p2 $0x4000  }
0xb9: {  	[spmem:s1] =	stream.indirect.scatter.add.f32 @p2 [tilespmem:s2], [sflag:$0x3], $0x40, s8, s0, $0xb8;
	[tilespmem:$0x1E580] =	vst v63  }
0xba: {  	s10 =	simm.s32 @!p2 $0xA000;
	s8 =	simm.s32 @!p2 $0x80  }
0xbb: {  	[spmem:s3] =	stream.indirect.scatter.add.f32 @!p2 [tilespmem:s10], [sflag:$0x5], $0x1, s11, s8, $0xb8;
	[tilespmem:$0x1E580] =	vst v63  }
0xbc: {  	s12 =	simm.s32 @!p2 $0x80;
	s11 =	simm.s32 @!p2 $0x4000  }
0xbd: {  	[spmem:s1] =	stream.indirect.scatter.add.f32 @!p2 [tilespmem:s11], [sflag:$0x3], $0x40, s12, s8, $0xb8;
	[tilespmem:$0x1E580] =	vst v63  }
0xbe: {  	_ = 	snop  }
0xbf: {  	[spmem:s3] =	stream.indirect.scatter.add.f32 @!p2 [tilespmem:s10], [sflag:$0x5], $0x1, s12, s8, $0xb8;
	[tilespmem:$0x1E580] =	vst v63  }
0xc0: {  	_ =	swait.ge [sflag:s30], $0x2000  }
0xc1: {  	[sflag:s30] =	ssyncset.done $0x0  }
0xc2: {  	s12 =	simm.s32 @p2 $0x3;
	[sflag:s30] =	ssyncadd.s32 $0xFFFFE000  }
0xc3: {  	_ =	swait.ge @p2 [sflag:s12], $0x2000  }
0xc4: {  	[sflag:s12] =	ssyncset.done @p2 $0x0  }
0xc5: {  	s15 =	simm.s32 @!p2 $0x5;
	[sflag:s12] =	ssyncadd.s32 @p2 $0xFFFFE000  }
0xc6: {  	_ =	swait.ge @!p2 [sflag:s15], $0x80  }
0xc7: {  	[sflag:s15] =	ssyncset.done @!p2 $0x0  }
0xc8: {  	s16 =	simm.s32 @!p2 $0x3;
	[sflag:s15] =	ssyncadd.s32 @!p2 $0xFFFFFF80  }
0xc9: {  	_ =	swait.ge @!p2 [sflag:s16], $0x2000  }
0xca: {  	[sflag:s16] =	ssyncset.done @!p2 $0x0  }
0xcb: {  	[sflag:s16] =	ssyncadd.s32 @!p2 $0xFFFFE000  }
0xcc: {  	p0 =	por $0x0, $0x0;
	_ =	swait.ge @!p2 [sflag:s15], $0x80  }
0xcd: {  	s17 =	simm.s32 @!p0 $0x2000;
	[sflag:s15] =	ssyncset.done @!p2 $0x0  }
0xce: {  	s18 =	simm.s32 @!p0 $0x1200;
	s19 =	simm.s32 @!p0 $0x80;
	[sflag:s15] =	ssyncadd.s32 @!p2 $0xFFFFFF80  }
0xcf: {  	[tilespmem:s17], [sflag:$0x1] =	stream.indirect.gather @!p0 [spmem:s4], $0x40, s18, s19, $0xb8;
	[tilespmem:$0x1E580] =	vst v63  }
0xd0: {  	s17 =	simm.s32 @!p0 $0x1280;
	s18 =	simm.s32 @!p0 $0x4000  }
0xd1: {  	[tilespmem:s18], [sflag:$0x1] =	stream.indirect.gather @!p0 [spmem:s4], $0x40, s17, s19, $0xb8;
	[tilespmem:$0x1E580] =	vst v63  }
0xd2: {  	_ =	swait.ge [sflag:s31], $0x2000  }
0xd3: {  	s28 =	simm.s32 $0x2000;
	s21 =	simm.s32 @!p4 $0xA000;
	[sflag:s31] =	ssyncset.done $0x0  }
0xd4: {  	s7 =	simm.s32 @p2 $0x4000;
	s24 =	simm.s32 @!p4 $0x8000;
	[sflag:s31] =	ssyncadd.s32 $0xFFFFE000  }
0xd5: {  	s25 =	simm.s32 $0x1000;
	s17 =	simm.s32 $0x400;
	_ =	swait.ge [sflag:s31], $0x2000  }
0xd6: {  	s2 =	simm.s32 $0x8000;
	s17 =	simm.s32 @p0 $0x3C00;
	[sflag:s31] =	ssyncset.done $0x0  }
0xd7: {  	s18 =	simm.s32 @p4 $0x80;
	s17 =	sshra.s32 s17, $0x2;
	[sflag:s31] =	ssyncadd.s32 $0xFFFFE000  }
0xd8: {  	[spmem:s1] =	stream.indirect.scatter.add.f32 [tilespmem:s26], [sflag:$0x4], $0x40, s17, s23, $0xb8;
	[tilespmem:$0x1E580] =	vst v63  }
0xd9: {  	s19 =	simm.s32 @p4 $0x8000;
	p0 =	por $0x0, $0x0;
	s20 =	sadd.s32 @p4 $0x80, s17  }
0xda: {  	[spmem:s1] =	stream.indirect.scatter.add.f32 @p4 [tilespmem:s19], [sflag:$0x4], $0x40, s20, s18, $0xb8;
	[tilespmem:$0x1E580] =	vst v63  }
0xdb: {  	p1 =	seq.s32 @!p0 s6, $0x0;
	p5 =	por p0, p0;
	s20 =	simm.s32 @!p4 $0x80  }
0xdc: {  	[spmem:s3] =	stream.indirect.scatter.add.f32 @!p4 [tilespmem:s21], [sflag:$0x6], $0x1, s17, s20, $0xb8;
	[tilespmem:$0x1E580] =	vst v63  }
0xdd: {  	s22 =	sadd.s32 @!p4 $0x80, s17;
	p6 =	por p1, p1;
	s17 =	simm.s32 $0x800  }
0xde: {  	[spmem:s1] =	stream.indirect.scatter.add.f32 @!p4 [tilespmem:s24], [sflag:$0x4], $0x40, s22, s20, $0xb8;
	[tilespmem:$0x1E580] =	vst v63  }
.LBB2_4:
0xdf: {  	[spmem:s3] =	stream.indirect.scatter.add.f32 @!p4 [tilespmem:s21], [sflag:$0x6], $0x1, s22, s20, $0xb8;
	[tilespmem:$0x1E580] =	vst v63  }
0xe0: {  	s22 =	smov.u32 s25;
	s25 =	sadd.s32 $0x800, s25  }
0xe1: {  	p1 =	sne.s32 s25, $0x4000  }
0xe2: {  	s0 =	simm.s32 @!p1 $0x0  }
0xe3: {  	s0 =	simm.s32 @p1 $0x1  }
0xe4: {  	s5 =	simm.s32 @!p5 $0x4;
	[smem:$0x7F5] =	sst s0  }
0xe5: {  	_ =	swait.ge @!p5 [sflag:s5], $0x2000  }
0xe6: {  	p4 =	por !p6, p5;
	[sflag:s5] =	ssyncset.done @!p5 $0x0  }
0xe7: {  	[sflag:s5] =	ssyncadd.s32 @!p5 $0xFFFFE000;
	s5 =	simm.s32 @!p4 $0x4  }
0xe8: {  	_ =	swait.ge @!p4 [sflag:s5], $0x2000  }
0xe9: {  	p1 =	por p6, p5;
	[sflag:s5] =	ssyncset.done @!p4 $0x0  }
0xea: {  	[sflag:s5] =	ssyncadd.s32 @!p4 $0xFFFFE000;
	s5 =	simm.s32 @!p1 $0x6  }
0xeb: {  	s13 =	sld [smem:$0x7FD];
	_ =	swait.ge @!p1 [sflag:s5], $0x80  }
0xec: {  	[sflag:s5] =	ssyncset.done @!p1 $0x0  }
0xed: {  	s0 =	simm.s32 @!p1 $0x4;
	[sflag:s5] =	ssyncadd.s32 @!p1 $0xFFFFFF80  }
0xee: {  	_ =	swait.ge @!p1 [sflag:s0], $0x2000  }
0xef: {  	[sflag:s0] =	ssyncset.done @!p1 $0x0  }
0xf0: {  	[sflag:s0] =	ssyncadd.s32 @!p1 $0xFFFFE000  }
0xf1: {  	_ =	swait.ge @!p1 [sflag:s5], $0x80  }
0xf2: {  	s0 =	sshra.s32 s17, $0x2;
	[sflag:s5] =	ssyncset.done @!p1 $0x0  }
0xf3: {  	s14 =	sadd.s32 $0x1100, s0;
	[sflag:s5] =	ssyncadd.s32 @!p1 $0xFFFFFF80  }
0xf4: {  	[tilespmem:s26], [sflag:$0x2] =	stream.indirect.gather [spmem:s4], $0x40, s14, s23, $0xb8;
	[tilespmem:$0x1E580] =	vst v63  }
0xf5: {  	p4 =	seq.s32 s13, $0x1;
	s13 =	sadd.s32 $0x1180, s0  }
0xf6: {  	[tilespmem:s2], [sflag:$0x2] =	stream.indirect.gather [spmem:s4], $0x40, s13, s23, $0xb8;
	[tilespmem:$0x1E580] =	vst v63  }
0xf7: {  	_ =	swait.ge [sflag:s29], $0x2000  }
0xf8: {  	[sflag:s29] =	ssyncset.done $0x0  }
0xf9: {  	[sflag:s29] =	ssyncadd.s32 $0xFFFFE000  }
0xfa: {  	_ =	swait.ge [sflag:s29], $0x2000  }
0xfb: {  	[sflag:s29] =	ssyncset.done $0x0  }
0xfc: {  	s5 =	sshra.s32 @p2 s17, $0x2;
	[sflag:s29] =	ssyncadd.s32 $0xFFFFE000  }
0xfd: {  	[spmem:s1] =	stream.indirect.scatter.add.f32 [tilespmem:s28], [sflag:$0x3], $0x40, s0, s23, $0xb8;
	[tilespmem:$0x1E580] =	vst v63  }
0xfe: {  	s5 =	sadd.s32 @p2 $0x80, s5;
	s13 =	simm.s32 @p2 $0x80  }
0xff: {  	[spmem:s1] =	stream.indirect.scatter.add.f32 @p2 [tilespmem:s7], [sflag:$0x3], $0x40, s5, s13, $0xb8;
	[tilespmem:$0x1E580] =	vst v63  }
0x100: {  	s5 =	sshra.s32 @!p2 s17, $0x2  }
0x101: {  	[spmem:s3] =	stream.indirect.scatter.add.f32 @!p2 [tilespmem:s10], [sflag:$0x5], $0x1, s0, s8, $0xb8;
	[tilespmem:$0x1E580] =	vst v63  }
0x102: {  	s0 =	sadd.s32 @!p2 $0x80, s5  }
0x103: {  	[spmem:s1] =	stream.indirect.scatter.add.f32 @!p2 [tilespmem:s11], [sflag:$0x3], $0x40, s0, s8, $0xb8;
	[tilespmem:$0x1E580] =	vst v63  }
0x104: {  	_ = 	snop  }
0x105: {  	[spmem:s3] =	stream.indirect.scatter.add.f32 @!p2 [tilespmem:s10], [sflag:$0x5], $0x1, s0, s8, $0xb8;
	[tilespmem:$0x1E580] =	vst v63  }
0x106: {  	_ =	swait.ge [sflag:s30], $0x2000  }
0x107: {  	[sflag:s30] =	ssyncset.done $0x0  }
0x108: {  	[sflag:s30] =	ssyncadd.s32 $0xFFFFE000  }
0x109: {  	_ =	swait.ge @p2 [sflag:s12], $0x2000  }
0x10a: {  	[sflag:s12] =	ssyncset.done @p2 $0x0  }
0x10b: {  	[sflag:s12] =	ssyncadd.s32 @p2 $0xFFFFE000  }
0x10c: {  	_ =	swait.ge @!p2 [sflag:s15], $0x80  }
0x10d: {  	[sflag:s15] =	ssyncset.done @!p2 $0x0  }
0x10e: {  	[sflag:s15] =	ssyncadd.s32 @!p2 $0xFFFFFF80  }
0x10f: {  	p0 =	seq.s32 s22, $0x0;
	_ =	swait.ge @!p2 [sflag:s16], $0x2000  }
0x110: {  	p3 =	seq.s32 @!p0 s6, $0x0;
	[sflag:s16] =	ssyncset.done @!p2 $0x0  }
0x111: {  	p5 =	por p0, p0;
	p0 =	seq.s32 s17, $0x3800;
	[sflag:s16] =	ssyncadd.s32 @!p2 $0xFFFFE000  }
0x112: {  	s5 =	sshra.s32 @!p0 s17, $0x2;
	_ =	swait.ge @!p2 [sflag:s15], $0x80  }
0x113: {  	s13 =	simm.s32 @!p0 $0x80;
	s14 =	sadd.s32 @!p0 $0x1200, s5;
	[sflag:s15] =	ssyncset.done @!p2 $0x0  }
0x114: {  	s0 =	sadd.s32 $0x400, s17;
	s17 =	simm.s32 @!p0 $0x2000;
	[sflag:s15] =	ssyncadd.s32 @!p2 $0xFFFFFF80  }
0x115: {  	[tilespmem:s17], [sflag:$0x1] =	stream.indirect.gather @!p0 [spmem:s4], $0x40, s14, s13, $0xb8;
	[tilespmem:$0x1E580] =	vst v63  }
0x116: {  	s5 =	sadd.s32 @!p0 $0x1280, s5;
	s14 =	simm.s32 @!p0 $0x4000  }
0x117: {  	[tilespmem:s14], [sflag:$0x1] =	stream.indirect.gather @!p0 [spmem:s4], $0x40, s5, s13, $0xb8;
	[tilespmem:$0x1E580] =	vst v63  }
0x118: {  	_ =	swait.ge [sflag:s31], $0x2000  }
0x119: {  	[sflag:s31] =	ssyncset.done $0x0  }
0x11a: {  	[sflag:s31] =	ssyncadd.s32 $0xFFFFE000  }
0x11b: {  	_ =	swait.ge [sflag:s31], $0x2000  }
0x11c: {  	s0 =	simm.s32 @p0 $0x3C00;
	[sflag:s31] =	ssyncset.done $0x0;
	s14 =	sld [smem:$0x7F5]  }
0x11d: {  	s0 =	sshra.s32 s0, $0x2;
	[sflag:s31] =	ssyncadd.s32 $0xFFFFE000  }
0x11e: {  	[spmem:s1] =	stream.indirect.scatter.add.f32 [tilespmem:s26], [sflag:$0x4], $0x40, s0, s23, $0xb8;
	[tilespmem:$0x1E580] =	vst v63  }
0x11f: {  	s5 =	sadd.s32 @p4 $0x80, s0;
	p0 =	seq.s32 s14, $0x1  }
0x120: {  	[spmem:s1] =	stream.indirect.scatter.add.f32 @p4 [tilespmem:s19], [sflag:$0x4], $0x40, s5, s18, $0xb8;
	[tilespmem:$0x1E580] =	vst v63  }
.Ltmp1:
0x121: {  	_ = 	snop;
	(pc) =	sbr.rel @p0 .LBB2_4-.Ltmp1, $4  }
0x122: {  	_ = 	snop  }
0x123: {  	[spmem:s3] =	stream.indirect.scatter.add.f32 @!p4 [tilespmem:s21], [sflag:$0x6], $0x1, s0, s20, $0xb8;
	[tilespmem:$0x1E580] =	vst v63  }
0x124: {  	p6 =	por p3, p3;
	s17 =	smov.u32 s22;
	s22 =	sadd.s32 @!p4 $0x80, s0  }
0x125: {  	[spmem:s1] =	stream.indirect.scatter.add.f32 @!p4 [tilespmem:s24], [sflag:$0x4], $0x40, s22, s20, $0xb8;
	[tilespmem:$0x1E580] =	vst v63  }
0x126: {  	[spmem:s3] =	stream.indirect.scatter.add.f32 @!p4 [tilespmem:s21], [sflag:$0x6], $0x1, s22, s20, $0xb8;
	[tilespmem:$0x1E580] =	vst v63  }
0x127: {  	s0 =	simm.s32 @!p5 $0x4  }
0x128: {  	_ =	swait.ge @!p5 [sflag:s0], $0x2000  }
0x129: {  	p0 =	por !p6, p5;
	[sflag:s0] =	ssyncset.done @!p5 $0x0  }
0x12a: {  	[sflag:s0] =	ssyncadd.s32 @!p5 $0xFFFFE000;
	s0 =	simm.s32 @!p0 $0x4  }
0x12b: {  	_ =	swait.ge @!p0 [sflag:s0], $0x2000  }
0x12c: {  	p1 =	por p6, p5;
	[sflag:s0] =	ssyncset.done @!p0 $0x0  }
0x12d: {  	[sflag:s0] =	ssyncadd.s32 @!p0 $0xFFFFE000;
	s0 =	simm.s32 @!p1 $0x6  }
0x12e: {  	_ =	swait.ge @!p1 [sflag:s0], $0x80  }
0x12f: {  	[sflag:s0] =	ssyncset.done @!p1 $0x0  }
0x130: {  	s2 =	simm.s32 @!p1 $0x4;
	[sflag:s0] =	ssyncadd.s32 @!p1 $0xFFFFFF80  }
0x131: {  	_ =	swait.ge @!p1 [sflag:s2], $0x2000  }
0x132: {  	[sflag:s2] =	ssyncset.done @!p1 $0x0  }
0x133: {  	[sflag:s2] =	ssyncadd.s32 @!p1 $0xFFFFE000  }
0x134: {  	_ =	swait.ge @!p1 [sflag:s0], $0x80  }
0x135: {  	s2 =	sshra.s32 s17, $0x2;
	[sflag:s0] =	ssyncset.done @!p1 $0x0  }
0x136: {  	s24 =	sadd.s32 $0x1100, s2;
	[sflag:s0] =	ssyncadd.s32 @!p1 $0xFFFFFF80  }
0x137: {  	[tilespmem:s26], [sflag:$0x2] =	stream.indirect.gather [spmem:s4], $0x40, s24, s23, $0xb8;
	[tilespmem:$0x1E580] =	vst v63  }
0x138: {  	s7 =	simm.s32 $0x8000;
	s25 =	sadd.s32 $0x1180, s2  }
0x139: {  	[tilespmem:s7], [sflag:$0x2] =	stream.indirect.gather [spmem:s4], $0x40, s25, s23, $0xb8;
	[tilespmem:$0x1E580] =	vst v63  }
0x13a: {  	_ =	swait.ge [sflag:s29], $0x2000  }
0x13b: {  	[sflag:s29] =	ssyncset.done $0x0  }
0x13c: {  	[sflag:s29] =	ssyncadd.s32 $0xFFFFE000  }
0x13d: {  	_ =	swait.ge [sflag:s29], $0x2000  }
0x13e: {  	[sflag:s29] =	ssyncset.done $0x0  }
0x13f: {  	s22 =	simm.s32 $0x2000;
	s0 =	sshra.s32 @p2 s17, $0x2;
	[sflag:s29] =	ssyncadd.s32 $0xFFFFE000  }
0x140: {  	[spmem:s1] =	stream.indirect.scatter.add.f32 [tilespmem:s22], [sflag:$0x3], $0x40, s2, s23, $0xb8;
	[tilespmem:$0x1E580] =	vst v63  }
0x141: {  	s5 =	simm.s32 @p2 $0x80;
	s18 =	simm.s32 @p2 $0x4000;
	s0 =	sadd.s32 @p2 $0x80, s0  }
0x142: {  	[spmem:s1] =	stream.indirect.scatter.add.f32 @p2 [tilespmem:s18], [sflag:$0x3], $0x40, s0, s5, $0xb8;
	[tilespmem:$0x1E580] =	vst v63  }
0x143: {  	s11 =	simm.s32 @!p2 $0x80;
	s12 =	simm.s32 @!p2 $0xA000;
	s0 =	sshra.s32 @!p2 s17, $0x2  }
0x144: {  	[spmem:s3] =	stream.indirect.scatter.add.f32 @!p2 [tilespmem:s12], [sflag:$0x5], $0x1, s2, s11, $0xb8;
	[tilespmem:$0x1E580] =	vst v63  }
0x145: {  	s21 =	simm.s32 @!p2 $0x4000;
	s0 =	sadd.s32 @!p2 $0x80, s0  }
0x146: {  	[spmem:s1] =	stream.indirect.scatter.add.f32 @!p2 [tilespmem:s21], [sflag:$0x3], $0x40, s0, s11, $0xb8;
	[tilespmem:$0x1E580] =	vst v63  }
0x147: {  	_ = 	snop  }
0x148: {  	[spmem:s3] =	stream.indirect.scatter.add.f32 @!p2 [tilespmem:s12], [sflag:$0x5], $0x1, s0, s11, $0xb8;
	[tilespmem:$0x1E580] =	vst v63  }
0x149: {  	_ =	swait.ge [sflag:s30], $0x2000  }
0x14a: {  	[sflag:s30] =	ssyncset.done $0x0  }
0x14b: {  	s8 =	simm.s32 @p2 $0x3;
	[sflag:s30] =	ssyncadd.s32 $0xFFFFE000  }
0x14c: {  	_ =	swait.ge @p2 [sflag:s8], $0x2000  }
0x14d: {  	[sflag:s8] =	ssyncset.done @p2 $0x0  }
0x14e: {  	s15 =	simm.s32 @!p2 $0x5;
	[sflag:s8] =	ssyncadd.s32 @p2 $0xFFFFE000  }
0x14f: {  	_ =	swait.ge @!p2 [sflag:s15], $0x80  }
0x150: {  	[sflag:s15] =	ssyncset.done @!p2 $0x0  }
0x151: {  	s16 =	simm.s32 @!p2 $0x3;
	[sflag:s15] =	ssyncadd.s32 @!p2 $0xFFFFFF80  }
0x152: {  	_ =	swait.ge @!p2 [sflag:s16], $0x2000  }
0x153: {  	[sflag:s16] =	ssyncset.done @!p2 $0x0  }
0x154: {  	[sflag:s16] =	ssyncadd.s32 @!p2 $0xFFFFE000  }
0x155: {  	p0 =	seq.s32 s17, $0x3800;
	_ =	swait.ge @!p2 [sflag:s15], $0x80  }
0x156: {  	s14 =	simm.s32 @!p0 $0x80;
	s0 =	sshra.s32 @!p0 s17, $0x2;
	[sflag:s15] =	ssyncset.done @!p2 $0x0  }
0x157: {  	s5 =	simm.s32 @!p0 $0x2000;
	s13 =	sadd.s32 @!p0 $0x1200, s0;
	[sflag:s15] =	ssyncadd.s32 @!p2 $0xFFFFFF80  }
0x158: {  	[tilespmem:s5], [sflag:$0x1] =	stream.indirect.gather @!p0 [spmem:s4], $0x40, s13, s14, $0xb8;
	[tilespmem:$0x1E580] =	vst v63  }
0x159: {  	s0 =	sadd.s32 @!p0 $0x1280, s0;
	s5 =	simm.s32 @!p0 $0x4000  }
0x15a: {  	[tilespmem:s5], [sflag:$0x1] =	stream.indirect.gather @!p0 [spmem:s4], $0x40, s0, s14, $0xb8;
	[tilespmem:$0x1E580] =	vst v63  }
0x15b: {  	_ =	swait.ge [sflag:s31], $0x2000  }
0x15c: {  	[sflag:s31] =	ssyncset.done $0x0  }
0x15d: {  	[sflag:s31] =	ssyncadd.s32 $0xFFFFE000  }
0x15e: {  	s0 =	sadd.s32 $0x400, s17;
	_ =	swait.ge [sflag:s31], $0x2000  }
0x15f: {  	s0 =	simm.s32 @p0 $0x3C00;
	[sflag:s31] =	ssyncset.done $0x0  }
0x160: {  	s0 =	sshra.s32 s0, $0x2;
	[sflag:s31] =	ssyncadd.s32 $0xFFFFE000  }
0x161: {  	[spmem:s1] =	stream.indirect.scatter.add.f32 [tilespmem:s26], [sflag:$0x4], $0x40, s0, s23, $0xb8;
	[tilespmem:$0x1E580] =	vst v63  }
0x162: {  	s10 =	simm.s32 @p4 $0x80;
	s24 =	simm.s32 @p4 $0x8000;
	s5 =	sadd.s32 @p4 $0x80, s0  }
0x163: {  	[spmem:s1] =	stream.indirect.scatter.add.f32 @p4 [tilespmem:s24], [sflag:$0x4], $0x40, s5, s10, $0xb8;
	[tilespmem:$0x1E580] =	vst v63  }
0x164: {  	s19 =	simm.s32 @!p4 $0x80;
	s20 =	simm.s32 @!p4 $0xA000  }
0x165: {  	[spmem:s3] =	stream.indirect.scatter.add.f32 @!p4 [tilespmem:s20], [sflag:$0x6], $0x1, s0, s19, $0xb8;
	[tilespmem:$0x1E580] =	vst v63  }
0x166: {  	s25 =	simm.s32 @!p4 $0x8000;
	s0 =	sadd.s32 @!p4 $0x80, s0  }
0x167: {  	[spmem:s1] =	stream.indirect.scatter.add.f32 @!p4 [tilespmem:s25], [sflag:$0x4], $0x40, s0, s19, $0xb8;
	[tilespmem:$0x1E580] =	vst v63  }
0x168: {  	s5 =	simm.s32 $0x4  }
0x169: {  	[spmem:s3] =	stream.indirect.scatter.add.f32 @!p4 [tilespmem:s20], [sflag:$0x6], $0x1, s0, s19, $0xb8;
	[tilespmem:$0x1E580] =	vst v63  }
0x16a: {  	_ =	swait.ge [sflag:s5], $0x2000  }
0x16b: {  	[sflag:s5] =	ssyncset.done $0x0  }
0x16c: {  	s0 =	simm.s32 @p4 $0x4;
	[sflag:s5] =	ssyncadd.s32 $0xFFFFE000  }
0x16d: {  	_ =	swait.ge @p4 [sflag:s0], $0x2000  }
0x16e: {  	[sflag:s0] =	ssyncset.done @p4 $0x0  }
0x16f: {  	[sflag:s0] =	ssyncadd.s32 @p4 $0xFFFFE000;
	s0 =	simm.s32 @!p4 $0x6  }
0x170: {  	_ =	swait.ge @!p4 [sflag:s0], $0x80  }
0x171: {  	[sflag:s0] =	ssyncset.done @!p4 $0x0  }
0x172: {  	s5 =	simm.s32 @!p4 $0x4;
	[sflag:s0] =	ssyncadd.s32 @!p4 $0xFFFFFF80  }
0x173: {  	_ =	swait.ge @!p4 [sflag:s5], $0x2000  }
0x174: {  	[sflag:s5] =	ssyncset.done @!p4 $0x0  }
0x175: {  	[sflag:s5] =	ssyncadd.s32 @!p4 $0xFFFFE000  }
0x176: {  	_ =	swait.ge @!p4 [sflag:s0], $0x80  }
0x177: {  	s14 =	simm.s32 $0x7;
	[sflag:s0] =	ssyncset.done @!p4 $0x0  }
0x178: {  	s13 =	rddreg [dreg:$0x1c];
	[sflag:s0] =	ssyncadd.s32 @!p4 $0xFFFFFF80;
	s0 =	simm.s32 $0x0  }
0x179: {  	[tilespmem:s0], [sflag:$0x7] =	stream.linear.gather [hbm4b:s13+s0], $0x1000, $0x38;
	[tilespmem:$0x1E580] =	vst v63  }
0x17a: {  	_ =	swait.ge [sflag:s14], $0x1000  }
0x17b: {  	[sflag:s14] =	ssyncset.done $0x0  }
0x17c: {  	s2 =	simm.s32 $0x1000;
	s17 =	rddreg [dreg:$0x1d];
	[sflag:s14] =	ssyncadd.s32 $0xFFFFF000  }
0x17d: {  	[tilespmem:s2], [sflag:$0x7] =	stream.linear.gather [hbm4b:s17+s0], $0x1000, $0x38;
	[tilespmem:$0x1E580] =	vst v63  }
0x17e: {  	_ =	swait.ge [sflag:s14], $0x1000  }
0x17f: {  	p0 =	por $0x1, $0x1;
	[sflag:s14] =	ssyncset.done $0x0  }
0x180: {  	p1 =	por p0, p0;
	p0 =	seq.s32 @!p0 s6, $0x0;
	[sflag:s14] =	ssyncadd.s32 $0xFFFFF000  }
0x181: {  	[tilespmem:s22], [sflag:$0x1] =	stream.indirect.gather [hbm4b:s9+s23], $0x40, s2, s23, $0xb8;
	[tilespmem:$0x1E580] =	vst v63  }
0x182: {  	s5 =	simm.s32 $0x1080;
	s13 =	simm.s32 $0x4000;
	s0 =	simm.s32 @!p1 $0x4  }
0x183: {  	[tilespmem:s13], [sflag:$0x1] =	stream.indirect.gather [hbm4b:s9+s23], $0x40, s5, s23, $0xb8;
	[tilespmem:$0x1E580] =	vst v63  }
0x184: {  	p0 =	por p0, p0;
	_ =	swait.ge @!p1 [sflag:s0], $0x2000  }
0x185: {  	p3 =	por !p0, p1;
	[sflag:s0] =	ssyncset.done @!p1 $0x0  }
0x186: {  	[sflag:s0] =	ssyncadd.s32 @!p1 $0xFFFFE000;
	s0 =	simm.s32 @!p3 $0x4  }
0x187: {  	_ =	swait.ge @!p3 [sflag:s0], $0x2000  }
0x188: {  	p0 =	por p0, p1;
	[sflag:s0] =	ssyncset.done @!p3 $0x0  }
0x189: {  	[sflag:s0] =	ssyncadd.s32 @!p3 $0xFFFFE000;
	s0 =	simm.s32 @!p0 $0x6  }
0x18a: {  	_ =	swait.ge @!p0 [sflag:s0], $0x80  }
0x18b: {  	[sflag:s0] =	ssyncset.done @!p0 $0x0  }
0x18c: {  	s5 =	simm.s32 @!p0 $0x4;
	[sflag:s0] =	ssyncadd.s32 @!p0 $0xFFFFFF80  }
0x18d: {  	_ =	swait.ge @!p0 [sflag:s5], $0x2000  }
0x18e: {  	[sflag:s5] =	ssyncset.done @!p0 $0x0  }
0x18f: {  	[sflag:s5] =	ssyncadd.s32 @!p0 $0xFFFFE000  }
0x190: {  	_ =	swait.ge @!p0 [sflag:s0], $0x80  }
0x191: {  	[sflag:s0] =	ssyncset.done @!p0 $0x0  }
0x192: {  	s14 =	simm.s32 $0x1100;
	[sflag:s0] =	ssyncadd.s32 @!p0 $0xFFFFFF80  }
0x193: {  	[tilespmem:s26], [sflag:$0x2] =	stream.indirect.gather [hbm4b:s9+s23], $0x40, s14, s23, $0xb8;
	[tilespmem:$0x1E580] =	vst v63  }
0x194: {  	s17 =	simm.s32 $0x1180  }
0x195: {  	[tilespmem:s7], [sflag:$0x2] =	stream.indirect.gather [hbm4b:s9+s23], $0x40, s17, s23, $0xb8;
	[tilespmem:$0x1E580] =	vst v63  }
0x196: {  	_ =	swait.ge [sflag:s29], $0x2000  }
0x197: {  	[sflag:s29] =	ssyncset.done $0x0  }
0x198: {  	[sflag:s29] =	ssyncadd.s32 $0xFFFFE000  }
0x199: {  	_ =	swait.ge [sflag:s29], $0x2000  }
0x19a: {  	[sflag:s29] =	ssyncset.done $0x0  }
0x19b: {  	s0 =	simm.s32 $0x0;
	[sflag:s29] =	ssyncadd.s32 $0xFFFFE000  }
0x19c: {  	[spmem:s1] =	stream.indirect.scatter.add.f32 [tilespmem:s22], [sflag:$0x3], $0x40, s0, s23, $0xb8;
	[tilespmem:$0x1E580] =	vst v63  }
0x19d: {  	s13 =	simm.s32 @p2 $0x80;
	s5 =	simm.s32 @p2 $0x80  }
0x19e: {  	[spmem:s1] =	stream.indirect.scatter.add.f32 @p2 [tilespmem:s18], [sflag:$0x3], $0x40, s5, s13, $0xb8;
	[tilespmem:$0x1E580] =	vst v63  }
0x19f: {  	_ = 	snop  }
0x1a0: {  	[spmem:s3] =	stream.indirect.scatter.add.f32 @!p2 [tilespmem:s12], [sflag:$0x5], $0x1, s0, s11, $0xb8;
	[tilespmem:$0x1E580] =	vst v63  }
0x1a1: {  	s0 =	simm.s32 @!p2 $0x80  }
0x1a2: {  	[spmem:s1] =	stream.indirect.scatter.add.f32 @!p2 [tilespmem:s21], [sflag:$0x3], $0x40, s0, s11, $0xb8;
	[tilespmem:$0x1E580] =	vst v63  }
0x1a3: {  	_ = 	snop  }
0x1a4: {  	[spmem:s3] =	stream.indirect.scatter.add.f32 @!p2 [tilespmem:s12], [sflag:$0x5], $0x1, s0, s11, $0xb8;
	[tilespmem:$0x1E580] =	vst v63  }
0x1a5: {  	_ =	swait.ge [sflag:s30], $0x2000  }
0x1a6: {  	[sflag:s30] =	ssyncset.done $0x0  }
0x1a7: {  	[sflag:s30] =	ssyncadd.s32 $0xFFFFE000  }
0x1a8: {  	_ =	swait.ge @p2 [sflag:s8], $0x2000  }
0x1a9: {  	[sflag:s8] =	ssyncset.done @p2 $0x0  }
0x1aa: {  	[sflag:s8] =	ssyncadd.s32 @p2 $0xFFFFE000  }
0x1ab: {  	_ =	swait.ge @!p2 [sflag:s15], $0x80  }
0x1ac: {  	[sflag:s15] =	ssyncset.done @!p2 $0x0  }
0x1ad: {  	[sflag:s15] =	ssyncadd.s32 @!p2 $0xFFFFFF80  }
0x1ae: {  	_ =	swait.ge @!p2 [sflag:s16], $0x2000  }
0x1af: {  	[sflag:s16] =	ssyncset.done @!p2 $0x0  }
0x1b0: {  	[sflag:s16] =	ssyncadd.s32 @!p2 $0xFFFFE000  }
0x1b1: {  	p0 =	por $0x0, $0x0;
	_ =	swait.ge @!p2 [sflag:s15], $0x80  }
0x1b2: {  	s5 =	simm.s32 @!p0 $0x1200;
	[sflag:s15] =	ssyncset.done @!p2 $0x0  }
0x1b3: {  	s13 =	simm.s32 @!p0 $0x80;
	s0 =	simm.s32 @!p0 $0x2000;
	[sflag:s15] =	ssyncadd.s32 @!p2 $0xFFFFFF80  }
0x1b4: {  	[tilespmem:s0], [sflag:$0x1] =	stream.indirect.gather @!p0 [hbm4b:s9+s13], $0x40, s5, s13, $0xb8;
	[tilespmem:$0x1E580] =	vst v63  }
0x1b5: {  	s0 =	simm.s32 @!p0 $0x1280;
	s5 =	simm.s32 @!p0 $0x4000  }
0x1b6: {  	[tilespmem:s5], [sflag:$0x1] =	stream.indirect.gather @!p0 [hbm4b:s9+s13], $0x40, s0, s13, $0xb8;
	[tilespmem:$0x1E580] =	vst v63  }
0x1b7: {  	_ =	swait.ge [sflag:s31], $0x2000  }
0x1b8: {  	[sflag:s31] =	ssyncset.done $0x0  }
0x1b9: {  	[sflag:s31] =	ssyncadd.s32 $0xFFFFE000  }
0x1ba: {  	s28 =	simm.s32 @p2 $0x80;
	s0 =	simm.s32 $0x400;
	_ =	swait.ge [sflag:s31], $0x2000  }
0x1bb: {  	s2 =	simm.s32 @p2 $0x4000;
	s0 =	simm.s32 @p0 $0x3C00;
	[sflag:s31] =	ssyncset.done $0x0  }
0x1bc: {  	s7 =	simm.s32 $0x2000;
	s0 =	sshra.s32 s0, $0x2;
	[sflag:s31] =	ssyncadd.s32 $0xFFFFE000  }
0x1bd: {  	[spmem:s1] =	stream.indirect.scatter.add.f32 [tilespmem:s26], [sflag:$0x4], $0x40, s0, s23, $0xb8;
	[tilespmem:$0x1E580] =	vst v63  }
0x1be: {  	s17 =	simm.s32 @!p2 $0x4000;
	p0 =	por $0x0, $0x0;
	s5 =	sadd.s32 @p4 $0x80, s0  }
0x1bf: {  	[spmem:s1] =	stream.indirect.scatter.add.f32 @p4 [tilespmem:s24], [sflag:$0x4], $0x40, s5, s10, $0xb8;
	[tilespmem:$0x1E580] =	vst v63  }
0x1c0: {  	s18 =	simm.s32 @p4 $0x80;
	s21 =	simm.s32 @p4 $0x8000;
	p1 =	seq.s32 @!p0 s6, $0x0  }
0x1c1: {  	[spmem:s3] =	stream.indirect.scatter.add.f32 @!p4 [tilespmem:s20], [sflag:$0x6], $0x1, s0, s19, $0xb8;
	[tilespmem:$0x1E580] =	vst v63  }
0x1c2: {  	p5 =	por p0, p0;
	s22 =	sadd.s32 @!p4 $0x80, s0;
	p6 =	por p1, p1  }
0x1c3: {  	[spmem:s1] =	stream.indirect.scatter.add.f32 @!p4 [tilespmem:s25], [sflag:$0x4], $0x40, s22, s19, $0xb8;
	[tilespmem:$0x1E580] =	vst v63  }
0x1c4: {  	s10 =	simm.s32 @!p4 $0x8000;
	s24 =	simm.s32 $0x800;
	s25 =	simm.s32 $0x1000  }
.LBB2_6:
0x1c5: {  	[spmem:s3] =	stream.indirect.scatter.add.f32 @!p4 [tilespmem:s20], [sflag:$0x6], $0x1, s22, s19, $0xb8;
	[tilespmem:$0x1E580] =	vst v63  }
0x1c6: {  	s22 =	smov.u32 s25;
	s25 =	sadd.s32 $0x800, s25  }
0x1c7: {  	p1 =	sne.s32 s25, $0x4000  }
0x1c8: {  	s5 =	simm.s32 @!p1 $0x0  }
0x1c9: {  	s5 =	simm.s32 @p1 $0x1  }
0x1ca: {  	s0 =	simm.s32 @!p5 $0x4;
	[smem:$0x7F4] =	sst s5  }
0x1cb: {  	_ =	swait.ge @!p5 [sflag:s0], $0x2000  }
0x1cc: {  	p4 =	por !p6, p5;
	[sflag:s0] =	ssyncset.done @!p5 $0x0  }
0x1cd: {  	[sflag:s0] =	ssyncadd.s32 @!p5 $0xFFFFE000;
	s0 =	simm.s32 @!p4 $0x4  }
0x1ce: {  	_ =	swait.ge @!p4 [sflag:s0], $0x2000  }
0x1cf: {  	p1 =	por p6, p5;
	[sflag:s0] =	ssyncset.done @!p4 $0x0  }
0x1d0: {  	s5 =	sld [smem:$0x7FD];
	[sflag:s0] =	ssyncadd.s32 @!p4 $0xFFFFE000;
	s0 =	simm.s32 @!p1 $0x6  }
0x1d1: {  	_ =	swait.ge @!p1 [sflag:s0], $0x80  }
0x1d2: {  	[sflag:s0] =	ssyncset.done @!p1 $0x0  }
0x1d3: {  	p4 =	seq.s32 s5, $0x1;
	s5 =	simm.s32 @!p1 $0x4;
	[sflag:s0] =	ssyncadd.s32 @!p1 $0xFFFFFF80  }
0x1d4: {  	_ =	swait.ge @!p1 [sflag:s5], $0x2000  }
0x1d5: {  	[sflag:s5] =	ssyncset.done @!p1 $0x0  }
0x1d6: {  	[sflag:s5] =	ssyncadd.s32 @!p1 $0xFFFFE000  }
0x1d7: {  	_ =	swait.ge @!p1 [sflag:s0], $0x80  }
0x1d8: {  	s5 =	sshra.s32 s24, $0x2;
	[sflag:s0] =	ssyncset.done @!p1 $0x0  }
0x1d9: {  	s13 =	sadd.s32 $0x1100, s5;
	[sflag:s0] =	ssyncadd.s32 @!p1 $0xFFFFFF80  }
0x1da: {  	[tilespmem:s26], [sflag:$0x2] =	stream.indirect.gather [hbm4b:s9+s23], $0x40, s13, s23, $0xb8;
	[tilespmem:$0x1E580] =	vst v63  }
0x1db: {  	s14 =	sadd.s32 $0x1180, s5;
	s13 =	simm.s32 $0x8000  }
0x1dc: {  	[tilespmem:s13], [sflag:$0x2] =	stream.indirect.gather [hbm4b:s9+s23], $0x40, s14, s23, $0xb8;
	[tilespmem:$0x1E580] =	vst v63  }
0x1dd: {  	_ =	swait.ge [sflag:s29], $0x2000  }
0x1de: {  	[sflag:s29] =	ssyncset.done $0x0  }
0x1df: {  	[sflag:s29] =	ssyncadd.s32 $0xFFFFE000  }
0x1e0: {  	_ =	swait.ge [sflag:s29], $0x2000  }
0x1e1: {  	[sflag:s29] =	ssyncset.done $0x0  }
0x1e2: {  	s0 =	sshra.s32 @p2 s24, $0x2;
	[sflag:s29] =	ssyncadd.s32 $0xFFFFE000  }
0x1e3: {  	[spmem:s1] =	stream.indirect.scatter.add.f32 [tilespmem:s7], [sflag:$0x3], $0x40, s5, s23, $0xb8;
	[tilespmem:$0x1E580] =	vst v63  }
0x1e4: {  	s0 =	sadd.s32 @p2 $0x80, s0  }
0x1e5: {  	[spmem:s1] =	stream.indirect.scatter.add.f32 @p2 [tilespmem:s2], [sflag:$0x3], $0x40, s0, s28, $0xb8;
	[tilespmem:$0x1E580] =	vst v63  }
0x1e6: {  	s0 =	sshra.s32 @!p2 s24, $0x2  }
0x1e7: {  	[spmem:s3] =	stream.indirect.scatter.add.f32 @!p2 [tilespmem:s12], [sflag:$0x5], $0x1, s5, s11, $0xb8;
	[tilespmem:$0x1E580] =	vst v63  }
0x1e8: {  	s0 =	sadd.s32 @!p2 $0x80, s0  }
0x1e9: {  	[spmem:s1] =	stream.indirect.scatter.add.f32 @!p2 [tilespmem:s17], [sflag:$0x3], $0x40, s0, s11, $0xb8;
	[tilespmem:$0x1E580] =	vst v63  }
0x1ea: {  	_ = 	snop  }
0x1eb: {  	[spmem:s3] =	stream.indirect.scatter.add.f32 @!p2 [tilespmem:s12], [sflag:$0x5], $0x1, s0, s11, $0xb8;
	[tilespmem:$0x1E580] =	vst v63  }
0x1ec: {  	_ =	swait.ge [sflag:s30], $0x2000  }
0x1ed: {  	[sflag:s30] =	ssyncset.done $0x0  }
0x1ee: {  	[sflag:s30] =	ssyncadd.s32 $0xFFFFE000  }
0x1ef: {  	_ =	swait.ge @p2 [sflag:s8], $0x2000  }
0x1f0: {  	[sflag:s8] =	ssyncset.done @p2 $0x0  }
0x1f1: {  	[sflag:s8] =	ssyncadd.s32 @p2 $0xFFFFE000  }
0x1f2: {  	_ =	swait.ge @!p2 [sflag:s15], $0x80  }
0x1f3: {  	[sflag:s15] =	ssyncset.done @!p2 $0x0  }
0x1f4: {  	[sflag:s15] =	ssyncadd.s32 @!p2 $0xFFFFFF80  }
0x1f5: {  	p3 =	seq.s32 s22, $0x0;
	_ =	swait.ge @!p2 [sflag:s16], $0x2000  }
0x1f6: {  	p0 =	seq.s32 @!p3 s6, $0x0;
	[sflag:s16] =	ssyncset.done @!p2 $0x0  }
0x1f7: {  	p6 =	por p0, p0;
	p0 =	seq.s32 s24, $0x3800;
	[sflag:s16] =	ssyncadd.s32 @!p2 $0xFFFFE000  }
0x1f8: {  	s5 =	sshra.s32 @!p0 s24, $0x2;
	_ =	swait.ge @!p2 [sflag:s15], $0x80  }
0x1f9: {  	s13 =	simm.s32 @!p0 $0x2000;
	s14 =	sadd.s32 @!p0 $0x1200, s5;
	[sflag:s15] =	ssyncset.done @!p2 $0x0  }
0x1fa: {  	s0 =	sadd.s32 $0x400, s24;
	s24 =	simm.s32 @!p0 $0x80;
	[sflag:s15] =	ssyncadd.s32 @!p2 $0xFFFFFF80  }
0x1fb: {  	[tilespmem:s13], [sflag:$0x1] =	stream.indirect.gather @!p0 [hbm4b:s9+s24], $0x40, s14, s24, $0xb8;
	[tilespmem:$0x1E580] =	vst v63  }
0x1fc: {  	s5 =	sadd.s32 @!p0 $0x1280, s5;
	s13 =	simm.s32 @!p0 $0x4000  }
0x1fd: {  	[tilespmem:s13], [sflag:$0x1] =	stream.indirect.gather @!p0 [hbm4b:s9+s24], $0x40, s5, s24, $0xb8;
	[tilespmem:$0x1E580] =	vst v63  }
0x1fe: {  	_ =	swait.ge [sflag:s31], $0x2000  }
0x1ff: {  	[sflag:s31] =	ssyncset.done $0x0  }
0x200: {  	[sflag:s31] =	ssyncadd.s32 $0xFFFFE000  }
0x201: {  	_ =	swait.ge [sflag:s31], $0x2000  }
0x202: {  	s0 =	simm.s32 @p0 $0x3C00;
	[sflag:s31] =	ssyncset.done $0x0;
	s14 =	sld [smem:$0x7F4]  }
0x203: {  	s0 =	sshra.s32 s0, $0x2;
	[sflag:s31] =	ssyncadd.s32 $0xFFFFE000  }
0x204: {  	[spmem:s1] =	stream.indirect.scatter.add.f32 [tilespmem:s26], [sflag:$0x4], $0x40, s0, s23, $0xb8;
	[tilespmem:$0x1E580] =	vst v63  }
0x205: {  	s5 =	sadd.s32 @p4 $0x80, s0;
	p0 =	seq.s32 s14, $0x1  }
0x206: {  	[spmem:s1] =	stream.indirect.scatter.add.f32 @p4 [tilespmem:s21], [sflag:$0x4], $0x40, s5, s18, $0xb8;
	[tilespmem:$0x1E580] =	vst v63  }
.Ltmp2:
0x207: {  	_ = 	snop;
	(pc) =	sbr.rel @p0 .LBB2_6-.Ltmp2, $4  }
0x208: {  	_ = 	snop  }
0x209: {  	[spmem:s3] =	stream.indirect.scatter.add.f32 @!p4 [tilespmem:s20], [sflag:$0x6], $0x1, s0, s19, $0xb8;
	[tilespmem:$0x1E580] =	vst v63  }
0x20a: {  	p5 =	por p3, p3;
	s24 =	smov.u32 s22;
	s22 =	sadd.s32 @!p4 $0x80, s0  }
0x20b: {  	[spmem:s1] =	stream.indirect.scatter.add.f32 @!p4 [tilespmem:s10], [sflag:$0x4], $0x40, s22, s19, $0xb8;
	[tilespmem:$0x1E580] =	vst v63  }
0x20c: {  	[spmem:s3] =	stream.indirect.scatter.add.f32 @!p4 [tilespmem:s20], [sflag:$0x6], $0x1, s22, s19, $0xb8;
	[tilespmem:$0x1E580] =	vst v63  }
0x20d: {  	s0 =	simm.s32 @!p5 $0x4  }
0x20e: {  	_ =	swait.ge @!p5 [sflag:s0], $0x2000  }
0x20f: {  	p0 =	por !p6, p5;
	[sflag:s0] =	ssyncset.done @!p5 $0x0  }
0x210: {  	[sflag:s0] =	ssyncadd.s32 @!p5 $0xFFFFE000;
	s0 =	simm.s32 @!p0 $0x4  }
0x211: {  	_ =	swait.ge @!p0 [sflag:s0], $0x2000  }
0x212: {  	p1 =	por p6, p5;
	[sflag:s0] =	ssyncset.done @!p0 $0x0  }
0x213: {  	[sflag:s0] =	ssyncadd.s32 @!p0 $0xFFFFE000;
	s0 =	simm.s32 @!p1 $0x6  }
0x214: {  	_ =	swait.ge @!p1 [sflag:s0], $0x80  }
0x215: {  	[sflag:s0] =	ssyncset.done @!p1 $0x0  }
0x216: {  	s2 =	simm.s32 @!p1 $0x4;
	[sflag:s0] =	ssyncadd.s32 @!p1 $0xFFFFFF80  }
0x217: {  	_ =	swait.ge @!p1 [sflag:s2], $0x2000  }
0x218: {  	[sflag:s2] =	ssyncset.done @!p1 $0x0  }
0x219: {  	[sflag:s2] =	ssyncadd.s32 @!p1 $0xFFFFE000  }
0x21a: {  	_ =	swait.ge @!p1 [sflag:s0], $0x80  }
0x21b: {  	s2 =	sshra.s32 s24, $0x2;
	[sflag:s0] =	ssyncset.done @!p1 $0x0  }
0x21c: {  	s22 =	sadd.s32 $0x1100, s2;
	[sflag:s0] =	ssyncadd.s32 @!p1 $0xFFFFFF80  }
0x21d: {  	[tilespmem:s26], [sflag:$0x2] =	stream.indirect.gather [hbm4b:s9+s23], $0x40, s22, s23, $0xb8;
	[tilespmem:$0x1E580] =	vst v63  }
0x21e: {  	s7 =	simm.s32 $0x8000;
	s25 =	sadd.s32 $0x1180, s2  }
0x21f: {  	[tilespmem:s7], [sflag:$0x2] =	stream.indirect.gather [hbm4b:s9+s23], $0x40, s25, s23, $0xb8;
	[tilespmem:$0x1E580] =	vst v63  }
0x220: {  	_ =	swait.ge [sflag:s29], $0x2000  }
0x221: {  	[sflag:s29] =	ssyncset.done $0x0  }
0x222: {  	[sflag:s29] =	ssyncadd.s32 $0xFFFFE000  }
0x223: {  	_ =	swait.ge [sflag:s29], $0x2000  }
0x224: {  	[sflag:s29] =	ssyncset.done $0x0  }
0x225: {  	s0 =	sshra.s32 @p2 s24, $0x2;
	s22 =	simm.s32 $0x2000;
	[sflag:s29] =	ssyncadd.s32 $0xFFFFE000  }
0x226: {  	[spmem:s1] =	stream.indirect.scatter.add.f32 [tilespmem:s22], [sflag:$0x3], $0x40, s2, s23, $0xb8;
	[tilespmem:$0x1E580] =	vst v63  }
0x227: {  	s21 =	simm.s32 @p2 $0x80;
	s17 =	simm.s32 @p2 $0x4000;
	s0 =	sadd.s32 @p2 $0x80, s0  }
0x228: {  	[spmem:s1] =	stream.indirect.scatter.add.f32 @p2 [tilespmem:s17], [sflag:$0x3], $0x40, s0, s21, $0xb8;
	[tilespmem:$0x1E580] =	vst v63  }
0x229: {  	s11 =	simm.s32 @!p2 $0x80;
	s12 =	simm.s32 @!p2 $0xA000;
	s0 =	sshra.s32 @!p2 s24, $0x2  }
0x22a: {  	[spmem:s3] =	stream.indirect.scatter.add.f32 @!p2 [tilespmem:s12], [sflag:$0x5], $0x1, s2, s11, $0xb8;
	[tilespmem:$0x1E580] =	vst v63  }
0x22b: {  	s18 =	simm.s32 @!p2 $0x4000;
	s0 =	sadd.s32 @!p2 $0x80, s0  }
0x22c: {  	[spmem:s1] =	stream.indirect.scatter.add.f32 @!p2 [tilespmem:s18], [sflag:$0x3], $0x40, s0, s11, $0xb8;
	[tilespmem:$0x1E580] =	vst v63  }
0x22d: {  	_ = 	snop  }
0x22e: {  	[spmem:s3] =	stream.indirect.scatter.add.f32 @!p2 [tilespmem:s12], [sflag:$0x5], $0x1, s0, s11, $0xb8;
	[tilespmem:$0x1E580] =	vst v63  }
0x22f: {  	_ =	swait.ge [sflag:s30], $0x2000  }
0x230: {  	[sflag:s30] =	ssyncset.done $0x0  }
0x231: {  	s8 =	simm.s32 @p2 $0x3;
	[sflag:s30] =	ssyncadd.s32 $0xFFFFE000  }
0x232: {  	_ =	swait.ge @p2 [sflag:s8], $0x2000  }
0x233: {  	[sflag:s8] =	ssyncset.done @p2 $0x0  }
0x234: {  	s15 =	simm.s32 @!p2 $0x5;
	[sflag:s8] =	ssyncadd.s32 @p2 $0xFFFFE000  }
0x235: {  	_ =	swait.ge @!p2 [sflag:s15], $0x80  }
0x236: {  	[sflag:s15] =	ssyncset.done @!p2 $0x0  }
0x237: {  	s16 =	simm.s32 @!p2 $0x3;
	[sflag:s15] =	ssyncadd.s32 @!p2 $0xFFFFFF80  }
0x238: {  	_ =	swait.ge @!p2 [sflag:s16], $0x2000  }
0x239: {  	[sflag:s16] =	ssyncset.done @!p2 $0x0  }
0x23a: {  	[sflag:s16] =	ssyncadd.s32 @!p2 $0xFFFFE000  }
0x23b: {  	p0 =	seq.s32 s24, $0x3800;
	_ =	swait.ge @!p2 [sflag:s15], $0x80  }
0x23c: {  	s5 =	simm.s32 @!p0 $0x2000;
	s0 =	sshra.s32 @!p0 s24, $0x2;
	[sflag:s15] =	ssyncset.done @!p2 $0x0  }
0x23d: {  	s14 =	simm.s32 @!p0 $0x80;
	s13 =	sadd.s32 @!p0 $0x1200, s0;
	[sflag:s15] =	ssyncadd.s32 @!p2 $0xFFFFFF80  }
0x23e: {  	[tilespmem:s5], [sflag:$0x1] =	stream.indirect.gather @!p0 [hbm4b:s9+s14], $0x40, s13, s14, $0xb8;
	[tilespmem:$0x1E580] =	vst v63  }
0x23f: {  	s0 =	sadd.s32 @!p0 $0x1280, s0;
	s5 =	simm.s32 @!p0 $0x4000  }
0x240: {  	[tilespmem:s5], [sflag:$0x1] =	stream.indirect.gather @!p0 [hbm4b:s9+s14], $0x40, s0, s14, $0xb8;
	[tilespmem:$0x1E580] =	vst v63  }
0x241: {  	_ =	swait.ge [sflag:s31], $0x2000  }
0x242: {  	[sflag:s31] =	ssyncset.done $0x0  }
0x243: {  	[sflag:s31] =	ssyncadd.s32 $0xFFFFE000  }
0x244: {  	s0 =	sadd.s32 $0x400, s24;
	_ =	swait.ge [sflag:s31], $0x2000  }
0x245: {  	s0 =	simm.s32 @p0 $0x3C00;
	[sflag:s31] =	ssyncset.done $0x0  }
0x246: {  	s0 =	sshra.s32 s0, $0x2;
	[sflag:s31] =	ssyncadd.s32 $0xFFFFE000  }
0x247: {  	[spmem:s1] =	stream.indirect.scatter.add.f32 [tilespmem:s26], [sflag:$0x4], $0x40, s0, s23, $0xb8;
	[tilespmem:$0x1E580] =	vst v63  }
0x248: {  	s10 =	simm.s32 @p4 $0x80;
	s25 =	simm.s32 @p4 $0x8000;
	s5 =	sadd.s32 @p4 $0x80, s0  }
0x249: {  	[spmem:s1] =	stream.indirect.scatter.add.f32 @p4 [tilespmem:s25], [sflag:$0x4], $0x40, s5, s10, $0xb8;
	[tilespmem:$0x1E580] =	vst v63  }
0x24a: {  	s19 =	simm.s32 @!p4 $0x80;
	s20 =	simm.s32 @!p4 $0xA000  }
0x24b: {  	[spmem:s3] =	stream.indirect.scatter.add.f32 @!p4 [tilespmem:s20], [sflag:$0x6], $0x1, s0, s19, $0xb8;
	[tilespmem:$0x1E580] =	vst v63  }
0x24c: {  	s24 =	simm.s32 @!p4 $0x8000;
	s0 =	sadd.s32 @!p4 $0x80, s0  }
0x24d: {  	[spmem:s1] =	stream.indirect.scatter.add.f32 @!p4 [tilespmem:s24], [sflag:$0x4], $0x40, s0, s19, $0xb8;
	[tilespmem:$0x1E580] =	vst v63  }
0x24e: {  	s5 =	simm.s32 $0x4  }
0x24f: {  	[spmem:s3] =	stream.indirect.scatter.add.f32 @!p4 [tilespmem:s20], [sflag:$0x6], $0x1, s0, s19, $0xb8;
	[tilespmem:$0x1E580] =	vst v63  }
0x250: {  	_ =	swait.ge [sflag:s5], $0x2000  }
0x251: {  	[sflag:s5] =	ssyncset.done $0x0  }
0x252: {  	s0 =	simm.s32 @p4 $0x4;
	[sflag:s5] =	ssyncadd.s32 $0xFFFFE000  }
0x253: {  	_ =	swait.ge @p4 [sflag:s0], $0x2000  }
0x254: {  	[sflag:s0] =	ssyncset.done @p4 $0x0  }
0x255: {  	[sflag:s0] =	ssyncadd.s32 @p4 $0xFFFFE000;
	s0 =	simm.s32 @!p4 $0x6  }
0x256: {  	_ =	swait.ge @!p4 [sflag:s0], $0x80  }
0x257: {  	[sflag:s0] =	ssyncset.done @!p4 $0x0  }
0x258: {  	s5 =	simm.s32 @!p4 $0x4;
	[sflag:s0] =	ssyncadd.s32 @!p4 $0xFFFFFF80  }
0x259: {  	_ =	swait.ge @!p4 [sflag:s5], $0x2000  }
0x25a: {  	[sflag:s5] =	ssyncset.done @!p4 $0x0  }
0x25b: {  	[sflag:s5] =	ssyncadd.s32 @!p4 $0xFFFFE000  }
0x25c: {  	_ =	swait.ge @!p4 [sflag:s0], $0x80  }
0x25d: {  	[sflag:s0] =	ssyncset.done @!p4 $0x0  }
0x25e: {  	s13 =	rddreg [dreg:$0x1e];
	[sflag:s0] =	ssyncadd.s32 @!p4 $0xFFFFFF80;
	s0 =	simm.s32 $0x0  }
0x25f: {  	[tilespmem:s0], [sflag:$0x7] =	stream.linear.gather [hbm4b:s13+s0], $0x1000, $0x38;
	[tilespmem:$0x1E580] =	vst v63  }
0x260: {  	s13 =	simm.s32 $0x7  }
0x261: {  	_ =	swait.ge [sflag:s13], $0x1000  }
0x262: {  	[sflag:s13] =	ssyncset.done $0x0  }
0x263: {  	s2 =	simm.s32 $0x1000;
	s14 =	rddreg [dreg:$0x1f];
	[sflag:s13] =	ssyncadd.s32 $0xFFFFF000  }
0x264: {  	[tilespmem:s2], [sflag:$0x7] =	stream.linear.gather [hbm4b:s14+s0], $0x1000, $0x38;
	[tilespmem:$0x1E580] =	vst v63  }
0x265: {  	_ =	swait.ge [sflag:s13], $0x1000  }
0x266: {  	p0 =	por $0x1, $0x1;
	[sflag:s13] =	ssyncset.done $0x0  }
0x267: {  	p1 =	por p0, p0;
	p0 =	seq.s32 @!p0 s6, $0x0;
	[sflag:s13] =	ssyncadd.s32 $0xFFFFF000  }
0x268: {  	[tilespmem:s22], [sflag:$0x1] =	stream.indirect.gather [spmem:s4], $0x40, s2, s23, $0xb8;
	[tilespmem:$0x1E580] =	vst v63  }
0x269: {  	s14 =	simm.s32 $0x1080;
	s0 =	simm.s32 @!p1 $0x4;
	s2 =	simm.s32 $0x4000  }
0x26a: {  	[tilespmem:s2], [sflag:$0x1] =	stream.indirect.gather [spmem:s4], $0x40, s14, s23, $0xb8;
	[tilespmem:$0x1E580] =	vst v63  }
0x26b: {  	p0 =	por p0, p0;
	_ =	swait.ge @!p1 [sflag:s0], $0x2000  }
0x26c: {  	p3 =	por !p0, p1;
	[sflag:s0] =	ssyncset.done @!p1 $0x0  }
0x26d: {  	[sflag:s0] =	ssyncadd.s32 @!p1 $0xFFFFE000;
	s0 =	simm.s32 @!p3 $0x4  }
0x26e: {  	_ =	swait.ge @!p3 [sflag:s0], $0x2000  }
0x26f: {  	p0 =	por p0, p1;
	[sflag:s0] =	ssyncset.done @!p3 $0x0  }
0x270: {  	[sflag:s0] =	ssyncadd.s32 @!p3 $0xFFFFE000;
	s0 =	simm.s32 @!p0 $0x6  }
0x271: {  	_ =	swait.ge @!p0 [sflag:s0], $0x80  }
0x272: {  	[sflag:s0] =	ssyncset.done @!p0 $0x0  }
0x273: {  	s5 =	simm.s32 @!p0 $0x4;
	[sflag:s0] =	ssyncadd.s32 @!p0 $0xFFFFFF80  }
0x274: {  	_ =	swait.ge @!p0 [sflag:s5], $0x2000  }
0x275: {  	[sflag:s5] =	ssyncset.done @!p0 $0x0  }
0x276: {  	[sflag:s5] =	ssyncadd.s32 @!p0 $0xFFFFE000  }
0x277: {  	_ =	swait.ge @!p0 [sflag:s0], $0x80  }
0x278: {  	[sflag:s0] =	ssyncset.done @!p0 $0x0  }
0x279: {  	s13 =	simm.s32 $0x1100;
	[sflag:s0] =	ssyncadd.s32 @!p0 $0xFFFFFF80  }
0x27a: {  	[tilespmem:s26], [sflag:$0x2] =	stream.indirect.gather [spmem:s4], $0x40, s13, s23, $0xb8;
	[tilespmem:$0x1E580] =	vst v63  }
0x27b: {  	s14 =	simm.s32 $0x1180  }
0x27c: {  	[tilespmem:s7], [sflag:$0x2] =	stream.indirect.gather [spmem:s4], $0x40, s14, s23, $0xb8;
	[tilespmem:$0x1E580] =	vst v63  }
0x27d: {  	_ =	swait.ge [sflag:s29], $0x2000  }
0x27e: {  	[sflag:s29] =	ssyncset.done $0x0  }
0x27f: {  	[sflag:s29] =	ssyncadd.s32 $0xFFFFE000  }
0x280: {  	_ =	swait.ge [sflag:s29], $0x2000  }
0x281: {  	[sflag:s29] =	ssyncset.done $0x0  }
0x282: {  	s0 =	simm.s32 $0x0;
	[sflag:s29] =	ssyncadd.s32 $0xFFFFE000  }
0x283: {  	[spmem:s1] =	stream.indirect.scatter.add.f32 [tilespmem:s22], [sflag:$0x3], $0x40, s0, s23, $0xb8;
	[tilespmem:$0x1E580] =	vst v63  }
0x284: {  	s5 =	simm.s32 @p2 $0x80  }
0x285: {  	[spmem:s1] =	stream.indirect.scatter.add.f32 @p2 [tilespmem:s17], [sflag:$0x3], $0x40, s5, s21, $0xb8;
	[tilespmem:$0x1E580] =	vst v63  }
0x286: {  	_ = 	snop  }
0x287: {  	[spmem:s3] =	stream.indirect.scatter.add.f32 @!p2 [tilespmem:s12], [sflag:$0x5], $0x1, s0, s11, $0xb8;
	[tilespmem:$0x1E580] =	vst v63  }
0x288: {  	s0 =	simm.s32 @!p2 $0x80  }
0x289: {  	[spmem:s1] =	stream.indirect.scatter.add.f32 @!p2 [tilespmem:s18], [sflag:$0x3], $0x40, s0, s11, $0xb8;
	[tilespmem:$0x1E580] =	vst v63  }
0x28a: {  	_ = 	snop  }
0x28b: {  	[spmem:s3] =	stream.indirect.scatter.add.f32 @!p2 [tilespmem:s12], [sflag:$0x5], $0x1, s0, s11, $0xb8;
	[tilespmem:$0x1E580] =	vst v63  }
0x28c: {  	_ =	swait.ge [sflag:s30], $0x2000  }
0x28d: {  	[sflag:s30] =	ssyncset.done $0x0  }
0x28e: {  	[sflag:s30] =	ssyncadd.s32 $0xFFFFE000  }
0x28f: {  	_ =	swait.ge @p2 [sflag:s8], $0x2000  }
0x290: {  	[sflag:s8] =	ssyncset.done @p2 $0x0  }
0x291: {  	[sflag:s8] =	ssyncadd.s32 @p2 $0xFFFFE000  }
0x292: {  	_ =	swait.ge @!p2 [sflag:s15], $0x80  }
0x293: {  	[sflag:s15] =	ssyncset.done @!p2 $0x0  }
0x294: {  	[sflag:s15] =	ssyncadd.s32 @!p2 $0xFFFFFF80  }
0x295: {  	_ =	swait.ge @!p2 [sflag:s16], $0x2000  }
0x296: {  	[sflag:s16] =	ssyncset.done @!p2 $0x0  }
0x297: {  	[sflag:s16] =	ssyncadd.s32 @!p2 $0xFFFFE000  }
0x298: {  	p0 =	por $0x0, $0x0;
	_ =	swait.ge @!p2 [sflag:s15], $0x80  }
0x299: {  	s13 =	simm.s32 @!p0 $0x80;
	[sflag:s15] =	ssyncset.done @!p2 $0x0  }
0x29a: {  	s5 =	simm.s32 @!p0 $0x1200;
	s0 =	simm.s32 @!p0 $0x2000;
	[sflag:s15] =	ssyncadd.s32 @!p2 $0xFFFFFF80  }
0x29b: {  	[tilespmem:s0], [sflag:$0x1] =	stream.indirect.gather @!p0 [spmem:s4], $0x40, s5, s13, $0xb8;
	[tilespmem:$0x1E580] =	vst v63  }
0x29c: {  	s0 =	simm.s32 @!p0 $0x1280;
	s5 =	simm.s32 @!p0 $0x4000  }
0x29d: {  	[tilespmem:s5], [sflag:$0x1] =	stream.indirect.gather @!p0 [spmem:s4], $0x40, s0, s13, $0xb8;
	[tilespmem:$0x1E580] =	vst v63  }
0x29e: {  	_ =	swait.ge [sflag:s31], $0x2000  }
0x29f: {  	[sflag:s31] =	ssyncset.done $0x0  }
0x2a0: {  	[sflag:s31] =	ssyncadd.s32 $0xFFFFE000  }
0x2a1: {  	s28 =	simm.s32 @p2 $0x80;
	s0 =	simm.s32 $0x400;
	_ =	swait.ge [sflag:s31], $0x2000  }
0x2a2: {  	s2 =	simm.s32 @p2 $0x4000;
	s0 =	simm.s32 @p0 $0x3C00;
	[sflag:s31] =	ssyncset.done $0x0  }
0x2a3: {  	s7 =	simm.s32 $0x2000;
	s0 =	sshra.s32 s0, $0x2;
	[sflag:s31] =	ssyncadd.s32 $0xFFFFE000  }
0x2a4: {  	[spmem:s1] =	stream.indirect.scatter.add.f32 [tilespmem:s26], [sflag:$0x4], $0x40, s0, s23, $0xb8;
	[tilespmem:$0x1E580] =	vst v63  }
0x2a5: {  	s17 =	simm.s32 @!p2 $0x4000;
	p0 =	por $0x0, $0x0;
	s5 =	sadd.s32 @p4 $0x80, s0  }
0x2a6: {  	[spmem:s1] =	stream.indirect.scatter.add.f32 @p4 [tilespmem:s25], [sflag:$0x4], $0x40, s5, s10, $0xb8;
	[tilespmem:$0x1E580] =	vst v63  }
0x2a7: {  	s21 =	simm.s32 @p4 $0x8000;
	s18 =	simm.s32 @p4 $0x80;
	p1 =	seq.s32 @!p0 s6, $0x0  }
0x2a8: {  	[spmem:s3] =	stream.indirect.scatter.add.f32 @!p4 [tilespmem:s20], [sflag:$0x6], $0x1, s0, s19, $0xb8;
	[tilespmem:$0x1E580] =	vst v63  }
0x2a9: {  	p5 =	por p0, p0;
	s22 =	sadd.s32 @!p4 $0x80, s0;
	p6 =	por p1, p1  }
0x2aa: {  	[spmem:s1] =	stream.indirect.scatter.add.f32 @!p4 [tilespmem:s24], [sflag:$0x4], $0x40, s22, s19, $0xb8;
	[tilespmem:$0x1E580] =	vst v63  }
0x2ab: {  	s10 =	simm.s32 @!p4 $0x8000;
	s25 =	simm.s32 $0x1000;
	s24 =	simm.s32 $0x800  }
.LBB2_8:
0x2ac: {  	[spmem:s3] =	stream.indirect.scatter.add.f32 @!p4 [tilespmem:s20], [sflag:$0x6], $0x1, s22, s19, $0xb8;
	[tilespmem:$0x1E580] =	vst v63  }
0x2ad: {  	s22 =	smov.u32 s25;
	s25 =	sadd.s32 $0x800, s25  }
0x2ae: {  	p1 =	sne.s32 s25, $0x4000  }
0x2af: {  	s5 =	simm.s32 @!p1 $0x0  }
0x2b0: {  	s5 =	simm.s32 @p1 $0x1  }
0x2b1: {  	s0 =	simm.s32 @!p5 $0x4;
	[smem:$0x7F3] =	sst s5  }
0x2b2: {  	_ =	swait.ge @!p5 [sflag:s0], $0x2000  }
0x2b3: {  	p4 =	por !p6, p5;
	[sflag:s0] =	ssyncset.done @!p5 $0x0  }
0x2b4: {  	[sflag:s0] =	ssyncadd.s32 @!p5 $0xFFFFE000;
	s0 =	simm.s32 @!p4 $0x4  }
0x2b5: {  	_ =	swait.ge @!p4 [sflag:s0], $0x2000  }
0x2b6: {  	p1 =	por p6, p5;
	[sflag:s0] =	ssyncset.done @!p4 $0x0  }
0x2b7: {  	s5 =	sld [smem:$0x7FD];
	[sflag:s0] =	ssyncadd.s32 @!p4 $0xFFFFE000;
	s0 =	simm.s32 @!p1 $0x6  }
0x2b8: {  	_ =	swait.ge @!p1 [sflag:s0], $0x80  }
0x2b9: {  	[sflag:s0] =	ssyncset.done @!p1 $0x0  }
0x2ba: {  	p4 =	seq.s32 s5, $0x1;
	s5 =	simm.s32 @!p1 $0x4;
	[sflag:s0] =	ssyncadd.s32 @!p1 $0xFFFFFF80  }
0x2bb: {  	_ =	swait.ge @!p1 [sflag:s5], $0x2000  }
0x2bc: {  	[sflag:s5] =	ssyncset.done @!p1 $0x0  }
0x2bd: {  	[sflag:s5] =	ssyncadd.s32 @!p1 $0xFFFFE000  }
0x2be: {  	_ =	swait.ge @!p1 [sflag:s0], $0x80  }
0x2bf: {  	s5 =	sshra.s32 s24, $0x2;
	[sflag:s0] =	ssyncset.done @!p1 $0x0  }
0x2c0: {  	s13 =	sadd.s32 $0x1100, s5;
	[sflag:s0] =	ssyncadd.s32 @!p1 $0xFFFFFF80  }
0x2c1: {  	[tilespmem:s26], [sflag:$0x2] =	stream.indirect.gather [spmem:s4], $0x40, s13, s23, $0xb8;
	[tilespmem:$0x1E580] =	vst v63  }
0x2c2: {  	s14 =	sadd.s32 $0x1180, s5;
	s13 =	simm.s32 $0x8000  }
0x2c3: {  	[tilespmem:s13], [sflag:$0x2] =	stream.indirect.gather [spmem:s4], $0x40, s14, s23, $0xb8;
	[tilespmem:$0x1E580] =	vst v63  }
0x2c4: {  	_ =	swait.ge [sflag:s29], $0x2000  }
0x2c5: {  	[sflag:s29] =	ssyncset.done $0x0  }
0x2c6: {  	[sflag:s29] =	ssyncadd.s32 $0xFFFFE000  }
0x2c7: {  	_ =	swait.ge [sflag:s29], $0x2000  }
0x2c8: {  	[sflag:s29] =	ssyncset.done $0x0  }
0x2c9: {  	s0 =	sshra.s32 @p2 s24, $0x2;
	[sflag:s29] =	ssyncadd.s32 $0xFFFFE000  }
0x2ca: {  	[spmem:s1] =	stream.indirect.scatter.add.f32 [tilespmem:s7], [sflag:$0x3], $0x40, s5, s23, $0xb8;
	[tilespmem:$0x1E580] =	vst v63  }
0x2cb: {  	s0 =	sadd.s32 @p2 $0x80, s0  }
0x2cc: {  	[spmem:s1] =	stream.indirect.scatter.add.f32 @p2 [tilespmem:s2], [sflag:$0x3], $0x40, s0, s28, $0xb8;
	[tilespmem:$0x1E580] =	vst v63  }
0x2cd: {  	s0 =	sshra.s32 @!p2 s24, $0x2  }
0x2ce: {  	[spmem:s3] =	stream.indirect.scatter.add.f32 @!p2 [tilespmem:s12], [sflag:$0x5], $0x1, s5, s11, $0xb8;
	[tilespmem:$0x1E580] =	vst v63  }
0x2cf: {  	s0 =	sadd.s32 @!p2 $0x80, s0  }
0x2d0: {  	[spmem:s1] =	stream.indirect.scatter.add.f32 @!p2 [tilespmem:s17], [sflag:$0x3], $0x40, s0, s11, $0xb8;
	[tilespmem:$0x1E580] =	vst v63  }
0x2d1: {  	_ = 	snop  }
0x2d2: {  	[spmem:s3] =	stream.indirect.scatter.add.f32 @!p2 [tilespmem:s12], [sflag:$0x5], $0x1, s0, s11, $0xb8;
	[tilespmem:$0x1E580] =	vst v63  }
0x2d3: {  	_ =	swait.ge [sflag:s30], $0x2000  }
0x2d4: {  	[sflag:s30] =	ssyncset.done $0x0  }
0x2d5: {  	[sflag:s30] =	ssyncadd.s32 $0xFFFFE000  }
0x2d6: {  	_ =	swait.ge @p2 [sflag:s8], $0x2000  }
0x2d7: {  	[sflag:s8] =	ssyncset.done @p2 $0x0  }
0x2d8: {  	[sflag:s8] =	ssyncadd.s32 @p2 $0xFFFFE000  }
0x2d9: {  	_ =	swait.ge @!p2 [sflag:s15], $0x80  }
0x2da: {  	[sflag:s15] =	ssyncset.done @!p2 $0x0  }
0x2db: {  	[sflag:s15] =	ssyncadd.s32 @!p2 $0xFFFFFF80  }
0x2dc: {  	p3 =	seq.s32 s22, $0x0;
	_ =	swait.ge @!p2 [sflag:s16], $0x2000  }
0x2dd: {  	p0 =	seq.s32 @!p3 s6, $0x0;
	[sflag:s16] =	ssyncset.done @!p2 $0x0  }
0x2de: {  	p6 =	por p0, p0;
	p0 =	seq.s32 s24, $0x3800;
	[sflag:s16] =	ssyncadd.s32 @!p2 $0xFFFFE000  }
0x2df: {  	s5 =	sshra.s32 @!p0 s24, $0x2;
	_ =	swait.ge @!p2 [sflag:s15], $0x80  }
0x2e0: {  	s13 =	simm.s32 @!p0 $0x2000;
	s14 =	sadd.s32 @!p0 $0x1200, s5;
	[sflag:s15] =	ssyncset.done @!p2 $0x0  }
0x2e1: {  	s0 =	sadd.s32 $0x400, s24;
	s24 =	simm.s32 @!p0 $0x80;
	[sflag:s15] =	ssyncadd.s32 @!p2 $0xFFFFFF80  }
0x2e2: {  	[tilespmem:s13], [sflag:$0x1] =	stream.indirect.gather @!p0 [spmem:s4], $0x40, s14, s24, $0xb8;
	[tilespmem:$0x1E580] =	vst v63  }
0x2e3: {  	s5 =	sadd.s32 @!p0 $0x1280, s5;
	s13 =	simm.s32 @!p0 $0x4000  }
0x2e4: {  	[tilespmem:s13], [sflag:$0x1] =	stream.indirect.gather @!p0 [spmem:s4], $0x40, s5, s24, $0xb8;
	[tilespmem:$0x1E580] =	vst v63  }
0x2e5: {  	_ =	swait.ge [sflag:s31], $0x2000  }
0x2e6: {  	[sflag:s31] =	ssyncset.done $0x0  }
0x2e7: {  	[sflag:s31] =	ssyncadd.s32 $0xFFFFE000  }
0x2e8: {  	_ =	swait.ge [sflag:s31], $0x2000  }
0x2e9: {  	s0 =	simm.s32 @p0 $0x3C00;
	[sflag:s31] =	ssyncset.done $0x0;
	s14 =	sld [smem:$0x7F3]  }
0x2ea: {  	s0 =	sshra.s32 s0, $0x2;
	[sflag:s31] =	ssyncadd.s32 $0xFFFFE000  }
0x2eb: {  	[spmem:s1] =	stream.indirect.scatter.add.f32 [tilespmem:s26], [sflag:$0x4], $0x40, s0, s23, $0xb8;
	[tilespmem:$0x1E580] =	vst v63  }
0x2ec: {  	s5 =	sadd.s32 @p4 $0x80, s0;
	p0 =	seq.s32 s14, $0x1  }
0x2ed: {  	[spmem:s1] =	stream.indirect.scatter.add.f32 @p4 [tilespmem:s21], [sflag:$0x4], $0x40, s5, s18, $0xb8;
	[tilespmem:$0x1E580] =	vst v63  }
.Ltmp3:
0x2ee: {  	_ = 	snop;
	(pc) =	sbr.rel @p0 .LBB2_8-.Ltmp3, $4  }
0x2ef: {  	_ = 	snop  }
0x2f0: {  	[spmem:s3] =	stream.indirect.scatter.add.f32 @!p4 [tilespmem:s20], [sflag:$0x6], $0x1, s0, s19, $0xb8;
	[tilespmem:$0x1E580] =	vst v63  }
0x2f1: {  	p5 =	por p3, p3;
	s24 =	smov.u32 s22;
	s22 =	sadd.s32 @!p4 $0x80, s0  }
0x2f2: {  	[spmem:s1] =	stream.indirect.scatter.add.f32 @!p4 [tilespmem:s10], [sflag:$0x4], $0x40, s22, s19, $0xb8;
	[tilespmem:$0x1E580] =	vst v63  }
0x2f3: {  	[spmem:s3] =	stream.indirect.scatter.add.f32 @!p4 [tilespmem:s20], [sflag:$0x6], $0x1, s22, s19, $0xb8;
	[tilespmem:$0x1E580] =	vst v63  }
0x2f4: {  	s0 =	simm.s32 @!p5 $0x4  }
0x2f5: {  	_ =	swait.ge @!p5 [sflag:s0], $0x2000  }
0x2f6: {  	p0 =	por !p6, p5;
	[sflag:s0] =	ssyncset.done @!p5 $0x0  }
0x2f7: {  	[sflag:s0] =	ssyncadd.s32 @!p5 $0xFFFFE000;
	s0 =	simm.s32 @!p0 $0x4  }
0x2f8: {  	_ =	swait.ge @!p0 [sflag:s0], $0x2000  }
0x2f9: {  	p1 =	por p6, p5;
	[sflag:s0] =	ssyncset.done @!p0 $0x0  }
0x2fa: {  	[sflag:s0] =	ssyncadd.s32 @!p0 $0xFFFFE000;
	s0 =	simm.s32 @!p1 $0x6  }
0x2fb: {  	_ =	swait.ge @!p1 [sflag:s0], $0x80  }
0x2fc: {  	[sflag:s0] =	ssyncset.done @!p1 $0x0  }
0x2fd: {  	s2 =	simm.s32 @!p1 $0x4;
	[sflag:s0] =	ssyncadd.s32 @!p1 $0xFFFFFF80  }
0x2fe: {  	_ =	swait.ge @!p1 [sflag:s2], $0x2000  }
0x2ff: {  	[sflag:s2] =	ssyncset.done @!p1 $0x0  }
0x300: {  	[sflag:s2] =	ssyncadd.s32 @!p1 $0xFFFFE000  }
0x301: {  	_ =	swait.ge @!p1 [sflag:s0], $0x80  }
0x302: {  	s2 =	sshra.s32 s24, $0x2;
	[sflag:s0] =	ssyncset.done @!p1 $0x0  }
0x303: {  	s22 =	sadd.s32 $0x1100, s2;
	[sflag:s0] =	ssyncadd.s32 @!p1 $0xFFFFFF80  }
0x304: {  	[tilespmem:s26], [sflag:$0x2] =	stream.indirect.gather [spmem:s4], $0x40, s22, s23, $0xb8;
	[tilespmem:$0x1E580] =	vst v63  }
0x305: {  	s7 =	simm.s32 $0x8000;
	s25 =	sadd.s32 $0x1180, s2  }
0x306: {  	[tilespmem:s7], [sflag:$0x2] =	stream.indirect.gather [spmem:s4], $0x40, s25, s23, $0xb8;
	[tilespmem:$0x1E580] =	vst v63  }
0x307: {  	_ =	swait.ge [sflag:s29], $0x2000  }
0x308: {  	[sflag:s29] =	ssyncset.done $0x0  }
0x309: {  	[sflag:s29] =	ssyncadd.s32 $0xFFFFE000  }
0x30a: {  	_ =	swait.ge [sflag:s29], $0x2000  }
0x30b: {  	[sflag:s29] =	ssyncset.done $0x0  }
0x30c: {  	s0 =	sshra.s32 @p2 s24, $0x2;
	s22 =	simm.s32 $0x2000;
	[sflag:s29] =	ssyncadd.s32 $0xFFFFE000  }
0x30d: {  	[spmem:s1] =	stream.indirect.scatter.add.f32 [tilespmem:s22], [sflag:$0x3], $0x40, s2, s23, $0xb8;
	[tilespmem:$0x1E580] =	vst v63  }
0x30e: {  	s21 =	simm.s32 @p2 $0x80;
	s17 =	simm.s32 @p2 $0x4000;
	s0 =	sadd.s32 @p2 $0x80, s0  }
0x30f: {  	[spmem:s1] =	stream.indirect.scatter.add.f32 @p2 [tilespmem:s17], [sflag:$0x3], $0x40, s0, s21, $0xb8;
	[tilespmem:$0x1E580] =	vst v63  }
0x310: {  	s11 =	simm.s32 @!p2 $0x80;
	s12 =	simm.s32 @!p2 $0xA000;
	s0 =	sshra.s32 @!p2 s24, $0x2  }
0x311: {  	[spmem:s3] =	stream.indirect.scatter.add.f32 @!p2 [tilespmem:s12], [sflag:$0x5], $0x1, s2, s11, $0xb8;
	[tilespmem:$0x1E580] =	vst v63  }
0x312: {  	s18 =	simm.s32 @!p2 $0x4000;
	s0 =	sadd.s32 @!p2 $0x80, s0  }
0x313: {  	[spmem:s1] =	stream.indirect.scatter.add.f32 @!p2 [tilespmem:s18], [sflag:$0x3], $0x40, s0, s11, $0xb8;
	[tilespmem:$0x1E580] =	vst v63  }
0x314: {  	_ = 	snop  }
0x315: {  	[spmem:s3] =	stream.indirect.scatter.add.f32 @!p2 [tilespmem:s12], [sflag:$0x5], $0x1, s0, s11, $0xb8;
	[tilespmem:$0x1E580] =	vst v63  }
0x316: {  	_ =	swait.ge [sflag:s30], $0x2000  }
0x317: {  	[sflag:s30] =	ssyncset.done $0x0  }
0x318: {  	s8 =	simm.s32 @p2 $0x3;
	[sflag:s30] =	ssyncadd.s32 $0xFFFFE000  }
0x319: {  	_ =	swait.ge @p2 [sflag:s8], $0x2000  }
0x31a: {  	[sflag:s8] =	ssyncset.done @p2 $0x0  }
0x31b: {  	s15 =	simm.s32 @!p2 $0x5;
	[sflag:s8] =	ssyncadd.s32 @p2 $0xFFFFE000  }
0x31c: {  	_ =	swait.ge @!p2 [sflag:s15], $0x80  }
0x31d: {  	[sflag:s15] =	ssyncset.done @!p2 $0x0  }
0x31e: {  	s16 =	simm.s32 @!p2 $0x3;
	[sflag:s15] =	ssyncadd.s32 @!p2 $0xFFFFFF80  }
0x31f: {  	_ =	swait.ge @!p2 [sflag:s16], $0x2000  }
0x320: {  	[sflag:s16] =	ssyncset.done @!p2 $0x0  }
0x321: {  	[sflag:s16] =	ssyncadd.s32 @!p2 $0xFFFFE000  }
0x322: {  	p0 =	seq.s32 s24, $0x3800;
	_ =	swait.ge @!p2 [sflag:s15], $0x80  }
0x323: {  	s5 =	simm.s32 @!p0 $0x2000;
	s0 =	sshra.s32 @!p0 s24, $0x2;
	[sflag:s15] =	ssyncset.done @!p2 $0x0  }
0x324: {  	s14 =	simm.s32 @!p0 $0x80;
	s13 =	sadd.s32 @!p0 $0x1200, s0;
	[sflag:s15] =	ssyncadd.s32 @!p2 $0xFFFFFF80  }
0x325: {  	[tilespmem:s5], [sflag:$0x1] =	stream.indirect.gather @!p0 [spmem:s4], $0x40, s13, s14, $0xb8;
	[tilespmem:$0x1E580] =	vst v63  }
0x326: {  	s0 =	sadd.s32 @!p0 $0x1280, s0;
	s5 =	simm.s32 @!p0 $0x4000  }
0x327: {  	[tilespmem:s5], [sflag:$0x1] =	stream.indirect.gather @!p0 [spmem:s4], $0x40, s0, s14, $0xb8;
	[tilespmem:$0x1E580] =	vst v63  }
0x328: {  	_ =	swait.ge [sflag:s31], $0x2000  }
0x329: {  	[sflag:s31] =	ssyncset.done $0x0  }
0x32a: {  	[sflag:s31] =	ssyncadd.s32 $0xFFFFE000  }
0x32b: {  	s0 =	sadd.s32 $0x400, s24;
	_ =	swait.ge [sflag:s31], $0x2000  }
0x32c: {  	s0 =	simm.s32 @p0 $0x3C00;
	[sflag:s31] =	ssyncset.done $0x0  }
0x32d: {  	s0 =	sshra.s32 s0, $0x2;
	[sflag:s31] =	ssyncadd.s32 $0xFFFFE000  }
0x32e: {  	[spmem:s1] =	stream.indirect.scatter.add.f32 [tilespmem:s26], [sflag:$0x4], $0x40, s0, s23, $0xb8;
	[tilespmem:$0x1E580] =	vst v63  }
0x32f: {  	s10 =	simm.s32 @p4 $0x80;
	s25 =	simm.s32 @p4 $0x8000;
	s5 =	sadd.s32 @p4 $0x80, s0  }
0x330: {  	[spmem:s1] =	stream.indirect.scatter.add.f32 @p4 [tilespmem:s25], [sflag:$0x4], $0x40, s5, s10, $0xb8;
	[tilespmem:$0x1E580] =	vst v63  }
0x331: {  	s19 =	simm.s32 @!p4 $0x80;
	s20 =	simm.s32 @!p4 $0xA000  }
0x332: {  	[spmem:s3] =	stream.indirect.scatter.add.f32 @!p4 [tilespmem:s20], [sflag:$0x6], $0x1, s0, s19, $0xb8;
	[tilespmem:$0x1E580] =	vst v63  }
0x333: {  	s24 =	simm.s32 @!p4 $0x8000;
	s0 =	sadd.s32 @!p4 $0x80, s0  }
0x334: {  	[spmem:s1] =	stream.indirect.scatter.add.f32 @!p4 [tilespmem:s24], [sflag:$0x4], $0x40, s0, s19, $0xb8;
	[tilespmem:$0x1E580] =	vst v63  }
0x335: {  	s5 =	simm.s32 $0x4  }
0x336: {  	[spmem:s3] =	stream.indirect.scatter.add.f32 @!p4 [tilespmem:s20], [sflag:$0x6], $0x1, s0, s19, $0xb8;
	[tilespmem:$0x1E580] =	vst v63  }
0x337: {  	_ =	swait.ge [sflag:s5], $0x2000  }
0x338: {  	[sflag:s5] =	ssyncset.done $0x0  }
0x339: {  	s0 =	simm.s32 @p4 $0x4;
	[sflag:s5] =	ssyncadd.s32 $0xFFFFE000  }
0x33a: {  	_ =	swait.ge @p4 [sflag:s0], $0x2000  }
0x33b: {  	[sflag:s0] =	ssyncset.done @p4 $0x0  }
0x33c: {  	[sflag:s0] =	ssyncadd.s32 @p4 $0xFFFFE000;
	s0 =	simm.s32 @!p4 $0x6  }
0x33d: {  	_ =	swait.ge @!p4 [sflag:s0], $0x80  }
0x33e: {  	[sflag:s0] =	ssyncset.done @!p4 $0x0  }
0x33f: {  	s5 =	simm.s32 @!p4 $0x4;
	[sflag:s0] =	ssyncadd.s32 @!p4 $0xFFFFFF80  }
0x340: {  	_ =	swait.ge @!p4 [sflag:s5], $0x2000  }
0x341: {  	[sflag:s5] =	ssyncset.done @!p4 $0x0  }
0x342: {  	[sflag:s5] =	ssyncadd.s32 @!p4 $0xFFFFE000  }
0x343: {  	_ =	swait.ge @!p4 [sflag:s0], $0x80  }
0x344: {  	s13 =	sld [smem:$0x7F9]  }
0x345: {  	[sflag:s0] =	ssyncset.done @!p4 $0x0  }
0x346: {  	[sflag:s0] =	ssyncadd.s32 @!p4 $0xFFFFFF80;
	s0 =	simm.s32 $0x0  }
0x347: {  	[tilespmem:s0], [sflag:$0x7] =	stream.linear.gather [hbm4b:s13+s0], $0x1000, $0x38;
	[tilespmem:$0x1E580] =	vst v63  }
0x348: {  	s13 =	simm.s32 $0x7  }
0x349: {  	_ =	swait.ge [sflag:s13], $0x1000  }
0x34a: {  	s14 =	sld [smem:$0x7FA]  }
0x34b: {  	[sflag:s13] =	ssyncset.done $0x0  }
0x34c: {  	s2 =	simm.s32 $0x1000;
	[sflag:s13] =	ssyncadd.s32 $0xFFFFF000  }
0x34d: {  	[tilespmem:s2], [sflag:$0x7] =	stream.linear.gather [hbm4b:s14+s0], $0x1000, $0x38;
	[tilespmem:$0x1E580] =	vst v63  }
0x34e: {  	_ =	swait.ge [sflag:s13], $0x1000  }
0x34f: {  	p0 =	por $0x1, $0x1;
	[sflag:s13] =	ssyncset.done $0x0  }
0x350: {  	p1 =	por p0, p0;
	p0 =	seq.s32 @!p0 s6, $0x0;
	[sflag:s13] =	ssyncadd.s32 $0xFFFFF000  }
0x351: {  	[tilespmem:s22], [sflag:$0x1] =	stream.indirect.gather [hbm4b:s9+s23], $0x40, s2, s23, $0xb8;
	[tilespmem:$0x1E580] =	vst v63  }
0x352: {  	s14 =	simm.s32 $0x1080;
	s0 =	simm.s32 @!p1 $0x4;
	s2 =	simm.s32 $0x4000  }
0x353: {  	[tilespmem:s2], [sflag:$0x1] =	stream.indirect.gather [hbm4b:s9+s23], $0x40, s14, s23, $0xb8;
	[tilespmem:$0x1E580] =	vst v63  }
0x354: {  	p0 =	por p0, p0;
	_ =	swait.ge @!p1 [sflag:s0], $0x2000  }
0x355: {  	p3 =	por !p0, p1;
	[sflag:s0] =	ssyncset.done @!p1 $0x0  }
0x356: {  	[sflag:s0] =	ssyncadd.s32 @!p1 $0xFFFFE000;
	s0 =	simm.s32 @!p3 $0x4  }
0x357: {  	_ =	swait.ge @!p3 [sflag:s0], $0x2000  }
0x358: {  	p0 =	por p0, p1;
	[sflag:s0] =	ssyncset.done @!p3 $0x0  }
0x359: {  	[sflag:s0] =	ssyncadd.s32 @!p3 $0xFFFFE000;
	s0 =	simm.s32 @!p0 $0x6  }
0x35a: {  	_ =	swait.ge @!p0 [sflag:s0], $0x80  }
0x35b: {  	[sflag:s0] =	ssyncset.done @!p0 $0x0  }
0x35c: {  	s5 =	simm.s32 @!p0 $0x4;
	[sflag:s0] =	ssyncadd.s32 @!p0 $0xFFFFFF80  }
0x35d: {  	_ =	swait.ge @!p0 [sflag:s5], $0x2000  }
0x35e: {  	[sflag:s5] =	ssyncset.done @!p0 $0x0  }
0x35f: {  	[sflag:s5] =	ssyncadd.s32 @!p0 $0xFFFFE000  }
0x360: {  	_ =	swait.ge @!p0 [sflag:s0], $0x80  }
0x361: {  	[sflag:s0] =	ssyncset.done @!p0 $0x0  }
0x362: {  	s13 =	simm.s32 $0x1100;
	[sflag:s0] =	ssyncadd.s32 @!p0 $0xFFFFFF80  }
0x363: {  	[tilespmem:s26], [sflag:$0x2] =	stream.indirect.gather [hbm4b:s9+s23], $0x40, s13, s23, $0xb8;
	[tilespmem:$0x1E580] =	vst v63  }
0x364: {  	s14 =	simm.s32 $0x1180  }
0x365: {  	[tilespmem:s7], [sflag:$0x2] =	stream.indirect.gather [hbm4b:s9+s23], $0x40, s14, s23, $0xb8;
	[tilespmem:$0x1E580] =	vst v63  }
0x366: {  	_ =	swait.ge [sflag:s29], $0x2000  }
0x367: {  	[sflag:s29] =	ssyncset.done $0x0  }
0x368: {  	[sflag:s29] =	ssyncadd.s32 $0xFFFFE000  }
0x369: {  	_ =	swait.ge [sflag:s29], $0x2000  }
0x36a: {  	[sflag:s29] =	ssyncset.done $0x0  }
0x36b: {  	s0 =	simm.s32 $0x0;
	[sflag:s29] =	ssyncadd.s32 $0xFFFFE000  }
0x36c: {  	[spmem:s1] =	stream.indirect.scatter.add.f32 [tilespmem:s22], [sflag:$0x3], $0x40, s0, s23, $0xb8;
	[tilespmem:$0x1E580] =	vst v63  }
0x36d: {  	s5 =	simm.s32 @p2 $0x80  }
0x36e: {  	[spmem:s1] =	stream.indirect.scatter.add.f32 @p2 [tilespmem:s17], [sflag:$0x3], $0x40, s5, s21, $0xb8;
	[tilespmem:$0x1E580] =	vst v63  }
0x36f: {  	_ = 	snop  }
0x370: {  	[spmem:s3] =	stream.indirect.scatter.add.f32 @!p2 [tilespmem:s12], [sflag:$0x5], $0x1, s0, s11, $0xb8;
	[tilespmem:$0x1E580] =	vst v63  }
0x371: {  	s0 =	simm.s32 @!p2 $0x80  }
0x372: {  	[spmem:s1] =	stream.indirect.scatter.add.f32 @!p2 [tilespmem:s18], [sflag:$0x3], $0x40, s0, s11, $0xb8;
	[tilespmem:$0x1E580] =	vst v63  }
0x373: {  	_ = 	snop  }
0x374: {  	[spmem:s3] =	stream.indirect.scatter.add.f32 @!p2 [tilespmem:s12], [sflag:$0x5], $0x1, s0, s11, $0xb8;
	[tilespmem:$0x1E580] =	vst v63  }
0x375: {  	_ =	swait.ge [sflag:s30], $0x2000  }
0x376: {  	[sflag:s30] =	ssyncset.done $0x0  }
0x377: {  	[sflag:s30] =	ssyncadd.s32 $0xFFFFE000  }
0x378: {  	_ =	swait.ge @p2 [sflag:s8], $0x2000  }
0x379: {  	[sflag:s8] =	ssyncset.done @p2 $0x0  }
0x37a: {  	[sflag:s8] =	ssyncadd.s32 @p2 $0xFFFFE000  }
0x37b: {  	_ =	swait.ge @!p2 [sflag:s15], $0x80  }
0x37c: {  	[sflag:s15] =	ssyncset.done @!p2 $0x0  }
0x37d: {  	[sflag:s15] =	ssyncadd.s32 @!p2 $0xFFFFFF80  }
0x37e: {  	_ =	swait.ge @!p2 [sflag:s16], $0x2000  }
0x37f: {  	[sflag:s16] =	ssyncset.done @!p2 $0x0  }
0x380: {  	[sflag:s16] =	ssyncadd.s32 @!p2 $0xFFFFE000  }
0x381: {  	p0 =	por $0x0, $0x0;
	_ =	swait.ge @!p2 [sflag:s15], $0x80  }
0x382: {  	s13 =	simm.s32 @!p0 $0x80;
	[sflag:s15] =	ssyncset.done @!p2 $0x0  }
0x383: {  	s5 =	simm.s32 @!p0 $0x1200;
	s0 =	simm.s32 @!p0 $0x2000;
	[sflag:s15] =	ssyncadd.s32 @!p2 $0xFFFFFF80  }
0x384: {  	[tilespmem:s0], [sflag:$0x1] =	stream.indirect.gather @!p0 [hbm4b:s9+s13], $0x40, s5, s13, $0xb8;
	[tilespmem:$0x1E580] =	vst v63  }
0x385: {  	s0 =	simm.s32 @!p0 $0x1280;
	s5 =	simm.s32 @!p0 $0x4000  }
0x386: {  	[tilespmem:s5], [sflag:$0x1] =	stream.indirect.gather @!p0 [hbm4b:s9+s13], $0x40, s0, s13, $0xb8;
	[tilespmem:$0x1E580] =	vst v63  }
0x387: {  	_ =	swait.ge [sflag:s31], $0x2000  }
0x388: {  	[sflag:s31] =	ssyncset.done $0x0  }
0x389: {  	[sflag:s31] =	ssyncadd.s32 $0xFFFFE000  }
0x38a: {  	s28 =	simm.s32 @p2 $0x80;
	s0 =	simm.s32 $0x400;
	_ =	swait.ge [sflag:s31], $0x2000  }
0x38b: {  	s2 =	simm.s32 @p2 $0x4000;
	s0 =	simm.s32 @p0 $0x3C00;
	[sflag:s31] =	ssyncset.done $0x0  }
0x38c: {  	s7 =	simm.s32 $0x2000;
	s0 =	sshra.s32 s0, $0x2;
	[sflag:s31] =	ssyncadd.s32 $0xFFFFE000  }
0x38d: {  	[spmem:s1] =	stream.indirect.scatter.add.f32 [tilespmem:s26], [sflag:$0x4], $0x40, s0, s23, $0xb8;
	[tilespmem:$0x1E580] =	vst v63  }
0x38e: {  	s17 =	simm.s32 @!p2 $0x4000;
	p0 =	por $0x0, $0x0;
	s5 =	sadd.s32 @p4 $0x80, s0  }
0x38f: {  	[spmem:s1] =	stream.indirect.scatter.add.f32 @p4 [tilespmem:s25], [sflag:$0x4], $0x40, s5, s10, $0xb8;
	[tilespmem:$0x1E580] =	vst v63  }
0x390: {  	s21 =	simm.s32 @p4 $0x8000;
	s18 =	simm.s32 @p4 $0x80;
	p1 =	seq.s32 @!p0 s6, $0x0  }
0x391: {  	[spmem:s3] =	stream.indirect.scatter.add.f32 @!p4 [tilespmem:s20], [sflag:$0x6], $0x1, s0, s19, $0xb8;
	[tilespmem:$0x1E580] =	vst v63  }
0x392: {  	p5 =	por p0, p0;
	s22 =	sadd.s32 @!p4 $0x80, s0;
	p6 =	por p1, p1  }
0x393: {  	[spmem:s1] =	stream.indirect.scatter.add.f32 @!p4 [tilespmem:s24], [sflag:$0x4], $0x40, s22, s19, $0xb8;
	[tilespmem:$0x1E580] =	vst v63  }
0x394: {  	s10 =	simm.s32 @!p4 $0x8000;
	s25 =	simm.s32 $0x1000;
	s24 =	simm.s32 $0x800  }
.LBB2_10:
0x395: {  	[spmem:s3] =	stream.indirect.scatter.add.f32 @!p4 [tilespmem:s20], [sflag:$0x6], $0x1, s22, s19, $0xb8;
	[tilespmem:$0x1E580] =	vst v63  }
0x396: {  	s22 =	smov.u32 s25;
	s25 =	sadd.s32 $0x800, s25  }
0x397: {  	p1 =	sne.s32 s25, $0x4000  }
0x398: {  	s5 =	simm.s32 @!p1 $0x0  }
0x399: {  	s5 =	simm.s32 @p1 $0x1  }
0x39a: {  	s0 =	simm.s32 @!p5 $0x4;
	[smem:$0x7F2] =	sst s5  }
0x39b: {  	_ =	swait.ge @!p5 [sflag:s0], $0x2000  }
0x39c: {  	p4 =	por !p6, p5;
	[sflag:s0] =	ssyncset.done @!p5 $0x0  }
0x39d: {  	[sflag:s0] =	ssyncadd.s32 @!p5 $0xFFFFE000;
	s0 =	simm.s32 @!p4 $0x4  }
0x39e: {  	_ =	swait.ge @!p4 [sflag:s0], $0x2000  }
0x39f: {  	p1 =	por p6, p5;
	[sflag:s0] =	ssyncset.done @!p4 $0x0  }
0x3a0: {  	s5 =	sld [smem:$0x7FD];
	[sflag:s0] =	ssyncadd.s32 @!p4 $0xFFFFE000;
	s0 =	simm.s32 @!p1 $0x6  }
0x3a1: {  	_ =	swait.ge @!p1 [sflag:s0], $0x80  }
0x3a2: {  	[sflag:s0] =	ssyncset.done @!p1 $0x0  }
0x3a3: {  	p4 =	seq.s32 s5, $0x1;
	s5 =	simm.s32 @!p1 $0x4;
	[sflag:s0] =	ssyncadd.s32 @!p1 $0xFFFFFF80  }
0x3a4: {  	_ =	swait.ge @!p1 [sflag:s5], $0x2000  }
0x3a5: {  	[sflag:s5] =	ssyncset.done @!p1 $0x0  }
0x3a6: {  	[sflag:s5] =	ssyncadd.s32 @!p1 $0xFFFFE000  }
0x3a7: {  	_ =	swait.ge @!p1 [sflag:s0], $0x80  }
0x3a8: {  	s5 =	sshra.s32 s24, $0x2;
	[sflag:s0] =	ssyncset.done @!p1 $0x0  }
0x3a9: {  	s13 =	sadd.s32 $0x1100, s5;
	[sflag:s0] =	ssyncadd.s32 @!p1 $0xFFFFFF80  }
0x3aa: {  	[tilespmem:s26], [sflag:$0x2] =	stream.indirect.gather [hbm4b:s9+s23], $0x40, s13, s23, $0xb8;
	[tilespmem:$0x1E580] =	vst v63  }
0x3ab: {  	s14 =	sadd.s32 $0x1180, s5;
	s13 =	simm.s32 $0x8000  }
0x3ac: {  	[tilespmem:s13], [sflag:$0x2] =	stream.indirect.gather [hbm4b:s9+s23], $0x40, s14, s23, $0xb8;
	[tilespmem:$0x1E580] =	vst v63  }
0x3ad: {  	_ =	swait.ge [sflag:s29], $0x2000  }
0x3ae: {  	[sflag:s29] =	ssyncset.done $0x0  }
0x3af: {  	[sflag:s29] =	ssyncadd.s32 $0xFFFFE000  }
0x3b0: {  	_ =	swait.ge [sflag:s29], $0x2000  }
0x3b1: {  	[sflag:s29] =	ssyncset.done $0x0  }
0x3b2: {  	s0 =	sshra.s32 @p2 s24, $0x2;
	[sflag:s29] =	ssyncadd.s32 $0xFFFFE000  }
0x3b3: {  	[spmem:s1] =	stream.indirect.scatter.add.f32 [tilespmem:s7], [sflag:$0x3], $0x40, s5, s23, $0xb8;
	[tilespmem:$0x1E580] =	vst v63  }
0x3b4: {  	s0 =	sadd.s32 @p2 $0x80, s0  }
0x3b5: {  	[spmem:s1] =	stream.indirect.scatter.add.f32 @p2 [tilespmem:s2], [sflag:$0x3], $0x40, s0, s28, $0xb8;
	[tilespmem:$0x1E580] =	vst v63  }
0x3b6: {  	s0 =	sshra.s32 @!p2 s24, $0x2  }
0x3b7: {  	[spmem:s3] =	stream.indirect.scatter.add.f32 @!p2 [tilespmem:s12], [sflag:$0x5], $0x1, s5, s11, $0xb8;
	[tilespmem:$0x1E580] =	vst v63  }
0x3b8: {  	s0 =	sadd.s32 @!p2 $0x80, s0  }
0x3b9: {  	[spmem:s1] =	stream.indirect.scatter.add.f32 @!p2 [tilespmem:s17], [sflag:$0x3], $0x40, s0, s11, $0xb8;
	[tilespmem:$0x1E580] =	vst v63  }
0x3ba: {  	_ = 	snop  }
0x3bb: {  	[spmem:s3] =	stream.indirect.scatter.add.f32 @!p2 [tilespmem:s12], [sflag:$0x5], $0x1, s0, s11, $0xb8;
	[tilespmem:$0x1E580] =	vst v63  }
0x3bc: {  	_ =	swait.ge [sflag:s30], $0x2000  }
0x3bd: {  	[sflag:s30] =	ssyncset.done $0x0  }
0x3be: {  	[sflag:s30] =	ssyncadd.s32 $0xFFFFE000  }
0x3bf: {  	_ =	swait.ge @p2 [sflag:s8], $0x2000  }
0x3c0: {  	[sflag:s8] =	ssyncset.done @p2 $0x0  }
0x3c1: {  	[sflag:s8] =	ssyncadd.s32 @p2 $0xFFFFE000  }
0x3c2: {  	_ =	swait.ge @!p2 [sflag:s15], $0x80  }
0x3c3: {  	[sflag:s15] =	ssyncset.done @!p2 $0x0  }
0x3c4: {  	[sflag:s15] =	ssyncadd.s32 @!p2 $0xFFFFFF80  }
0x3c5: {  	p3 =	seq.s32 s22, $0x0;
	_ =	swait.ge @!p2 [sflag:s16], $0x2000  }
0x3c6: {  	p0 =	seq.s32 @!p3 s6, $0x0;
	[sflag:s16] =	ssyncset.done @!p2 $0x0  }
0x3c7: {  	p6 =	por p0, p0;
	p0 =	seq.s32 s24, $0x3800;
	[sflag:s16] =	ssyncadd.s32 @!p2 $0xFFFFE000  }
0x3c8: {  	s5 =	sshra.s32 @!p0 s24, $0x2;
	_ =	swait.ge @!p2 [sflag:s15], $0x80  }
0x3c9: {  	s13 =	simm.s32 @!p0 $0x2000;
	s14 =	sadd.s32 @!p0 $0x1200, s5;
	[sflag:s15] =	ssyncset.done @!p2 $0x0  }
0x3ca: {  	s0 =	sadd.s32 $0x400, s24;
	s24 =	simm.s32 @!p0 $0x80;
	[sflag:s15] =	ssyncadd.s32 @!p2 $0xFFFFFF80  }
0x3cb: {  	[tilespmem:s13], [sflag:$0x1] =	stream.indirect.gather @!p0 [hbm4b:s9+s24], $0x40, s14, s24, $0xb8;
	[tilespmem:$0x1E580] =	vst v63  }
0x3cc: {  	s5 =	sadd.s32 @!p0 $0x1280, s5;
	s13 =	simm.s32 @!p0 $0x4000  }
0x3cd: {  	[tilespmem:s13], [sflag:$0x1] =	stream.indirect.gather @!p0 [hbm4b:s9+s24], $0x40, s5, s24, $0xb8;
	[tilespmem:$0x1E580] =	vst v63  }
0x3ce: {  	_ =	swait.ge [sflag:s31], $0x2000  }
0x3cf: {  	[sflag:s31] =	ssyncset.done $0x0  }
0x3d0: {  	[sflag:s31] =	ssyncadd.s32 $0xFFFFE000  }
0x3d1: {  	_ =	swait.ge [sflag:s31], $0x2000  }
0x3d2: {  	s0 =	simm.s32 @p0 $0x3C00;
	[sflag:s31] =	ssyncset.done $0x0;
	s14 =	sld [smem:$0x7F2]  }
0x3d3: {  	s0 =	sshra.s32 s0, $0x2;
	[sflag:s31] =	ssyncadd.s32 $0xFFFFE000  }
0x3d4: {  	[spmem:s1] =	stream.indirect.scatter.add.f32 [tilespmem:s26], [sflag:$0x4], $0x40, s0, s23, $0xb8;
	[tilespmem:$0x1E580] =	vst v63  }
0x3d5: {  	s5 =	sadd.s32 @p4 $0x80, s0;
	p0 =	seq.s32 s14, $0x1  }
0x3d6: {  	[spmem:s1] =	stream.indirect.scatter.add.f32 @p4 [tilespmem:s21], [sflag:$0x4], $0x40, s5, s18, $0xb8;
	[tilespmem:$0x1E580] =	vst v63  }
.Ltmp4:
0x3d7: {  	_ = 	snop;
	(pc) =	sbr.rel @p0 .LBB2_10-.Ltmp4, $4  }
0x3d8: {  	_ = 	snop  }
0x3d9: {  	[spmem:s3] =	stream.indirect.scatter.add.f32 @!p4 [tilespmem:s20], [sflag:$0x6], $0x1, s0, s19, $0xb8;
	[tilespmem:$0x1E580] =	vst v63  }
0x3da: {  	p5 =	por p3, p3;
	s24 =	smov.u32 s22;
	s22 =	sadd.s32 @!p4 $0x80, s0  }
0x3db: {  	[spmem:s1] =	stream.indirect.scatter.add.f32 @!p4 [tilespmem:s10], [sflag:$0x4], $0x40, s22, s19, $0xb8;
	[tilespmem:$0x1E580] =	vst v63  }
0x3dc: {  	[spmem:s3] =	stream.indirect.scatter.add.f32 @!p4 [tilespmem:s20], [sflag:$0x6], $0x1, s22, s19, $0xb8;
	[tilespmem:$0x1E580] =	vst v63  }
0x3dd: {  	s0 =	simm.s32 @!p5 $0x4  }
0x3de: {  	_ =	swait.ge @!p5 [sflag:s0], $0x2000  }
0x3df: {  	p0 =	por !p6, p5;
	[sflag:s0] =	ssyncset.done @!p5 $0x0  }
0x3e0: {  	[sflag:s0] =	ssyncadd.s32 @!p5 $0xFFFFE000;
	s0 =	simm.s32 @!p0 $0x4  }
0x3e1: {  	_ =	swait.ge @!p0 [sflag:s0], $0x2000  }
0x3e2: {  	p1 =	por p6, p5;
	[sflag:s0] =	ssyncset.done @!p0 $0x0  }
0x3e3: {  	[sflag:s0] =	ssyncadd.s32 @!p0 $0xFFFFE000;
	s0 =	simm.s32 @!p1 $0x6  }
0x3e4: {  	_ =	swait.ge @!p1 [sflag:s0], $0x80  }
0x3e5: {  	[sflag:s0] =	ssyncset.done @!p1 $0x0  }
0x3e6: {  	s2 =	simm.s32 @!p1 $0x4;
	[sflag:s0] =	ssyncadd.s32 @!p1 $0xFFFFFF80  }
0x3e7: {  	_ =	swait.ge @!p1 [sflag:s2], $0x2000  }
0x3e8: {  	[sflag:s2] =	ssyncset.done @!p1 $0x0  }
0x3e9: {  	[sflag:s2] =	ssyncadd.s32 @!p1 $0xFFFFE000  }
0x3ea: {  	_ =	swait.ge @!p1 [sflag:s0], $0x80  }
0x3eb: {  	s2 =	sshra.s32 s24, $0x2;
	[sflag:s0] =	ssyncset.done @!p1 $0x0  }
0x3ec: {  	s7 =	sadd.s32 $0x1100, s2;
	[sflag:s0] =	ssyncadd.s32 @!p1 $0xFFFFFF80  }
0x3ed: {  	[tilespmem:s26], [sflag:$0x2] =	stream.indirect.gather [hbm4b:s9+s23], $0x40, s7, s23, $0xb8;
	[tilespmem:$0x1E580] =	vst v63  }
0x3ee: {  	s21 =	simm.s32 $0x8000;
	s8 =	sadd.s32 $0x1180, s2  }
0x3ef: {  	[tilespmem:s21], [sflag:$0x2] =	stream.indirect.gather [hbm4b:s9+s23], $0x40, s8, s23, $0xb8;
	[tilespmem:$0x1E580] =	vst v63  }
0x3f0: {  	_ =	swait.ge [sflag:s29], $0x2000  }
0x3f1: {  	[sflag:s29] =	ssyncset.done $0x0  }
0x3f2: {  	[sflag:s29] =	ssyncadd.s32 $0xFFFFE000  }
0x3f3: {  	_ =	swait.ge [sflag:s29], $0x2000  }
0x3f4: {  	[sflag:s29] =	ssyncset.done $0x0  }
0x3f5: {  	s22 =	simm.s32 $0x2000;
	s0 =	sshra.s32 @p2 s24, $0x2;
	[sflag:s29] =	ssyncadd.s32 $0xFFFFE000  }
0x3f6: {  	[spmem:s1] =	stream.indirect.scatter.add.f32 [tilespmem:s22], [sflag:$0x3], $0x40, s2, s23, $0xb8;
	[tilespmem:$0x1E580] =	vst v63  }
0x3f7: {  	s5 =	simm.s32 @p2 $0x80;
	s17 =	simm.s32 @p2 $0x4000;
	s0 =	sadd.s32 @p2 $0x80, s0  }
0x3f8: {  	[spmem:s1] =	stream.indirect.scatter.add.f32 @p2 [tilespmem:s17], [sflag:$0x3], $0x40, s0, s5, $0xb8;
	[tilespmem:$0x1E580] =	vst v63  }
0x3f9: {  	s11 =	simm.s32 @!p2 $0x80;
	s12 =	simm.s32 @!p2 $0xA000;
	s0 =	sshra.s32 @!p2 s24, $0x2  }
0x3fa: {  	[spmem:s3] =	stream.indirect.scatter.add.f32 @!p2 [tilespmem:s12], [sflag:$0x5], $0x1, s2, s11, $0xb8;
	[tilespmem:$0x1E580] =	vst v63  }
0x3fb: {  	s18 =	simm.s32 @!p2 $0x4000;
	s0 =	sadd.s32 @!p2 $0x80, s0  }
0x3fc: {  	[spmem:s1] =	stream.indirect.scatter.add.f32 @!p2 [tilespmem:s18], [sflag:$0x3], $0x40, s0, s11, $0xb8;
	[tilespmem:$0x1E580] =	vst v63  }
0x3fd: {  	_ = 	snop  }
0x3fe: {  	[spmem:s3] =	stream.indirect.scatter.add.f32 @!p2 [tilespmem:s12], [sflag:$0x5], $0x1, s0, s11, $0xb8;
	[tilespmem:$0x1E580] =	vst v63  }
0x3ff: {  	_ =	swait.ge [sflag:s30], $0x2000  }
0x400: {  	[sflag:s30] =	ssyncset.done $0x0  }
0x401: {  	s8 =	simm.s32 @p2 $0x3;
	[sflag:s30] =	ssyncadd.s32 $0xFFFFE000  }
0x402: {  	_ =	swait.ge @p2 [sflag:s8], $0x2000  }
0x403: {  	[sflag:s8] =	ssyncset.done @p2 $0x0  }
0x404: {  	s15 =	simm.s32 @!p2 $0x5;
	[sflag:s8] =	ssyncadd.s32 @p2 $0xFFFFE000  }
0x405: {  	_ =	swait.ge @!p2 [sflag:s15], $0x80  }
0x406: {  	[sflag:s15] =	ssyncset.done @!p2 $0x0  }
0x407: {  	s16 =	simm.s32 @!p2 $0x3;
	[sflag:s15] =	ssyncadd.s32 @!p2 $0xFFFFFF80  }
0x408: {  	_ =	swait.ge @!p2 [sflag:s16], $0x2000  }
0x409: {  	[sflag:s16] =	ssyncset.done @!p2 $0x0  }
0x40a: {  	[sflag:s16] =	ssyncadd.s32 @!p2 $0xFFFFE000  }
0x40b: {  	p0 =	seq.s32 s24, $0x3800;
	_ =	swait.ge @!p2 [sflag:s15], $0x80  }
0x40c: {  	s14 =	simm.s32 @!p0 $0x80;
	s0 =	sshra.s32 @!p0 s24, $0x2;
	[sflag:s15] =	ssyncset.done @!p2 $0x0  }
0x40d: {  	s5 =	simm.s32 @!p0 $0x2000;
	s13 =	sadd.s32 @!p0 $0x1200, s0;
	[sflag:s15] =	ssyncadd.s32 @!p2 $0xFFFFFF80  }
0x40e: {  	[tilespmem:s5], [sflag:$0x1] =	stream.indirect.gather @!p0 [hbm4b:s9+s14], $0x40, s13, s14, $0xb8;
	[tilespmem:$0x1E580] =	vst v63  }
0x40f: {  	s0 =	sadd.s32 @!p0 $0x1280, s0;
	s5 =	simm.s32 @!p0 $0x4000  }
0x410: {  	[tilespmem:s5], [sflag:$0x1] =	stream.indirect.gather @!p0 [hbm4b:s9+s14], $0x40, s0, s14, $0xb8;
	[tilespmem:$0x1E580] =	vst v63  }
0x411: {  	_ =	swait.ge [sflag:s31], $0x2000  }
0x412: {  	[sflag:s31] =	ssyncset.done $0x0  }
0x413: {  	[sflag:s31] =	ssyncadd.s32 $0xFFFFE000  }
0x414: {  	s0 =	sadd.s32 $0x400, s24;
	_ =	swait.ge [sflag:s31], $0x2000  }
0x415: {  	s0 =	simm.s32 @p0 $0x3C00;
	[sflag:s31] =	ssyncset.done $0x0  }
0x416: {  	s0 =	sshra.s32 s0, $0x2;
	[sflag:s31] =	ssyncadd.s32 $0xFFFFE000  }
0x417: {  	[spmem:s1] =	stream.indirect.scatter.add.f32 [tilespmem:s26], [sflag:$0x4], $0x40, s0, s23, $0xb8;
	[tilespmem:$0x1E580] =	vst v63  }
0x418: {  	s25 =	simm.s32 @p4 $0x8000;
	s7 =	simm.s32 @p4 $0x80;
	s5 =	sadd.s32 @p4 $0x80, s0  }
0x419: {  	[spmem:s1] =	stream.indirect.scatter.add.f32 @p4 [tilespmem:s25], [sflag:$0x4], $0x40, s5, s7, $0xb8;
	[tilespmem:$0x1E580] =	vst v63  }
0x41a: {  	s19 =	simm.s32 @!p4 $0x80;
	s20 =	simm.s32 @!p4 $0xA000  }
0x41b: {  	[spmem:s3] =	stream.indirect.scatter.add.f32 @!p4 [tilespmem:s20], [sflag:$0x6], $0x1, s0, s19, $0xb8;
	[tilespmem:$0x1E580] =	vst v63  }
0x41c: {  	s24 =	simm.s32 @!p4 $0x8000;
	s0 =	sadd.s32 @!p4 $0x80, s0  }
0x41d: {  	[spmem:s1] =	stream.indirect.scatter.add.f32 @!p4 [tilespmem:s24], [sflag:$0x4], $0x40, s0, s19, $0xb8;
	[tilespmem:$0x1E580] =	vst v63  }
0x41e: {  	s10 =	simm.s32 $0x4  }
0x41f: {  	[spmem:s3] =	stream.indirect.scatter.add.f32 @!p4 [tilespmem:s20], [sflag:$0x6], $0x1, s0, s19, $0xb8;
	[tilespmem:$0x1E580] =	vst v63  }
0x420: {  	_ =	swait.ge [sflag:s10], $0x2000  }
0x421: {  	[sflag:s10] =	ssyncset.done $0x0  }
0x422: {  	s0 =	simm.s32 @p4 $0x4;
	[sflag:s10] =	ssyncadd.s32 $0xFFFFE000  }
0x423: {  	_ =	swait.ge @p4 [sflag:s0], $0x2000  }
0x424: {  	[sflag:s0] =	ssyncset.done @p4 $0x0  }
0x425: {  	[sflag:s0] =	ssyncadd.s32 @p4 $0xFFFFE000;
	s0 =	simm.s32 @!p4 $0x6  }
0x426: {  	_ =	swait.ge @!p4 [sflag:s0], $0x80  }
0x427: {  	[sflag:s0] =	ssyncset.done @!p4 $0x0  }
0x428: {  	s5 =	simm.s32 @!p4 $0x4;
	[sflag:s0] =	ssyncadd.s32 @!p4 $0xFFFFFF80  }
0x429: {  	_ =	swait.ge @!p4 [sflag:s5], $0x2000  }
0x42a: {  	[sflag:s5] =	ssyncset.done @!p4 $0x0  }
0x42b: {  	[sflag:s5] =	ssyncadd.s32 @!p4 $0xFFFFE000  }
0x42c: {  	_ =	swait.ge @!p4 [sflag:s0], $0x80  }
0x42d: {  	s2 =	sld [smem:$0x7FB]  }
0x42e: {  	[sflag:s0] =	ssyncset.done @!p4 $0x0  }
0x42f: {  	s13 =	simm.s32 $0x0;
	s10 =	simm.s32 $0x7;
	[sflag:s0] =	ssyncadd.s32 @!p4 $0xFFFFFF80  }
0x430: {  	[tilespmem:s13], [sflag:$0x7] =	stream.linear.gather [hbm4b:s2+s13], $0xE00, $0x38;
	[tilespmem:$0x1E580] =	vst v63  }
0x431: {  	_ =	swait.ge [sflag:s10], $0xE00  }
0x432: {  	s14 =	sld [smem:$0x7FC]  }
0x433: {  	[sflag:s10] =	ssyncset.done $0x0  }
0x434: {  	s2 =	simm.s32 $0x1000;
	[sflag:s10] =	ssyncadd.s32 $0xFFFFF200  }
0x435: {  	[tilespmem:s2], [sflag:$0x7] =	stream.linear.gather [hbm4b:s14+s13], $0xE00, $0x38;
	[tilespmem:$0x1E580] =	vst v63  }
0x436: {  	_ =	swait.ge [sflag:s10], $0xE00  }
0x437: {  	p0 =	por $0x1, $0x1;
	[sflag:s10] =	ssyncset.done $0x0  }
0x438: {  	p1 =	por p0, p0;
	p0 =	seq.s32 @!p0 s6, $0x0;
	[sflag:s10] =	ssyncadd.s32 $0xFFFFF200  }
0x439: {  	[tilespmem:s22], [sflag:$0x1] =	stream.indirect.gather [spmem:s4], $0x40, s2, s23, $0xb8;
	[tilespmem:$0x1E580] =	vst v63  }
0x43a: {  	s5 =	simm.s32 $0x1080;
	s0 =	simm.s32 @!p1 $0x4;
	s10 =	simm.s32 $0x4000  }
0x43b: {  	[tilespmem:s10], [sflag:$0x1] =	stream.indirect.gather [spmem:s4], $0x40, s5, s23, $0xb8;
	[tilespmem:$0x1E580] =	vst v63  }
0x43c: {  	p0 =	por p0, p0;
	_ =	swait.ge @!p1 [sflag:s0], $0x2000  }
0x43d: {  	p3 =	por !p0, p1;
	[sflag:s0] =	ssyncset.done @!p1 $0x0  }
0x43e: {  	[sflag:s0] =	ssyncadd.s32 @!p1 $0xFFFFE000;
	s0 =	simm.s32 @!p3 $0x4  }
0x43f: {  	_ =	swait.ge @!p3 [sflag:s0], $0x2000  }
0x440: {  	p0 =	por p0, p1;
	[sflag:s0] =	ssyncset.done @!p3 $0x0  }
0x441: {  	[sflag:s0] =	ssyncadd.s32 @!p3 $0xFFFFE000;
	s0 =	simm.s32 @!p0 $0x6  }
0x442: {  	_ =	swait.ge @!p0 [sflag:s0], $0x80  }
0x443: {  	[sflag:s0] =	ssyncset.done @!p0 $0x0  }
0x444: {  	s5 =	simm.s32 @!p0 $0x4;
	[sflag:s0] =	ssyncadd.s32 @!p0 $0xFFFFFF80  }
0x445: {  	_ =	swait.ge @!p0 [sflag:s5], $0x2000  }
0x446: {  	[sflag:s5] =	ssyncset.done @!p0 $0x0  }
0x447: {  	[sflag:s5] =	ssyncadd.s32 @!p0 $0xFFFFE000  }
0x448: {  	_ =	swait.ge @!p0 [sflag:s0], $0x80  }
0x449: {  	[sflag:s0] =	ssyncset.done @!p0 $0x0  }
0x44a: {  	s13 =	simm.s32 $0x1100;
	[sflag:s0] =	ssyncadd.s32 @!p0 $0xFFFFFF80  }
0x44b: {  	[tilespmem:s26], [sflag:$0x2] =	stream.indirect.gather [spmem:s4], $0x40, s13, s23, $0xb8;
	[tilespmem:$0x1E580] =	vst v63  }
0x44c: {  	s14 =	simm.s32 $0x1180  }
0x44d: {  	[tilespmem:s21], [sflag:$0x2] =	stream.indirect.gather [spmem:s4], $0x40, s14, s23, $0xb8;
	[tilespmem:$0x1E580] =	vst v63  }
0x44e: {  	_ =	swait.ge [sflag:s29], $0x2000  }
0x44f: {  	[sflag:s29] =	ssyncset.done $0x0  }
0x450: {  	[sflag:s29] =	ssyncadd.s32 $0xFFFFE000  }
0x451: {  	_ =	swait.ge [sflag:s29], $0x2000  }
0x452: {  	[sflag:s29] =	ssyncset.done $0x0  }
0x453: {  	s0 =	simm.s32 $0x0;
	[sflag:s29] =	ssyncadd.s32 $0xFFFFE000  }
0x454: {  	[spmem:s1] =	stream.indirect.scatter.add.f32 [tilespmem:s22], [sflag:$0x3], $0x40, s0, s23, $0xb8;
	[tilespmem:$0x1E580] =	vst v63  }
0x455: {  	s5 =	simm.s32 @p2 $0x80;
	s13 =	simm.s32 @p2 $0x80  }
0x456: {  	[spmem:s1] =	stream.indirect.scatter.add.f32 @p2 [tilespmem:s17], [sflag:$0x3], $0x40, s5, s13, $0xb8;
	[tilespmem:$0x1E580] =	vst v63  }
0x457: {  	_ = 	snop  }
0x458: {  	[spmem:s3] =	stream.indirect.scatter.add.f32 @!p2 [tilespmem:s12], [sflag:$0x5], $0x1, s0, s11, $0xb8;
	[tilespmem:$0x1E580] =	vst v63  }
0x459: {  	s0 =	simm.s32 @!p2 $0x80  }
0x45a: {  	[spmem:s1] =	stream.indirect.scatter.add.f32 @!p2 [tilespmem:s18], [sflag:$0x3], $0x40, s0, s11, $0xb8;
	[tilespmem:$0x1E580] =	vst v63  }
0x45b: {  	_ = 	snop  }
0x45c: {  	[spmem:s3] =	stream.indirect.scatter.add.f32 @!p2 [tilespmem:s12], [sflag:$0x5], $0x1, s0, s11, $0xb8;
	[tilespmem:$0x1E580] =	vst v63  }
0x45d: {  	_ =	swait.ge [sflag:s30], $0x2000  }
0x45e: {  	[sflag:s30] =	ssyncset.done $0x0  }
0x45f: {  	[sflag:s30] =	ssyncadd.s32 $0xFFFFE000  }
0x460: {  	_ =	swait.ge @p2 [sflag:s8], $0x2000  }
0x461: {  	[sflag:s8] =	ssyncset.done @p2 $0x0  }
0x462: {  	[sflag:s8] =	ssyncadd.s32 @p2 $0xFFFFE000  }
0x463: {  	_ =	swait.ge @!p2 [sflag:s15], $0x80  }
0x464: {  	[sflag:s15] =	ssyncset.done @!p2 $0x0  }
0x465: {  	[sflag:s15] =	ssyncadd.s32 @!p2 $0xFFFFFF80  }
0x466: {  	_ =	swait.ge @!p2 [sflag:s16], $0x2000  }
0x467: {  	[sflag:s16] =	ssyncset.done @!p2 $0x0  }
0x468: {  	[sflag:s16] =	ssyncadd.s32 @!p2 $0xFFFFE000  }
0x469: {  	p0 =	por $0x0, $0x0;
	_ =	swait.ge @!p2 [sflag:s15], $0x80  }
0x46a: {  	s5 =	simm.s32 @!p0 $0x1200;
	[sflag:s15] =	ssyncset.done @!p2 $0x0  }
0x46b: {  	s13 =	simm.s32 @!p0 $0x80;
	s0 =	simm.s32 @!p0 $0x2000;
	[sflag:s15] =	ssyncadd.s32 @!p2 $0xFFFFFF80  }
0x46c: {  	[tilespmem:s0], [sflag:$0x1] =	stream.indirect.gather @!p0 [spmem:s4], $0x40, s5, s13, $0xb8;
	[tilespmem:$0x1E580] =	vst v63  }
0x46d: {  	s0 =	simm.s32 @!p0 $0x1280;
	s5 =	simm.s32 @!p0 $0x4000  }
0x46e: {  	[tilespmem:s5], [sflag:$0x1] =	stream.indirect.gather @!p0 [spmem:s4], $0x40, s0, s13, $0xb8;
	[tilespmem:$0x1E580] =	vst v63  }
0x46f: {  	_ =	swait.ge [sflag:s31], $0x2000  }
0x470: {  	[sflag:s31] =	ssyncset.done $0x0  }
0x471: {  	[sflag:s31] =	ssyncadd.s32 $0xFFFFE000  }
0x472: {  	s28 =	simm.s32 @p2 $0x80;
	s0 =	simm.s32 $0x400;
	_ =	swait.ge [sflag:s31], $0x2000  }
0x473: {  	s2 =	simm.s32 @p2 $0x4000;
	s0 =	simm.s32 @p0 $0x3400;
	[sflag:s31] =	ssyncset.done $0x0  }
0x474: {  	s10 =	simm.s32 $0x8000;
	s0 =	sshra.s32 s0, $0x2;
	[sflag:s31] =	ssyncadd.s32 $0xFFFFE000  }
0x475: {  	[spmem:s1] =	stream.indirect.scatter.add.f32 [tilespmem:s26], [sflag:$0x4], $0x40, s0, s23, $0xb8;
	[tilespmem:$0x1E580] =	vst v63  }
0x476: {  	s21 =	simm.s32 @p4 $0x8000;
	p0 =	por $0x0, $0x0;
	s5 =	sadd.s32 @p4 $0x80, s0  }
0x477: {  	[spmem:s1] =	stream.indirect.scatter.add.f32 @p4 [tilespmem:s25], [sflag:$0x4], $0x40, s5, s7, $0xb8;
	[tilespmem:$0x1E580] =	vst v63  }
0x478: {  	s17 =	simm.s32 @!p2 $0x4000;
	s18 =	simm.s32 @p4 $0x80;
	p1 =	seq.s32 @!p0 s6, $0x0  }
0x479: {  	[spmem:s3] =	stream.indirect.scatter.add.f32 @!p4 [tilespmem:s20], [sflag:$0x6], $0x1, s0, s19, $0xb8;
	[tilespmem:$0x1E580] =	vst v63  }
0x47a: {  	p5 =	por p0, p0;
	s22 =	sadd.s32 @!p4 $0x80, s0;
	p6 =	por p1, p1  }
0x47b: {  	[spmem:s1] =	stream.indirect.scatter.add.f32 @!p4 [tilespmem:s24], [sflag:$0x4], $0x40, s22, s19, $0xb8;
	[tilespmem:$0x1E580] =	vst v63  }
0x47c: {  	s7 =	simm.s32 @!p4 $0x8000;
	s25 =	simm.s32 $0x1000;
	s24 =	simm.s32 $0x800  }
.LBB2_12:
0x47d: {  	[spmem:s3] =	stream.indirect.scatter.add.f32 @!p4 [tilespmem:s20], [sflag:$0x6], $0x1, s22, s19, $0xb8;
	[tilespmem:$0x1E580] =	vst v63  }
0x47e: {  	s22 =	smov.u32 s25;
	s25 =	sadd.s32 $0x800, s25  }
0x47f: {  	p1 =	sne.s32 s25, $0x3800  }
0x480: {  	s5 =	simm.s32 @!p1 $0x0  }
0x481: {  	s5 =	simm.s32 @p1 $0x1  }
0x482: {  	s0 =	simm.s32 @!p5 $0x4;
	[smem:$0x7F1] =	sst s5  }
0x483: {  	_ =	swait.ge @!p5 [sflag:s0], $0x2000  }
0x484: {  	p4 =	por !p6, p5;
	[sflag:s0] =	ssyncset.done @!p5 $0x0  }
0x485: {  	[sflag:s0] =	ssyncadd.s32 @!p5 $0xFFFFE000;
	s0 =	simm.s32 @!p4 $0x4  }
0x486: {  	_ =	swait.ge @!p4 [sflag:s0], $0x2000  }
0x487: {  	p1 =	por p6, p5;
	[sflag:s0] =	ssyncset.done @!p4 $0x0  }
0x488: {  	[sflag:s0] =	ssyncadd.s32 @!p4 $0xFFFFE000;
	s0 =	simm.s32 @!p1 $0x6  }
0x489: {  	s13 =	sld [smem:$0x7FD];
	_ =	swait.ge @!p1 [sflag:s0], $0x80  }
0x48a: {  	[sflag:s0] =	ssyncset.done @!p1 $0x0  }
0x48b: {  	s5 =	simm.s32 @!p1 $0x4;
	[sflag:s0] =	ssyncadd.s32 @!p1 $0xFFFFFF80  }
0x48c: {  	_ =	swait.ge @!p1 [sflag:s5], $0x2000  }
0x48d: {  	[sflag:s5] =	ssyncset.done @!p1 $0x0  }
0x48e: {  	[sflag:s5] =	ssyncadd.s32 @!p1 $0xFFFFE000  }
0x48f: {  	_ =	swait.ge @!p1 [sflag:s0], $0x80  }
0x490: {  	s5 =	sshra.s32 s24, $0x2;
	[sflag:s0] =	ssyncset.done @!p1 $0x0  }
0x491: {  	s14 =	sadd.s32 $0x1100, s5;
	[sflag:s0] =	ssyncadd.s32 @!p1 $0xFFFFFF80  }
0x492: {  	[tilespmem:s26], [sflag:$0x2] =	stream.indirect.gather [spmem:s4], $0x40, s14, s23, $0xb8;
	[tilespmem:$0x1E580] =	vst v63  }
0x493: {  	p4 =	seq.s32 s13, $0x1;
	s13 =	sadd.s32 $0x1180, s5  }
0x494: {  	[tilespmem:s10], [sflag:$0x2] =	stream.indirect.gather [spmem:s4], $0x40, s13, s23, $0xb8;
	[tilespmem:$0x1E580] =	vst v63  }
0x495: {  	_ =	swait.ge [sflag:s29], $0x2000  }
0x496: {  	[sflag:s29] =	ssyncset.done $0x0  }
0x497: {  	[sflag:s29] =	ssyncadd.s32 $0xFFFFE000  }
0x498: {  	_ =	swait.ge [sflag:s29], $0x2000  }
0x499: {  	[sflag:s29] =	ssyncset.done $0x0  }
0x49a: {  	s0 =	sshra.s32 @p2 s24, $0x2;
	s13 =	simm.s32 $0x2000;
	[sflag:s29] =	ssyncadd.s32 $0xFFFFE000  }
0x49b: {  	[spmem:s1] =	stream.indirect.scatter.add.f32 [tilespmem:s13], [sflag:$0x3], $0x40, s5, s23, $0xb8;
	[tilespmem:$0x1E580] =	vst v63  }
0x49c: {  	s0 =	sadd.s32 @p2 $0x80, s0  }
0x49d: {  	[spmem:s1] =	stream.indirect.scatter.add.f32 @p2 [tilespmem:s2], [sflag:$0x3], $0x40, s0, s28, $0xb8;
	[tilespmem:$0x1E580] =	vst v63  }
0x49e: {  	s0 =	sshra.s32 @!p2 s24, $0x2  }
0x49f: {  	[spmem:s3] =	stream.indirect.scatter.add.f32 @!p2 [tilespmem:s12], [sflag:$0x5], $0x1, s5, s11, $0xb8;
	[tilespmem:$0x1E580] =	vst v63  }
0x4a0: {  	s0 =	sadd.s32 @!p2 $0x80, s0  }
0x4a1: {  	[spmem:s1] =	stream.indirect.scatter.add.f32 @!p2 [tilespmem:s17], [sflag:$0x3], $0x40, s0, s11, $0xb8;
	[tilespmem:$0x1E580] =	vst v63  }
0x4a2: {  	_ = 	snop  }
0x4a3: {  	[spmem:s3] =	stream.indirect.scatter.add.f32 @!p2 [tilespmem:s12], [sflag:$0x5], $0x1, s0, s11, $0xb8;
	[tilespmem:$0x1E580] =	vst v63  }
0x4a4: {  	_ =	swait.ge [sflag:s30], $0x2000  }
0x4a5: {  	[sflag:s30] =	ssyncset.done $0x0  }
0x4a6: {  	[sflag:s30] =	ssyncadd.s32 $0xFFFFE000  }
0x4a7: {  	_ =	swait.ge @p2 [sflag:s8], $0x2000  }
0x4a8: {  	[sflag:s8] =	ssyncset.done @p2 $0x0  }
0x4a9: {  	[sflag:s8] =	ssyncadd.s32 @p2 $0xFFFFE000  }
0x4aa: {  	_ =	swait.ge @!p2 [sflag:s15], $0x80  }
0x4ab: {  	[sflag:s15] =	ssyncset.done @!p2 $0x0  }
0x4ac: {  	[sflag:s15] =	ssyncadd.s32 @!p2 $0xFFFFFF80  }
0x4ad: {  	p3 =	seq.s32 s22, $0x0;
	_ =	swait.ge @!p2 [sflag:s16], $0x2000  }
0x4ae: {  	p0 =	seq.s32 @!p3 s6, $0x0;
	[sflag:s16] =	ssyncset.done @!p2 $0x0  }
0x4af: {  	p6 =	por p0, p0;
	p0 =	seq.s32 s24, $0x3000;
	[sflag:s16] =	ssyncadd.s32 @!p2 $0xFFFFE000  }
0x4b0: {  	s5 =	sshra.s32 @!p0 s24, $0x2;
	_ =	swait.ge @!p2 [sflag:s15], $0x80  }
0x4b1: {  	s13 =	simm.s32 @!p0 $0x2000;
	s14 =	sadd.s32 @!p0 $0x1200, s5;
	[sflag:s15] =	ssyncset.done @!p2 $0x0  }
0x4b2: {  	s0 =	sadd.s32 $0x400, s24;
	s24 =	simm.s32 @!p0 $0x80;
	[sflag:s15] =	ssyncadd.s32 @!p2 $0xFFFFFF80  }
0x4b3: {  	[tilespmem:s13], [sflag:$0x1] =	stream.indirect.gather @!p0 [spmem:s4], $0x40, s14, s24, $0xb8;
	[tilespmem:$0x1E580] =	vst v63  }
0x4b4: {  	s5 =	sadd.s32 @!p0 $0x1280, s5;
	s13 =	simm.s32 @!p0 $0x4000  }
0x4b5: {  	[tilespmem:s13], [sflag:$0x1] =	stream.indirect.gather @!p0 [spmem:s4], $0x40, s5, s24, $0xb8;
	[tilespmem:$0x1E580] =	vst v63  }
0x4b6: {  	_ =	swait.ge [sflag:s31], $0x2000  }
0x4b7: {  	[sflag:s31] =	ssyncset.done $0x0  }
0x4b8: {  	[sflag:s31] =	ssyncadd.s32 $0xFFFFE000  }
0x4b9: {  	_ =	swait.ge [sflag:s31], $0x2000  }
0x4ba: {  	s0 =	simm.s32 @p0 $0x3400;
	[sflag:s31] =	ssyncset.done $0x0;
	s14 =	sld [smem:$0x7F1]  }
0x4bb: {  	s0 =	sshra.s32 s0, $0x2;
	[sflag:s31] =	ssyncadd.s32 $0xFFFFE000  }
0x4bc: {  	[spmem:s1] =	stream.indirect.scatter.add.f32 [tilespmem:s26], [sflag:$0x4], $0x40, s0, s23, $0xb8;
	[tilespmem:$0x1E580] =	vst v63  }
0x4bd: {  	s5 =	sadd.s32 @p4 $0x80, s0;
	p0 =	seq.s32 s14, $0x1  }
0x4be: {  	[spmem:s1] =	stream.indirect.scatter.add.f32 @p4 [tilespmem:s21], [sflag:$0x4], $0x40, s5, s18, $0xb8;
	[tilespmem:$0x1E580] =	vst v63  }
.Ltmp5:
0x4bf: {  	_ = 	snop;
	(pc) =	sbr.rel @p0 .LBB2_12-.Ltmp5, $4  }
0x4c0: {  	_ = 	snop  }
0x4c1: {  	[spmem:s3] =	stream.indirect.scatter.add.f32 @!p4 [tilespmem:s20], [sflag:$0x6], $0x1, s0, s19, $0xb8;
	[tilespmem:$0x1E580] =	vst v63  }
0x4c2: {  	p5 =	por p3, p3;
	s24 =	smov.u32 s22;
	s22 =	sadd.s32 @!p4 $0x80, s0  }
0x4c3: {  	[spmem:s1] =	stream.indirect.scatter.add.f32 @!p4 [tilespmem:s7], [sflag:$0x4], $0x40, s22, s19, $0xb8;
	[tilespmem:$0x1E580] =	vst v63  }
0x4c4: {  	[spmem:s3] =	stream.indirect.scatter.add.f32 @!p4 [tilespmem:s20], [sflag:$0x6], $0x1, s22, s19, $0xb8;
	[tilespmem:$0x1E580] =	vst v63  }
0x4c5: {  	s0 =	simm.s32 @!p5 $0x4  }
0x4c6: {  	_ =	swait.ge @!p5 [sflag:s0], $0x2000  }
0x4c7: {  	p0 =	por !p6, p5;
	[sflag:s0] =	ssyncset.done @!p5 $0x0  }
0x4c8: {  	[sflag:s0] =	ssyncadd.s32 @!p5 $0xFFFFE000;
	s0 =	simm.s32 @!p0 $0x4  }
0x4c9: {  	_ =	swait.ge @!p0 [sflag:s0], $0x2000  }
0x4ca: {  	p1 =	por p6, p5;
	[sflag:s0] =	ssyncset.done @!p0 $0x0  }
0x4cb: {  	[sflag:s0] =	ssyncadd.s32 @!p0 $0xFFFFE000;
	s0 =	simm.s32 @!p1 $0x6  }
0x4cc: {  	_ =	swait.ge @!p1 [sflag:s0], $0x80  }
0x4cd: {  	[sflag:s0] =	ssyncset.done @!p1 $0x0  }
0x4ce: {  	s2 =	simm.s32 @!p1 $0x4;
	[sflag:s0] =	ssyncadd.s32 @!p1 $0xFFFFFF80  }
0x4cf: {  	_ =	swait.ge @!p1 [sflag:s2], $0x2000  }
0x4d0: {  	[sflag:s2] =	ssyncset.done @!p1 $0x0  }
0x4d1: {  	[sflag:s2] =	ssyncadd.s32 @!p1 $0xFFFFE000  }
0x4d2: {  	_ =	swait.ge @!p1 [sflag:s0], $0x80  }
0x4d3: {  	s2 =	sshra.s32 s24, $0x2;
	[sflag:s0] =	ssyncset.done @!p1 $0x0  }
0x4d4: {  	s22 =	sadd.s32 $0x1100, s2;
	[sflag:s0] =	ssyncadd.s32 @!p1 $0xFFFFFF80  }
0x4d5: {  	[tilespmem:s26], [sflag:$0x2] =	stream.indirect.gather [spmem:s4], $0x40, s22, s23, $0xb8;
	[tilespmem:$0x1E580] =	vst v63  }
0x4d6: {  	s25 =	sadd.s32 $0x1180, s2  }
0x4d7: {  	[tilespmem:s10], [sflag:$0x2] =	stream.indirect.gather [spmem:s4], $0x40, s25, s23, $0xb8;
	[tilespmem:$0x1E580] =	vst v63  }
0x4d8: {  	_ =	swait.ge [sflag:s29], $0x2000  }
0x4d9: {  	[sflag:s29] =	ssyncset.done $0x0  }
0x4da: {  	[sflag:s29] =	ssyncadd.s32 $0xFFFFE000  }
0x4db: {  	_ =	swait.ge [sflag:s29], $0x2000  }
0x4dc: {  	[sflag:s29] =	ssyncset.done $0x0  }
0x4dd: {  	s5 =	simm.s32 $0x2000;
	s0 =	sshra.s32 @p2 s24, $0x2;
	[sflag:s29] =	ssyncadd.s32 $0xFFFFE000  }
0x4de: {  	[spmem:s1] =	stream.indirect.scatter.add.f32 [tilespmem:s5], [sflag:$0x3], $0x40, s2, s23, $0xb8;
	[tilespmem:$0x1E580] =	vst v63  }
0x4df: {  	s7 =	simm.s32 @p2 $0x4000;
	s0 =	sadd.s32 @p2 $0x80, s0;
	s5 =	simm.s32 @p2 $0x80  }
0x4e0: {  	[spmem:s1] =	stream.indirect.scatter.add.f32 @p2 [tilespmem:s7], [sflag:$0x3], $0x40, s0, s5, $0xb8;
	[tilespmem:$0x1E580] =	vst v63  }
0x4e1: {  	s0 =	simm.s32 @!p2 $0x80;
	s5 =	simm.s32 @!p2 $0xA000;
	s7 =	sshra.s32 @!p2 s24, $0x2  }
0x4e2: {  	[spmem:s3] =	stream.indirect.scatter.add.f32 @!p2 [tilespmem:s5], [sflag:$0x5], $0x1, s2, s0, $0xb8;
	[tilespmem:$0x1E580] =	vst v63  }
0x4e3: {  	s2 =	sadd.s32 @!p2 $0x80, s7;
	s7 =	simm.s32 @!p2 $0x4000  }
0x4e4: {  	[spmem:s1] =	stream.indirect.scatter.add.f32 @!p2 [tilespmem:s7], [sflag:$0x3], $0x40, s2, s0, $0xb8;
	[tilespmem:$0x1E580] =	vst v63  }
0x4e5: {  	_ = 	snop  }
0x4e6: {  	[spmem:s3] =	stream.indirect.scatter.add.f32 @!p2 [tilespmem:s5], [sflag:$0x5], $0x1, s2, s0, $0xb8;
	[tilespmem:$0x1E580] =	vst v63  }
0x4e7: {  	_ =	swait.ge [sflag:s30], $0x2000  }
0x4e8: {  	[sflag:s30] =	ssyncset.done $0x0  }
0x4e9: {  	s0 =	simm.s32 @p2 $0x3;
	[sflag:s30] =	ssyncadd.s32 $0xFFFFE000  }
0x4ea: {  	_ =	swait.ge @p2 [sflag:s0], $0x2000  }
0x4eb: {  	[sflag:s0] =	ssyncset.done @p2 $0x0  }
0x4ec: {  	[sflag:s0] =	ssyncadd.s32 @p2 $0xFFFFE000;
	s0 =	simm.s32 @!p2 $0x5  }
0x4ed: {  	_ =	swait.ge @!p2 [sflag:s0], $0x80  }
0x4ee: {  	[sflag:s0] =	ssyncset.done @!p2 $0x0  }
0x4ef: {  	s2 =	simm.s32 @!p2 $0x3;
	[sflag:s0] =	ssyncadd.s32 @!p2 $0xFFFFFF80  }
0x4f0: {  	_ =	swait.ge @!p2 [sflag:s2], $0x2000  }
0x4f1: {  	[sflag:s2] =	ssyncset.done @!p2 $0x0  }
0x4f2: {  	[sflag:s2] =	ssyncadd.s32 @!p2 $0xFFFFE000  }
0x4f3: {  	p0 =	seq.s32 s24, $0x3000;
	_ =	swait.ge @!p2 [sflag:s0], $0x80  }
0x4f4: {  	s7 =	simm.s32 @!p0 $0x80;
	s2 =	sshra.s32 @!p0 s24, $0x2;
	[sflag:s0] =	ssyncset.done @!p2 $0x0  }
0x4f5: {  	s5 =	simm.s32 @!p0 $0x2000;
	[sflag:s0] =	ssyncadd.s32 @!p2 $0xFFFFFF80;
	s0 =	sadd.s32 @!p0 $0x1200, s2  }
0x4f6: {  	[tilespmem:s5], [sflag:$0x1] =	stream.indirect.gather @!p0 [spmem:s4], $0x40, s0, s7, $0xb8;
	[tilespmem:$0x1E580] =	vst v63  }
0x4f7: {  	s0 =	sadd.s32 @!p0 $0x1280, s2;
	s2 =	simm.s32 @!p0 $0x4000  }
0x4f8: {  	[tilespmem:s2], [sflag:$0x1] =	stream.indirect.gather @!p0 [spmem:s4], $0x40, s0, s7, $0xb8;
	[tilespmem:$0x1E580] =	vst v63  }
0x4f9: {  	_ =	swait.ge [sflag:s31], $0x2000  }
0x4fa: {  	[sflag:s31] =	ssyncset.done $0x0  }
0x4fb: {  	[sflag:s31] =	ssyncadd.s32 $0xFFFFE000  }
0x4fc: {  	s0 =	sadd.s32 $0x400, s24;
	_ =	swait.ge [sflag:s31], $0x2000  }
0x4fd: {  	s0 =	simm.s32 @p0 $0x3400;
	[sflag:s31] =	ssyncset.done $0x0  }
0x4fe: {  	s0 =	sshra.s32 s0, $0x2;
	[sflag:s31] =	ssyncadd.s32 $0xFFFFE000  }
0x4ff: {  	[spmem:s1] =	stream.indirect.scatter.add.f32 [tilespmem:s26], [sflag:$0x4], $0x40, s0, s23, $0xb8;
	[tilespmem:$0x1E580] =	vst v63  }
0x500: {  	s5 =	simm.s32 @p4 $0x80;
	s7 =	simm.s32 @p4 $0x8000;
	s2 =	sadd.s32 @p4 $0x80, s0  }
0x501: {  	[spmem:s1] =	stream.indirect.scatter.add.f32 @p4 [tilespmem:s7], [sflag:$0x4], $0x40, s2, s5, $0xb8;
	[tilespmem:$0x1E580] =	vst v63  }
0x502: {  	s2 =	simm.s32 @!p4 $0x80;
	s5 =	simm.s32 @!p4 $0xA000  }
0x503: {  	[spmem:s3] =	stream.indirect.scatter.add.f32 @!p4 [tilespmem:s5], [sflag:$0x6], $0x1, s0, s2, $0xb8;
	[tilespmem:$0x1E580] =	vst v63  }
0x504: {  	s7 =	simm.s32 @!p4 $0x8000;
	s0 =	sadd.s32 @!p4 $0x80, s0  }
0x505: {  	[spmem:s1] =	stream.indirect.scatter.add.f32 @!p4 [tilespmem:s7], [sflag:$0x4], $0x40, s0, s2, $0xb8;
	[tilespmem:$0x1E580] =	vst v63  }
0x506: {  	s28 =	simm.s32 $0x4  }
0x507: {  	[spmem:s3] =	stream.indirect.scatter.add.f32 @!p4 [tilespmem:s5], [sflag:$0x6], $0x1, s0, s2, $0xb8;
	[tilespmem:$0x1E580] =	vst v63  }
0x508: {  	_ =	swait.ge [sflag:s28], $0x2000  }
0x509: {  	[sflag:s28] =	ssyncset.done $0x0  }
0x50a: {  	s0 =	simm.s32 @p4 $0x4;
	[sflag:s28] =	ssyncadd.s32 $0xFFFFE000  }
0x50b: {  	_ =	swait.ge @p4 [sflag:s0], $0x2000  }
0x50c: {  	[sflag:s0] =	ssyncset.done @p4 $0x0  }
0x50d: {  	[sflag:s0] =	ssyncadd.s32 @p4 $0xFFFFE000;
	s0 =	simm.s32 @!p4 $0x6  }
0x50e: {  	_ =	swait.ge @!p4 [sflag:s0], $0x80  }
0x50f: {  	[sflag:s0] =	ssyncset.done @!p4 $0x0  }
0x510: {  	s2 =	simm.s32 @!p4 $0x4;
	[sflag:s0] =	ssyncadd.s32 @!p4 $0xFFFFFF80  }
0x511: {  	_ =	swait.ge @!p4 [sflag:s2], $0x2000  }
0x512: {  	[sflag:s2] =	ssyncset.done @!p4 $0x0  }
0x513: {  	[sflag:s2] =	ssyncadd.s32 @!p4 $0xFFFFE000  }
0x514: {  	_ =	swait.ge @!p4 [sflag:s0], $0x80  }
0x515: {  	s2 =	sld [smem:$0x7F7];
	_ =	sdelay $0x2  }
0x516: {  	[sflag:s0] =	ssyncset.done @!p4 $0x0;
	p0 =	seq.s32 s2, $0x1  }
0x517: {  	[sflag:s0] =	ssyncadd.s32 @!p4 $0xFFFFFF80;
	s2 =	rddreg [dreg:$0x17];
	s0 =	simm.s32 @!p0 $0x0  }
0x518: {  	[tilespmem:s0], [sflag:$0x7] =	stream.linear.gather @!p0 [hbm4b:s2+s0], $0x80, $0x38;
	[tilespmem:$0x1E580] =	vst v63  }
0x519: {  	s2 =	simm.s32 @!p0 $0x7  }
0x51a: {  	_ =	swait.ge @!p0 [sflag:s2], $0x80  }
0x51b: {  	[sflag:s2] =	ssyncset.done @!p0 $0x0  }
0x51c: {  	s5 =	simm.s32 @!p0 $0x1000;
	s7 =	rddreg [dreg:$0x18];
	[sflag:s2] =	ssyncadd.s32 @!p0 $0xFFFFFF80  }
0x51d: {  	[tilespmem:s5], [sflag:$0x7] =	stream.linear.gather @!p0 [hbm4b:s7+s0], $0x80, $0x38;
	[tilespmem:$0x1E580] =	vst v63  }
0x51e: {  	_ =	swait.ge @!p0 [sflag:s2], $0x80  }
0x51f: {  	[sflag:s2] =	ssyncset.done @!p0 $0x0  }
0x520: {  	s8 =	simm.s32 @!p0 $0x2000;
	s7 =	simm.s32 @!p0 $0x80;
	[sflag:s2] =	ssyncadd.s32 @!p0 $0xFFFFFF80  }
0x521: {  	[tilespmem:s8], [sflag:$0x1] =	stream.indirect.gather @!p0 [spmem:s4], $0x40, s5, s7, $0xb8;
	[tilespmem:$0x1E580] =	vst v63  }
0x522: {  	s5 =	simm.s32 @!p0 $0x1  }
0x523: {  	_ =	swait.ge @!p0 [sflag:s5], $0x2000  }
0x524: {  	[sflag:s5] =	ssyncset.done @!p0 $0x0  }
0x525: {  	[sflag:s5] =	ssyncadd.s32 @!p0 $0xFFFFE000  }
0x526: {  	[spmem:s1] =	stream.indirect.scatter.add.f32 @!p0 [tilespmem:s8], [sflag:$0x7], $0x40, s0, s7, $0xb8;
	[tilespmem:$0x1E580] =	vst v63  }
0x527: {  	_ =	swait.ge @!p0 [sflag:s2], $0x2000  }
0x528: {  	s5 =	sld [smem:$0x7F8];
	_ =	sdelay $0x1  }
0x529: {  	[sflag:s2] =	ssyncset.done @!p0 $0x0  }
0x52a: {  	[sflag:s2] =	ssyncadd.s32 @!p0 $0xFFFFE000;
	p0 =	seq.s32 s5, $0x1  }
0x52b: {  	s0 =	simm.s32 @!p0 $0x80;
	s2 =	simm.s32 @!p0 $0x0;
	s5 =	simm.s32 @!p0 $0xA000  }
0x52c: {  	[spmem:s3] =	stream.indirect.scatter.add.f32 @!p0 [tilespmem:s5], [sflag:$0x7], $0x1, s2, s0, $0xb8;
	[tilespmem:$0x1E580] =	vst v63  }
0x52d: {  	s0 =	simm.s32 @!p0 $0x7  }
0x52e: {  	_ =	swait.ge @!p0 [sflag:s0], $0x80  }
0x52f: {  	[sflag:s0] =	ssyncset.done @!p0 $0x0  }
0x530: {  	[sflag:s0] =	ssyncadd.s32 @!p0 $0xFFFFFF80  }
0x531: {  	s5 =	stileid.u32;
	[bflag:$0x0] =	sbarrier.arrive $0xFFFF  }
0x532: {  	s11 =	simm.s32 $0x7;
	s7 =	sshll.u32 s5, $0x6;
	s14 =	rddreg [dreg:$0xf]  }
0x533: {  	s0 =	sor.u32 $0x1C07, s7;
	s10 =	rddreg [dreg:$0xa];
	s8 =	sshrl.u32 s14, $0x3  }
0x534: {  	[hbm:s10], [sflag:s0] =	dma.local [spmem:s8], $0x400  }
0x535: {  	_ =	swait.ge [sflag:s11], $0x400  }
0x536: {  	[sflag:s11] =	ssyncset.done $0x0;
	s12 =	rddreg [dreg:$0x10]  }
0x537: {  	s15 =	rddreg [dreg:$0xb];
	[sflag:s11] =	ssyncadd.s32 $0xFFFFFC00;
	s13 =	sshrl.u32 s12, $0x3  }
0x538: {  	[hbm:s15], [sflag:s0] =	dma.local [spmem:s13], $0x400  }
0x539: {  	_ =	swait.ge [sflag:s11], $0x400  }
0x53a: {  	[sflag:s11] =	ssyncset.done $0x0;
	s15 =	rddreg [dreg:$0x11]  }
0x53b: {  	s17 =	rddreg [dreg:$0xc];
	[sflag:s11] =	ssyncadd.s32 $0xFFFFFC00;
	s16 =	sshrl.u32 s15, $0x3  }
0x53c: {  	[hbm:s17], [sflag:s0] =	dma.local [spmem:s16], $0x400  }
0x53d: {  	_ =	swait.ge [sflag:s11], $0x400  }
0x53e: {  	[sflag:s11] =	ssyncset.done $0x0;
	s16 =	rddreg [dreg:$0x12]  }
0x53f: {  	s19 =	rddreg [dreg:$0xd];
	[sflag:s11] =	ssyncadd.s32 $0xFFFFFC00;
	s18 =	sshrl.u32 s16, $0x3  }
0x540: {  	[hbm:s19], [sflag:s0] =	dma.local [spmem:s18], $0x400  }
0x541: {  	_ =	swait.ge [sflag:s11], $0x400  }
0x542: {  	[sflag:s11] =	ssyncset.done $0x0;
	s17 =	rddreg [dreg:$0x13]  }
0x543: {  	s21 =	rddreg [dreg:$0xe];
	[sflag:s11] =	ssyncadd.s32 $0xFFFFFC00;
	s20 =	sshrl.u32 s17, $0x3  }
0x544: {  	[hbm:s21], [sflag:s0] =	dma.local [spmem:s20], $0x400  }
0x545: {  	_ =	swait.ge [sflag:s11], $0x400  }
0x546: {  	[sflag:s11] =	ssyncset.done $0x0;
	s18 =	rddreg [dreg:$0x14]  }
0x547: {  	s24 =	rddreg [dreg:$0x19];
	[sflag:s11] =	ssyncadd.s32 $0xFFFFFC00;
	s22 =	sshrl.u32 s18, $0x3  }
0x548: {  	[hbm:s24], [sflag:s0] =	dma.local [spmem:s22], $0x50  }
0x549: {  	_ =	swait.ge [sflag:s11], $0x50  }
0x54a: {  	s25 =	rddreg [dreg:$0x7]  }
0x54b: {  	s28 =	rddreg [dreg:$0x1a];
	s22 =	sadd.s32 $0x1, s25  }
0x54c: {  	p0 =	sne.s32 s22, s28  }
.Ltmp6:
0x54d: {  	_ = 	snop;
	(pc) =	sbr.rel @p0 .LBB2_1-.Ltmp6, $3  }
0x54e: {  	_ =	sdelay $0x1  }
0x54f: {  	[sflag:s11] =	ssyncset.done $0x0  }
0x550: {  	s13 =	simm.s32 $0x2000;
	s19 =	simm.s32 $0x8000;
	[sflag:s11] =	ssyncadd.s32 $0xFFFFFFB0  }
0x551: {  	_ =	sfence.sel $0x180000  }
0x552: {  	[bflag:$0x0] =	sbarrier.arrive $0xFFFF  }
0x553: {  	_ =	strace $0x90000047  }
0x554: {  	[bflag:$0x2] =	sbarrier.arrive $0xFFFF  }
0x555: {  	p0 =	sne.s32 s5, $0x0;
	s0 =	rddreg [dreg:$0x6]  }
0x556: {  	s0 =	sadd.s32 @!p0 $0x100000, s0  }
0x557: {  	[sflag:s0] =	ssyncadd.tile.s32 @!p0 $0x1;
	_ =	shalt  }
.Lfunc_end2:
_tile_overlayer_lowered:
.L_overlay_start_2:
0x558: {  	(tag) =	ssettag $0x2  }
0x559: {  	s0 =	rddreg [dreg:$0x0];
	s2 =	stileid.u32  }
0x55a: {  	s1 =	rddreg [dreg:$0x1];
	p0 =	sne.s32 s2, $0x0  }
0x55b: {  	s3 =	rddreg [dreg:$0x2];
	[bflag:$0x3] =	sbarrier.arrive $0xFFFF;
	s2 =	simm.s32 @!p0 $0x1C07  }
0x55c: {  	[timem:s3], [sflag:s2] =	dma.local @!p0 [hbm:s0], s1  }
0x55d: {  	s0 =	simm.s32 @!p0 $0x7  }
0x55e: {  	_ =	swait.ge @!p0 [sflag:s0], s1  }
0x55f: {  	s1 =	ssub.s32 @!p0 $0x0, s1;
	[sflag:s0] =	ssyncset.done @!p0 $0x0  }
0x560: {  	[sflag:s0] =	ssyncadd.s32 @!p0 s1  }
0x561: {  	[bflag:$0x3] =	sbarrier.arrive $0xFFFF  }
0x562: {  	_ =	shalt  }

</sc_bundles>
